<compile_context>
chip_gen: v7x
topology: tpu7x:2x2x1
jax: 0.10.2.dev20260603
libtpu: 0.0.44.dev20260713+nightly
codegen_flags: <defaults>
</compile_context>

<pallas_src>
import functools

import jax
import jax.numpy as jnp
from jax import lax
from jax.experimental import pallas as pl
from jax.experimental.pallas import tpu as pltpu
from jax.experimental.pallas import tpu_sc as plsc

_B, _N, _C, _H = 8, 577, 768, 12
_Dh = _C // _H
_SCALE = _Dh ** -0.5
_KEEP = max(1, int((_N - 1) * 0.5))
_NP = 640
_LANES = 16
_NCHUNK = _NP // _LANES
_I32_MIN = -2147483648
_I32_MAX = 2147483647
_NEG = -1e30


_NS = 584


_HPB = 3
_HG = _H // _HPB


def _stats_body(x_ref, wq_ref, wk_ref, wv_ref, bq_ref, bk_ref, bv_ref,
                expl_ref, q_ref, k_ref, v_ref, gucb_ref, sc_ref):
    hh = pl.program_id(1)
    xb = x_ref[0]
    cdims = (((1,), (1,)), ((), ()))
    for i in range(_HPB):
        q = lax.dot_general(xb, wq_ref[i], cdims,
                            preferred_element_type=jnp.float32) + bq_ref[i, 0]
        k = lax.dot_general(xb, wk_ref[i], cdims,
                            preferred_element_type=jnp.float32) + bk_ref[i, 0]
        v = lax.dot_general(xb, wv_ref[i], cdims,
                            preferred_element_type=jnp.float32) + bv_ref[i, 0]
        vrow = lax.broadcasted_iota(jnp.int32, (_NP, _Dh), 0)
        v = jnp.where(vrow < _N, v, 0.0)
        q_ref[0, i] = q[:_NS]
        k_ref[0, i] = k
        v_ref[0, i] = v

        s = lax.dot_general(q[:_NS], k, cdims,
                            preferred_element_type=jnp.float32) * _SCALE
        colid = lax.broadcasted_iota(jnp.int32, (_NS, _NP), 1)
        s = jnp.where(colid < _N, s, _NEG)
        mx = jnp.max(s, axis=1, keepdims=True)
        p = jnp.exp(s - mx)
        probs = p / jnp.sum(p, axis=1, keepdims=True)
        rowid = lax.broadcasted_iota(jnp.int32, (_NS, _NP), 0)
        probs = jnp.where(rowid < _N, probs, 0.0)
        patch = jnp.sum(probs, axis=0) / jnp.float32(_N)
        sc = patch + expl_ref[i, 0]
        for j in range(_HG):
            @pl.when(hh == j)
            def _(i=i, j=j):
                sc_ref[j * _HPB + i] = sc

    @pl.when(hh == _HG - 1)
    def _():
        gucb_ref[0, 0] = jnp.sum(sc_ref[...], axis=0) / jnp.float32(_H)


def _sc_mask_body(gucb_hbm, mask_hbm, row_v, keys_v, mask_v):
    wid = lax.axis_index("s") * 2 + lax.axis_index("c")

    @pl.when(wid < _B)
    def _():
        pltpu.sync_copy(gucb_hbm.at[wid, 0], row_v)
        for c in range(_NCHUNK):
            bits = lax.bitcast_convert_type(row_v[pl.ds(c * _LANES, _LANES)],
                                            jnp.int32)
            key = jnp.where(bits >= 0, bits, _I32_MIN - bits)
            lane = lax.iota(jnp.int32, 16) + (c * _LANES)
            valid = (lane >= 1) & (lane <= _N - 1)
            keys_v[pl.ds(c * _LANES, _LANES)] = jnp.where(valid, key, _I32_MIN)

        def count_gt(t):
            acc = jnp.zeros((16,), jnp.int32)
            for c in range(_NCHUNK):
                kc = keys_v[pl.ds(c * _LANES, _LANES)]
                acc = acc + plsc.all_reduce_population_count(kc > t)
            return acc

        def bs_body(_, carry):
            lo, hi = carry
            mid = (lo & hi) + ((lo ^ hi) >> 1)
            take = lo < hi
            p = count_gt(mid) < _KEEP
            lo2 = jnp.where(p, lo, mid + 1)
            hi2 = jnp.where(p, mid, hi)
            return (jnp.where(take, lo2, lo), jnp.where(take, hi2, hi))

        lo, _hi = lax.fori_loop(0, 32, bs_body,
                                (jnp.full((16,), _I32_MIN, jnp.int32),
                                 jnp.full((16,), _I32_MAX, jnp.int32)))
        t = lo
        nties = _KEEP - count_gt(t)

        def cnt_eq_le(m):
            acc = jnp.zeros((16,), jnp.int32)
            for c in range(_NCHUNK):
                kc = keys_v[pl.ds(c * _LANES, _LANES)]
                lane = lax.iota(jnp.int32, 16) + (c * _LANES)
                acc = acc + plsc.all_reduce_population_count(
                    (kc == t) & (lane <= m))
            return acc

        def bs2_body(_, carry):
            lo2, hi2 = carry
            mid = (lo2 + hi2) >> 1
            take = lo2 < hi2
            p = cnt_eq_le(mid) >= nties
            nlo = jnp.where(p, lo2, mid + 1)
            nhi = jnp.where(p, mid, hi2)
            return (jnp.where(take, nlo, lo2), jnp.where(take, nhi, hi2))

        m0, _m1 = lax.fori_loop(0, 10, bs2_body,
                                (jnp.zeros((16,), jnp.int32),
                                 jnp.full((16,), _NP - 1, jnp.int32)))
        mstar = jnp.where(nties > 0, m0, jnp.full((16,), -1, jnp.int32))

        for c in range(_NCHUNK):
            kc = keys_v[pl.ds(c * _LANES, _LANES)]
            lane = lax.iota(jnp.int32, 16) + (c * _LANES)
            keep = (kc > t) | ((kc == t) & (lane <= mstar))
            mvec = jnp.where(keep, 1.0, 0.0)
            if c == 0:
                mvec = jnp.where(lax.iota(jnp.int32, 16) == 0, 1.0, mvec)
            mask_v[pl.ds(c * _LANES, _LANES)] = mvec
        pltpu.sync_copy(mask_v, mask_hbm.at[wid, 0])


def _attn_body(q_ref, k_ref, v_ref, m_ref, wp_ref, bp_ref, out_ref, ctx_ref):
    hh = pl.program_id(1)
    cdims = (((1,), (1,)), ((), ()))
    m = m_ref[0, 0]
    mboth = jnp.maximum(m[:_NS, None], m[None, :])
    for i in range(_HPB):
        s = lax.dot_general(q_ref[0, i], k_ref[0, i], cdims,
                            preferred_element_type=jnp.float32) * _SCALE
        colid = lax.broadcasted_iota(jnp.int32, (_NS, _NP), 1)
        s = jnp.where(colid < _N, s, _NEG)
        mx = jnp.max(s, axis=1, keepdims=True)
        p = jnp.exp(s - mx)
        srow = jnp.sum(p, axis=1, keepdims=True)
        pm = p * mboth
        denom = jnp.sum(pm, axis=1, keepdims=True) + 1e-8 * srow
        ctx = lax.dot_general(pm, v_ref[0, i], (((1,), (0,)), ((), ())),
                              preferred_element_type=jnp.float32)
        ctx = ctx / denom
        for j in range(_HG):
            @pl.when(hh == j)
            def _(i=i, j=j):
                col = (j * _HPB + i) * _Dh
                ctx_ref[:, col:col + _Dh] = ctx

    @pl.when(hh == _HG - 1)
    def _():
        out_ref[0] = lax.dot_general(
            ctx_ref[...], wp_ref[0], cdims,
            preferred_element_type=jnp.float32) + bp_ref[0, 0]


def kernel(x, Wqkv, bqkv, Wproj, bproj, count_score_buffer, iteration):
    f32 = jnp.float32
    Wq = Wqkv[0 * _C:1 * _C].reshape(_H, _Dh, _C)
    Wk = Wqkv[1 * _C:2 * _C].reshape(_H, _Dh, _C)
    Wv = Wqkv[2 * _C:3 * _C].reshape(_H, _Dh, _C)
    bq = bqkv[0 * _C:1 * _C].reshape(_H, 1, _Dh)
    bk = bqkv[1 * _C:2 * _C].reshape(_H, 1, _Dh)
    bv = bqkv[2 * _C:3 * _C].reshape(_H, 1, _Dh)
    ucb_expl = jnp.sqrt(jnp.log(jnp.asarray(iteration + 1.0, dtype=f32))
                        / (count_score_buffer[:, 1:] + 1e-06))
    expl = jnp.zeros((_H, _NP), f32).at[:, 1:_N].set(ucb_expl)
    expl = expl.reshape(_H, 1, _NP)
    Wp = Wproj.reshape(1, _C, _C)
    bp = bproj.reshape(1, 1, _C)

    k_shape = jax.ShapeDtypeStruct((_B, _H, _NP, _Dh), f32)
    v_shape = jax.ShapeDtypeStruct((_B, _H, _NP, _Dh), f32)
    q_shape = jax.ShapeDtypeStruct((_B, _H, _NS, _Dh), f32)
    q, k, v, gucb = pl.pallas_call(
        _stats_body,
        grid=(_B, _HG),
        in_specs=[
            pl.BlockSpec((1, _NP, _C), lambda b, h: (b, 0, 0)),
            pl.BlockSpec((_HPB, _Dh, _C), lambda b, h: (h, 0, 0)),
            pl.BlockSpec((_HPB, _Dh, _C), lambda b, h: (h, 0, 0)),
            pl.BlockSpec((_HPB, _Dh, _C), lambda b, h: (h, 0, 0)),
            pl.BlockSpec((_HPB, 1, _Dh), lambda b, h: (h, 0, 0)),
            pl.BlockSpec((_HPB, 1, _Dh), lambda b, h: (h, 0, 0)),
            pl.BlockSpec((_HPB, 1, _Dh), lambda b, h: (h, 0, 0)),
            pl.BlockSpec((_HPB, 1, _NP), lambda b, h: (h, 0, 0)),
        ],
        out_specs=[
            pl.BlockSpec((1, _HPB, _NS, _Dh), lambda b, h: (b, h, 0, 0)),
            pl.BlockSpec((1, _HPB, _NP, _Dh), lambda b, h: (b, h, 0, 0)),
            pl.BlockSpec((1, _HPB, _NP, _Dh), lambda b, h: (b, h, 0, 0)),
            pl.BlockSpec((1, 1, _NP), lambda b, h: (b, 0, 0)),
        ],
        out_shape=[q_shape, k_shape, v_shape,
                   jax.ShapeDtypeStruct((_B, 1, _NP), f32)],
        scratch_shapes=[pltpu.VMEM((_H, _NP), f32)],
    )(x, Wq, Wk, Wv, bq, bk, bv, expl)

    mask = pl.kernel(
        _sc_mask_body,
        mesh=plsc.VectorSubcoreMesh(core_axis_name="c", subcore_axis_name="s"),
        compiler_params=pltpu.CompilerParams(needs_layout_passes=False),
        out_type=jax.ShapeDtypeStruct((_B, 1, _NP), f32),
        scratch_types=[
            pltpu.VMEM((_NP,), f32),
            pltpu.VMEM((_NP,), jnp.int32),
            pltpu.VMEM((_NP,), f32),
        ],
    )(gucb)

    out_p = pl.pallas_call(
        _attn_body,
        grid=(_B, _HG),
        in_specs=[
            pl.BlockSpec((1, _HPB, _NS, _Dh), lambda b, h: (b, h, 0, 0)),
            pl.BlockSpec((1, _HPB, _NP, _Dh), lambda b, h: (b, h, 0, 0)),
            pl.BlockSpec((1, _HPB, _NP, _Dh), lambda b, h: (b, h, 0, 0)),
            pl.BlockSpec((1, 1, _NP), lambda b, h: (b, 0, 0)),
            pl.BlockSpec((1, _C, _C), lambda b, h: (0, 0, 0)),
            pl.BlockSpec((1, 1, _C), lambda b, h: (0, 0, 0)),
        ],
        out_specs=pl.BlockSpec((1, _NS, _C), lambda b, h: (b, 0, 0)),
        out_shape=jax.ShapeDtypeStruct((_B, _NS, _C), f32),
        scratch_shapes=[pltpu.VMEM((_NS, _C), f32)],
    )(q, k, v, mask, Wp, bp)

    return out_p[:, :_N, :]

# --- scband reference (transcript-rebuilt; emitter-appended) ---
"""Pipeline reference for scband-ucbattention-87153476370883 (READ-ONLY COPY).

The authoritative reference and input builder live on the scoring server;
editing this copy changes nothing except your own understanding.
"""

import jax, jax.numpy as jnp
import numpy as np

B, N, C, H = 8, 577, 768, 12
Dh = C // H
SCALE = Dh ** -0.5
BETA = 1.0
KEEP = max(1, int((N - 1) * 0.5))  # keep_ratio=0.5, exclude_cls=True -> 288


def setup_inputs(seed: int = 0) -> dict:
    key = jax.random.key(seed)
    ks = jax.random.split(key, 6)
    x = jax.random.normal(ks[0], (B, N, C), dtype=jnp.float32)
    Wqkv = jax.random.normal(ks[1], (3 * C, C), dtype=jnp.float32) * 0.02
    bqkv = jnp.zeros((3 * C,), dtype=jnp.float32)
    Wproj = jax.random.normal(ks[2], (C, C), dtype=jnp.float32) * 0.02
    bproj = jnp.zeros((C,), dtype=jnp.float32)
    count_score_buffer = jnp.ones((H, N), dtype=jnp.float32)
    iteration = 100
    return {"x": x, "Wqkv": Wqkv, "bqkv": bqkv, "Wproj": Wproj,
            "bproj": bproj, "count_score_buffer": count_score_buffer,
            "iteration": iteration}


def reference(x, Wqkv, bqkv, Wproj, bproj, count_score_buffer, iteration):
    # qkv projection (nn.Linear: x @ W.T + b)
    qkv = x @ Wqkv.T + bqkv
    qkv = qkv.reshape(B, N, 3, H, Dh).transpose(2, 0, 3, 1, 4)
    q, k, v = qkv[0], qkv[1], qkv[2]  # each [B, H, N, Dh]
    attn_scores = (q @ jnp.swapaxes(k, -1, -2)) * SCALE
    attn_probs = jax.nn.softmax(attn_scores, axis=-1)

    # UCB score pruning (exclude_cls=True)
    patch_scores = attn_probs[:, :, :, 1:].mean(axis=2)            # [B, H, N-1]
    relevant_counts = count_score_buffer[:, 1:]                     # [H, N-1]
    ucb_exploration = BETA * jnp.sqrt(jnp.log(jnp.asarray(iteration + 1.0, dtype=jnp.float32)) / (relevant_counts + 1e-06))
    ucb_scores = patch_scores + ucb_exploration[None, :, :]        # [B, H, N-1]
    global_ucb_scores = ucb_scores.mean(axis=1)                    # [B, N-1]
    _, top_idx = jax.lax.top_k(global_ucb_scores, KEEP)            # [B, KEEP]
    kept = top_idx + 1                                             # token indices incl CLS offset

    # Build keep mask: mask[b, h, i, j] = 1 if row i kept or col j kept (CLS always kept)
    kv_mask = jnp.zeros((B, N), dtype=attn_probs.dtype)
    kv_mask = kv_mask.at[jnp.arange(B)[:, None], kept].set(1.0)
    kv_mask = kv_mask.at[:, 0].set(1.0)
    mask = jnp.maximum(kv_mask[:, None, :, None], kv_mask[:, None, None, :])  # [B,1,N,N]

    pruned_attn = attn_probs * mask
    pruned_attn = pruned_attn / (pruned_attn.sum(axis=-1, keepdims=True) + 1e-08)
    context = pruned_attn @ v                                      # [B, H, N, Dh]
    context = context.transpose(0, 2, 1, 3).reshape(B, N, C)
    out = context @ Wproj.T + bproj
    return out

if __name__ == "__main__":
    import jax
    _d = setup_inputs()
    print(jax.jit(kernel)(*tuple(_d.values())))

</pallas_src>

<mosaic_0001>
#map = affine_map<(d0, d1) -> (0, 0, 0)>
module attributes {stable_mosaic.version = 14 : i64} {
  func.func @_sc_mask_body(%arg0: i32, %arg1: i32, %arg2: memref<8x1x640xf32, #tpu.memory_space<hbm>>, %arg3: memref<8x1x640xf32, #tpu.memory_space<hbm>>, %arg4: memref<640xf32, #tpu.memory_space<vmem>>, %arg5: memref<640xi32, #tpu.memory_space<vmem>>, %arg6: memref<640xf32, #tpu.memory_space<vmem>>) attributes {dimension_semantics = [#tpu.dimension_semantics<core_parallel>, #tpu.dimension_semantics<subcore_parallel>], iteration_bounds = array<i64: 2, 16>, scalar_prefetch = 0 : i64, scratch_operands = 3 : i64, tpu.core_type = #tpu.core_type<sc_vector_subcore>, window_params = [{transform_indices = #map}, {transform_indices = #map}]} {
    %mul3A = arith.constant 2 : i32
    %mul3A_0 = arith.muli %arg1, %mul3A : i32
    %add3A = arith.addi %mul3A_0, %arg0 : i32
    %lt3A = arith.constant 8 : i32
    %lt3A_1 = arith.cmpi slt, %add3A, %lt3A : i32
    %convert_element_type3A = arith.extui %lt3A_1 : i1 to i32
    %cond3A = arith.constant 0 : i32
    %cond3A_2 = arith.cmpi ne, %convert_element_type3A, %cond3A : i32
    scf.if %cond3A_2 {
      %run_scoped3A = arith.constant 0 : i32
      "tpu.region"() ({
        %run_scoped3A_1986 = tpu.sem_alloc : memref<!tpu.dma_semaphore, #tpu.memory_space<semaphore_mem>>
        %dma_start3A = arith.constant 0 : i32
        %dma_start3A_1987 = tpu.memref_slice %arg2[%add3A, %run_scoped3A, %dma_start3A] : memref<8x1x640xf32, #tpu.memory_space<hbm>> -> memref<1x1x640xf32, #tpu.memory_space<hbm>>
        %dma_start3A_1988 = tpu.memref_squeeze %dma_start3A_1987 : memref<1x1x640xf32, #tpu.memory_space<hbm>> -> memref<640xf32, #tpu.memory_space<hbm>>
        %dma_start3A_1989 = arith.constant 0 : i32
        %dma_start3A_1990 = tpu.memref_slice %arg2[%add3A, %run_scoped3A, %dma_start3A_1989] : memref<8x1x640xf32, #tpu.memory_space<hbm>> -> memref<1x1x640xf32, #tpu.memory_space<hbm>>
        %dma_start3A_1991 = tpu.memref_squeeze %dma_start3A_1990 : memref<1x1x640xf32, #tpu.memory_space<hbm>> -> memref<640xf32, #tpu.memory_space<hbm>>
        tpu.enqueue_dma source(%dma_start3A_1991 : memref<640xf32, #tpu.memory_space<hbm>>) target(%arg4 : memref<640xf32, #tpu.memory_space<vmem>>) target_semaphore(%run_scoped3A_1986 : memref<!tpu.dma_semaphore, #tpu.memory_space<semaphore_mem>>)
        %dma_wait3A = arith.constant 0 : i32
        %dma_wait3A_1992 = tpu.memref_slice %arg2[%add3A, %run_scoped3A, %dma_wait3A] : memref<8x1x640xf32, #tpu.memory_space<hbm>> -> memref<1x1x640xf32, #tpu.memory_space<hbm>>
        %dma_wait3A_1993 = tpu.memref_squeeze %dma_wait3A_1992 : memref<1x1x640xf32, #tpu.memory_space<hbm>> -> memref<640xf32, #tpu.memory_space<hbm>>
        %dma_wait3A_1994 = arith.constant 0 : i32
        %dma_wait3A_1995 = tpu.memref_slice %arg2[%add3A, %run_scoped3A, %dma_wait3A_1994] : memref<8x1x640xf32, #tpu.memory_space<hbm>> -> memref<1x1x640xf32, #tpu.memory_space<hbm>>
        %dma_wait3A_1996 = tpu.memref_squeeze %dma_wait3A_1995 : memref<1x1x640xf32, #tpu.memory_space<hbm>> -> memref<640xf32, #tpu.memory_space<hbm>>
        tpu.wait_dma2 semaphore(%run_scoped3A_1986 : memref<!tpu.dma_semaphore, #tpu.memory_space<semaphore_mem>>) src(%dma_wait3A_1996 : memref<640xf32, #tpu.memory_space<hbm>>) dst(%arg4 : memref<640xf32, #tpu.memory_space<vmem>>)
        tpu.yield
      }) : () -> ()
      %get3A = arith.constant 0 : index
      %get3A_3 = tpu.vector_load %arg4[%get3A] {strides = array<i32>} : memref<640xf32, #tpu.memory_space<vmem>>, vector<16xf32>,
      %bitcast_convert_type3A = tpu.bitcast %get3A_3 : vector<16xf32> -> vector<16xi32>
      %ge3A = arith.constant 0 : i32
      %ge3A_4 = vector.broadcast %ge3A : i32 to vector<16xi32>
      %ge3A_5 = arith.cmpi sge, %bitcast_convert_type3A, %ge3A_4 : vector<16xi32>
      %sub3A = arith.constant -2147483648 : i32
      %sub3A_6 = vector.broadcast %sub3A : i32 to vector<16xi32>
      %sub3A_7 = arith.subi %sub3A_6, %bitcast_convert_type3A : vector<16xi32>
      %select_n3A = arith.select %ge3A_5, %bitcast_convert_type3A, %sub3A_7 : vector<16xi1>, vector<16xi32>
      %iota3A = tpu.iota {dimensions = array<i32: 0>} : vector<16xi32>
      %add3A_8 = arith.constant 0 : i32
      %add3A_9 = vector.broadcast %add3A_8 : i32 to vector<16xi32>
      %add3A_10 = arith.addi %iota3A, %add3A_9 : vector<16xi32>
      %ge3A_11 = arith.constant 1 : i32
      %ge3A_12 = vector.broadcast %ge3A_11 : i32 to vector<16xi32>
      %ge3A_13 = arith.cmpi sge, %add3A_10, %ge3A_12 : vector<16xi32>
      %le3A = arith.constant 576 : i32
      %le3A_14 = vector.broadcast %le3A : i32 to vector<16xi32>
      %le3A_15 = arith.cmpi sle, %add3A_10, %le3A_14 : vector<16xi32>
      %and3A = arith.andi %ge3A_13, %le3A_15 : vector<16xi1>
      %jit3A = arith.constant -2147483648 : i32
      %broadcast_in_dim3A = vector.broadcast %jit3A : i32 to vector<16xi32>
      %select_n3A_16 = arith.select %and3A, %select_n3A, %broadcast_in_dim3A : vector<16xi1>, vector<16xi32>
      %swap3A = arith.constant 0 : index
      %swap3A_17 = tpu.vector_load %arg5[%swap3A] {strides = array<i32>} : memref<640xi32, #tpu.memory_space<vmem>>, vector<16xi32>,
      tpu.vector_store %arg5[%swap3A], %select_n3A_16 {strides = array<i32>} : memref<640xi32, #tpu.memory_space<vmem>>, vector<16xi32>,
      %get3A_18 = arith.constant 16 : index
      %get3A_19 = tpu.vector_load %arg4[%get3A_18] {strides = array<i32>} : memref<640xf32, #tpu.memory_space<vmem>>, vector<16xf32>,
      %bitcast_convert_type3A_20 = tpu.bitcast %get3A_19 : vector<16xf32> -> vector<16xi32>
      %ge3A_21 = arith.constant 0 : i32
      %ge3A_22 = vector.broadcast %ge3A_21 : i32 to vector<16xi32>
      %ge3A_23 = arith.cmpi sge, %bitcast_convert_type3A_20, %ge3A_22 : vector<16xi32>
      %sub3A_24 = arith.constant -2147483648 : i32
      %sub3A_25 = vector.broadcast %sub3A_24 : i32 to vector<16xi32>
      %sub3A_26 = arith.subi %sub3A_25, %bitcast_convert_type3A_20 : vector<16xi32>
      %select_n3A_27 = arith.select %ge3A_23, %bitcast_convert_type3A_20, %sub3A_26 : vector<16xi1>, vector<16xi32>
      %iota3A_28 = tpu.iota {dimensions = array<i32: 0>} : vector<16xi32>
      %add3A_29 = arith.constant 16 : i32
      %add3A_30 = vector.broadcast %add3A_29 : i32 to vector<16xi32>
      %add3A_31 = arith.addi %iota3A_28, %add3A_30 : vector<16xi32>
      %ge3A_32 = arith.constant 1 : i32
      %ge3A_33 = vector.broadcast %ge3A_32 : i32 to vector<16xi32>
      %ge3A_34 = arith.cmpi sge, %add3A_31, %ge3A_33 : vector<16xi32>
      %le3A_35 = arith.constant 576 : i32
      %le3A_36 = vector.broadcast %le3A_35 : i32 to vector<16xi32>
      %le3A_37 = arith.cmpi sle, %add3A_31, %le3A_36 : vector<16xi32>
      %and3A_38 = arith.andi %ge3A_34, %le3A_37 : vector<16xi1>
      %jit3A_39 = arith.constant -2147483648 : i32
      %broadcast_in_dim3A_40 = vector.broadcast %jit3A_39 : i32 to vector<16xi32>
      %select_n3A_41 = arith.select %and3A_38, %select_n3A_27, %broadcast_in_dim3A_40 : vector<16xi1>, vector<16xi32>
      %swap3A_42 = arith.constant 16 : index
      %swap3A_43 = tpu.vector_load %arg5[%swap3A_42] {strides = array<i32>} : memref<640xi32, #tpu.memory_space<vmem>>, vector<16xi32>,
      tpu.vector_store %arg5[%swap3A_42], %select_n3A_41 {strides = array<i32>} : memref<640xi32, #tpu.memory_space<vmem>>, vector<16xi32>,
      %get3A_44 = arith.constant 32 : index
      %get3A_45 = tpu.vector_load %arg4[%get3A_44] {strides = array<i32>} : memref<640xf32, #tpu.memory_space<vmem>>, vector<16xf32>,
      %bitcast_convert_type3A_46 = tpu.bitcast %get3A_45 : vector<16xf32> -> vector<16xi32>
      %ge3A_47 = arith.constant 0 : i32
      %ge3A_48 = vector.broadcast %ge3A_47 : i32 to vector<16xi32>
      %ge3A_49 = arith.cmpi sge, %bitcast_convert_type3A_46, %ge3A_48 : vector<16xi32>
      %sub3A_50 = arith.constant -2147483648 : i32
      %sub3A_51 = vector.broadcast %sub3A_50 : i32 to vector<16xi32>
      %sub3A_52 = arith.subi %sub3A_51, %bitcast_convert_type3A_46 : vector<16xi32>
      %select_n3A_53 = arith.select %ge3A_49, %bitcast_convert_type3A_46, %sub3A_52 : vector<16xi1>, vector<16xi32>
      %iota3A_54 = tpu.iota {dimensions = array<i32: 0>} : vector<16xi32>
      %add3A_55 = arith.constant 32 : i32
      %add3A_56 = vector.broadcast %add3A_55 : i32 to vector<16xi32>
      %add3A_57 = arith.addi %iota3A_54, %add3A_56 : vector<16xi32>
      %ge3A_58 = arith.constant 1 : i32
      %ge3A_59 = vector.broadcast %ge3A_58 : i32 to vector<16xi32>
      %ge3A_60 = arith.cmpi sge, %add3A_57, %ge3A_59 : vector<16xi32>
      %le3A_61 = arith.constant 576 : i32
      %le3A_62 = vector.broadcast %le3A_61 : i32 to vector<16xi32>
      %le3A_63 = arith.cmpi sle, %add3A_57, %le3A_62 : vector<16xi32>
      %and3A_64 = arith.andi %ge3A_60, %le3A_63 : vector<16xi1>
      %jit3A_65 = arith.constant -2147483648 : i32
      %broadcast_in_dim3A_66 = vector.broadcast %jit3A_65 : i32 to vector<16xi32>
      %select_n3A_67 = arith.select %and3A_64, %select_n3A_53, %broadcast_in_dim3A_66 : vector<16xi1>, vector<16xi32>
      %swap3A_68 = arith.constant 32 : index
      %swap3A_69 = tpu.vector_load %arg5[%swap3A_68] {strides = array<i32>} : memref<640xi32, #tpu.memory_space<vmem>>, vector<16xi32>,
      tpu.vector_store %arg5[%swap3A_68], %select_n3A_67 {strides = array<i32>} : memref<640xi32, #tpu.memory_space<vmem>>, vector<16xi32>,
      %get3A_70 = arith.constant 48 : index
      %get3A_71 = tpu.vector_load %arg4[%get3A_70] {strides = array<i32>} : memref<640xf32, #tpu.memory_space<vmem>>, vector<16xf32>,
      %bitcast_convert_type3A_72 = tpu.bitcast %get3A_71 : vector<16xf32> -> vector<16xi32>
      %ge3A_73 = arith.constant 0 : i32
      %ge3A_74 = vector.broadcast %ge3A_73 : i32 to vector<16xi32>
      %ge3A_75 = arith.cmpi sge, %bitcast_convert_type3A_72, %ge3A_74 : vector<16xi32>
      %sub3A_76 = arith.constant -2147483648 : i32
      %sub3A_77 = vector.broadcast %sub3A_76 : i32 to vector<16xi32>
      %sub3A_78 = arith.subi %sub3A_77, %bitcast_convert_type3A_72 : vector<16xi32>
      %select_n3A_79 = arith.select %ge3A_75, %bitcast_convert_type3A_72, %sub3A_78 : vector<16xi1>, vector<16xi32>
      %iota3A_80 = tpu.iota {dimensions = array<i32: 0>} : vector<16xi32>
      %add3A_81 = arith.constant 48 : i32
      %add3A_82 = vector.broadcast %add3A_81 : i32 to vector<16xi32>
      %add3A_83 = arith.addi %iota3A_80, %add3A_82 : vector<16xi32>
      %ge3A_84 = arith.constant 1 : i32
      %ge3A_85 = vector.broadcast %ge3A_84 : i32 to vector<16xi32>
      %ge3A_86 = arith.cmpi sge, %add3A_83, %ge3A_85 : vector<16xi32>
      %le3A_87 = arith.constant 576 : i32
      %le3A_88 = vector.broadcast %le3A_87 : i32 to vector<16xi32>
      %le3A_89 = arith.cmpi sle, %add3A_83, %le3A_88 : vector<16xi32>
      %and3A_90 = arith.andi %ge3A_86, %le3A_89 : vector<16xi1>
      %jit3A_91 = arith.constant -2147483648 : i32
      %broadcast_in_dim3A_92 = vector.broadcast %jit3A_91 : i32 to vector<16xi32>
      %select_n3A_93 = arith.select %and3A_90, %select_n3A_79, %broadcast_in_dim3A_92 : vector<16xi1>, vector<16xi32>
      %swap3A_94 = arith.constant 48 : index
      %swap3A_95 = tpu.vector_load %arg5[%swap3A_94] {strides = array<i32>} : memref<640xi32, #tpu.memory_space<vmem>>, vector<16xi32>,
      tpu.vector_store %arg5[%swap3A_94], %select_n3A_93 {strides = array<i32>} : memref<640xi32, #tpu.memory_space<vmem>>, vector<16xi32>,
      %get3A_96 = arith.constant 64 : index
      %get3A_97 = tpu.vector_load %arg4[%get3A_96] {strides = array<i32>} : memref<640xf32, #tpu.memory_space<vmem>>, vector<16xf32>,
      %bitcast_convert_type3A_98 = tpu.bitcast %get3A_97 : vector<16xf32> -> vector<16xi32>
      %ge3A_99 = arith.constant 0 : i32
      %ge3A_100 = vector.broadcast %ge3A_99 : i32 to vector<16xi32>
      %ge3A_101 = arith.cmpi sge, %bitcast_convert_type3A_98, %ge3A_100 : vector<16xi32>
      %sub3A_102 = arith.constant -2147483648 : i32
      %sub3A_103 = vector.broadcast %sub3A_102 : i32 to vector<16xi32>
      %sub3A_104 = arith.subi %sub3A_103, %bitcast_convert_type3A_98 : vector<16xi32>
      %select_n3A_105 = arith.select %ge3A_101, %bitcast_convert_type3A_98, %sub3A_104 : vector<16xi1>, vector<16xi32>
      %iota3A_106 = tpu.iota {dimensions = array<i32: 0>} : vector<16xi32>
      %add3A_107 = arith.constant 64 : i32
      %add3A_108 = vector.broadcast %add3A_107 : i32 to vector<16xi32>
      %add3A_109 = arith.addi %iota3A_106, %add3A_108 : vector<16xi32>
      %ge3A_110 = arith.constant 1 : i32
      %ge3A_111 = vector.broadcast %ge3A_110 : i32 to vector<16xi32>
      %ge3A_112 = arith.cmpi sge, %add3A_109, %ge3A_111 : vector<16xi32>
      %le3A_113 = arith.constant 576 : i32
      %le3A_114 = vector.broadcast %le3A_113 : i32 to vector<16xi32>
      %le3A_115 = arith.cmpi sle, %add3A_109, %le3A_114 : vector<16xi32>
      %and3A_116 = arith.andi %ge3A_112, %le3A_115 : vector<16xi1>
      %jit3A_117 = arith.constant -2147483648 : i32
      %broadcast_in_dim3A_118 = vector.broadcast %jit3A_117 : i32 to vector<16xi32>
      %select_n3A_119 = arith.select %and3A_116, %select_n3A_105, %broadcast_in_dim3A_118 : vector<16xi1>, vector<16xi32>
      %swap3A_120 = arith.constant 64 : index
      %swap3A_121 = tpu.vector_load %arg5[%swap3A_120] {strides = array<i32>} : memref<640xi32, #tpu.memory_space<vmem>>, vector<16xi32>,
      tpu.vector_store %arg5[%swap3A_120], %select_n3A_119 {strides = array<i32>} : memref<640xi32, #tpu.memory_space<vmem>>, vector<16xi32>,
      %get3A_122 = arith.constant 80 : index
      %get3A_123 = tpu.vector_load %arg4[%get3A_122] {strides = array<i32>} : memref<640xf32, #tpu.memory_space<vmem>>, vector<16xf32>,
      %bitcast_convert_type3A_124 = tpu.bitcast %get3A_123 : vector<16xf32> -> vector<16xi32>
      %ge3A_125 = arith.constant 0 : i32
      %ge3A_126 = vector.broadcast %ge3A_125 : i32 to vector<16xi32>
      %ge3A_127 = arith.cmpi sge, %bitcast_convert_type3A_124, %ge3A_126 : vector<16xi32>
      %sub3A_128 = arith.constant -2147483648 : i32
      %sub3A_129 = vector.broadcast %sub3A_128 : i32 to vector<16xi32>
      %sub3A_130 = arith.subi %sub3A_129, %bitcast_convert_type3A_124 : vector<16xi32>
      %select_n3A_131 = arith.select %ge3A_127, %bitcast_convert_type3A_124, %sub3A_130 : vector<16xi1>, vector<16xi32>
      %iota3A_132 = tpu.iota {dimensions = array<i32: 0>} : vector<16xi32>
      %add3A_133 = arith.constant 80 : i32
      %add3A_134 = vector.broadcast %add3A_133 : i32 to vector<16xi32>
      %add3A_135 = arith.addi %iota3A_132, %add3A_134 : vector<16xi32>
      %ge3A_136 = arith.constant 1 : i32
      %ge3A_137 = vector.broadcast %ge3A_136 : i32 to vector<16xi32>
      %ge3A_138 = arith.cmpi sge, %add3A_135, %ge3A_137 : vector<16xi32>
      %le3A_139 = arith.constant 576 : i32
      %le3A_140 = vector.broadcast %le3A_139 : i32 to vector<16xi32>
      %le3A_141 = arith.cmpi sle, %add3A_135, %le3A_140 : vector<16xi32>
      %and3A_142 = arith.andi %ge3A_138, %le3A_141 : vector<16xi1>
      %jit3A_143 = arith.constant -2147483648 : i32
      %broadcast_in_dim3A_144 = vector.broadcast %jit3A_143 : i32 to vector<16xi32>
      %select_n3A_145 = arith.select %and3A_142, %select_n3A_131, %broadcast_in_dim3A_144 : vector<16xi1>, vector<16xi32>
      %swap3A_146 = arith.constant 80 : index
      %swap3A_147 = tpu.vector_load %arg5[%swap3A_146] {strides = array<i32>} : memref<640xi32, #tpu.memory_space<vmem>>, vector<16xi32>,
      tpu.vector_store %arg5[%swap3A_146], %select_n3A_145 {strides = array<i32>} : memref<640xi32, #tpu.memory_space<vmem>>, vector<16xi32>,
      %get3A_148 = arith.constant 96 : index
      %get3A_149 = tpu.vector_load %arg4[%get3A_148] {strides = array<i32>} : memref<640xf32, #tpu.memory_space<vmem>>, vector<16xf32>,
      %bitcast_convert_type3A_150 = tpu.bitcast %get3A_149 : vector<16xf32> -> vector<16xi32>
      %ge3A_151 = arith.constant 0 : i32
      %ge3A_152 = vector.broadcast %ge3A_151 : i32 to vector<16xi32>
      %ge3A_153 = arith.cmpi sge, %bitcast_convert_type3A_150, %ge3A_152 : vector<16xi32>
      %sub3A_154 = arith.constant -2147483648 : i32
      %sub3A_155 = vector.broadcast %sub3A_154 : i32 to vector<16xi32>
      %sub3A_156 = arith.subi %sub3A_155, %bitcast_convert_type3A_150 : vector<16xi32>
      %select_n3A_157 = arith.select %ge3A_153, %bitcast_convert_type3A_150, %sub3A_156 : vector<16xi1>, vector<16xi32>
      %iota3A_158 = tpu.iota {dimensions = array<i32: 0>} : vector<16xi32>
      %add3A_159 = arith.constant 96 : i32
      %add3A_160 = vector.broadcast %add3A_159 : i32 to vector<16xi32>
      %add3A_161 = arith.addi %iota3A_158, %add3A_160 : vector<16xi32>
      %ge3A_162 = arith.constant 1 : i32
      %ge3A_163 = vector.broadcast %ge3A_162 : i32 to vector<16xi32>
      %ge3A_164 = arith.cmpi sge, %add3A_161, %ge3A_163 : vector<16xi32>
      %le3A_165 = arith.constant 576 : i32
      %le3A_166 = vector.broadcast %le3A_165 : i32 to vector<16xi32>
      %le3A_167 = arith.cmpi sle, %add3A_161, %le3A_166 : vector<16xi32>
      %and3A_168 = arith.andi %ge3A_164, %le3A_167 : vector<16xi1>
      %jit3A_169 = arith.constant -2147483648 : i32
      %broadcast_in_dim3A_170 = vector.broadcast %jit3A_169 : i32 to vector<16xi32>
      %select_n3A_171 = arith.select %and3A_168, %select_n3A_157, %broadcast_in_dim3A_170 : vector<16xi1>, vector<16xi32>
      %swap3A_172 = arith.constant 96 : index
      %swap3A_173 = tpu.vector_load %arg5[%swap3A_172] {strides = array<i32>} : memref<640xi32, #tpu.memory_space<vmem>>, vector<16xi32>,
      tpu.vector_store %arg5[%swap3A_172], %select_n3A_171 {strides = array<i32>} : memref<640xi32, #tpu.memory_space<vmem>>, vector<16xi32>,
      %get3A_174 = arith.constant 112 : index
      %get3A_175 = tpu.vector_load %arg4[%get3A_174] {strides = array<i32>} : memref<640xf32, #tpu.memory_space<vmem>>, vector<16xf32>,
      %bitcast_convert_type3A_176 = tpu.bitcast %get3A_175 : vector<16xf32> -> vector<16xi32>
      %ge3A_177 = arith.constant 0 : i32
      %ge3A_178 = vector.broadcast %ge3A_177 : i32 to vector<16xi32>
      %ge3A_179 = arith.cmpi sge, %bitcast_convert_type3A_176, %ge3A_178 : vector<16xi32>
      %sub3A_180 = arith.constant -2147483648 : i32
      %sub3A_181 = vector.broadcast %sub3A_180 : i32 to vector<16xi32>
      %sub3A_182 = arith.subi %sub3A_181, %bitcast_convert_type3A_176 : vector<16xi32>
      %select_n3A_183 = arith.select %ge3A_179, %bitcast_convert_type3A_176, %sub3A_182 : vector<16xi1>, vector<16xi32>
      %iota3A_184 = tpu.iota {dimensions = array<i32: 0>} : vector<16xi32>
      %add3A_185 = arith.constant 112 : i32
      %add3A_186 = vector.broadcast %add3A_185 : i32 to vector<16xi32>
      %add3A_187 = arith.addi %iota3A_184, %add3A_186 : vector<16xi32>
      %ge3A_188 = arith.constant 1 : i32
      %ge3A_189 = vector.broadcast %ge3A_188 : i32 to vector<16xi32>
      %ge3A_190 = arith.cmpi sge, %add3A_187, %ge3A_189 : vector<16xi32>
      %le3A_191 = arith.constant 576 : i32
      %le3A_192 = vector.broadcast %le3A_191 : i32 to vector<16xi32>
      %le3A_193 = arith.cmpi sle, %add3A_187, %le3A_192 : vector<16xi32>
      %and3A_194 = arith.andi %ge3A_190, %le3A_193 : vector<16xi1>
      %jit3A_195 = arith.constant -2147483648 : i32
      %broadcast_in_dim3A_196 = vector.broadcast %jit3A_195 : i32 to vector<16xi32>
      %select_n3A_197 = arith.select %and3A_194, %select_n3A_183, %broadcast_in_dim3A_196 : vector<16xi1>, vector<16xi32>
      %swap3A_198 = arith.constant 112 : index
      %swap3A_199 = tpu.vector_load %arg5[%swap3A_198] {strides = array<i32>} : memref<640xi32, #tpu.memory_space<vmem>>, vector<16xi32>,
      tpu.vector_store %arg5[%swap3A_198], %select_n3A_197 {strides = array<i32>} : memref<640xi32, #tpu.memory_space<vmem>>, vector<16xi32>,
      %get3A_200 = arith.constant 128 : index
      %get3A_201 = tpu.vector_load %arg4[%get3A_200] {strides = array<i32>} : memref<640xf32, #tpu.memory_space<vmem>>, vector<16xf32>,
      %bitcast_convert_type3A_202 = tpu.bitcast %get3A_201 : vector<16xf32> -> vector<16xi32>
      %ge3A_203 = arith.constant 0 : i32
      %ge3A_204 = vector.broadcast %ge3A_203 : i32 to vector<16xi32>
      %ge3A_205 = arith.cmpi sge, %bitcast_convert_type3A_202, %ge3A_204 : vector<16xi32>
      %sub3A_206 = arith.constant -2147483648 : i32
      %sub3A_207 = vector.broadcast %sub3A_206 : i32 to vector<16xi32>
      %sub3A_208 = arith.subi %sub3A_207, %bitcast_convert_type3A_202 : vector<16xi32>
      %select_n3A_209 = arith.select %ge3A_205, %bitcast_convert_type3A_202, %sub3A_208 : vector<16xi1>, vector<16xi32>
      %iota3A_210 = tpu.iota {dimensions = array<i32: 0>} : vector<16xi32>
      %add3A_211 = arith.constant 128 : i32
      %add3A_212 = vector.broadcast %add3A_211 : i32 to vector<16xi32>
      %add3A_213 = arith.addi %iota3A_210, %add3A_212 : vector<16xi32>
      %ge3A_214 = arith.constant 1 : i32
      %ge3A_215 = vector.broadcast %ge3A_214 : i32 to vector<16xi32>
      %ge3A_216 = arith.cmpi sge, %add3A_213, %ge3A_215 : vector<16xi32>
      %le3A_217 = arith.constant 576 : i32
      %le3A_218 = vector.broadcast %le3A_217 : i32 to vector<16xi32>
      %le3A_219 = arith.cmpi sle, %add3A_213, %le3A_218 : vector<16xi32>
      %and3A_220 = arith.andi %ge3A_216, %le3A_219 : vector<16xi1>
      %jit3A_221 = arith.constant -2147483648 : i32
      %broadcast_in_dim3A_222 = vector.broadcast %jit3A_221 : i32 to vector<16xi32>
      %select_n3A_223 = arith.select %and3A_220, %select_n3A_209, %broadcast_in_dim3A_222 : vector<16xi1>, vector<16xi32>
      %swap3A_224 = arith.constant 128 : index
      %swap3A_225 = tpu.vector_load %arg5[%swap3A_224] {strides = array<i32>} : memref<640xi32, #tpu.memory_space<vmem>>, vector<16xi32>,
      tpu.vector_store %arg5[%swap3A_224], %select_n3A_223 {strides = array<i32>} : memref<640xi32, #tpu.memory_space<vmem>>, vector<16xi32>,
      %get3A_226 = arith.constant 144 : index
      %get3A_227 = tpu.vector_load %arg4[%get3A_226] {strides = array<i32>} : memref<640xf32, #tpu.memory_space<vmem>>, vector<16xf32>,
      %bitcast_convert_type3A_228 = tpu.bitcast %get3A_227 : vector<16xf32> -> vector<16xi32>
      %ge3A_229 = arith.constant 0 : i32
      %ge3A_230 = vector.broadcast %ge3A_229 : i32 to vector<16xi32>
      %ge3A_231 = arith.cmpi sge, %bitcast_convert_type3A_228, %ge3A_230 : vector<16xi32>
      %sub3A_232 = arith.constant -2147483648 : i32
      %sub3A_233 = vector.broadcast %sub3A_232 : i32 to vector<16xi32>
      %sub3A_234 = arith.subi %sub3A_233, %bitcast_convert_type3A_228 : vector<16xi32>
      %select_n3A_235 = arith.select %ge3A_231, %bitcast_convert_type3A_228, %sub3A_234 : vector<16xi1>, vector<16xi32>
      %iota3A_236 = tpu.iota {dimensions = array<i32: 0>} : vector<16xi32>
      %add3A_237 = arith.constant 144 : i32
      %add3A_238 = vector.broadcast %add3A_237 : i32 to vector<16xi32>
      %add3A_239 = arith.addi %iota3A_236, %add3A_238 : vector<16xi32>
      %ge3A_240 = arith.constant 1 : i32
      %ge3A_241 = vector.broadcast %ge3A_240 : i32 to vector<16xi32>
      %ge3A_242 = arith.cmpi sge, %add3A_239, %ge3A_241 : vector<16xi32>
      %le3A_243 = arith.constant 576 : i32
      %le3A_244 = vector.broadcast %le3A_243 : i32 to vector<16xi32>
      %le3A_245 = arith.cmpi sle, %add3A_239, %le3A_244 : vector<16xi32>
      %and3A_246 = arith.andi %ge3A_242, %le3A_245 : vector<16xi1>
      %jit3A_247 = arith.constant -2147483648 : i32
      %broadcast_in_dim3A_248 = vector.broadcast %jit3A_247 : i32 to vector<16xi32>
      %select_n3A_249 = arith.select %and3A_246, %select_n3A_235, %broadcast_in_dim3A_248 : vector<16xi1>, vector<16xi32>
      %swap3A_250 = arith.constant 144 : index
      %swap3A_251 = tpu.vector_load %arg5[%swap3A_250] {strides = array<i32>} : memref<640xi32, #tpu.memory_space<vmem>>, vector<16xi32>,
      tpu.vector_store %arg5[%swap3A_250], %select_n3A_249 {strides = array<i32>} : memref<640xi32, #tpu.memory_space<vmem>>, vector<16xi32>,
      %get3A_252 = arith.constant 160 : index
      %get3A_253 = tpu.vector_load %arg4[%get3A_252] {strides = array<i32>} : memref<640xf32, #tpu.memory_space<vmem>>, vector<16xf32>,
      %bitcast_convert_type3A_254 = tpu.bitcast %get3A_253 : vector<16xf32> -> vector<16xi32>
      %ge3A_255 = arith.constant 0 : i32
      %ge3A_256 = vector.broadcast %ge3A_255 : i32 to vector<16xi32>
      %ge3A_257 = arith.cmpi sge, %bitcast_convert_type3A_254, %ge3A_256 : vector<16xi32>
      %sub3A_258 = arith.constant -2147483648 : i32
      %sub3A_259 = vector.broadcast %sub3A_258 : i32 to vector<16xi32>
      %sub3A_260 = arith.subi %sub3A_259, %bitcast_convert_type3A_254 : vector<16xi32>
      %select_n3A_261 = arith.select %ge3A_257, %bitcast_convert_type3A_254, %sub3A_260 : vector<16xi1>, vector<16xi32>
      %iota3A_262 = tpu.iota {dimensions = array<i32: 0>} : vector<16xi32>
      %add3A_263 = arith.constant 160 : i32
      %add3A_264 = vector.broadcast %add3A_263 : i32 to vector<16xi32>
      %add3A_265 = arith.addi %iota3A_262, %add3A_264 : vector<16xi32>
      %ge3A_266 = arith.constant 1 : i32
      %ge3A_267 = vector.broadcast %ge3A_266 : i32 to vector<16xi32>
      %ge3A_268 = arith.cmpi sge, %add3A_265, %ge3A_267 : vector<16xi32>
      %le3A_269 = arith.constant 576 : i32
      %le3A_270 = vector.broadcast %le3A_269 : i32 to vector<16xi32>
      %le3A_271 = arith.cmpi sle, %add3A_265, %le3A_270 : vector<16xi32>
      %and3A_272 = arith.andi %ge3A_268, %le3A_271 : vector<16xi1>
      %jit3A_273 = arith.constant -2147483648 : i32
      %broadcast_in_dim3A_274 = vector.broadcast %jit3A_273 : i32 to vector<16xi32>
      %select_n3A_275 = arith.select %and3A_272, %select_n3A_261, %broadcast_in_dim3A_274 : vector<16xi1>, vector<16xi32>
      %swap3A_276 = arith.constant 160 : index
      %swap3A_277 = tpu.vector_load %arg5[%swap3A_276] {strides = array<i32>} : memref<640xi32, #tpu.memory_space<vmem>>, vector<16xi32>,
      tpu.vector_store %arg5[%swap3A_276], %select_n3A_275 {strides = array<i32>} : memref<640xi32, #tpu.memory_space<vmem>>, vector<16xi32>,
      %get3A_278 = arith.constant 176 : index
      %get3A_279 = tpu.vector_load %arg4[%get3A_278] {strides = array<i32>} : memref<640xf32, #tpu.memory_space<vmem>>, vector<16xf32>,
      %bitcast_convert_type3A_280 = tpu.bitcast %get3A_279 : vector<16xf32> -> vector<16xi32>
      %ge3A_281 = arith.constant 0 : i32
      %ge3A_282 = vector.broadcast %ge3A_281 : i32 to vector<16xi32>
      %ge3A_283 = arith.cmpi sge, %bitcast_convert_type3A_280, %ge3A_282 : vector<16xi32>
      %sub3A_284 = arith.constant -2147483648 : i32
      %sub3A_285 = vector.broadcast %sub3A_284 : i32 to vector<16xi32>
      %sub3A_286 = arith.subi %sub3A_285, %bitcast_convert_type3A_280 : vector<16xi32>
      %select_n3A_287 = arith.select %ge3A_283, %bitcast_convert_type3A_280, %sub3A_286 : vector<16xi1>, vector<16xi32>
      %iota3A_288 = tpu.iota {dimensions = array<i32: 0>} : vector<16xi32>
      %add3A_289 = arith.constant 176 : i32
      %add3A_290 = vector.broadcast %add3A_289 : i32 to vector<16xi32>
      %add3A_291 = arith.addi %iota3A_288, %add3A_290 : vector<16xi32>
      %ge3A_292 = arith.constant 1 : i32
      %ge3A_293 = vector.broadcast %ge3A_292 : i32 to vector<16xi32>
      %ge3A_294 = arith.cmpi sge, %add3A_291, %ge3A_293 : vector<16xi32>
      %le3A_295 = arith.constant 576 : i32
      %le3A_296 = vector.broadcast %le3A_295 : i32 to vector<16xi32>
      %le3A_297 = arith.cmpi sle, %add3A_291, %le3A_296 : vector<16xi32>
      %and3A_298 = arith.andi %ge3A_294, %le3A_297 : vector<16xi1>
      %jit3A_299 = arith.constant -2147483648 : i32
      %broadcast_in_dim3A_300 = vector.broadcast %jit3A_299 : i32 to vector<16xi32>
      %select_n3A_301 = arith.select %and3A_298, %select_n3A_287, %broadcast_in_dim3A_300 : vector<16xi1>, vector<16xi32>
      %swap3A_302 = arith.constant 176 : index
      %swap3A_303 = tpu.vector_load %arg5[%swap3A_302] {strides = array<i32>} : memref<640xi32, #tpu.memory_space<vmem>>, vector<16xi32>,
      tpu.vector_store %arg5[%swap3A_302], %select_n3A_301 {strides = array<i32>} : memref<640xi32, #tpu.memory_space<vmem>>, vector<16xi32>,
      %get3A_304 = arith.constant 192 : index
      %get3A_305 = tpu.vector_load %arg4[%get3A_304] {strides = array<i32>} : memref<640xf32, #tpu.memory_space<vmem>>, vector<16xf32>,
      %bitcast_convert_type3A_306 = tpu.bitcast %get3A_305 : vector<16xf32> -> vector<16xi32>
      %ge3A_307 = arith.constant 0 : i32
      %ge3A_308 = vector.broadcast %ge3A_307 : i32 to vector<16xi32>
      %ge3A_309 = arith.cmpi sge, %bitcast_convert_type3A_306, %ge3A_308 : vector<16xi32>
      %sub3A_310 = arith.constant -2147483648 : i32
      %sub3A_311 = vector.broadcast %sub3A_310 : i32 to vector<16xi32>
      %sub3A_312 = arith.subi %sub3A_311, %bitcast_convert_type3A_306 : vector<16xi32>
      %select_n3A_313 = arith.select %ge3A_309, %bitcast_convert_type3A_306, %sub3A_312 : vector<16xi1>, vector<16xi32>
      %iota3A_314 = tpu.iota {dimensions = array<i32: 0>} : vector<16xi32>
      %add3A_315 = arith.constant 192 : i32
      %add3A_316 = vector.broadcast %add3A_315 : i32 to vector<16xi32>
      %add3A_317 = arith.addi %iota3A_314, %add3A_316 : vector<16xi32>
      %ge3A_318 = arith.constant 1 : i32
      %ge3A_319 = vector.broadcast %ge3A_318 : i32 to vector<16xi32>
      %ge3A_320 = arith.cmpi sge, %add3A_317, %ge3A_319 : vector<16xi32>
      %le3A_321 = arith.constant 576 : i32
      %le3A_322 = vector.broadcast %le3A_321 : i32 to vector<16xi32>
      %le3A_323 = arith.cmpi sle, %add3A_317, %le3A_322 : vector<16xi32>
      %and3A_324 = arith.andi %ge3A_320, %le3A_323 : vector<16xi1>
      %jit3A_325 = arith.constant -2147483648 : i32
      %broadcast_in_dim3A_326 = vector.broadcast %jit3A_325 : i32 to vector<16xi32>
      %select_n3A_327 = arith.select %and3A_324, %select_n3A_313, %broadcast_in_dim3A_326 : vector<16xi1>, vector<16xi32>
      %swap3A_328 = arith.constant 192 : index
      %swap3A_329 = tpu.vector_load %arg5[%swap3A_328] {strides = array<i32>} : memref<640xi32, #tpu.memory_space<vmem>>, vector<16xi32>,
      tpu.vector_store %arg5[%swap3A_328], %select_n3A_327 {strides = array<i32>} : memref<640xi32, #tpu.memory_space<vmem>>, vector<16xi32>,
      %get3A_330 = arith.constant 208 : index
      %get3A_331 = tpu.vector_load %arg4[%get3A_330] {strides = array<i32>} : memref<640xf32, #tpu.memory_space<vmem>>, vector<16xf32>,
      %bitcast_convert_type3A_332 = tpu.bitcast %get3A_331 : vector<16xf32> -> vector<16xi32>
      %ge3A_333 = arith.constant 0 : i32
      %ge3A_334 = vector.broadcast %ge3A_333 : i32 to vector<16xi32>
      %ge3A_335 = arith.cmpi sge, %bitcast_convert_type3A_332, %ge3A_334 : vector<16xi32>
      %sub3A_336 = arith.constant -2147483648 : i32
      %sub3A_337 = vector.broadcast %sub3A_336 : i32 to vector<16xi32>
      %sub3A_338 = arith.subi %sub3A_337, %bitcast_convert_type3A_332 : vector<16xi32>
      %select_n3A_339 = arith.select %ge3A_335, %bitcast_convert_type3A_332, %sub3A_338 : vector<16xi1>, vector<16xi32>
      %iota3A_340 = tpu.iota {dimensions = array<i32: 0>} : vector<16xi32>
      %add3A_341 = arith.constant 208 : i32
      %add3A_342 = vector.broadcast %add3A_341 : i32 to vector<16xi32>
      %add3A_343 = arith.addi %iota3A_340, %add3A_342 : vector<16xi32>
      %ge3A_344 = arith.constant 1 : i32
      %ge3A_345 = vector.broadcast %ge3A_344 : i32 to vector<16xi32>
      %ge3A_346 = arith.cmpi sge, %add3A_343, %ge3A_345 : vector<16xi32>
      %le3A_347 = arith.constant 576 : i32
      %le3A_348 = vector.broadcast %le3A_347 : i32 to vector<16xi32>
      %le3A_349 = arith.cmpi sle, %add3A_343, %le3A_348 : vector<16xi32>
      %and3A_350 = arith.andi %ge3A_346, %le3A_349 : vector<16xi1>
      %jit3A_351 = arith.constant -2147483648 : i32
      %broadcast_in_dim3A_352 = vector.broadcast %jit3A_351 : i32 to vector<16xi32>
      %select_n3A_353 = arith.select %and3A_350, %select_n3A_339, %broadcast_in_dim3A_352 : vector<16xi1>, vector<16xi32>
      %swap3A_354 = arith.constant 208 : index
      %swap3A_355 = tpu.vector_load %arg5[%swap3A_354] {strides = array<i32>} : memref<640xi32, #tpu.memory_space<vmem>>, vector<16xi32>,
      tpu.vector_store %arg5[%swap3A_354], %select_n3A_353 {strides = array<i32>} : memref<640xi32, #tpu.memory_space<vmem>>, vector<16xi32>,
      %get3A_356 = arith.constant 224 : index
      %get3A_357 = tpu.vector_load %arg4[%get3A_356] {strides = array<i32>} : memref<640xf32, #tpu.memory_space<vmem>>, vector<16xf32>,
      %bitcast_convert_type3A_358 = tpu.bitcast %get3A_357 : vector<16xf32> -> vector<16xi32>
      %ge3A_359 = arith.constant 0 : i32
      %ge3A_360 = vector.broadcast %ge3A_359 : i32 to vector<16xi32>
      %ge3A_361 = arith.cmpi sge, %bitcast_convert_type3A_358, %ge3A_360 : vector<16xi32>
      %sub3A_362 = arith.constant -2147483648 : i32
      %sub3A_363 = vector.broadcast %sub3A_362 : i32 to vector<16xi32>
      %sub3A_364 = arith.subi %sub3A_363, %bitcast_convert_type3A_358 : vector<16xi32>
      %select_n3A_365 = arith.select %ge3A_361, %bitcast_convert_type3A_358, %sub3A_364 : vector<16xi1>, vector<16xi32>
      %iota3A_366 = tpu.iota {dimensions = array<i32: 0>} : vector<16xi32>
      %add3A_367 = arith.constant 224 : i32
      %add3A_368 = vector.broadcast %add3A_367 : i32 to vector<16xi32>
      %add3A_369 = arith.addi %iota3A_366, %add3A_368 : vector<16xi32>
      %ge3A_370 = arith.constant 1 : i32
      %ge3A_371 = vector.broadcast %ge3A_370 : i32 to vector<16xi32>
      %ge3A_372 = arith.cmpi sge, %add3A_369, %ge3A_371 : vector<16xi32>
      %le3A_373 = arith.constant 576 : i32
      %le3A_374 = vector.broadcast %le3A_373 : i32 to vector<16xi32>
      %le3A_375 = arith.cmpi sle, %add3A_369, %le3A_374 : vector<16xi32>
      %and3A_376 = arith.andi %ge3A_372, %le3A_375 : vector<16xi1>
      %jit3A_377 = arith.constant -2147483648 : i32
      %broadcast_in_dim3A_378 = vector.broadcast %jit3A_377 : i32 to vector<16xi32>
      %select_n3A_379 = arith.select %and3A_376, %select_n3A_365, %broadcast_in_dim3A_378 : vector<16xi1>, vector<16xi32>
      %swap3A_380 = arith.constant 224 : index
      %swap3A_381 = tpu.vector_load %arg5[%swap3A_380] {strides = array<i32>} : memref<640xi32, #tpu.memory_space<vmem>>, vector<16xi32>,
      tpu.vector_store %arg5[%swap3A_380], %select_n3A_379 {strides = array<i32>} : memref<640xi32, #tpu.memory_space<vmem>>, vector<16xi32>,
      %get3A_382 = arith.constant 240 : index
      %get3A_383 = tpu.vector_load %arg4[%get3A_382] {strides = array<i32>} : memref<640xf32, #tpu.memory_space<vmem>>, vector<16xf32>,
      %bitcast_convert_type3A_384 = tpu.bitcast %get3A_383 : vector<16xf32> -> vector<16xi32>
      %ge3A_385 = arith.constant 0 : i32
      %ge3A_386 = vector.broadcast %ge3A_385 : i32 to vector<16xi32>
      %ge3A_387 = arith.cmpi sge, %bitcast_convert_type3A_384, %ge3A_386 : vector<16xi32>
      %sub3A_388 = arith.constant -2147483648 : i32
      %sub3A_389 = vector.broadcast %sub3A_388 : i32 to vector<16xi32>
      %sub3A_390 = arith.subi %sub3A_389, %bitcast_convert_type3A_384 : vector<16xi32>
      %select_n3A_391 = arith.select %ge3A_387, %bitcast_convert_type3A_384, %sub3A_390 : vector<16xi1>, vector<16xi32>
      %iota3A_392 = tpu.iota {dimensions = array<i32: 0>} : vector<16xi32>
      %add3A_393 = arith.constant 240 : i32
      %add3A_394 = vector.broadcast %add3A_393 : i32 to vector<16xi32>
      %add3A_395 = arith.addi %iota3A_392, %add3A_394 : vector<16xi32>
      %ge3A_396 = arith.constant 1 : i32
      %ge3A_397 = vector.broadcast %ge3A_396 : i32 to vector<16xi32>
      %ge3A_398 = arith.cmpi sge, %add3A_395, %ge3A_397 : vector<16xi32>
      %le3A_399 = arith.constant 576 : i32
      %le3A_400 = vector.broadcast %le3A_399 : i32 to vector<16xi32>
      %le3A_401 = arith.cmpi sle, %add3A_395, %le3A_400 : vector<16xi32>
      %and3A_402 = arith.andi %ge3A_398, %le3A_401 : vector<16xi1>
      %jit3A_403 = arith.constant -2147483648 : i32
      %broadcast_in_dim3A_404 = vector.broadcast %jit3A_403 : i32 to vector<16xi32>
      %select_n3A_405 = arith.select %and3A_402, %select_n3A_391, %broadcast_in_dim3A_404 : vector<16xi1>, vector<16xi32>
      %swap3A_406 = arith.constant 240 : index
      %swap3A_407 = tpu.vector_load %arg5[%swap3A_406] {strides = array<i32>} : memref<640xi32, #tpu.memory_space<vmem>>, vector<16xi32>,
      tpu.vector_store %arg5[%swap3A_406], %select_n3A_405 {strides = array<i32>} : memref<640xi32, #tpu.memory_space<vmem>>, vector<16xi32>,
      %get3A_408 = arith.constant 256 : index
      %get3A_409 = tpu.vector_load %arg4[%get3A_408] {strides = array<i32>} : memref<640xf32, #tpu.memory_space<vmem>>, vector<16xf32>,
      %bitcast_convert_type3A_410 = tpu.bitcast %get3A_409 : vector<16xf32> -> vector<16xi32>
      %ge3A_411 = arith.constant 0 : i32
      %ge3A_412 = vector.broadcast %ge3A_411 : i32 to vector<16xi32>
      %ge3A_413 = arith.cmpi sge, %bitcast_convert_type3A_410, %ge3A_412 : vector<16xi32>
      %sub3A_414 = arith.constant -2147483648 : i32
      %sub3A_415 = vector.broadcast %sub3A_414 : i32 to vector<16xi32>
      %sub3A_416 = arith.subi %sub3A_415, %bitcast_convert_type3A_410 : vector<16xi32>
      %select_n3A_417 = arith.select %ge3A_413, %bitcast_convert_type3A_410, %sub3A_416 : vector<16xi1>, vector<16xi32>
      %iota3A_418 = tpu.iota {dimensions = array<i32: 0>} : vector<16xi32>
      %add3A_419 = arith.constant 256 : i32
      %add3A_420 = vector.broadcast %add3A_419 : i32 to vector<16xi32>
      %add3A_421 = arith.addi %iota3A_418, %add3A_420 : vector<16xi32>
      %ge3A_422 = arith.constant 1 : i32
      %ge3A_423 = vector.broadcast %ge3A_422 : i32 to vector<16xi32>
      %ge3A_424 = arith.cmpi sge, %add3A_421, %ge3A_423 : vector<16xi32>
      %le3A_425 = arith.constant 576 : i32
      %le3A_426 = vector.broadcast %le3A_425 : i32 to vector<16xi32>
      %le3A_427 = arith.cmpi sle, %add3A_421, %le3A_426 : vector<16xi32>
      %and3A_428 = arith.andi %ge3A_424, %le3A_427 : vector<16xi1>
      %jit3A_429 = arith.constant -2147483648 : i32
      %broadcast_in_dim3A_430 = vector.broadcast %jit3A_429 : i32 to vector<16xi32>
      %select_n3A_431 = arith.select %and3A_428, %select_n3A_417, %broadcast_in_dim3A_430 : vector<16xi1>, vector<16xi32>
      %swap3A_432 = arith.constant 256 : index
      %swap3A_433 = tpu.vector_load %arg5[%swap3A_432] {strides = array<i32>} : memref<640xi32, #tpu.memory_space<vmem>>, vector<16xi32>,
      tpu.vector_store %arg5[%swap3A_432], %select_n3A_431 {strides = array<i32>} : memref<640xi32, #tpu.memory_space<vmem>>, vector<16xi32>,
      %get3A_434 = arith.constant 272 : index
      %get3A_435 = tpu.vector_load %arg4[%get3A_434] {strides = array<i32>} : memref<640xf32, #tpu.memory_space<vmem>>, vector<16xf32>,
      %bitcast_convert_type3A_436 = tpu.bitcast %get3A_435 : vector<16xf32> -> vector<16xi32>
      %ge3A_437 = arith.constant 0 : i32
      %ge3A_438 = vector.broadcast %ge3A_437 : i32 to vector<16xi32>
      %ge3A_439 = arith.cmpi sge, %bitcast_convert_type3A_436, %ge3A_438 : vector<16xi32>
      %sub3A_440 = arith.constant -2147483648 : i32
      %sub3A_441 = vector.broadcast %sub3A_440 : i32 to vector<16xi32>
      %sub3A_442 = arith.subi %sub3A_441, %bitcast_convert_type3A_436 : vector<16xi32>
      %select_n3A_443 = arith.select %ge3A_439, %bitcast_convert_type3A_436, %sub3A_442 : vector<16xi1>, vector<16xi32>
      %iota3A_444 = tpu.iota {dimensions = array<i32: 0>} : vector<16xi32>
      %add3A_445 = arith.constant 272 : i32
      %add3A_446 = vector.broadcast %add3A_445 : i32 to vector<16xi32>
      %add3A_447 = arith.addi %iota3A_444, %add3A_446 : vector<16xi32>
      %ge3A_448 = arith.constant 1 : i32
      %ge3A_449 = vector.broadcast %ge3A_448 : i32 to vector<16xi32>
      %ge3A_450 = arith.cmpi sge, %add3A_447, %ge3A_449 : vector<16xi32>
      %le3A_451 = arith.constant 576 : i32
      %le3A_452 = vector.broadcast %le3A_451 : i32 to vector<16xi32>
      %le3A_453 = arith.cmpi sle, %add3A_447, %le3A_452 : vector<16xi32>
      %and3A_454 = arith.andi %ge3A_450, %le3A_453 : vector<16xi1>
      %jit3A_455 = arith.constant -2147483648 : i32
      %broadcast_in_dim3A_456 = vector.broadcast %jit3A_455 : i32 to vector<16xi32>
      %select_n3A_457 = arith.select %and3A_454, %select_n3A_443, %broadcast_in_dim3A_456 : vector<16xi1>, vector<16xi32>
      %swap3A_458 = arith.constant 272 : index
      %swap3A_459 = tpu.vector_load %arg5[%swap3A_458] {strides = array<i32>} : memref<640xi32, #tpu.memory_space<vmem>>, vector<16xi32>,
      tpu.vector_store %arg5[%swap3A_458], %select_n3A_457 {strides = array<i32>} : memref<640xi32, #tpu.memory_space<vmem>>, vector<16xi32>,
      %get3A_460 = arith.constant 288 : index
      %get3A_461 = tpu.vector_load %arg4[%get3A_460] {strides = array<i32>} : memref<640xf32, #tpu.memory_space<vmem>>, vector<16xf32>,
      %bitcast_convert_type3A_462 = tpu.bitcast %get3A_461 : vector<16xf32> -> vector<16xi32>
      %ge3A_463 = arith.constant 0 : i32
      %ge3A_464 = vector.broadcast %ge3A_463 : i32 to vector<16xi32>
      %ge3A_465 = arith.cmpi sge, %bitcast_convert_type3A_462, %ge3A_464 : vector<16xi32>
      %sub3A_466 = arith.constant -2147483648 : i32
      %sub3A_467 = vector.broadcast %sub3A_466 : i32 to vector<16xi32>
      %sub3A_468 = arith.subi %sub3A_467, %bitcast_convert_type3A_462 : vector<16xi32>
      %select_n3A_469 = arith.select %ge3A_465, %bitcast_convert_type3A_462, %sub3A_468 : vector<16xi1>, vector<16xi32>
      %iota3A_470 = tpu.iota {dimensions = array<i32: 0>} : vector<16xi32>
      %add3A_471 = arith.constant 288 : i32
      %add3A_472 = vector.broadcast %add3A_471 : i32 to vector<16xi32>
      %add3A_473 = arith.addi %iota3A_470, %add3A_472 : vector<16xi32>
      %ge3A_474 = arith.constant 1 : i32
      %ge3A_475 = vector.broadcast %ge3A_474 : i32 to vector<16xi32>
      %ge3A_476 = arith.cmpi sge, %add3A_473, %ge3A_475 : vector<16xi32>
      %le3A_477 = arith.constant 576 : i32
      %le3A_478 = vector.broadcast %le3A_477 : i32 to vector<16xi32>
      %le3A_479 = arith.cmpi sle, %add3A_473, %le3A_478 : vector<16xi32>
      %and3A_480 = arith.andi %ge3A_476, %le3A_479 : vector<16xi1>
      %jit3A_481 = arith.constant -2147483648 : i32
      %broadcast_in_dim3A_482 = vector.broadcast %jit3A_481 : i32 to vector<16xi32>
      %select_n3A_483 = arith.select %and3A_480, %select_n3A_469, %broadcast_in_dim3A_482 : vector<16xi1>, vector<16xi32>
      %swap3A_484 = arith.constant 288 : index
      %swap3A_485 = tpu.vector_load %arg5[%swap3A_484] {strides = array<i32>} : memref<640xi32, #tpu.memory_space<vmem>>, vector<16xi32>,
      tpu.vector_store %arg5[%swap3A_484], %select_n3A_483 {strides = array<i32>} : memref<640xi32, #tpu.memory_space<vmem>>, vector<16xi32>,
      %get3A_486 = arith.constant 304 : index
      %get3A_487 = tpu.vector_load %arg4[%get3A_486] {strides = array<i32>} : memref<640xf32, #tpu.memory_space<vmem>>, vector<16xf32>,
      %bitcast_convert_type3A_488 = tpu.bitcast %get3A_487 : vector<16xf32> -> vector<16xi32>
      %ge3A_489 = arith.constant 0 : i32
      %ge3A_490 = vector.broadcast %ge3A_489 : i32 to vector<16xi32>
      %ge3A_491 = arith.cmpi sge, %bitcast_convert_type3A_488, %ge3A_490 : vector<16xi32>
      %sub3A_492 = arith.constant -2147483648 : i32
      %sub3A_493 = vector.broadcast %sub3A_492 : i32 to vector<16xi32>
      %sub3A_494 = arith.subi %sub3A_493, %bitcast_convert_type3A_488 : vector<16xi32>
      %select_n3A_495 = arith.select %ge3A_491, %bitcast_convert_type3A_488, %sub3A_494 : vector<16xi1>, vector<16xi32>
      %iota3A_496 = tpu.iota {dimensions = array<i32: 0>} : vector<16xi32>
      %add3A_497 = arith.constant 304 : i32
      %add3A_498 = vector.broadcast %add3A_497 : i32 to vector<16xi32>
      %add3A_499 = arith.addi %iota3A_496, %add3A_498 : vector<16xi32>
      %ge3A_500 = arith.constant 1 : i32
      %ge3A_501 = vector.broadcast %ge3A_500 : i32 to vector<16xi32>
      %ge3A_502 = arith.cmpi sge, %add3A_499, %ge3A_501 : vector<16xi32>
      %le3A_503 = arith.constant 576 : i32
      %le3A_504 = vector.broadcast %le3A_503 : i32 to vector<16xi32>
      %le3A_505 = arith.cmpi sle, %add3A_499, %le3A_504 : vector<16xi32>
      %and3A_506 = arith.andi %ge3A_502, %le3A_505 : vector<16xi1>
      %jit3A_507 = arith.constant -2147483648 : i32
      %broadcast_in_dim3A_508 = vector.broadcast %jit3A_507 : i32 to vector<16xi32>
      %select_n3A_509 = arith.select %and3A_506, %select_n3A_495, %broadcast_in_dim3A_508 : vector<16xi1>, vector<16xi32>
      %swap3A_510 = arith.constant 304 : index
      %swap3A_511 = tpu.vector_load %arg5[%swap3A_510] {strides = array<i32>} : memref<640xi32, #tpu.memory_space<vmem>>, vector<16xi32>,
      tpu.vector_store %arg5[%swap3A_510], %select_n3A_509 {strides = array<i32>} : memref<640xi32, #tpu.memory_space<vmem>>, vector<16xi32>,
      %get3A_512 = arith.constant 320 : index
      %get3A_513 = tpu.vector_load %arg4[%get3A_512] {strides = array<i32>} : memref<640xf32, #tpu.memory_space<vmem>>, vector<16xf32>,
      %bitcast_convert_type3A_514 = tpu.bitcast %get3A_513 : vector<16xf32> -> vector<16xi32>
      %ge3A_515 = arith.constant 0 : i32
      %ge3A_516 = vector.broadcast %ge3A_515 : i32 to vector<16xi32>
      %ge3A_517 = arith.cmpi sge, %bitcast_convert_type3A_514, %ge3A_516 : vector<16xi32>
      %sub3A_518 = arith.constant -2147483648 : i32
      %sub3A_519 = vector.broadcast %sub3A_518 : i32 to vector<16xi32>
      %sub3A_520 = arith.subi %sub3A_519, %bitcast_convert_type3A_514 : vector<16xi32>
      %select_n3A_521 = arith.select %ge3A_517, %bitcast_convert_type3A_514, %sub3A_520 : vector<16xi1>, vector<16xi32>
      %iota3A_522 = tpu.iota {dimensions = array<i32: 0>} : vector<16xi32>
      %add3A_523 = arith.constant 320 : i32
      %add3A_524 = vector.broadcast %add3A_523 : i32 to vector<16xi32>
      %add3A_525 = arith.addi %iota3A_522, %add3A_524 : vector<16xi32>
      %ge3A_526 = arith.constant 1 : i32
      %ge3A_527 = vector.broadcast %ge3A_526 : i32 to vector<16xi32>
      %ge3A_528 = arith.cmpi sge, %add3A_525, %ge3A_527 : vector<16xi32>
      %le3A_529 = arith.constant 576 : i32
      %le3A_530 = vector.broadcast %le3A_529 : i32 to vector<16xi32>
      %le3A_531 = arith.cmpi sle, %add3A_525, %le3A_530 : vector<16xi32>
      %and3A_532 = arith.andi %ge3A_528, %le3A_531 : vector<16xi1>
      %jit3A_533 = arith.constant -2147483648 : i32
      %broadcast_in_dim3A_534 = vector.broadcast %jit3A_533 : i32 to vector<16xi32>
      %select_n3A_535 = arith.select %and3A_532, %select_n3A_521, %broadcast_in_dim3A_534 : vector<16xi1>, vector<16xi32>
      %swap3A_536 = arith.constant 320 : index
      %swap3A_537 = tpu.vector_load %arg5[%swap3A_536] {strides = array<i32>} : memref<640xi32, #tpu.memory_space<vmem>>, vector<16xi32>,
      tpu.vector_store %arg5[%swap3A_536], %select_n3A_535 {strides = array<i32>} : memref<640xi32, #tpu.memory_space<vmem>>, vector<16xi32>,
      %get3A_538 = arith.constant 336 : index
      %get3A_539 = tpu.vector_load %arg4[%get3A_538] {strides = array<i32>} : memref<640xf32, #tpu.memory_space<vmem>>, vector<16xf32>,
      %bitcast_convert_type3A_540 = tpu.bitcast %get3A_539 : vector<16xf32> -> vector<16xi32>
      %ge3A_541 = arith.constant 0 : i32
      %ge3A_542 = vector.broadcast %ge3A_541 : i32 to vector<16xi32>
      %ge3A_543 = arith.cmpi sge, %bitcast_convert_type3A_540, %ge3A_542 : vector<16xi32>
      %sub3A_544 = arith.constant -2147483648 : i32
      %sub3A_545 = vector.broadcast %sub3A_544 : i32 to vector<16xi32>
      %sub3A_546 = arith.subi %sub3A_545, %bitcast_convert_type3A_540 : vector<16xi32>
      %select_n3A_547 = arith.select %ge3A_543, %bitcast_convert_type3A_540, %sub3A_546 : vector<16xi1>, vector<16xi32>
      %iota3A_548 = tpu.iota {dimensions = array<i32: 0>} : vector<16xi32>
      %add3A_549 = arith.constant 336 : i32
      %add3A_550 = vector.broadcast %add3A_549 : i32 to vector<16xi32>
      %add3A_551 = arith.addi %iota3A_548, %add3A_550 : vector<16xi32>
      %ge3A_552 = arith.constant 1 : i32
      %ge3A_553 = vector.broadcast %ge3A_552 : i32 to vector<16xi32>
      %ge3A_554 = arith.cmpi sge, %add3A_551, %ge3A_553 : vector<16xi32>
      %le3A_555 = arith.constant 576 : i32
      %le3A_556 = vector.broadcast %le3A_555 : i32 to vector<16xi32>
      %le3A_557 = arith.cmpi sle, %add3A_551, %le3A_556 : vector<16xi32>
      %and3A_558 = arith.andi %ge3A_554, %le3A_557 : vector<16xi1>
      %jit3A_559 = arith.constant -2147483648 : i32
      %broadcast_in_dim3A_560 = vector.broadcast %jit3A_559 : i32 to vector<16xi32>
      %select_n3A_561 = arith.select %and3A_558, %select_n3A_547, %broadcast_in_dim3A_560 : vector<16xi1>, vector<16xi32>
      %swap3A_562 = arith.constant 336 : index
      %swap3A_563 = tpu.vector_load %arg5[%swap3A_562] {strides = array<i32>} : memref<640xi32, #tpu.memory_space<vmem>>, vector<16xi32>,
      tpu.vector_store %arg5[%swap3A_562], %select_n3A_561 {strides = array<i32>} : memref<640xi32, #tpu.memory_space<vmem>>, vector<16xi32>,
      %get3A_564 = arith.constant 352 : index
      %get3A_565 = tpu.vector_load %arg4[%get3A_564] {strides = array<i32>} : memref<640xf32, #tpu.memory_space<vmem>>, vector<16xf32>,
      %bitcast_convert_type3A_566 = tpu.bitcast %get3A_565 : vector<16xf32> -> vector<16xi32>
      %ge3A_567 = arith.constant 0 : i32
      %ge3A_568 = vector.broadcast %ge3A_567 : i32 to vector<16xi32>
      %ge3A_569 = arith.cmpi sge, %bitcast_convert_type3A_566, %ge3A_568 : vector<16xi32>
      %sub3A_570 = arith.constant -2147483648 : i32
      %sub3A_571 = vector.broadcast %sub3A_570 : i32 to vector<16xi32>
      %sub3A_572 = arith.subi %sub3A_571, %bitcast_convert_type3A_566 : vector<16xi32>
      %select_n3A_573 = arith.select %ge3A_569, %bitcast_convert_type3A_566, %sub3A_572 : vector<16xi1>, vector<16xi32>
      %iota3A_574 = tpu.iota {dimensions = array<i32: 0>} : vector<16xi32>
      %add3A_575 = arith.constant 352 : i32
      %add3A_576 = vector.broadcast %add3A_575 : i32 to vector<16xi32>
      %add3A_577 = arith.addi %iota3A_574, %add3A_576 : vector<16xi32>
      %ge3A_578 = arith.constant 1 : i32
      %ge3A_579 = vector.broadcast %ge3A_578 : i32 to vector<16xi32>
      %ge3A_580 = arith.cmpi sge, %add3A_577, %ge3A_579 : vector<16xi32>
      %le3A_581 = arith.constant 576 : i32
      %le3A_582 = vector.broadcast %le3A_581 : i32 to vector<16xi32>
      %le3A_583 = arith.cmpi sle, %add3A_577, %le3A_582 : vector<16xi32>
      %and3A_584 = arith.andi %ge3A_580, %le3A_583 : vector<16xi1>
      %jit3A_585 = arith.constant -2147483648 : i32
      %broadcast_in_dim3A_586 = vector.broadcast %jit3A_585 : i32 to vector<16xi32>
      %select_n3A_587 = arith.select %and3A_584, %select_n3A_573, %broadcast_in_dim3A_586 : vector<16xi1>, vector<16xi32>
      %swap3A_588 = arith.constant 352 : index
      %swap3A_589 = tpu.vector_load %arg5[%swap3A_588] {strides = array<i32>} : memref<640xi32, #tpu.memory_space<vmem>>, vector<16xi32>,
      tpu.vector_store %arg5[%swap3A_588], %select_n3A_587 {strides = array<i32>} : memref<640xi32, #tpu.memory_space<vmem>>, vector<16xi32>,
      %get3A_590 = arith.constant 368 : index
      %get3A_591 = tpu.vector_load %arg4[%get3A_590] {strides = array<i32>} : memref<640xf32, #tpu.memory_space<vmem>>, vector<16xf32>,
      %bitcast_convert_type3A_592 = tpu.bitcast %get3A_591 : vector<16xf32> -> vector<16xi32>
      %ge3A_593 = arith.constant 0 : i32
      %ge3A_594 = vector.broadcast %ge3A_593 : i32 to vector<16xi32>
      %ge3A_595 = arith.cmpi sge, %bitcast_convert_type3A_592, %ge3A_594 : vector<16xi32>
      %sub3A_596 = arith.constant -2147483648 : i32
      %sub3A_597 = vector.broadcast %sub3A_596 : i32 to vector<16xi32>
      %sub3A_598 = arith.subi %sub3A_597, %bitcast_convert_type3A_592 : vector<16xi32>
      %select_n3A_599 = arith.select %ge3A_595, %bitcast_convert_type3A_592, %sub3A_598 : vector<16xi1>, vector<16xi32>
      %iota3A_600 = tpu.iota {dimensions = array<i32: 0>} : vector<16xi32>
      %add3A_601 = arith.constant 368 : i32
      %add3A_602 = vector.broadcast %add3A_601 : i32 to vector<16xi32>
      %add3A_603 = arith.addi %iota3A_600, %add3A_602 : vector<16xi32>
      %ge3A_604 = arith.constant 1 : i32
      %ge3A_605 = vector.broadcast %ge3A_604 : i32 to vector<16xi32>
      %ge3A_606 = arith.cmpi sge, %add3A_603, %ge3A_605 : vector<16xi32>
      %le3A_607 = arith.constant 576 : i32
      %le3A_608 = vector.broadcast %le3A_607 : i32 to vector<16xi32>
      %le3A_609 = arith.cmpi sle, %add3A_603, %le3A_608 : vector<16xi32>
      %and3A_610 = arith.andi %ge3A_606, %le3A_609 : vector<16xi1>
      %jit3A_611 = arith.constant -2147483648 : i32
      %broadcast_in_dim3A_612 = vector.broadcast %jit3A_611 : i32 to vector<16xi32>
      %select_n3A_613 = arith.select %and3A_610, %select_n3A_599, %broadcast_in_dim3A_612 : vector<16xi1>, vector<16xi32>
      %swap3A_614 = arith.constant 368 : index
      %swap3A_615 = tpu.vector_load %arg5[%swap3A_614] {strides = array<i32>} : memref<640xi32, #tpu.memory_space<vmem>>, vector<16xi32>,
      tpu.vector_store %arg5[%swap3A_614], %select_n3A_613 {strides = array<i32>} : memref<640xi32, #tpu.memory_space<vmem>>, vector<16xi32>,
      %get3A_616 = arith.constant 384 : index
      %get3A_617 = tpu.vector_load %arg4[%get3A_616] {strides = array<i32>} : memref<640xf32, #tpu.memory_space<vmem>>, vector<16xf32>,
      %bitcast_convert_type3A_618 = tpu.bitcast %get3A_617 : vector<16xf32> -> vector<16xi32>
      %ge3A_619 = arith.constant 0 : i32
      %ge3A_620 = vector.broadcast %ge3A_619 : i32 to vector<16xi32>
      %ge3A_621 = arith.cmpi sge, %bitcast_convert_type3A_618, %ge3A_620 : vector<16xi32>
      %sub3A_622 = arith.constant -2147483648 : i32
      %sub3A_623 = vector.broadcast %sub3A_622 : i32 to vector<16xi32>
      %sub3A_624 = arith.subi %sub3A_623, %bitcast_convert_type3A_618 : vector<16xi32>
      %select_n3A_625 = arith.select %ge3A_621, %bitcast_convert_type3A_618, %sub3A_624 : vector<16xi1>, vector<16xi32>
      %iota3A_626 = tpu.iota {dimensions = array<i32: 0>} : vector<16xi32>
      %add3A_627 = arith.constant 384 : i32
      %add3A_628 = vector.broadcast %add3A_627 : i32 to vector<16xi32>
      %add3A_629 = arith.addi %iota3A_626, %add3A_628 : vector<16xi32>
      %ge3A_630 = arith.constant 1 : i32
      %ge3A_631 = vector.broadcast %ge3A_630 : i32 to vector<16xi32>
      %ge3A_632 = arith.cmpi sge, %add3A_629, %ge3A_631 : vector<16xi32>
      %le3A_633 = arith.constant 576 : i32
      %le3A_634 = vector.broadcast %le3A_633 : i32 to vector<16xi32>
      %le3A_635 = arith.cmpi sle, %add3A_629, %le3A_634 : vector<16xi32>
      %and3A_636 = arith.andi %ge3A_632, %le3A_635 : vector<16xi1>
      %jit3A_637 = arith.constant -2147483648 : i32
      %broadcast_in_dim3A_638 = vector.broadcast %jit3A_637 : i32 to vector<16xi32>
      %select_n3A_639 = arith.select %and3A_636, %select_n3A_625, %broadcast_in_dim3A_638 : vector<16xi1>, vector<16xi32>
      %swap3A_640 = arith.constant 384 : index
      %swap3A_641 = tpu.vector_load %arg5[%swap3A_640] {strides = array<i32>} : memref<640xi32, #tpu.memory_space<vmem>>, vector<16xi32>,
      tpu.vector_store %arg5[%swap3A_640], %select_n3A_639 {strides = array<i32>} : memref<640xi32, #tpu.memory_space<vmem>>, vector<16xi32>,
      %get3A_642 = arith.constant 400 : index
      %get3A_643 = tpu.vector_load %arg4[%get3A_642] {strides = array<i32>} : memref<640xf32, #tpu.memory_space<vmem>>, vector<16xf32>,
      %bitcast_convert_type3A_644 = tpu.bitcast %get3A_643 : vector<16xf32> -> vector<16xi32>
      %ge3A_645 = arith.constant 0 : i32
      %ge3A_646 = vector.broadcast %ge3A_645 : i32 to vector<16xi32>
      %ge3A_647 = arith.cmpi sge, %bitcast_convert_type3A_644, %ge3A_646 : vector<16xi32>
      %sub3A_648 = arith.constant -2147483648 : i32
      %sub3A_649 = vector.broadcast %sub3A_648 : i32 to vector<16xi32>
      %sub3A_650 = arith.subi %sub3A_649, %bitcast_convert_type3A_644 : vector<16xi32>
      %select_n3A_651 = arith.select %ge3A_647, %bitcast_convert_type3A_644, %sub3A_650 : vector<16xi1>, vector<16xi32>
      %iota3A_652 = tpu.iota {dimensions = array<i32: 0>} : vector<16xi32>
      %add3A_653 = arith.constant 400 : i32
      %add3A_654 = vector.broadcast %add3A_653 : i32 to vector<16xi32>
      %add3A_655 = arith.addi %iota3A_652, %add3A_654 : vector<16xi32>
      %ge3A_656 = arith.constant 1 : i32
      %ge3A_657 = vector.broadcast %ge3A_656 : i32 to vector<16xi32>
      %ge3A_658 = arith.cmpi sge, %add3A_655, %ge3A_657 : vector<16xi32>
      %le3A_659 = arith.constant 576 : i32
      %le3A_660 = vector.broadcast %le3A_659 : i32 to vector<16xi32>
      %le3A_661 = arith.cmpi sle, %add3A_655, %le3A_660 : vector<16xi32>
      %and3A_662 = arith.andi %ge3A_658, %le3A_661 : vector<16xi1>
      %jit3A_663 = arith.constant -2147483648 : i32
      %broadcast_in_dim3A_664 = vector.broadcast %jit3A_663 : i32 to vector<16xi32>
      %select_n3A_665 = arith.select %and3A_662, %select_n3A_651, %broadcast_in_dim3A_664 : vector<16xi1>, vector<16xi32>
      %swap3A_666 = arith.constant 400 : index
      %swap3A_667 = tpu.vector_load %arg5[%swap3A_666] {strides = array<i32>} : memref<640xi32, #tpu.memory_space<vmem>>, vector<16xi32>,
      tpu.vector_store %arg5[%swap3A_666], %select_n3A_665 {strides = array<i32>} : memref<640xi32, #tpu.memory_space<vmem>>, vector<16xi32>,
      %get3A_668 = arith.constant 416 : index
      %get3A_669 = tpu.vector_load %arg4[%get3A_668] {strides = array<i32>} : memref<640xf32, #tpu.memory_space<vmem>>, vector<16xf32>,
      %bitcast_convert_type3A_670 = tpu.bitcast %get3A_669 : vector<16xf32> -> vector<16xi32>
      %ge3A_671 = arith.constant 0 : i32
      %ge3A_672 = vector.broadcast %ge3A_671 : i32 to vector<16xi32>
      %ge3A_673 = arith.cmpi sge, %bitcast_convert_type3A_670, %ge3A_672 : vector<16xi32>
      %sub3A_674 = arith.constant -2147483648 : i32
      %sub3A_675 = vector.broadcast %sub3A_674 : i32 to vector<16xi32>
      %sub3A_676 = arith.subi %sub3A_675, %bitcast_convert_type3A_670 : vector<16xi32>
      %select_n3A_677 = arith.select %ge3A_673, %bitcast_convert_type3A_670, %sub3A_676 : vector<16xi1>, vector<16xi32>
      %iota3A_678 = tpu.iota {dimensions = array<i32: 0>} : vector<16xi32>
      %add3A_679 = arith.constant 416 : i32
      %add3A_680 = vector.broadcast %add3A_679 : i32 to vector<16xi32>
      %add3A_681 = arith.addi %iota3A_678, %add3A_680 : vector<16xi32>
      %ge3A_682 = arith.constant 1 : i32
      %ge3A_683 = vector.broadcast %ge3A_682 : i32 to vector<16xi32>
      %ge3A_684 = arith.cmpi sge, %add3A_681, %ge3A_683 : vector<16xi32>
      %le3A_685 = arith.constant 576 : i32
      %le3A_686 = vector.broadcast %le3A_685 : i32 to vector<16xi32>
      %le3A_687 = arith.cmpi sle, %add3A_681, %le3A_686 : vector<16xi32>
      %and3A_688 = arith.andi %ge3A_684, %le3A_687 : vector<16xi1>
      %jit3A_689 = arith.constant -2147483648 : i32
      %broadcast_in_dim3A_690 = vector.broadcast %jit3A_689 : i32 to vector<16xi32>
      %select_n3A_691 = arith.select %and3A_688, %select_n3A_677, %broadcast_in_dim3A_690 : vector<16xi1>, vector<16xi32>
      %swap3A_692 = arith.constant 416 : index
      %swap3A_693 = tpu.vector_load %arg5[%swap3A_692] {strides = array<i32>} : memref<640xi32, #tpu.memory_space<vmem>>, vector<16xi32>,
      tpu.vector_store %arg5[%swap3A_692], %select_n3A_691 {strides = array<i32>} : memref<640xi32, #tpu.memory_space<vmem>>, vector<16xi32>,
      %get3A_694 = arith.constant 432 : index
      %get3A_695 = tpu.vector_load %arg4[%get3A_694] {strides = array<i32>} : memref<640xf32, #tpu.memory_space<vmem>>, vector<16xf32>,
      %bitcast_convert_type3A_696 = tpu.bitcast %get3A_695 : vector<16xf32> -> vector<16xi32>
      %ge3A_697 = arith.constant 0 : i32
      %ge3A_698 = vector.broadcast %ge3A_697 : i32 to vector<16xi32>
      %ge3A_699 = arith.cmpi sge, %bitcast_convert_type3A_696, %ge3A_698 : vector<16xi32>
      %sub3A_700 = arith.constant -2147483648 : i32
      %sub3A_701 = vector.broadcast %sub3A_700 : i32 to vector<16xi32>
      %sub3A_702 = arith.subi %sub3A_701, %bitcast_convert_type3A_696 : vector<16xi32>
      %select_n3A_703 = arith.select %ge3A_699, %bitcast_convert_type3A_696, %sub3A_702 : vector<16xi1>, vector<16xi32>
      %iota3A_704 = tpu.iota {dimensions = array<i32: 0>} : vector<16xi32>
      %add3A_705 = arith.constant 432 : i32
      %add3A_706 = vector.broadcast %add3A_705 : i32 to vector<16xi32>
      %add3A_707 = arith.addi %iota3A_704, %add3A_706 : vector<16xi32>
      %ge3A_708 = arith.constant 1 : i32
      %ge3A_709 = vector.broadcast %ge3A_708 : i32 to vector<16xi32>
      %ge3A_710 = arith.cmpi sge, %add3A_707, %ge3A_709 : vector<16xi32>
      %le3A_711 = arith.constant 576 : i32
      %le3A_712 = vector.broadcast %le3A_711 : i32 to vector<16xi32>
      %le3A_713 = arith.cmpi sle, %add3A_707, %le3A_712 : vector<16xi32>
      %and3A_714 = arith.andi %ge3A_710, %le3A_713 : vector<16xi1>
      %jit3A_715 = arith.constant -2147483648 : i32
      %broadcast_in_dim3A_716 = vector.broadcast %jit3A_715 : i32 to vector<16xi32>
      %select_n3A_717 = arith.select %and3A_714, %select_n3A_703, %broadcast_in_dim3A_716 : vector<16xi1>, vector<16xi32>
      %swap3A_718 = arith.constant 432 : index
      %swap3A_719 = tpu.vector_load %arg5[%swap3A_718] {strides = array<i32>} : memref<640xi32, #tpu.memory_space<vmem>>, vector<16xi32>,
      tpu.vector_store %arg5[%swap3A_718], %select_n3A_717 {strides = array<i32>} : memref<640xi32, #tpu.memory_space<vmem>>, vector<16xi32>,
      %get3A_720 = arith.constant 448 : index
      %get3A_721 = tpu.vector_load %arg4[%get3A_720] {strides = array<i32>} : memref<640xf32, #tpu.memory_space<vmem>>, vector<16xf32>,
      %bitcast_convert_type3A_722 = tpu.bitcast %get3A_721 : vector<16xf32> -> vector<16xi32>
      %ge3A_723 = arith.constant 0 : i32
      %ge3A_724 = vector.broadcast %ge3A_723 : i32 to vector<16xi32>
      %ge3A_725 = arith.cmpi sge, %bitcast_convert_type3A_722, %ge3A_724 : vector<16xi32>
      %sub3A_726 = arith.constant -2147483648 : i32
      %sub3A_727 = vector.broadcast %sub3A_726 : i32 to vector<16xi32>
      %sub3A_728 = arith.subi %sub3A_727, %bitcast_convert_type3A_722 : vector<16xi32>
      %select_n3A_729 = arith.select %ge3A_725, %bitcast_convert_type3A_722, %sub3A_728 : vector<16xi1>, vector<16xi32>
      %iota3A_730 = tpu.iota {dimensions = array<i32: 0>} : vector<16xi32>
      %add3A_731 = arith.constant 448 : i32
      %add3A_732 = vector.broadcast %add3A_731 : i32 to vector<16xi32>
      %add3A_733 = arith.addi %iota3A_730, %add3A_732 : vector<16xi32>
      %ge3A_734 = arith.constant 1 : i32
      %ge3A_735 = vector.broadcast %ge3A_734 : i32 to vector<16xi32>
      %ge3A_736 = arith.cmpi sge, %add3A_733, %ge3A_735 : vector<16xi32>
      %le3A_737 = arith.constant 576 : i32
      %le3A_738 = vector.broadcast %le3A_737 : i32 to vector<16xi32>
      %le3A_739 = arith.cmpi sle, %add3A_733, %le3A_738 : vector<16xi32>
      %and3A_740 = arith.andi %ge3A_736, %le3A_739 : vector<16xi1>
      %jit3A_741 = arith.constant -2147483648 : i32
      %broadcast_in_dim3A_742 = vector.broadcast %jit3A_741 : i32 to vector<16xi32>
      %select_n3A_743 = arith.select %and3A_740, %select_n3A_729, %broadcast_in_dim3A_742 : vector<16xi1>, vector<16xi32>
      %swap3A_744 = arith.constant 448 : index
      %swap3A_745 = tpu.vector_load %arg5[%swap3A_744] {strides = array<i32>} : memref<640xi32, #tpu.memory_space<vmem>>, vector<16xi32>,
      tpu.vector_store %arg5[%swap3A_744], %select_n3A_743 {strides = array<i32>} : memref<640xi32, #tpu.memory_space<vmem>>, vector<16xi32>,
      %get3A_746 = arith.constant 464 : index
      %get3A_747 = tpu.vector_load %arg4[%get3A_746] {strides = array<i32>} : memref<640xf32, #tpu.memory_space<vmem>>, vector<16xf32>,
      %bitcast_convert_type3A_748 = tpu.bitcast %get3A_747 : vector<16xf32> -> vector<16xi32>
      %ge3A_749 = arith.constant 0 : i32
      %ge3A_750 = vector.broadcast %ge3A_749 : i32 to vector<16xi32>
      %ge3A_751 = arith.cmpi sge, %bitcast_convert_type3A_748, %ge3A_750 : vector<16xi32>
      %sub3A_752 = arith.constant -2147483648 : i32
      %sub3A_753 = vector.broadcast %sub3A_752 : i32 to vector<16xi32>
      %sub3A_754 = arith.subi %sub3A_753, %bitcast_convert_type3A_748 : vector<16xi32>
      %select_n3A_755 = arith.select %ge3A_751, %bitcast_convert_type3A_748, %sub3A_754 : vector<16xi1>, vector<16xi32>
      %iota3A_756 = tpu.iota {dimensions = array<i32: 0>} : vector<16xi32>
      %add3A_757 = arith.constant 464 : i32
      %add3A_758 = vector.broadcast %add3A_757 : i32 to vector<16xi32>
      %add3A_759 = arith.addi %iota3A_756, %add3A_758 : vector<16xi32>
      %ge3A_760 = arith.constant 1 : i32
      %ge3A_761 = vector.broadcast %ge3A_760 : i32 to vector<16xi32>
      %ge3A_762 = arith.cmpi sge, %add3A_759, %ge3A_761 : vector<16xi32>
      %le3A_763 = arith.constant 576 : i32
      %le3A_764 = vector.broadcast %le3A_763 : i32 to vector<16xi32>
      %le3A_765 = arith.cmpi sle, %add3A_759, %le3A_764 : vector<16xi32>
      %and3A_766 = arith.andi %ge3A_762, %le3A_765 : vector<16xi1>
      %jit3A_767 = arith.constant -2147483648 : i32
      %broadcast_in_dim3A_768 = vector.broadcast %jit3A_767 : i32 to vector<16xi32>
      %select_n3A_769 = arith.select %and3A_766, %select_n3A_755, %broadcast_in_dim3A_768 : vector<16xi1>, vector<16xi32>
      %swap3A_770 = arith.constant 464 : index
      %swap3A_771 = tpu.vector_load %arg5[%swap3A_770] {strides = array<i32>} : memref<640xi32, #tpu.memory_space<vmem>>, vector<16xi32>,
      tpu.vector_store %arg5[%swap3A_770], %select_n3A_769 {strides = array<i32>} : memref<640xi32, #tpu.memory_space<vmem>>, vector<16xi32>,
      %get3A_772 = arith.constant 480 : index
      %get3A_773 = tpu.vector_load %arg4[%get3A_772] {strides = array<i32>} : memref<640xf32, #tpu.memory_space<vmem>>, vector<16xf32>,
      %bitcast_convert_type3A_774 = tpu.bitcast %get3A_773 : vector<16xf32> -> vector<16xi32>
      %ge3A_775 = arith.constant 0 : i32
      %ge3A_776 = vector.broadcast %ge3A_775 : i32 to vector<16xi32>
      %ge3A_777 = arith.cmpi sge, %bitcast_convert_type3A_774, %ge3A_776 : vector<16xi32>
      %sub3A_778 = arith.constant -2147483648 : i32
      %sub3A_779 = vector.broadcast %sub3A_778 : i32 to vector<16xi32>
      %sub3A_780 = arith.subi %sub3A_779, %bitcast_convert_type3A_774 : vector<16xi32>
      %select_n3A_781 = arith.select %ge3A_777, %bitcast_convert_type3A_774, %sub3A_780 : vector<16xi1>, vector<16xi32>
      %iota3A_782 = tpu.iota {dimensions = array<i32: 0>} : vector<16xi32>
      %add3A_783 = arith.constant 480 : i32
      %add3A_784 = vector.broadcast %add3A_783 : i32 to vector<16xi32>
      %add3A_785 = arith.addi %iota3A_782, %add3A_784 : vector<16xi32>
      %ge3A_786 = arith.constant 1 : i32
      %ge3A_787 = vector.broadcast %ge3A_786 : i32 to vector<16xi32>
      %ge3A_788 = arith.cmpi sge, %add3A_785, %ge3A_787 : vector<16xi32>
      %le3A_789 = arith.constant 576 : i32
      %le3A_790 = vector.broadcast %le3A_789 : i32 to vector<16xi32>
      %le3A_791 = arith.cmpi sle, %add3A_785, %le3A_790 : vector<16xi32>
      %and3A_792 = arith.andi %ge3A_788, %le3A_791 : vector<16xi1>
      %jit3A_793 = arith.constant -2147483648 : i32
      %broadcast_in_dim3A_794 = vector.broadcast %jit3A_793 : i32 to vector<16xi32>
      %select_n3A_795 = arith.select %and3A_792, %select_n3A_781, %broadcast_in_dim3A_794 : vector<16xi1>, vector<16xi32>
      %swap3A_796 = arith.constant 480 : index
      %swap3A_797 = tpu.vector_load %arg5[%swap3A_796] {strides = array<i32>} : memref<640xi32, #tpu.memory_space<vmem>>, vector<16xi32>,
      tpu.vector_store %arg5[%swap3A_796], %select_n3A_795 {strides = array<i32>} : memref<640xi32, #tpu.memory_space<vmem>>, vector<16xi32>,
      %get3A_798 = arith.constant 496 : index
      %get3A_799 = tpu.vector_load %arg4[%get3A_798] {strides = array<i32>} : memref<640xf32, #tpu.memory_space<vmem>>, vector<16xf32>,
      %bitcast_convert_type3A_800 = tpu.bitcast %get3A_799 : vector<16xf32> -> vector<16xi32>
      %ge3A_801 = arith.constant 0 : i32
      %ge3A_802 = vector.broadcast %ge3A_801 : i32 to vector<16xi32>
      %ge3A_803 = arith.cmpi sge, %bitcast_convert_type3A_800, %ge3A_802 : vector<16xi32>
      %sub3A_804 = arith.constant -2147483648 : i32
      %sub3A_805 = vector.broadcast %sub3A_804 : i32 to vector<16xi32>
      %sub3A_806 = arith.subi %sub3A_805, %bitcast_convert_type3A_800 : vector<16xi32>
      %select_n3A_807 = arith.select %ge3A_803, %bitcast_convert_type3A_800, %sub3A_806 : vector<16xi1>, vector<16xi32>
      %iota3A_808 = tpu.iota {dimensions = array<i32: 0>} : vector<16xi32>
      %add3A_809 = arith.constant 496 : i32
      %add3A_810 = vector.broadcast %add3A_809 : i32 to vector<16xi32>
      %add3A_811 = arith.addi %iota3A_808, %add3A_810 : vector<16xi32>
      %ge3A_812 = arith.constant 1 : i32
      %ge3A_813 = vector.broadcast %ge3A_812 : i32 to vector<16xi32>
      %ge3A_814 = arith.cmpi sge, %add3A_811, %ge3A_813 : vector<16xi32>
      %le3A_815 = arith.constant 576 : i32
      %le3A_816 = vector.broadcast %le3A_815 : i32 to vector<16xi32>
      %le3A_817 = arith.cmpi sle, %add3A_811, %le3A_816 : vector<16xi32>
      %and3A_818 = arith.andi %ge3A_814, %le3A_817 : vector<16xi1>
      %jit3A_819 = arith.constant -2147483648 : i32
      %broadcast_in_dim3A_820 = vector.broadcast %jit3A_819 : i32 to vector<16xi32>
      %select_n3A_821 = arith.select %and3A_818, %select_n3A_807, %broadcast_in_dim3A_820 : vector<16xi1>, vector<16xi32>
      %swap3A_822 = arith.constant 496 : index
      %swap3A_823 = tpu.vector_load %arg5[%swap3A_822] {strides = array<i32>} : memref<640xi32, #tpu.memory_space<vmem>>, vector<16xi32>,
      tpu.vector_store %arg5[%swap3A_822], %select_n3A_821 {strides = array<i32>} : memref<640xi32, #tpu.memory_space<vmem>>, vector<16xi32>,
      %get3A_824 = arith.constant 512 : index
      %get3A_825 = tpu.vector_load %arg4[%get3A_824] {strides = array<i32>} : memref<640xf32, #tpu.memory_space<vmem>>, vector<16xf32>,
      %bitcast_convert_type3A_826 = tpu.bitcast %get3A_825 : vector<16xf32> -> vector<16xi32>
      %ge3A_827 = arith.constant 0 : i32
      %ge3A_828 = vector.broadcast %ge3A_827 : i32 to vector<16xi32>
      %ge3A_829 = arith.cmpi sge, %bitcast_convert_type3A_826, %ge3A_828 : vector<16xi32>
      %sub3A_830 = arith.constant -2147483648 : i32
      %sub3A_831 = vector.broadcast %sub3A_830 : i32 to vector<16xi32>
      %sub3A_832 = arith.subi %sub3A_831, %bitcast_convert_type3A_826 : vector<16xi32>
      %select_n3A_833 = arith.select %ge3A_829, %bitcast_convert_type3A_826, %sub3A_832 : vector<16xi1>, vector<16xi32>
      %iota3A_834 = tpu.iota {dimensions = array<i32: 0>} : vector<16xi32>
      %add3A_835 = arith.constant 512 : i32
      %add3A_836 = vector.broadcast %add3A_835 : i32 to vector<16xi32>
      %add3A_837 = arith.addi %iota3A_834, %add3A_836 : vector<16xi32>
      %ge3A_838 = arith.constant 1 : i32
      %ge3A_839 = vector.broadcast %ge3A_838 : i32 to vector<16xi32>
      %ge3A_840 = arith.cmpi sge, %add3A_837, %ge3A_839 : vector<16xi32>
      %le3A_841 = arith.constant 576 : i32
      %le3A_842 = vector.broadcast %le3A_841 : i32 to vector<16xi32>
      %le3A_843 = arith.cmpi sle, %add3A_837, %le3A_842 : vector<16xi32>
      %and3A_844 = arith.andi %ge3A_840, %le3A_843 : vector<16xi1>
      %jit3A_845 = arith.constant -2147483648 : i32
      %broadcast_in_dim3A_846 = vector.broadcast %jit3A_845 : i32 to vector<16xi32>
      %select_n3A_847 = arith.select %and3A_844, %select_n3A_833, %broadcast_in_dim3A_846 : vector<16xi1>, vector<16xi32>
      %swap3A_848 = arith.constant 512 : index
      %swap3A_849 = tpu.vector_load %arg5[%swap3A_848] {strides = array<i32>} : memref<640xi32, #tpu.memory_space<vmem>>, vector<16xi32>,
      tpu.vector_store %arg5[%swap3A_848], %select_n3A_847 {strides = array<i32>} : memref<640xi32, #tpu.memory_space<vmem>>, vector<16xi32>,
      %get3A_850 = arith.constant 528 : index
      %get3A_851 = tpu.vector_load %arg4[%get3A_850] {strides = array<i32>} : memref<640xf32, #tpu.memory_space<vmem>>, vector<16xf32>,
      %bitcast_convert_type3A_852 = tpu.bitcast %get3A_851 : vector<16xf32> -> vector<16xi32>
      %ge3A_853 = arith.constant 0 : i32
      %ge3A_854 = vector.broadcast %ge3A_853 : i32 to vector<16xi32>
      %ge3A_855 = arith.cmpi sge, %bitcast_convert_type3A_852, %ge3A_854 : vector<16xi32>
      %sub3A_856 = arith.constant -2147483648 : i32
      %sub3A_857 = vector.broadcast %sub3A_856 : i32 to vector<16xi32>
      %sub3A_858 = arith.subi %sub3A_857, %bitcast_convert_type3A_852 : vector<16xi32>
      %select_n3A_859 = arith.select %ge3A_855, %bitcast_convert_type3A_852, %sub3A_858 : vector<16xi1>, vector<16xi32>
      %iota3A_860 = tpu.iota {dimensions = array<i32: 0>} : vector<16xi32>
      %add3A_861 = arith.constant 528 : i32
      %add3A_862 = vector.broadcast %add3A_861 : i32 to vector<16xi32>
      %add3A_863 = arith.addi %iota3A_860, %add3A_862 : vector<16xi32>
      %ge3A_864 = arith.constant 1 : i32
      %ge3A_865 = vector.broadcast %ge3A_864 : i32 to vector<16xi32>
      %ge3A_866 = arith.cmpi sge, %add3A_863, %ge3A_865 : vector<16xi32>
      %le3A_867 = arith.constant 576 : i32
      %le3A_868 = vector.broadcast %le3A_867 : i32 to vector<16xi32>
      %le3A_869 = arith.cmpi sle, %add3A_863, %le3A_868 : vector<16xi32>
      %and3A_870 = arith.andi %ge3A_866, %le3A_869 : vector<16xi1>
      %jit3A_871 = arith.constant -2147483648 : i32
      %broadcast_in_dim3A_872 = vector.broadcast %jit3A_871 : i32 to vector<16xi32>
      %select_n3A_873 = arith.select %and3A_870, %select_n3A_859, %broadcast_in_dim3A_872 : vector<16xi1>, vector<16xi32>
      %swap3A_874 = arith.constant 528 : index
      %swap3A_875 = tpu.vector_load %arg5[%swap3A_874] {strides = array<i32>} : memref<640xi32, #tpu.memory_space<vmem>>, vector<16xi32>,
      tpu.vector_store %arg5[%swap3A_874], %select_n3A_873 {strides = array<i32>} : memref<640xi32, #tpu.memory_space<vmem>>, vector<16xi32>,
      %get3A_876 = arith.constant 544 : index
      %get3A_877 = tpu.vector_load %arg4[%get3A_876] {strides = array<i32>} : memref<640xf32, #tpu.memory_space<vmem>>, vector<16xf32>,
      %bitcast_convert_type3A_878 = tpu.bitcast %get3A_877 : vector<16xf32> -> vector<16xi32>
      %ge3A_879 = arith.constant 0 : i32
      %ge3A_880 = vector.broadcast %ge3A_879 : i32 to vector<16xi32>
      %ge3A_881 = arith.cmpi sge, %bitcast_convert_type3A_878, %ge3A_880 : vector<16xi32>
      %sub3A_882 = arith.constant -2147483648 : i32
      %sub3A_883 = vector.broadcast %sub3A_882 : i32 to vector<16xi32>
      %sub3A_884 = arith.subi %sub3A_883, %bitcast_convert_type3A_878 : vector<16xi32>
      %select_n3A_885 = arith.select %ge3A_881, %bitcast_convert_type3A_878, %sub3A_884 : vector<16xi1>, vector<16xi32>
      %iota3A_886 = tpu.iota {dimensions = array<i32: 0>} : vector<16xi32>
      %add3A_887 = arith.constant 544 : i32
      %add3A_888 = vector.broadcast %add3A_887 : i32 to vector<16xi32>
      %add3A_889 = arith.addi %iota3A_886, %add3A_888 : vector<16xi32>
      %ge3A_890 = arith.constant 1 : i32
      %ge3A_891 = vector.broadcast %ge3A_890 : i32 to vector<16xi32>
      %ge3A_892 = arith.cmpi sge, %add3A_889, %ge3A_891 : vector<16xi32>
      %le3A_893 = arith.constant 576 : i32
      %le3A_894 = vector.broadcast %le3A_893 : i32 to vector<16xi32>
      %le3A_895 = arith.cmpi sle, %add3A_889, %le3A_894 : vector<16xi32>
      %and3A_896 = arith.andi %ge3A_892, %le3A_895 : vector<16xi1>
      %jit3A_897 = arith.constant -2147483648 : i32
      %broadcast_in_dim3A_898 = vector.broadcast %jit3A_897 : i32 to vector<16xi32>
      %select_n3A_899 = arith.select %and3A_896, %select_n3A_885, %broadcast_in_dim3A_898 : vector<16xi1>, vector<16xi32>
      %swap3A_900 = arith.constant 544 : index
      %swap3A_901 = tpu.vector_load %arg5[%swap3A_900] {strides = array<i32>} : memref<640xi32, #tpu.memory_space<vmem>>, vector<16xi32>,
      tpu.vector_store %arg5[%swap3A_900], %select_n3A_899 {strides = array<i32>} : memref<640xi32, #tpu.memory_space<vmem>>, vector<16xi32>,
      %get3A_902 = arith.constant 560 : index
      %get3A_903 = tpu.vector_load %arg4[%get3A_902] {strides = array<i32>} : memref<640xf32, #tpu.memory_space<vmem>>, vector<16xf32>,
      %bitcast_convert_type3A_904 = tpu.bitcast %get3A_903 : vector<16xf32> -> vector<16xi32>
      %ge3A_905 = arith.constant 0 : i32
      %ge3A_906 = vector.broadcast %ge3A_905 : i32 to vector<16xi32>
      %ge3A_907 = arith.cmpi sge, %bitcast_convert_type3A_904, %ge3A_906 : vector<16xi32>
      %sub3A_908 = arith.constant -2147483648 : i32
      %sub3A_909 = vector.broadcast %sub3A_908 : i32 to vector<16xi32>
      %sub3A_910 = arith.subi %sub3A_909, %bitcast_convert_type3A_904 : vector<16xi32>
      %select_n3A_911 = arith.select %ge3A_907, %bitcast_convert_type3A_904, %sub3A_910 : vector<16xi1>, vector<16xi32>
      %iota3A_912 = tpu.iota {dimensions = array<i32: 0>} : vector<16xi32>
      %add3A_913 = arith.constant 560 : i32
      %add3A_914 = vector.broadcast %add3A_913 : i32 to vector<16xi32>
      %add3A_915 = arith.addi %iota3A_912, %add3A_914 : vector<16xi32>
      %ge3A_916 = arith.constant 1 : i32
      %ge3A_917 = vector.broadcast %ge3A_916 : i32 to vector<16xi32>
      %ge3A_918 = arith.cmpi sge, %add3A_915, %ge3A_917 : vector<16xi32>
      %le3A_919 = arith.constant 576 : i32
      %le3A_920 = vector.broadcast %le3A_919 : i32 to vector<16xi32>
      %le3A_921 = arith.cmpi sle, %add3A_915, %le3A_920 : vector<16xi32>
      %and3A_922 = arith.andi %ge3A_918, %le3A_921 : vector<16xi1>
      %jit3A_923 = arith.constant -2147483648 : i32
      %broadcast_in_dim3A_924 = vector.broadcast %jit3A_923 : i32 to vector<16xi32>
      %select_n3A_925 = arith.select %and3A_922, %select_n3A_911, %broadcast_in_dim3A_924 : vector<16xi1>, vector<16xi32>
      %swap3A_926 = arith.constant 560 : index
      %swap3A_927 = tpu.vector_load %arg5[%swap3A_926] {strides = array<i32>} : memref<640xi32, #tpu.memory_space<vmem>>, vector<16xi32>,
      tpu.vector_store %arg5[%swap3A_926], %select_n3A_925 {strides = array<i32>} : memref<640xi32, #tpu.memory_space<vmem>>, vector<16xi32>,
      %get3A_928 = arith.constant 576 : index
      %get3A_929 = tpu.vector_load %arg4[%get3A_928] {strides = array<i32>} : memref<640xf32, #tpu.memory_space<vmem>>, vector<16xf32>,
      %bitcast_convert_type3A_930 = tpu.bitcast %get3A_929 : vector<16xf32> -> vector<16xi32>
      %ge3A_931 = arith.constant 0 : i32
      %ge3A_932 = vector.broadcast %ge3A_931 : i32 to vector<16xi32>
      %ge3A_933 = arith.cmpi sge, %bitcast_convert_type3A_930, %ge3A_932 : vector<16xi32>
      %sub3A_934 = arith.constant -2147483648 : i32
      %sub3A_935 = vector.broadcast %sub3A_934 : i32 to vector<16xi32>
      %sub3A_936 = arith.subi %sub3A_935, %bitcast_convert_type3A_930 : vector<16xi32>
      %select_n3A_937 = arith.select %ge3A_933, %bitcast_convert_type3A_930, %sub3A_936 : vector<16xi1>, vector<16xi32>
      %iota3A_938 = tpu.iota {dimensions = array<i32: 0>} : vector<16xi32>
      %add3A_939 = arith.constant 576 : i32
      %add3A_940 = vector.broadcast %add3A_939 : i32 to vector<16xi32>
      %add3A_941 = arith.addi %iota3A_938, %add3A_940 : vector<16xi32>
      %ge3A_942 = arith.constant 1 : i32
      %ge3A_943 = vector.broadcast %ge3A_942 : i32 to vector<16xi32>
      %ge3A_944 = arith.cmpi sge, %add3A_941, %ge3A_943 : vector<16xi32>
      %le3A_945 = arith.constant 576 : i32
      %le3A_946 = vector.broadcast %le3A_945 : i32 to vector<16xi32>
      %le3A_947 = arith.cmpi sle, %add3A_941, %le3A_946 : vector<16xi32>
      %and3A_948 = arith.andi %ge3A_944, %le3A_947 : vector<16xi1>
      %jit3A_949 = arith.constant -2147483648 : i32
      %broadcast_in_dim3A_950 = vector.broadcast %jit3A_949 : i32 to vector<16xi32>
      %select_n3A_951 = arith.select %and3A_948, %select_n3A_937, %broadcast_in_dim3A_950 : vector<16xi1>, vector<16xi32>
      %swap3A_952 = arith.constant 576 : index
      %swap3A_953 = tpu.vector_load %arg5[%swap3A_952] {strides = array<i32>} : memref<640xi32, #tpu.memory_space<vmem>>, vector<16xi32>,
      tpu.vector_store %arg5[%swap3A_952], %select_n3A_951 {strides = array<i32>} : memref<640xi32, #tpu.memory_space<vmem>>, vector<16xi32>,
      %get3A_954 = arith.constant 592 : index
      %get3A_955 = tpu.vector_load %arg4[%get3A_954] {strides = array<i32>} : memref<640xf32, #tpu.memory_space<vmem>>, vector<16xf32>,
      %bitcast_convert_type3A_956 = tpu.bitcast %get3A_955 : vector<16xf32> -> vector<16xi32>
      %ge3A_957 = arith.constant 0 : i32
      %ge3A_958 = vector.broadcast %ge3A_957 : i32 to vector<16xi32>
      %ge3A_959 = arith.cmpi sge, %bitcast_convert_type3A_956, %ge3A_958 : vector<16xi32>
      %sub3A_960 = arith.constant -2147483648 : i32
      %sub3A_961 = vector.broadcast %sub3A_960 : i32 to vector<16xi32>
      %sub3A_962 = arith.subi %sub3A_961, %bitcast_convert_type3A_956 : vector<16xi32>
      %select_n3A_963 = arith.select %ge3A_959, %bitcast_convert_type3A_956, %sub3A_962 : vector<16xi1>, vector<16xi32>
      %iota3A_964 = tpu.iota {dimensions = array<i32: 0>} : vector<16xi32>
      %add3A_965 = arith.constant 592 : i32
      %add3A_966 = vector.broadcast %add3A_965 : i32 to vector<16xi32>
      %add3A_967 = arith.addi %iota3A_964, %add3A_966 : vector<16xi32>
      %ge3A_968 = arith.constant 1 : i32
      %ge3A_969 = vector.broadcast %ge3A_968 : i32 to vector<16xi32>
      %ge3A_970 = arith.cmpi sge, %add3A_967, %ge3A_969 : vector<16xi32>
      %le3A_971 = arith.constant 576 : i32
      %le3A_972 = vector.broadcast %le3A_971 : i32 to vector<16xi32>
      %le3A_973 = arith.cmpi sle, %add3A_967, %le3A_972 : vector<16xi32>
      %and3A_974 = arith.andi %ge3A_970, %le3A_973 : vector<16xi1>
      %jit3A_975 = arith.constant -2147483648 : i32
      %broadcast_in_dim3A_976 = vector.broadcast %jit3A_975 : i32 to vector<16xi32>
      %select_n3A_977 = arith.select %and3A_974, %select_n3A_963, %broadcast_in_dim3A_976 : vector<16xi1>, vector<16xi32>
      %swap3A_978 = arith.constant 592 : index
      %swap3A_979 = tpu.vector_load %arg5[%swap3A_978] {strides = array<i32>} : memref<640xi32, #tpu.memory_space<vmem>>, vector<16xi32>,
      tpu.vector_store %arg5[%swap3A_978], %select_n3A_977 {strides = array<i32>} : memref<640xi32, #tpu.memory_space<vmem>>, vector<16xi32>,
      %get3A_980 = arith.constant 608 : index
      %get3A_981 = tpu.vector_load %arg4[%get3A_980] {strides = array<i32>} : memref<640xf32, #tpu.memory_space<vmem>>, vector<16xf32>,
      %bitcast_convert_type3A_982 = tpu.bitcast %get3A_981 : vector<16xf32> -> vector<16xi32>
      %ge3A_983 = arith.constant 0 : i32
      %ge3A_984 = vector.broadcast %ge3A_983 : i32 to vector<16xi32>
      %ge3A_985 = arith.cmpi sge, %bitcast_convert_type3A_982, %ge3A_984 : vector<16xi32>
      %sub3A_986 = arith.constant -2147483648 : i32
      %sub3A_987 = vector.broadcast %sub3A_986 : i32 to vector<16xi32>
      %sub3A_988 = arith.subi %sub3A_987, %bitcast_convert_type3A_982 : vector<16xi32>
      %select_n3A_989 = arith.select %ge3A_985, %bitcast_convert_type3A_982, %sub3A_988 : vector<16xi1>, vector<16xi32>
      %iota3A_990 = tpu.iota {dimensions = array<i32: 0>} : vector<16xi32>
      %add3A_991 = arith.constant 608 : i32
      %add3A_992 = vector.broadcast %add3A_991 : i32 to vector<16xi32>
      %add3A_993 = arith.addi %iota3A_990, %add3A_992 : vector<16xi32>
      %ge3A_994 = arith.constant 1 : i32
      %ge3A_995 = vector.broadcast %ge3A_994 : i32 to vector<16xi32>
      %ge3A_996 = arith.cmpi sge, %add3A_993, %ge3A_995 : vector<16xi32>
      %le3A_997 = arith.constant 576 : i32
      %le3A_998 = vector.broadcast %le3A_997 : i32 to vector<16xi32>
      %le3A_999 = arith.cmpi sle, %add3A_993, %le3A_998 : vector<16xi32>
      %and3A_1000 = arith.andi %ge3A_996, %le3A_999 : vector<16xi1>
      %jit3A_1001 = arith.constant -2147483648 : i32
      %broadcast_in_dim3A_1002 = vector.broadcast %jit3A_1001 : i32 to vector<16xi32>
      %select_n3A_1003 = arith.select %and3A_1000, %select_n3A_989, %broadcast_in_dim3A_1002 : vector<16xi1>, vector<16xi32>
      %swap3A_1004 = arith.constant 608 : index
      %swap3A_1005 = tpu.vector_load %arg5[%swap3A_1004] {strides = array<i32>} : memref<640xi32, #tpu.memory_space<vmem>>, vector<16xi32>,
      tpu.vector_store %arg5[%swap3A_1004], %select_n3A_1003 {strides = array<i32>} : memref<640xi32, #tpu.memory_space<vmem>>, vector<16xi32>,
      %get3A_1006 = arith.constant 624 : index
      %get3A_1007 = tpu.vector_load %arg4[%get3A_1006] {strides = array<i32>} : memref<640xf32, #tpu.memory_space<vmem>>, vector<16xf32>,
      %bitcast_convert_type3A_1008 = tpu.bitcast %get3A_1007 : vector<16xf32> -> vector<16xi32>
      %ge3A_1009 = arith.constant 0 : i32
      %ge3A_1010 = vector.broadcast %ge3A_1009 : i32 to vector<16xi32>
      %ge3A_1011 = arith.cmpi sge, %bitcast_convert_type3A_1008, %ge3A_1010 : vector<16xi32>
      %sub3A_1012 = arith.constant -2147483648 : i32
      %sub3A_1013 = vector.broadcast %sub3A_1012 : i32 to vector<16xi32>
      %sub3A_1014 = arith.subi %sub3A_1013, %bitcast_convert_type3A_1008 : vector<16xi32>
      %select_n3A_1015 = arith.select %ge3A_1011, %bitcast_convert_type3A_1008, %sub3A_1014 : vector<16xi1>, vector<16xi32>
      %iota3A_1016 = tpu.iota {dimensions = array<i32: 0>} : vector<16xi32>
      %add3A_1017 = arith.constant 624 : i32
      %add3A_1018 = vector.broadcast %add3A_1017 : i32 to vector<16xi32>
      %add3A_1019 = arith.addi %iota3A_1016, %add3A_1018 : vector<16xi32>
      %ge3A_1020 = arith.constant 1 : i32
      %ge3A_1021 = vector.broadcast %ge3A_1020 : i32 to vector<16xi32>
      %ge3A_1022 = arith.cmpi sge, %add3A_1019, %ge3A_1021 : vector<16xi32>
      %le3A_1023 = arith.constant 576 : i32
      %le3A_1024 = vector.broadcast %le3A_1023 : i32 to vector<16xi32>
      %le3A_1025 = arith.cmpi sle, %add3A_1019, %le3A_1024 : vector<16xi32>
      %and3A_1026 = arith.andi %ge3A_1022, %le3A_1025 : vector<16xi1>
      %jit3A_1027 = arith.constant -2147483648 : i32
      %broadcast_in_dim3A_1028 = vector.broadcast %jit3A_1027 : i32 to vector<16xi32>
      %select_n3A_1029 = arith.select %and3A_1026, %select_n3A_1015, %broadcast_in_dim3A_1028 : vector<16xi1>, vector<16xi32>
      %swap3A_1030 = arith.constant 624 : index
      %swap3A_1031 = tpu.vector_load %arg5[%swap3A_1030] {strides = array<i32>} : memref<640xi32, #tpu.memory_space<vmem>>, vector<16xi32>,
      tpu.vector_store %arg5[%swap3A_1030], %select_n3A_1029 {strides = array<i32>} : memref<640xi32, #tpu.memory_space<vmem>>, vector<16xi32>,
      %broadcast_in_dim3A_1032 = arith.constant -2147483648 : i32
      %broadcast_in_dim3A_1033 = vector.broadcast %broadcast_in_dim3A_1032 : i32 to vector<16xi32>
      %broadcast_in_dim3A_1034 = arith.constant 2147483647 : i32
      %broadcast_in_dim3A_1035 = vector.broadcast %broadcast_in_dim3A_1034 : i32 to vector<16xi32>
      %scan3A = arith.constant 0 : i32
      %scan3A_1036 = arith.constant 32 : i32
      %scan3A_1037 = arith.addi %scan3A, %scan3A_1036 : i32
      %scan3A_1038 = arith.constant 1 : i32
      %scan3A_1039:2 = scf.for %scan3A_1986 = %scan3A to %scan3A_1037 step %scan3A_1038 iter_args(%scan3A_1987 = %broadcast_in_dim3A_1033, %scan3A_1988 = %broadcast_in_dim3A_1035) -> (vector<16xi32>, vector<16xi32>)  : i32 {
        %and3A_1989 = arith.andi %scan3A_1987, %scan3A_1988 : vector<16xi32>
        %xor3A = arith.xori %scan3A_1987, %scan3A_1988 : vector<16xi32>
        %shift_right_arithmetic3A = arith.constant 1 : i32
        %shift_right_arithmetic3A_1990 = vector.broadcast %shift_right_arithmetic3A : i32 to vector<16xi32>
        %shift_right_arithmetic3A_1991 = arith.shrsi %xor3A, %shift_right_arithmetic3A_1990 : vector<16xi32>
        %add3A_1992 = arith.addi %and3A_1989, %shift_right_arithmetic3A_1991 : vector<16xi32>
        %lt3A_1993 = arith.cmpi slt, %scan3A_1987, %scan3A_1988 : vector<16xi32>
        %broadcast_in_dim3A_1994 = arith.constant 0 : i32
        %broadcast_in_dim3A_1995 = vector.broadcast %broadcast_in_dim3A_1994 : i32 to vector<16xi32>
        %get3A_1996 = arith.constant 0 : index
        %get3A_1997 = tpu.vector_load %arg5[%get3A_1996] {strides = array<i32>} : memref<640xi32, #tpu.memory_space<vmem>>, vector<16xi32>,
        %gt3A_1998 = arith.cmpi sgt, %get3A_1997, %add3A_1992 : vector<16xi32>
        %all_reduce_population_count3A_1999 = tpu.all_reduce %gt3A_1998 {dim = 0 : i64, kind = #tpu.reduction_kind<sum>} : vector<16xi1> -> vector<16xi32>
        %add3A_2000 = arith.addi %broadcast_in_dim3A_1995, %all_reduce_population_count3A_1999 : vector<16xi32>
        %get3A_2001 = arith.constant 16 : index
        %get3A_2002 = tpu.vector_load %arg5[%get3A_2001] {strides = array<i32>} : memref<640xi32, #tpu.memory_space<vmem>>, vector<16xi32>,
        %gt3A_2003 = arith.cmpi sgt, %get3A_2002, %add3A_1992 : vector<16xi32>
        %all_reduce_population_count3A_2004 = tpu.all_reduce %gt3A_2003 {dim = 0 : i64, kind = #tpu.reduction_kind<sum>} : vector<16xi1> -> vector<16xi32>
        %add3A_2005 = arith.addi %add3A_2000, %all_reduce_population_count3A_2004 : vector<16xi32>
        %get3A_2006 = arith.constant 32 : index
        %get3A_2007 = tpu.vector_load %arg5[%get3A_2006] {strides = array<i32>} : memref<640xi32, #tpu.memory_space<vmem>>, vector<16xi32>,
        %gt3A_2008 = arith.cmpi sgt, %get3A_2007, %add3A_1992 : vector<16xi32>
        %all_reduce_population_count3A_2009 = tpu.all_reduce %gt3A_2008 {dim = 0 : i64, kind = #tpu.reduction_kind<sum>} : vector<16xi1> -> vector<16xi32>
        %add3A_2010 = arith.addi %add3A_2005, %all_reduce_population_count3A_2009 : vector<16xi32>
        %get3A_2011 = arith.constant 48 : index
        %get3A_2012 = tpu.vector_load %arg5[%get3A_2011] {strides = array<i32>} : memref<640xi32, #tpu.memory_space<vmem>>, vector<16xi32>,
        %gt3A_2013 = arith.cmpi sgt, %get3A_2012, %add3A_1992 : vector<16xi32>
        %all_reduce_population_count3A_2014 = tpu.all_reduce %gt3A_2013 {dim = 0 : i64, kind = #tpu.reduction_kind<sum>} : vector<16xi1> -> vector<16xi32>
        %add3A_2015 = arith.addi %add3A_2010, %all_reduce_population_count3A_2014 : vector<16xi32>
        %get3A_2016 = arith.constant 64 : index
        %get3A_2017 = tpu.vector_load %arg5[%get3A_2016] {strides = array<i32>} : memref<640xi32, #tpu.memory_space<vmem>>, vector<16xi32>,
        %gt3A_2018 = arith.cmpi sgt, %get3A_2017, %add3A_1992 : vector<16xi32>
        %all_reduce_population_count3A_2019 = tpu.all_reduce %gt3A_2018 {dim = 0 : i64, kind = #tpu.reduction_kind<sum>} : vector<16xi1> -> vector<16xi32>
        %add3A_2020 = arith.addi %add3A_2015, %all_reduce_population_count3A_2019 : vector<16xi32>
        %get3A_2021 = arith.constant 80 : index
        %get3A_2022 = tpu.vector_load %arg5[%get3A_2021] {strides = array<i32>} : memref<640xi32, #tpu.memory_space<vmem>>, vector<16xi32>,
        %gt3A_2023 = arith.cmpi sgt, %get3A_2022, %add3A_1992 : vector<16xi32>
        %all_reduce_population_count3A_2024 = tpu.all_reduce %gt3A_2023 {dim = 0 : i64, kind = #tpu.reduction_kind<sum>} : vector<16xi1> -> vector<16xi32>
        %add3A_2025 = arith.addi %add3A_2020, %all_reduce_population_count3A_2024 : vector<16xi32>
        %get3A_2026 = arith.constant 96 : index
        %get3A_2027 = tpu.vector_load %arg5[%get3A_2026] {strides = array<i32>} : memref<640xi32, #tpu.memory_space<vmem>>, vector<16xi32>,
        %gt3A_2028 = arith.cmpi sgt, %get3A_2027, %add3A_1992 : vector<16xi32>
        %all_reduce_population_count3A_2029 = tpu.all_reduce %gt3A_2028 {dim = 0 : i64, kind = #tpu.reduction_kind<sum>} : vector<16xi1> -> vector<16xi32>
        %add3A_2030 = arith.addi %add3A_2025, %all_reduce_population_count3A_2029 : vector<16xi32>
        %get3A_2031 = arith.constant 112 : index
        %get3A_2032 = tpu.vector_load %arg5[%get3A_2031] {strides = array<i32>} : memref<640xi32, #tpu.memory_space<vmem>>, vector<16xi32>,
        %gt3A_2033 = arith.cmpi sgt, %get3A_2032, %add3A_1992 : vector<16xi32>
        %all_reduce_population_count3A_2034 = tpu.all_reduce %gt3A_2033 {dim = 0 : i64, kind = #tpu.reduction_kind<sum>} : vector<16xi1> -> vector<16xi32>
        %add3A_2035 = arith.addi %add3A_2030, %all_reduce_population_count3A_2034 : vector<16xi32>
        %get3A_2036 = arith.constant 128 : index
        %get3A_2037 = tpu.vector_load %arg5[%get3A_2036] {strides = array<i32>} : memref<640xi32, #tpu.memory_space<vmem>>, vector<16xi32>,
        %gt3A_2038 = arith.cmpi sgt, %get3A_2037, %add3A_1992 : vector<16xi32>
        %all_reduce_population_count3A_2039 = tpu.all_reduce %gt3A_2038 {dim = 0 : i64, kind = #tpu.reduction_kind<sum>} : vector<16xi1> -> vector<16xi32>
        %add3A_2040 = arith.addi %add3A_2035, %all_reduce_population_count3A_2039 : vector<16xi32>
        %get3A_2041 = arith.constant 144 : index
        %get3A_2042 = tpu.vector_load %arg5[%get3A_2041] {strides = array<i32>} : memref<640xi32, #tpu.memory_space<vmem>>, vector<16xi32>,
        %gt3A_2043 = arith.cmpi sgt, %get3A_2042, %add3A_1992 : vector<16xi32>
        %all_reduce_population_count3A_2044 = tpu.all_reduce %gt3A_2043 {dim = 0 : i64, kind = #tpu.reduction_kind<sum>} : vector<16xi1> -> vector<16xi32>
        %add3A_2045 = arith.addi %add3A_2040, %all_reduce_population_count3A_2044 : vector<16xi32>
        %get3A_2046 = arith.constant 160 : index
        %get3A_2047 = tpu.vector_load %arg5[%get3A_2046] {strides = array<i32>} : memref<640xi32, #tpu.memory_space<vmem>>, vector<16xi32>,
        %gt3A_2048 = arith.cmpi sgt, %get3A_2047, %add3A_1992 : vector<16xi32>
        %all_reduce_population_count3A_2049 = tpu.all_reduce %gt3A_2048 {dim = 0 : i64, kind = #tpu.reduction_kind<sum>} : vector<16xi1> -> vector<16xi32>
        %add3A_2050 = arith.addi %add3A_2045, %all_reduce_population_count3A_2049 : vector<16xi32>
        %get3A_2051 = arith.constant 176 : index
        %get3A_2052 = tpu.vector_load %arg5[%get3A_2051] {strides = array<i32>} : memref<640xi32, #tpu.memory_space<vmem>>, vector<16xi32>,
        %gt3A_2053 = arith.cmpi sgt, %get3A_2052, %add3A_1992 : vector<16xi32>
        %all_reduce_population_count3A_2054 = tpu.all_reduce %gt3A_2053 {dim = 0 : i64, kind = #tpu.reduction_kind<sum>} : vector<16xi1> -> vector<16xi32>
        %add3A_2055 = arith.addi %add3A_2050, %all_reduce_population_count3A_2054 : vector<16xi32>
        %get3A_2056 = arith.constant 192 : index
        %get3A_2057 = tpu.vector_load %arg5[%get3A_2056] {strides = array<i32>} : memref<640xi32, #tpu.memory_space<vmem>>, vector<16xi32>,
        %gt3A_2058 = arith.cmpi sgt, %get3A_2057, %add3A_1992 : vector<16xi32>
        %all_reduce_population_count3A_2059 = tpu.all_reduce %gt3A_2058 {dim = 0 : i64, kind = #tpu.reduction_kind<sum>} : vector<16xi1> -> vector<16xi32>
        %add3A_2060 = arith.addi %add3A_2055, %all_reduce_population_count3A_2059 : vector<16xi32>
        %get3A_2061 = arith.constant 208 : index
        %get3A_2062 = tpu.vector_load %arg5[%get3A_2061] {strides = array<i32>} : memref<640xi32, #tpu.memory_space<vmem>>, vector<16xi32>,
        %gt3A_2063 = arith.cmpi sgt, %get3A_2062, %add3A_1992 : vector<16xi32>
        %all_reduce_population_count3A_2064 = tpu.all_reduce %gt3A_2063 {dim = 0 : i64, kind = #tpu.reduction_kind<sum>} : vector<16xi1> -> vector<16xi32>
        %add3A_2065 = arith.addi %add3A_2060, %all_reduce_population_count3A_2064 : vector<16xi32>
        %get3A_2066 = arith.constant 224 : index
        %get3A_2067 = tpu.vector_load %arg5[%get3A_2066] {strides = array<i32>} : memref<640xi32, #tpu.memory_space<vmem>>, vector<16xi32>,
        %gt3A_2068 = arith.cmpi sgt, %get3A_2067, %add3A_1992 : vector<16xi32>
        %all_reduce_population_count3A_2069 = tpu.all_reduce %gt3A_2068 {dim = 0 : i64, kind = #tpu.reduction_kind<sum>} : vector<16xi1> -> vector<16xi32>
        %add3A_2070 = arith.addi %add3A_2065, %all_reduce_population_count3A_2069 : vector<16xi32>
        %get3A_2071 = arith.constant 240 : index
        %get3A_2072 = tpu.vector_load %arg5[%get3A_2071] {strides = array<i32>} : memref<640xi32, #tpu.memory_space<vmem>>, vector<16xi32>,
        %gt3A_2073 = arith.cmpi sgt, %get3A_2072, %add3A_1992 : vector<16xi32>
        %all_reduce_population_count3A_2074 = tpu.all_reduce %gt3A_2073 {dim = 0 : i64, kind = #tpu.reduction_kind<sum>} : vector<16xi1> -> vector<16xi32>
        %add3A_2075 = arith.addi %add3A_2070, %all_reduce_population_count3A_2074 : vector<16xi32>
        %get3A_2076 = arith.constant 256 : index
        %get3A_2077 = tpu.vector_load %arg5[%get3A_2076] {strides = array<i32>} : memref<640xi32, #tpu.memory_space<vmem>>, vector<16xi32>,
        %gt3A_2078 = arith.cmpi sgt, %get3A_2077, %add3A_1992 : vector<16xi32>
        %all_reduce_population_count3A_2079 = tpu.all_reduce %gt3A_2078 {dim = 0 : i64, kind = #tpu.reduction_kind<sum>} : vector<16xi1> -> vector<16xi32>
        %add3A_2080 = arith.addi %add3A_2075, %all_reduce_population_count3A_2079 : vector<16xi32>
        %get3A_2081 = arith.constant 272 : index
        %get3A_2082 = tpu.vector_load %arg5[%get3A_2081] {strides = array<i32>} : memref<640xi32, #tpu.memory_space<vmem>>, vector<16xi32>,
        %gt3A_2083 = arith.cmpi sgt, %get3A_2082, %add3A_1992 : vector<16xi32>
        %all_reduce_population_count3A_2084 = tpu.all_reduce %gt3A_2083 {dim = 0 : i64, kind = #tpu.reduction_kind<sum>} : vector<16xi1> -> vector<16xi32>
        %add3A_2085 = arith.addi %add3A_2080, %all_reduce_population_count3A_2084 : vector<16xi32>
        %get3A_2086 = arith.constant 288 : index
        %get3A_2087 = tpu.vector_load %arg5[%get3A_2086] {strides = array<i32>} : memref<640xi32, #tpu.memory_space<vmem>>, vector<16xi32>,
        %gt3A_2088 = arith.cmpi sgt, %get3A_2087, %add3A_1992 : vector<16xi32>
        %all_reduce_population_count3A_2089 = tpu.all_reduce %gt3A_2088 {dim = 0 : i64, kind = #tpu.reduction_kind<sum>} : vector<16xi1> -> vector<16xi32>
        %add3A_2090 = arith.addi %add3A_2085, %all_reduce_population_count3A_2089 : vector<16xi32>
        %get3A_2091 = arith.constant 304 : index
        %get3A_2092 = tpu.vector_load %arg5[%get3A_2091] {strides = array<i32>} : memref<640xi32, #tpu.memory_space<vmem>>, vector<16xi32>,
        %gt3A_2093 = arith.cmpi sgt, %get3A_2092, %add3A_1992 : vector<16xi32>
        %all_reduce_population_count3A_2094 = tpu.all_reduce %gt3A_2093 {dim = 0 : i64, kind = #tpu.reduction_kind<sum>} : vector<16xi1> -> vector<16xi32>
        %add3A_2095 = arith.addi %add3A_2090, %all_reduce_population_count3A_2094 : vector<16xi32>
        %get3A_2096 = arith.constant 320 : index
        %get3A_2097 = tpu.vector_load %arg5[%get3A_2096] {strides = array<i32>} : memref<640xi32, #tpu.memory_space<vmem>>, vector<16xi32>,
        %gt3A_2098 = arith.cmpi sgt, %get3A_2097, %add3A_1992 : vector<16xi32>
        %all_reduce_population_count3A_2099 = tpu.all_reduce %gt3A_2098 {dim = 0 : i64, kind = #tpu.reduction_kind<sum>} : vector<16xi1> -> vector<16xi32>
        %add3A_2100 = arith.addi %add3A_2095, %all_reduce_population_count3A_2099 : vector<16xi32>
        %get3A_2101 = arith.constant 336 : index
        %get3A_2102 = tpu.vector_load %arg5[%get3A_2101] {strides = array<i32>} : memref<640xi32, #tpu.memory_space<vmem>>, vector<16xi32>,
        %gt3A_2103 = arith.cmpi sgt, %get3A_2102, %add3A_1992 : vector<16xi32>
        %all_reduce_population_count3A_2104 = tpu.all_reduce %gt3A_2103 {dim = 0 : i64, kind = #tpu.reduction_kind<sum>} : vector<16xi1> -> vector<16xi32>
        %add3A_2105 = arith.addi %add3A_2100, %all_reduce_population_count3A_2104 : vector<16xi32>
        %get3A_2106 = arith.constant 352 : index
        %get3A_2107 = tpu.vector_load %arg5[%get3A_2106] {strides = array<i32>} : memref<640xi32, #tpu.memory_space<vmem>>, vector<16xi32>,
        %gt3A_2108 = arith.cmpi sgt, %get3A_2107, %add3A_1992 : vector<16xi32>
        %all_reduce_population_count3A_2109 = tpu.all_reduce %gt3A_2108 {dim = 0 : i64, kind = #tpu.reduction_kind<sum>} : vector<16xi1> -> vector<16xi32>
        %add3A_2110 = arith.addi %add3A_2105, %all_reduce_population_count3A_2109 : vector<16xi32>
        %get3A_2111 = arith.constant 368 : index
        %get3A_2112 = tpu.vector_load %arg5[%get3A_2111] {strides = array<i32>} : memref<640xi32, #tpu.memory_space<vmem>>, vector<16xi32>,
        %gt3A_2113 = arith.cmpi sgt, %get3A_2112, %add3A_1992 : vector<16xi32>
        %all_reduce_population_count3A_2114 = tpu.all_reduce %gt3A_2113 {dim = 0 : i64, kind = #tpu.reduction_kind<sum>} : vector<16xi1> -> vector<16xi32>
        %add3A_2115 = arith.addi %add3A_2110, %all_reduce_population_count3A_2114 : vector<16xi32>
        %get3A_2116 = arith.constant 384 : index
        %get3A_2117 = tpu.vector_load %arg5[%get3A_2116] {strides = array<i32>} : memref<640xi32, #tpu.memory_space<vmem>>, vector<16xi32>,
        %gt3A_2118 = arith.cmpi sgt, %get3A_2117, %add3A_1992 : vector<16xi32>
        %all_reduce_population_count3A_2119 = tpu.all_reduce %gt3A_2118 {dim = 0 : i64, kind = #tpu.reduction_kind<sum>} : vector<16xi1> -> vector<16xi32>
        %add3A_2120 = arith.addi %add3A_2115, %all_reduce_population_count3A_2119 : vector<16xi32>
        %get3A_2121 = arith.constant 400 : index
        %get3A_2122 = tpu.vector_load %arg5[%get3A_2121] {strides = array<i32>} : memref<640xi32, #tpu.memory_space<vmem>>, vector<16xi32>,
        %gt3A_2123 = arith.cmpi sgt, %get3A_2122, %add3A_1992 : vector<16xi32>
        %all_reduce_population_count3A_2124 = tpu.all_reduce %gt3A_2123 {dim = 0 : i64, kind = #tpu.reduction_kind<sum>} : vector<16xi1> -> vector<16xi32>
        %add3A_2125 = arith.addi %add3A_2120, %all_reduce_population_count3A_2124 : vector<16xi32>
        %get3A_2126 = arith.constant 416 : index
        %get3A_2127 = tpu.vector_load %arg5[%get3A_2126] {strides = array<i32>} : memref<640xi32, #tpu.memory_space<vmem>>, vector<16xi32>,
        %gt3A_2128 = arith.cmpi sgt, %get3A_2127, %add3A_1992 : vector<16xi32>
        %all_reduce_population_count3A_2129 = tpu.all_reduce %gt3A_2128 {dim = 0 : i64, kind = #tpu.reduction_kind<sum>} : vector<16xi1> -> vector<16xi32>
        %add3A_2130 = arith.addi %add3A_2125, %all_reduce_population_count3A_2129 : vector<16xi32>
        %get3A_2131 = arith.constant 432 : index
        %get3A_2132 = tpu.vector_load %arg5[%get3A_2131] {strides = array<i32>} : memref<640xi32, #tpu.memory_space<vmem>>, vector<16xi32>,
        %gt3A_2133 = arith.cmpi sgt, %get3A_2132, %add3A_1992 : vector<16xi32>
        %all_reduce_population_count3A_2134 = tpu.all_reduce %gt3A_2133 {dim = 0 : i64, kind = #tpu.reduction_kind<sum>} : vector<16xi1> -> vector<16xi32>
        %add3A_2135 = arith.addi %add3A_2130, %all_reduce_population_count3A_2134 : vector<16xi32>
        %get3A_2136 = arith.constant 448 : index
        %get3A_2137 = tpu.vector_load %arg5[%get3A_2136] {strides = array<i32>} : memref<640xi32, #tpu.memory_space<vmem>>, vector<16xi32>,
        %gt3A_2138 = arith.cmpi sgt, %get3A_2137, %add3A_1992 : vector<16xi32>
        %all_reduce_population_count3A_2139 = tpu.all_reduce %gt3A_2138 {dim = 0 : i64, kind = #tpu.reduction_kind<sum>} : vector<16xi1> -> vector<16xi32>
        %add3A_2140 = arith.addi %add3A_2135, %all_reduce_population_count3A_2139 : vector<16xi32>
        %get3A_2141 = arith.constant 464 : index
        %get3A_2142 = tpu.vector_load %arg5[%get3A_2141] {strides = array<i32>} : memref<640xi32, #tpu.memory_space<vmem>>, vector<16xi32>,
        %gt3A_2143 = arith.cmpi sgt, %get3A_2142, %add3A_1992 : vector<16xi32>
        %all_reduce_population_count3A_2144 = tpu.all_reduce %gt3A_2143 {dim = 0 : i64, kind = #tpu.reduction_kind<sum>} : vector<16xi1> -> vector<16xi32>
        %add3A_2145 = arith.addi %add3A_2140, %all_reduce_population_count3A_2144 : vector<16xi32>
        %get3A_2146 = arith.constant 480 : index
        %get3A_2147 = tpu.vector_load %arg5[%get3A_2146] {strides = array<i32>} : memref<640xi32, #tpu.memory_space<vmem>>, vector<16xi32>,
        %gt3A_2148 = arith.cmpi sgt, %get3A_2147, %add3A_1992 : vector<16xi32>
        %all_reduce_population_count3A_2149 = tpu.all_reduce %gt3A_2148 {dim = 0 : i64, kind = #tpu.reduction_kind<sum>} : vector<16xi1> -> vector<16xi32>
        %add3A_2150 = arith.addi %add3A_2145, %all_reduce_population_count3A_2149 : vector<16xi32>
        %get3A_2151 = arith.constant 496 : index
        %get3A_2152 = tpu.vector_load %arg5[%get3A_2151] {strides = array<i32>} : memref<640xi32, #tpu.memory_space<vmem>>, vector<16xi32>,
        %gt3A_2153 = arith.cmpi sgt, %get3A_2152, %add3A_1992 : vector<16xi32>
        %all_reduce_population_count3A_2154 = tpu.all_reduce %gt3A_2153 {dim = 0 : i64, kind = #tpu.reduction_kind<sum>} : vector<16xi1> -> vector<16xi32>
        %add3A_2155 = arith.addi %add3A_2150, %all_reduce_population_count3A_2154 : vector<16xi32>
        %get3A_2156 = arith.constant 512 : index
        %get3A_2157 = tpu.vector_load %arg5[%get3A_2156] {strides = array<i32>} : memref<640xi32, #tpu.memory_space<vmem>>, vector<16xi32>,
        %gt3A_2158 = arith.cmpi sgt, %get3A_2157, %add3A_1992 : vector<16xi32>
        %all_reduce_population_count3A_2159 = tpu.all_reduce %gt3A_2158 {dim = 0 : i64, kind = #tpu.reduction_kind<sum>} : vector<16xi1> -> vector<16xi32>
        %add3A_2160 = arith.addi %add3A_2155, %all_reduce_population_count3A_2159 : vector<16xi32>
        %get3A_2161 = arith.constant 528 : index
        %get3A_2162 = tpu.vector_load %arg5[%get3A_2161] {strides = array<i32>} : memref<640xi32, #tpu.memory_space<vmem>>, vector<16xi32>,
        %gt3A_2163 = arith.cmpi sgt, %get3A_2162, %add3A_1992 : vector<16xi32>
        %all_reduce_population_count3A_2164 = tpu.all_reduce %gt3A_2163 {dim = 0 : i64, kind = #tpu.reduction_kind<sum>} : vector<16xi1> -> vector<16xi32>
        %add3A_2165 = arith.addi %add3A_2160, %all_reduce_population_count3A_2164 : vector<16xi32>
        %get3A_2166 = arith.constant 544 : index
        %get3A_2167 = tpu.vector_load %arg5[%get3A_2166] {strides = array<i32>} : memref<640xi32, #tpu.memory_space<vmem>>, vector<16xi32>,
        %gt3A_2168 = arith.cmpi sgt, %get3A_2167, %add3A_1992 : vector<16xi32>
        %all_reduce_population_count3A_2169 = tpu.all_reduce %gt3A_2168 {dim = 0 : i64, kind = #tpu.reduction_kind<sum>} : vector<16xi1> -> vector<16xi32>
        %add3A_2170 = arith.addi %add3A_2165, %all_reduce_population_count3A_2169 : vector<16xi32>
        %get3A_2171 = arith.constant 560 : index
        %get3A_2172 = tpu.vector_load %arg5[%get3A_2171] {strides = array<i32>} : memref<640xi32, #tpu.memory_space<vmem>>, vector<16xi32>,
        %gt3A_2173 = arith.cmpi sgt, %get3A_2172, %add3A_1992 : vector<16xi32>
        %all_reduce_population_count3A_2174 = tpu.all_reduce %gt3A_2173 {dim = 0 : i64, kind = #tpu.reduction_kind<sum>} : vector<16xi1> -> vector<16xi32>
        %add3A_2175 = arith.addi %add3A_2170, %all_reduce_population_count3A_2174 : vector<16xi32>
        %get3A_2176 = arith.constant 576 : index
        %get3A_2177 = tpu.vector_load %arg5[%get3A_2176] {strides = array<i32>} : memref<640xi32, #tpu.memory_space<vmem>>, vector<16xi32>,
        %gt3A_2178 = arith.cmpi sgt, %get3A_2177, %add3A_1992 : vector<16xi32>
        %all_reduce_population_count3A_2179 = tpu.all_reduce %gt3A_2178 {dim = 0 : i64, kind = #tpu.reduction_kind<sum>} : vector<16xi1> -> vector<16xi32>
        %add3A_2180 = arith.addi %add3A_2175, %all_reduce_population_count3A_2179 : vector<16xi32>
        %get3A_2181 = arith.constant 592 : index
        %get3A_2182 = tpu.vector_load %arg5[%get3A_2181] {strides = array<i32>} : memref<640xi32, #tpu.memory_space<vmem>>, vector<16xi32>,
        %gt3A_2183 = arith.cmpi sgt, %get3A_2182, %add3A_1992 : vector<16xi32>
        %all_reduce_population_count3A_2184 = tpu.all_reduce %gt3A_2183 {dim = 0 : i64, kind = #tpu.reduction_kind<sum>} : vector<16xi1> -> vector<16xi32>
        %add3A_2185 = arith.addi %add3A_2180, %all_reduce_population_count3A_2184 : vector<16xi32>
        %get3A_2186 = arith.constant 608 : index
        %get3A_2187 = tpu.vector_load %arg5[%get3A_2186] {strides = array<i32>} : memref<640xi32, #tpu.memory_space<vmem>>, vector<16xi32>,
        %gt3A_2188 = arith.cmpi sgt, %get3A_2187, %add3A_1992 : vector<16xi32>
        %all_reduce_population_count3A_2189 = tpu.all_reduce %gt3A_2188 {dim = 0 : i64, kind = #tpu.reduction_kind<sum>} : vector<16xi1> -> vector<16xi32>
        %add3A_2190 = arith.addi %add3A_2185, %all_reduce_population_count3A_2189 : vector<16xi32>
        %get3A_2191 = arith.constant 624 : index
        %get3A_2192 = tpu.vector_load %arg5[%get3A_2191] {strides = array<i32>} : memref<640xi32, #tpu.memory_space<vmem>>, vector<16xi32>,
        %gt3A_2193 = arith.cmpi sgt, %get3A_2192, %add3A_1992 : vector<16xi32>
        %all_reduce_population_count3A_2194 = tpu.all_reduce %gt3A_2193 {dim = 0 : i64, kind = #tpu.reduction_kind<sum>} : vector<16xi1> -> vector<16xi32>
        %add3A_2195 = arith.addi %add3A_2190, %all_reduce_population_count3A_2194 : vector<16xi32>
        %lt3A_2196 = arith.constant 288 : i32
        %lt3A_2197 = vector.broadcast %lt3A_2196 : i32 to vector<16xi32>
        %lt3A_2198 = arith.cmpi slt, %add3A_2195, %lt3A_2197 : vector<16xi32>
        %add3A_2199 = arith.constant 1 : i32
        %add3A_2200 = vector.broadcast %add3A_2199 : i32 to vector<16xi32>
        %add3A_2201 = arith.addi %add3A_1992, %add3A_2200 : vector<16xi32>
        %select_n3A_2202 = arith.select %lt3A_2198, %scan3A_1987, %add3A_2201 : vector<16xi1>, vector<16xi32>
        %select_n3A_2203 = arith.select %lt3A_2198, %add3A_1992, %scan3A_1988 : vector<16xi1>, vector<16xi32>
        %select_n3A_2204 = arith.select %lt3A_1993, %select_n3A_2202, %scan3A_1987 : vector<16xi1>, vector<16xi32>
        %select_n3A_2205 = arith.select %lt3A_1993, %select_n3A_2203, %scan3A_1988 : vector<16xi1>, vector<16xi32>
        scf.yield %select_n3A_2204, %select_n3A_2205 : vector<16xi32>, vector<16xi32>
      }
      %scan3A_1040 = arith.constant 32 : i32
      %broadcast_in_dim3A_1041 = arith.constant 0 : i32
      %broadcast_in_dim3A_1042 = vector.broadcast %broadcast_in_dim3A_1041 : i32 to vector<16xi32>
      %get3A_1043 = arith.constant 0 : index
      %get3A_1044 = tpu.vector_load %arg5[%get3A_1043] {strides = array<i32>} : memref<640xi32, #tpu.memory_space<vmem>>, vector<16xi32>,
      %gt3A = arith.cmpi sgt, %get3A_1044, %scan3A_1039#0 : vector<16xi32>
      %all_reduce_population_count3A = tpu.all_reduce %gt3A {dim = 0 : i64, kind = #tpu.reduction_kind<sum>} : vector<16xi1> -> vector<16xi32>
      %add3A_1045 = arith.addi %broadcast_in_dim3A_1042, %all_reduce_population_count3A : vector<16xi32>
      %get3A_1046 = arith.constant 16 : index
      %get3A_1047 = tpu.vector_load %arg5[%get3A_1046] {strides = array<i32>} : memref<640xi32, #tpu.memory_space<vmem>>, vector<16xi32>,
      %gt3A_1048 = arith.cmpi sgt, %get3A_1047, %scan3A_1039#0 : vector<16xi32>
      %all_reduce_population_count3A_1049 = tpu.all_reduce %gt3A_1048 {dim = 0 : i64, kind = #tpu.reduction_kind<sum>} : vector<16xi1> -> vector<16xi32>
      %add3A_1050 = arith.addi %add3A_1045, %all_reduce_population_count3A_1049 : vector<16xi32>
      %get3A_1051 = arith.constant 32 : index
      %get3A_1052 = tpu.vector_load %arg5[%get3A_1051] {strides = array<i32>} : memref<640xi32, #tpu.memory_space<vmem>>, vector<16xi32>,
      %gt3A_1053 = arith.cmpi sgt, %get3A_1052, %scan3A_1039#0 : vector<16xi32>
      %all_reduce_population_count3A_1054 = tpu.all_reduce %gt3A_1053 {dim = 0 : i64, kind = #tpu.reduction_kind<sum>} : vector<16xi1> -> vector<16xi32>
      %add3A_1055 = arith.addi %add3A_1050, %all_reduce_population_count3A_1054 : vector<16xi32>
      %get3A_1056 = arith.constant 48 : index
      %get3A_1057 = tpu.vector_load %arg5[%get3A_1056] {strides = array<i32>} : memref<640xi32, #tpu.memory_space<vmem>>, vector<16xi32>,
      %gt3A_1058 = arith.cmpi sgt, %get3A_1057, %scan3A_1039#0 : vector<16xi32>
      %all_reduce_population_count3A_1059 = tpu.all_reduce %gt3A_1058 {dim = 0 : i64, kind = #tpu.reduction_kind<sum>} : vector<16xi1> -> vector<16xi32>
      %add3A_1060 = arith.addi %add3A_1055, %all_reduce_population_count3A_1059 : vector<16xi32>
      %get3A_1061 = arith.constant 64 : index
      %get3A_1062 = tpu.vector_load %arg5[%get3A_1061] {strides = array<i32>} : memref<640xi32, #tpu.memory_space<vmem>>, vector<16xi32>,
      %gt3A_1063 = arith.cmpi sgt, %get3A_1062, %scan3A_1039#0 : vector<16xi32>
      %all_reduce_population_count3A_1064 = tpu.all_reduce %gt3A_1063 {dim = 0 : i64, kind = #tpu.reduction_kind<sum>} : vector<16xi1> -> vector<16xi32>
      %add3A_1065 = arith.addi %add3A_1060, %all_reduce_population_count3A_1064 : vector<16xi32>
      %get3A_1066 = arith.constant 80 : index
      %get3A_1067 = tpu.vector_load %arg5[%get3A_1066] {strides = array<i32>} : memref<640xi32, #tpu.memory_space<vmem>>, vector<16xi32>,
      %gt3A_1068 = arith.cmpi sgt, %get3A_1067, %scan3A_1039#0 : vector<16xi32>
      %all_reduce_population_count3A_1069 = tpu.all_reduce %gt3A_1068 {dim = 0 : i64, kind = #tpu.reduction_kind<sum>} : vector<16xi1> -> vector<16xi32>
      %add3A_1070 = arith.addi %add3A_1065, %all_reduce_population_count3A_1069 : vector<16xi32>
      %get3A_1071 = arith.constant 96 : index
      %get3A_1072 = tpu.vector_load %arg5[%get3A_1071] {strides = array<i32>} : memref<640xi32, #tpu.memory_space<vmem>>, vector<16xi32>,
      %gt3A_1073 = arith.cmpi sgt, %get3A_1072, %scan3A_1039#0 : vector<16xi32>
      %all_reduce_population_count3A_1074 = tpu.all_reduce %gt3A_1073 {dim = 0 : i64, kind = #tpu.reduction_kind<sum>} : vector<16xi1> -> vector<16xi32>
      %add3A_1075 = arith.addi %add3A_1070, %all_reduce_population_count3A_1074 : vector<16xi32>
      %get3A_1076 = arith.constant 112 : index
      %get3A_1077 = tpu.vector_load %arg5[%get3A_1076] {strides = array<i32>} : memref<640xi32, #tpu.memory_space<vmem>>, vector<16xi32>,
      %gt3A_1078 = arith.cmpi sgt, %get3A_1077, %scan3A_1039#0 : vector<16xi32>
      %all_reduce_population_count3A_1079 = tpu.all_reduce %gt3A_1078 {dim = 0 : i64, kind = #tpu.reduction_kind<sum>} : vector<16xi1> -> vector<16xi32>
      %add3A_1080 = arith.addi %add3A_1075, %all_reduce_population_count3A_1079 : vector<16xi32>
      %get3A_1081 = arith.constant 128 : index
      %get3A_1082 = tpu.vector_load %arg5[%get3A_1081] {strides = array<i32>} : memref<640xi32, #tpu.memory_space<vmem>>, vector<16xi32>,
      %gt3A_1083 = arith.cmpi sgt, %get3A_1082, %scan3A_1039#0 : vector<16xi32>
      %all_reduce_population_count3A_1084 = tpu.all_reduce %gt3A_1083 {dim = 0 : i64, kind = #tpu.reduction_kind<sum>} : vector<16xi1> -> vector<16xi32>
      %add3A_1085 = arith.addi %add3A_1080, %all_reduce_population_count3A_1084 : vector<16xi32>
      %get3A_1086 = arith.constant 144 : index
      %get3A_1087 = tpu.vector_load %arg5[%get3A_1086] {strides = array<i32>} : memref<640xi32, #tpu.memory_space<vmem>>, vector<16xi32>,
      %gt3A_1088 = arith.cmpi sgt, %get3A_1087, %scan3A_1039#0 : vector<16xi32>
      %all_reduce_population_count3A_1089 = tpu.all_reduce %gt3A_1088 {dim = 0 : i64, kind = #tpu.reduction_kind<sum>} : vector<16xi1> -> vector<16xi32>
      %add3A_1090 = arith.addi %add3A_1085, %all_reduce_population_count3A_1089 : vector<16xi32>
      %get3A_1091 = arith.constant 160 : index
      %get3A_1092 = tpu.vector_load %arg5[%get3A_1091] {strides = array<i32>} : memref<640xi32, #tpu.memory_space<vmem>>, vector<16xi32>,
      %gt3A_1093 = arith.cmpi sgt, %get3A_1092, %scan3A_1039#0 : vector<16xi32>
      %all_reduce_population_count3A_1094 = tpu.all_reduce %gt3A_1093 {dim = 0 : i64, kind = #tpu.reduction_kind<sum>} : vector<16xi1> -> vector<16xi32>
      %add3A_1095 = arith.addi %add3A_1090, %all_reduce_population_count3A_1094 : vector<16xi32>
      %get3A_1096 = arith.constant 176 : index
      %get3A_1097 = tpu.vector_load %arg5[%get3A_1096] {strides = array<i32>} : memref<640xi32, #tpu.memory_space<vmem>>, vector<16xi32>,
      %gt3A_1098 = arith.cmpi sgt, %get3A_1097, %scan3A_1039#0 : vector<16xi32>
      %all_reduce_population_count3A_1099 = tpu.all_reduce %gt3A_1098 {dim = 0 : i64, kind = #tpu.reduction_kind<sum>} : vector<16xi1> -> vector<16xi32>
      %add3A_1100 = arith.addi %add3A_1095, %all_reduce_population_count3A_1099 : vector<16xi32>
      %get3A_1101 = arith.constant 192 : index
      %get3A_1102 = tpu.vector_load %arg5[%get3A_1101] {strides = array<i32>} : memref<640xi32, #tpu.memory_space<vmem>>, vector<16xi32>,
      %gt3A_1103 = arith.cmpi sgt, %get3A_1102, %scan3A_1039#0 : vector<16xi32>
      %all_reduce_population_count3A_1104 = tpu.all_reduce %gt3A_1103 {dim = 0 : i64, kind = #tpu.reduction_kind<sum>} : vector<16xi1> -> vector<16xi32>
      %add3A_1105 = arith.addi %add3A_1100, %all_reduce_population_count3A_1104 : vector<16xi32>
      %get3A_1106 = arith.constant 208 : index
      %get3A_1107 = tpu.vector_load %arg5[%get3A_1106] {strides = array<i32>} : memref<640xi32, #tpu.memory_space<vmem>>, vector<16xi32>,
      %gt3A_1108 = arith.cmpi sgt, %get3A_1107, %scan3A_1039#0 : vector<16xi32>
      %all_reduce_population_count3A_1109 = tpu.all_reduce %gt3A_1108 {dim = 0 : i64, kind = #tpu.reduction_kind<sum>} : vector<16xi1> -> vector<16xi32>
      %add3A_1110 = arith.addi %add3A_1105, %all_reduce_population_count3A_1109 : vector<16xi32>
      %get3A_1111 = arith.constant 224 : index
      %get3A_1112 = tpu.vector_load %arg5[%get3A_1111] {strides = array<i32>} : memref<640xi32, #tpu.memory_space<vmem>>, vector<16xi32>,
      %gt3A_1113 = arith.cmpi sgt, %get3A_1112, %scan3A_1039#0 : vector<16xi32>
      %all_reduce_population_count3A_1114 = tpu.all_reduce %gt3A_1113 {dim = 0 : i64, kind = #tpu.reduction_kind<sum>} : vector<16xi1> -> vector<16xi32>
      %add3A_1115 = arith.addi %add3A_1110, %all_reduce_population_count3A_1114 : vector<16xi32>
      %get3A_1116 = arith.constant 240 : index
      %get3A_1117 = tpu.vector_load %arg5[%get3A_1116] {strides = array<i32>} : memref<640xi32, #tpu.memory_space<vmem>>, vector<16xi32>,
      %gt3A_1118 = arith.cmpi sgt, %get3A_1117, %scan3A_1039#0 : vector<16xi32>
      %all_reduce_population_count3A_1119 = tpu.all_reduce %gt3A_1118 {dim = 0 : i64, kind = #tpu.reduction_kind<sum>} : vector<16xi1> -> vector<16xi32>
      %add3A_1120 = arith.addi %add3A_1115, %all_reduce_population_count3A_1119 : vector<16xi32>
      %get3A_1121 = arith.constant 256 : index
      %get3A_1122 = tpu.vector_load %arg5[%get3A_1121] {strides = array<i32>} : memref<640xi32, #tpu.memory_space<vmem>>, vector<16xi32>,
      %gt3A_1123 = arith.cmpi sgt, %get3A_1122, %scan3A_1039#0 : vector<16xi32>
      %all_reduce_population_count3A_1124 = tpu.all_reduce %gt3A_1123 {dim = 0 : i64, kind = #tpu.reduction_kind<sum>} : vector<16xi1> -> vector<16xi32>
      %add3A_1125 = arith.addi %add3A_1120, %all_reduce_population_count3A_1124 : vector<16xi32>
      %get3A_1126 = arith.constant 272 : index
      %get3A_1127 = tpu.vector_load %arg5[%get3A_1126] {strides = array<i32>} : memref<640xi32, #tpu.memory_space<vmem>>, vector<16xi32>,
      %gt3A_1128 = arith.cmpi sgt, %get3A_1127, %scan3A_1039#0 : vector<16xi32>
      %all_reduce_population_count3A_1129 = tpu.all_reduce %gt3A_1128 {dim = 0 : i64, kind = #tpu.reduction_kind<sum>} : vector<16xi1> -> vector<16xi32>
      %add3A_1130 = arith.addi %add3A_1125, %all_reduce_population_count3A_1129 : vector<16xi32>
      %get3A_1131 = arith.constant 288 : index
      %get3A_1132 = tpu.vector_load %arg5[%get3A_1131] {strides = array<i32>} : memref<640xi32, #tpu.memory_space<vmem>>, vector<16xi32>,
      %gt3A_1133 = arith.cmpi sgt, %get3A_1132, %scan3A_1039#0 : vector<16xi32>
      %all_reduce_population_count3A_1134 = tpu.all_reduce %gt3A_1133 {dim = 0 : i64, kind = #tpu.reduction_kind<sum>} : vector<16xi1> -> vector<16xi32>
      %add3A_1135 = arith.addi %add3A_1130, %all_reduce_population_count3A_1134 : vector<16xi32>
      %get3A_1136 = arith.constant 304 : index
      %get3A_1137 = tpu.vector_load %arg5[%get3A_1136] {strides = array<i32>} : memref<640xi32, #tpu.memory_space<vmem>>, vector<16xi32>,
      %gt3A_1138 = arith.cmpi sgt, %get3A_1137, %scan3A_1039#0 : vector<16xi32>
      %all_reduce_population_count3A_1139 = tpu.all_reduce %gt3A_1138 {dim = 0 : i64, kind = #tpu.reduction_kind<sum>} : vector<16xi1> -> vector<16xi32>
      %add3A_1140 = arith.addi %add3A_1135, %all_reduce_population_count3A_1139 : vector<16xi32>
      %get3A_1141 = arith.constant 320 : index
      %get3A_1142 = tpu.vector_load %arg5[%get3A_1141] {strides = array<i32>} : memref<640xi32, #tpu.memory_space<vmem>>, vector<16xi32>,
      %gt3A_1143 = arith.cmpi sgt, %get3A_1142, %scan3A_1039#0 : vector<16xi32>
      %all_reduce_population_count3A_1144 = tpu.all_reduce %gt3A_1143 {dim = 0 : i64, kind = #tpu.reduction_kind<sum>} : vector<16xi1> -> vector<16xi32>
      %add3A_1145 = arith.addi %add3A_1140, %all_reduce_population_count3A_1144 : vector<16xi32>
      %get3A_1146 = arith.constant 336 : index
      %get3A_1147 = tpu.vector_load %arg5[%get3A_1146] {strides = array<i32>} : memref<640xi32, #tpu.memory_space<vmem>>, vector<16xi32>,
      %gt3A_1148 = arith.cmpi sgt, %get3A_1147, %scan3A_1039#0 : vector<16xi32>
      %all_reduce_population_count3A_1149 = tpu.all_reduce %gt3A_1148 {dim = 0 : i64, kind = #tpu.reduction_kind<sum>} : vector<16xi1> -> vector<16xi32>
      %add3A_1150 = arith.addi %add3A_1145, %all_reduce_population_count3A_1149 : vector<16xi32>
      %get3A_1151 = arith.constant 352 : index
      %get3A_1152 = tpu.vector_load %arg5[%get3A_1151] {strides = array<i32>} : memref<640xi32, #tpu.memory_space<vmem>>, vector<16xi32>,
      %gt3A_1153 = arith.cmpi sgt, %get3A_1152, %scan3A_1039#0 : vector<16xi32>
      %all_reduce_population_count3A_1154 = tpu.all_reduce %gt3A_1153 {dim = 0 : i64, kind = #tpu.reduction_kind<sum>} : vector<16xi1> -> vector<16xi32>
      %add3A_1155 = arith.addi %add3A_1150, %all_reduce_population_count3A_1154 : vector<16xi32>
      %get3A_1156 = arith.constant 368 : index
      %get3A_1157 = tpu.vector_load %arg5[%get3A_1156] {strides = array<i32>} : memref<640xi32, #tpu.memory_space<vmem>>, vector<16xi32>,
      %gt3A_1158 = arith.cmpi sgt, %get3A_1157, %scan3A_1039#0 : vector<16xi32>
      %all_reduce_population_count3A_1159 = tpu.all_reduce %gt3A_1158 {dim = 0 : i64, kind = #tpu.reduction_kind<sum>} : vector<16xi1> -> vector<16xi32>
      %add3A_1160 = arith.addi %add3A_1155, %all_reduce_population_count3A_1159 : vector<16xi32>
      %get3A_1161 = arith.constant 384 : index
      %get3A_1162 = tpu.vector_load %arg5[%get3A_1161] {strides = array<i32>} : memref<640xi32, #tpu.memory_space<vmem>>, vector<16xi32>,
      %gt3A_1163 = arith.cmpi sgt, %get3A_1162, %scan3A_1039#0 : vector<16xi32>
      %all_reduce_population_count3A_1164 = tpu.all_reduce %gt3A_1163 {dim = 0 : i64, kind = #tpu.reduction_kind<sum>} : vector<16xi1> -> vector<16xi32>
      %add3A_1165 = arith.addi %add3A_1160, %all_reduce_population_count3A_1164 : vector<16xi32>
      %get3A_1166 = arith.constant 400 : index
      %get3A_1167 = tpu.vector_load %arg5[%get3A_1166] {strides = array<i32>} : memref<640xi32, #tpu.memory_space<vmem>>, vector<16xi32>,
      %gt3A_1168 = arith.cmpi sgt, %get3A_1167, %scan3A_1039#0 : vector<16xi32>
      %all_reduce_population_count3A_1169 = tpu.all_reduce %gt3A_1168 {dim = 0 : i64, kind = #tpu.reduction_kind<sum>} : vector<16xi1> -> vector<16xi32>
      %add3A_1170 = arith.addi %add3A_1165, %all_reduce_population_count3A_1169 : vector<16xi32>
      %get3A_1171 = arith.constant 416 : index
      %get3A_1172 = tpu.vector_load %arg5[%get3A_1171] {strides = array<i32>} : memref<640xi32, #tpu.memory_space<vmem>>, vector<16xi32>,
      %gt3A_1173 = arith.cmpi sgt, %get3A_1172, %scan3A_1039#0 : vector<16xi32>
      %all_reduce_population_count3A_1174 = tpu.all_reduce %gt3A_1173 {dim = 0 : i64, kind = #tpu.reduction_kind<sum>} : vector<16xi1> -> vector<16xi32>
      %add3A_1175 = arith.addi %add3A_1170, %all_reduce_population_count3A_1174 : vector<16xi32>
      %get3A_1176 = arith.constant 432 : index
      %get3A_1177 = tpu.vector_load %arg5[%get3A_1176] {strides = array<i32>} : memref<640xi32, #tpu.memory_space<vmem>>, vector<16xi32>,
      %gt3A_1178 = arith.cmpi sgt, %get3A_1177, %scan3A_1039#0 : vector<16xi32>
      %all_reduce_population_count3A_1179 = tpu.all_reduce %gt3A_1178 {dim = 0 : i64, kind = #tpu.reduction_kind<sum>} : vector<16xi1> -> vector<16xi32>
      %add3A_1180 = arith.addi %add3A_1175, %all_reduce_population_count3A_1179 : vector<16xi32>
      %get3A_1181 = arith.constant 448 : index
      %get3A_1182 = tpu.vector_load %arg5[%get3A_1181] {strides = array<i32>} : memref<640xi32, #tpu.memory_space<vmem>>, vector<16xi32>,
      %gt3A_1183 = arith.cmpi sgt, %get3A_1182, %scan3A_1039#0 : vector<16xi32>
      %all_reduce_population_count3A_1184 = tpu.all_reduce %gt3A_1183 {dim = 0 : i64, kind = #tpu.reduction_kind<sum>} : vector<16xi1> -> vector<16xi32>
      %add3A_1185 = arith.addi %add3A_1180, %all_reduce_population_count3A_1184 : vector<16xi32>
      %get3A_1186 = arith.constant 464 : index
      %get3A_1187 = tpu.vector_load %arg5[%get3A_1186] {strides = array<i32>} : memref<640xi32, #tpu.memory_space<vmem>>, vector<16xi32>,
      %gt3A_1188 = arith.cmpi sgt, %get3A_1187, %scan3A_1039#0 : vector<16xi32>
      %all_reduce_population_count3A_1189 = tpu.all_reduce %gt3A_1188 {dim = 0 : i64, kind = #tpu.reduction_kind<sum>} : vector<16xi1> -> vector<16xi32>
      %add3A_1190 = arith.addi %add3A_1185, %all_reduce_population_count3A_1189 : vector<16xi32>
      %get3A_1191 = arith.constant 480 : index
      %get3A_1192 = tpu.vector_load %arg5[%get3A_1191] {strides = array<i32>} : memref<640xi32, #tpu.memory_space<vmem>>, vector<16xi32>,
      %gt3A_1193 = arith.cmpi sgt, %get3A_1192, %scan3A_1039#0 : vector<16xi32>
      %all_reduce_population_count3A_1194 = tpu.all_reduce %gt3A_1193 {dim = 0 : i64, kind = #tpu.reduction_kind<sum>} : vector<16xi1> -> vector<16xi32>
      %add3A_1195 = arith.addi %add3A_1190, %all_reduce_population_count3A_1194 : vector<16xi32>
      %get3A_1196 = arith.constant 496 : index
      %get3A_1197 = tpu.vector_load %arg5[%get3A_1196] {strides = array<i32>} : memref<640xi32, #tpu.memory_space<vmem>>, vector<16xi32>,
      %gt3A_1198 = arith.cmpi sgt, %get3A_1197, %scan3A_1039#0 : vector<16xi32>
      %all_reduce_population_count3A_1199 = tpu.all_reduce %gt3A_1198 {dim = 0 : i64, kind = #tpu.reduction_kind<sum>} : vector<16xi1> -> vector<16xi32>
      %add3A_1200 = arith.addi %add3A_1195, %all_reduce_population_count3A_1199 : vector<16xi32>
      %get3A_1201 = arith.constant 512 : index
      %get3A_1202 = tpu.vector_load %arg5[%get3A_1201] {strides = array<i32>} : memref<640xi32, #tpu.memory_space<vmem>>, vector<16xi32>,
      %gt3A_1203 = arith.cmpi sgt, %get3A_1202, %scan3A_1039#0 : vector<16xi32>
      %all_reduce_population_count3A_1204 = tpu.all_reduce %gt3A_1203 {dim = 0 : i64, kind = #tpu.reduction_kind<sum>} : vector<16xi1> -> vector<16xi32>
      %add3A_1205 = arith.addi %add3A_1200, %all_reduce_population_count3A_1204 : vector<16xi32>
      %get3A_1206 = arith.constant 528 : index
      %get3A_1207 = tpu.vector_load %arg5[%get3A_1206] {strides = array<i32>} : memref<640xi32, #tpu.memory_space<vmem>>, vector<16xi32>,
      %gt3A_1208 = arith.cmpi sgt, %get3A_1207, %scan3A_1039#0 : vector<16xi32>
      %all_reduce_population_count3A_1209 = tpu.all_reduce %gt3A_1208 {dim = 0 : i64, kind = #tpu.reduction_kind<sum>} : vector<16xi1> -> vector<16xi32>
      %add3A_1210 = arith.addi %add3A_1205, %all_reduce_population_count3A_1209 : vector<16xi32>
      %get3A_1211 = arith.constant 544 : index
      %get3A_1212 = tpu.vector_load %arg5[%get3A_1211] {strides = array<i32>} : memref<640xi32, #tpu.memory_space<vmem>>, vector<16xi32>,
      %gt3A_1213 = arith.cmpi sgt, %get3A_1212, %scan3A_1039#0 : vector<16xi32>
      %all_reduce_population_count3A_1214 = tpu.all_reduce %gt3A_1213 {dim = 0 : i64, kind = #tpu.reduction_kind<sum>} : vector<16xi1> -> vector<16xi32>
      %add3A_1215 = arith.addi %add3A_1210, %all_reduce_population_count3A_1214 : vector<16xi32>
      %get3A_1216 = arith.constant 560 : index
      %get3A_1217 = tpu.vector_load %arg5[%get3A_1216] {strides = array<i32>} : memref<640xi32, #tpu.memory_space<vmem>>, vector<16xi32>,
      %gt3A_1218 = arith.cmpi sgt, %get3A_1217, %scan3A_1039#0 : vector<16xi32>
      %all_reduce_population_count3A_1219 = tpu.all_reduce %gt3A_1218 {dim = 0 : i64, kind = #tpu.reduction_kind<sum>} : vector<16xi1> -> vector<16xi32>
      %add3A_1220 = arith.addi %add3A_1215, %all_reduce_population_count3A_1219 : vector<16xi32>
      %get3A_1221 = arith.constant 576 : index
      %get3A_1222 = tpu.vector_load %arg5[%get3A_1221] {strides = array<i32>} : memref<640xi32, #tpu.memory_space<vmem>>, vector<16xi32>,
      %gt3A_1223 = arith.cmpi sgt, %get3A_1222, %scan3A_1039#0 : vector<16xi32>
      %all_reduce_population_count3A_1224 = tpu.all_reduce %gt3A_1223 {dim = 0 : i64, kind = #tpu.reduction_kind<sum>} : vector<16xi1> -> vector<16xi32>
      %add3A_1225 = arith.addi %add3A_1220, %all_reduce_population_count3A_1224 : vector<16xi32>
      %get3A_1226 = arith.constant 592 : index
      %get3A_1227 = tpu.vector_load %arg5[%get3A_1226] {strides = array<i32>} : memref<640xi32, #tpu.memory_space<vmem>>, vector<16xi32>,
      %gt3A_1228 = arith.cmpi sgt, %get3A_1227, %scan3A_1039#0 : vector<16xi32>
      %all_reduce_population_count3A_1229 = tpu.all_reduce %gt3A_1228 {dim = 0 : i64, kind = #tpu.reduction_kind<sum>} : vector<16xi1> -> vector<16xi32>
      %add3A_1230 = arith.addi %add3A_1225, %all_reduce_population_count3A_1229 : vector<16xi32>
      %get3A_1231 = arith.constant 608 : index
      %get3A_1232 = tpu.vector_load %arg5[%get3A_1231] {strides = array<i32>} : memref<640xi32, #tpu.memory_space<vmem>>, vector<16xi32>,
      %gt3A_1233 = arith.cmpi sgt, %get3A_1232, %scan3A_1039#0 : vector<16xi32>
      %all_reduce_population_count3A_1234 = tpu.all_reduce %gt3A_1233 {dim = 0 : i64, kind = #tpu.reduction_kind<sum>} : vector<16xi1> -> vector<16xi32>
      %add3A_1235 = arith.addi %add3A_1230, %all_reduce_population_count3A_1234 : vector<16xi32>
      %get3A_1236 = arith.constant 624 : index
      %get3A_1237 = tpu.vector_load %arg5[%get3A_1236] {strides = array<i32>} : memref<640xi32, #tpu.memory_space<vmem>>, vector<16xi32>,
      %gt3A_1238 = arith.cmpi sgt, %get3A_1237, %scan3A_1039#0 : vector<16xi32>
      %all_reduce_population_count3A_1239 = tpu.all_reduce %gt3A_1238 {dim = 0 : i64, kind = #tpu.reduction_kind<sum>} : vector<16xi1> -> vector<16xi32>
      %add3A_1240 = arith.addi %add3A_1235, %all_reduce_population_count3A_1239 : vector<16xi32>
      %sub3A_1241 = arith.constant 288 : i32
      %sub3A_1242 = vector.broadcast %sub3A_1241 : i32 to vector<16xi32>
      %sub3A_1243 = arith.subi %sub3A_1242, %add3A_1240 : vector<16xi32>
      %broadcast_in_dim3A_1244 = arith.constant 0 : i32
      %broadcast_in_dim3A_1245 = vector.broadcast %broadcast_in_dim3A_1244 : i32 to vector<16xi32>
      %broadcast_in_dim3A_1246 = arith.constant 639 : i32
      %broadcast_in_dim3A_1247 = vector.broadcast %broadcast_in_dim3A_1246 : i32 to vector<16xi32>
      %scan3A_1248 = arith.constant 0 : i32
      %scan3A_1249 = arith.constant 10 : i32
      %scan3A_1250 = arith.addi %scan3A_1248, %scan3A_1249 : i32
      %scan3A_1251 = arith.constant 1 : i32
      %scan3A_1252:2 = scf.for %scan3A_1986 = %scan3A_1248 to %scan3A_1250 step %scan3A_1251 iter_args(%scan3A_1987 = %broadcast_in_dim3A_1245, %scan3A_1988 = %broadcast_in_dim3A_1247) -> (vector<16xi32>, vector<16xi32>)  : i32 {
        %add3A_1989 = arith.addi %scan3A_1987, %scan3A_1988 : vector<16xi32>
        %shift_right_arithmetic3A = arith.constant 1 : i32
        %shift_right_arithmetic3A_1990 = vector.broadcast %shift_right_arithmetic3A : i32 to vector<16xi32>
        %shift_right_arithmetic3A_1991 = arith.shrsi %add3A_1989, %shift_right_arithmetic3A_1990 : vector<16xi32>
        %lt3A_1992 = arith.cmpi slt, %scan3A_1987, %scan3A_1988 : vector<16xi32>
        %broadcast_in_dim3A_1993 = arith.constant 0 : i32
        %broadcast_in_dim3A_1994 = vector.broadcast %broadcast_in_dim3A_1993 : i32 to vector<16xi32>
        %get3A_1995 = arith.constant 0 : index
        %get3A_1996 = tpu.vector_load %arg5[%get3A_1995] {strides = array<i32>} : memref<640xi32, #tpu.memory_space<vmem>>, vector<16xi32>,
        %iota3A_1997 = tpu.iota {dimensions = array<i32: 0>} : vector<16xi32>
        %add3A_1998 = arith.constant 0 : i32
        %add3A_1999 = vector.broadcast %add3A_1998 : i32 to vector<16xi32>
        %add3A_2000 = arith.addi %iota3A_1997, %add3A_1999 : vector<16xi32>
        %eq3A_2001 = arith.cmpi eq, %get3A_1996, %scan3A_1039#0 : vector<16xi32>
        %le3A_2002 = arith.cmpi sle, %add3A_2000, %shift_right_arithmetic3A_1991 : vector<16xi32>
        %and3A_2003 = arith.andi %eq3A_2001, %le3A_2002 : vector<16xi1>
        %all_reduce_population_count3A_2004 = tpu.all_reduce %and3A_2003 {dim = 0 : i64, kind = #tpu.reduction_kind<sum>} : vector<16xi1> -> vector<16xi32>
        %add3A_2005 = arith.addi %broadcast_in_dim3A_1994, %all_reduce_population_count3A_2004 : vector<16xi32>
        %get3A_2006 = arith.constant 16 : index
        %get3A_2007 = tpu.vector_load %arg5[%get3A_2006] {strides = array<i32>} : memref<640xi32, #tpu.memory_space<vmem>>, vector<16xi32>,
        %iota3A_2008 = tpu.iota {dimensions = array<i32: 0>} : vector<16xi32>
        %add3A_2009 = arith.constant 16 : i32
        %add3A_2010 = vector.broadcast %add3A_2009 : i32 to vector<16xi32>
        %add3A_2011 = arith.addi %iota3A_2008, %add3A_2010 : vector<16xi32>
        %eq3A_2012 = arith.cmpi eq, %get3A_2007, %scan3A_1039#0 : vector<16xi32>
        %le3A_2013 = arith.cmpi sle, %add3A_2011, %shift_right_arithmetic3A_1991 : vector<16xi32>
        %and3A_2014 = arith.andi %eq3A_2012, %le3A_2013 : vector<16xi1>
        %all_reduce_population_count3A_2015 = tpu.all_reduce %and3A_2014 {dim = 0 : i64, kind = #tpu.reduction_kind<sum>} : vector<16xi1> -> vector<16xi32>
        %add3A_2016 = arith.addi %add3A_2005, %all_reduce_population_count3A_2015 : vector<16xi32>
        %get3A_2017 = arith.constant 32 : index
        %get3A_2018 = tpu.vector_load %arg5[%get3A_2017] {strides = array<i32>} : memref<640xi32, #tpu.memory_space<vmem>>, vector<16xi32>,
        %iota3A_2019 = tpu.iota {dimensions = array<i32: 0>} : vector<16xi32>
        %add3A_2020 = arith.constant 32 : i32
        %add3A_2021 = vector.broadcast %add3A_2020 : i32 to vector<16xi32>
        %add3A_2022 = arith.addi %iota3A_2019, %add3A_2021 : vector<16xi32>
        %eq3A_2023 = arith.cmpi eq, %get3A_2018, %scan3A_1039#0 : vector<16xi32>
        %le3A_2024 = arith.cmpi sle, %add3A_2022, %shift_right_arithmetic3A_1991 : vector<16xi32>
        %and3A_2025 = arith.andi %eq3A_2023, %le3A_2024 : vector<16xi1>
        %all_reduce_population_count3A_2026 = tpu.all_reduce %and3A_2025 {dim = 0 : i64, kind = #tpu.reduction_kind<sum>} : vector<16xi1> -> vector<16xi32>
        %add3A_2027 = arith.addi %add3A_2016, %all_reduce_population_count3A_2026 : vector<16xi32>
        %get3A_2028 = arith.constant 48 : index
        %get3A_2029 = tpu.vector_load %arg5[%get3A_2028] {strides = array<i32>} : memref<640xi32, #tpu.memory_space<vmem>>, vector<16xi32>,
        %iota3A_2030 = tpu.iota {dimensions = array<i32: 0>} : vector<16xi32>
        %add3A_2031 = arith.constant 48 : i32
        %add3A_2032 = vector.broadcast %add3A_2031 : i32 to vector<16xi32>
        %add3A_2033 = arith.addi %iota3A_2030, %add3A_2032 : vector<16xi32>
        %eq3A_2034 = arith.cmpi eq, %get3A_2029, %scan3A_1039#0 : vector<16xi32>
        %le3A_2035 = arith.cmpi sle, %add3A_2033, %shift_right_arithmetic3A_1991 : vector<16xi32>
        %and3A_2036 = arith.andi %eq3A_2034, %le3A_2035 : vector<16xi1>
        %all_reduce_population_count3A_2037 = tpu.all_reduce %and3A_2036 {dim = 0 : i64, kind = #tpu.reduction_kind<sum>} : vector<16xi1> -> vector<16xi32>
        %add3A_2038 = arith.addi %add3A_2027, %all_reduce_population_count3A_2037 : vector<16xi32>
        %get3A_2039 = arith.constant 64 : index
        %get3A_2040 = tpu.vector_load %arg5[%get3A_2039] {strides = array<i32>} : memref<640xi32, #tpu.memory_space<vmem>>, vector<16xi32>,
        %iota3A_2041 = tpu.iota {dimensions = array<i32: 0>} : vector<16xi32>
        %add3A_2042 = arith.constant 64 : i32
        %add3A_2043 = vector.broadcast %add3A_2042 : i32 to vector<16xi32>
        %add3A_2044 = arith.addi %iota3A_2041, %add3A_2043 : vector<16xi32>
        %eq3A_2045 = arith.cmpi eq, %get3A_2040, %scan3A_1039#0 : vector<16xi32>
        %le3A_2046 = arith.cmpi sle, %add3A_2044, %shift_right_arithmetic3A_1991 : vector<16xi32>
        %and3A_2047 = arith.andi %eq3A_2045, %le3A_2046 : vector<16xi1>
        %all_reduce_population_count3A_2048 = tpu.all_reduce %and3A_2047 {dim = 0 : i64, kind = #tpu.reduction_kind<sum>} : vector<16xi1> -> vector<16xi32>
        %add3A_2049 = arith.addi %add3A_2038, %all_reduce_population_count3A_2048 : vector<16xi32>
        %get3A_2050 = arith.constant 80 : index
        %get3A_2051 = tpu.vector_load %arg5[%get3A_2050] {strides = array<i32>} : memref<640xi32, #tpu.memory_space<vmem>>, vector<16xi32>,
        %iota3A_2052 = tpu.iota {dimensions = array<i32: 0>} : vector<16xi32>
        %add3A_2053 = arith.constant 80 : i32
        %add3A_2054 = vector.broadcast %add3A_2053 : i32 to vector<16xi32>
        %add3A_2055 = arith.addi %iota3A_2052, %add3A_2054 : vector<16xi32>
        %eq3A_2056 = arith.cmpi eq, %get3A_2051, %scan3A_1039#0 : vector<16xi32>
        %le3A_2057 = arith.cmpi sle, %add3A_2055, %shift_right_arithmetic3A_1991 : vector<16xi32>
        %and3A_2058 = arith.andi %eq3A_2056, %le3A_2057 : vector<16xi1>
        %all_reduce_population_count3A_2059 = tpu.all_reduce %and3A_2058 {dim = 0 : i64, kind = #tpu.reduction_kind<sum>} : vector<16xi1> -> vector<16xi32>
        %add3A_2060 = arith.addi %add3A_2049, %all_reduce_population_count3A_2059 : vector<16xi32>
        %get3A_2061 = arith.constant 96 : index
        %get3A_2062 = tpu.vector_load %arg5[%get3A_2061] {strides = array<i32>} : memref<640xi32, #tpu.memory_space<vmem>>, vector<16xi32>,
        %iota3A_2063 = tpu.iota {dimensions = array<i32: 0>} : vector<16xi32>
        %add3A_2064 = arith.constant 96 : i32
        %add3A_2065 = vector.broadcast %add3A_2064 : i32 to vector<16xi32>
        %add3A_2066 = arith.addi %iota3A_2063, %add3A_2065 : vector<16xi32>
        %eq3A_2067 = arith.cmpi eq, %get3A_2062, %scan3A_1039#0 : vector<16xi32>
        %le3A_2068 = arith.cmpi sle, %add3A_2066, %shift_right_arithmetic3A_1991 : vector<16xi32>
        %and3A_2069 = arith.andi %eq3A_2067, %le3A_2068 : vector<16xi1>
        %all_reduce_population_count3A_2070 = tpu.all_reduce %and3A_2069 {dim = 0 : i64, kind = #tpu.reduction_kind<sum>} : vector<16xi1> -> vector<16xi32>
        %add3A_2071 = arith.addi %add3A_2060, %all_reduce_population_count3A_2070 : vector<16xi32>
        %get3A_2072 = arith.constant 112 : index
        %get3A_2073 = tpu.vector_load %arg5[%get3A_2072] {strides = array<i32>} : memref<640xi32, #tpu.memory_space<vmem>>, vector<16xi32>,
        %iota3A_2074 = tpu.iota {dimensions = array<i32: 0>} : vector<16xi32>
        %add3A_2075 = arith.constant 112 : i32
        %add3A_2076 = vector.broadcast %add3A_2075 : i32 to vector<16xi32>
        %add3A_2077 = arith.addi %iota3A_2074, %add3A_2076 : vector<16xi32>
        %eq3A_2078 = arith.cmpi eq, %get3A_2073, %scan3A_1039#0 : vector<16xi32>
        %le3A_2079 = arith.cmpi sle, %add3A_2077, %shift_right_arithmetic3A_1991 : vector<16xi32>
        %and3A_2080 = arith.andi %eq3A_2078, %le3A_2079 : vector<16xi1>
        %all_reduce_population_count3A_2081 = tpu.all_reduce %and3A_2080 {dim = 0 : i64, kind = #tpu.reduction_kind<sum>} : vector<16xi1> -> vector<16xi32>
        %add3A_2082 = arith.addi %add3A_2071, %all_reduce_population_count3A_2081 : vector<16xi32>
        %get3A_2083 = arith.constant 128 : index
        %get3A_2084 = tpu.vector_load %arg5[%get3A_2083] {strides = array<i32>} : memref<640xi32, #tpu.memory_space<vmem>>, vector<16xi32>,
        %iota3A_2085 = tpu.iota {dimensions = array<i32: 0>} : vector<16xi32>
        %add3A_2086 = arith.constant 128 : i32
        %add3A_2087 = vector.broadcast %add3A_2086 : i32 to vector<16xi32>
        %add3A_2088 = arith.addi %iota3A_2085, %add3A_2087 : vector<16xi32>
        %eq3A_2089 = arith.cmpi eq, %get3A_2084, %scan3A_1039#0 : vector<16xi32>
        %le3A_2090 = arith.cmpi sle, %add3A_2088, %shift_right_arithmetic3A_1991 : vector<16xi32>
        %and3A_2091 = arith.andi %eq3A_2089, %le3A_2090 : vector<16xi1>
        %all_reduce_population_count3A_2092 = tpu.all_reduce %and3A_2091 {dim = 0 : i64, kind = #tpu.reduction_kind<sum>} : vector<16xi1> -> vector<16xi32>
        %add3A_2093 = arith.addi %add3A_2082, %all_reduce_population_count3A_2092 : vector<16xi32>
        %get3A_2094 = arith.constant 144 : index
        %get3A_2095 = tpu.vector_load %arg5[%get3A_2094] {strides = array<i32>} : memref<640xi32, #tpu.memory_space<vmem>>, vector<16xi32>,
        %iota3A_2096 = tpu.iota {dimensions = array<i32: 0>} : vector<16xi32>
        %add3A_2097 = arith.constant 144 : i32
        %add3A_2098 = vector.broadcast %add3A_2097 : i32 to vector<16xi32>
        %add3A_2099 = arith.addi %iota3A_2096, %add3A_2098 : vector<16xi32>
        %eq3A_2100 = arith.cmpi eq, %get3A_2095, %scan3A_1039#0 : vector<16xi32>
        %le3A_2101 = arith.cmpi sle, %add3A_2099, %shift_right_arithmetic3A_1991 : vector<16xi32>
        %and3A_2102 = arith.andi %eq3A_2100, %le3A_2101 : vector<16xi1>
        %all_reduce_population_count3A_2103 = tpu.all_reduce %and3A_2102 {dim = 0 : i64, kind = #tpu.reduction_kind<sum>} : vector<16xi1> -> vector<16xi32>
        %add3A_2104 = arith.addi %add3A_2093, %all_reduce_population_count3A_2103 : vector<16xi32>
        %get3A_2105 = arith.constant 160 : index
        %get3A_2106 = tpu.vector_load %arg5[%get3A_2105] {strides = array<i32>} : memref<640xi32, #tpu.memory_space<vmem>>, vector<16xi32>,
        %iota3A_2107 = tpu.iota {dimensions = array<i32: 0>} : vector<16xi32>
        %add3A_2108 = arith.constant 160 : i32
        %add3A_2109 = vector.broadcast %add3A_2108 : i32 to vector<16xi32>
        %add3A_2110 = arith.addi %iota3A_2107, %add3A_2109 : vector<16xi32>
        %eq3A_2111 = arith.cmpi eq, %get3A_2106, %scan3A_1039#0 : vector<16xi32>
        %le3A_2112 = arith.cmpi sle, %add3A_2110, %shift_right_arithmetic3A_1991 : vector<16xi32>
        %and3A_2113 = arith.andi %eq3A_2111, %le3A_2112 : vector<16xi1>
        %all_reduce_population_count3A_2114 = tpu.all_reduce %and3A_2113 {dim = 0 : i64, kind = #tpu.reduction_kind<sum>} : vector<16xi1> -> vector<16xi32>
        %add3A_2115 = arith.addi %add3A_2104, %all_reduce_population_count3A_2114 : vector<16xi32>
        %get3A_2116 = arith.constant 176 : index
        %get3A_2117 = tpu.vector_load %arg5[%get3A_2116] {strides = array<i32>} : memref<640xi32, #tpu.memory_space<vmem>>, vector<16xi32>,
        %iota3A_2118 = tpu.iota {dimensions = array<i32: 0>} : vector<16xi32>
        %add3A_2119 = arith.constant 176 : i32
        %add3A_2120 = vector.broadcast %add3A_2119 : i32 to vector<16xi32>
        %add3A_2121 = arith.addi %iota3A_2118, %add3A_2120 : vector<16xi32>
        %eq3A_2122 = arith.cmpi eq, %get3A_2117, %scan3A_1039#0 : vector<16xi32>
        %le3A_2123 = arith.cmpi sle, %add3A_2121, %shift_right_arithmetic3A_1991 : vector<16xi32>
        %and3A_2124 = arith.andi %eq3A_2122, %le3A_2123 : vector<16xi1>
        %all_reduce_population_count3A_2125 = tpu.all_reduce %and3A_2124 {dim = 0 : i64, kind = #tpu.reduction_kind<sum>} : vector<16xi1> -> vector<16xi32>
        %add3A_2126 = arith.addi %add3A_2115, %all_reduce_population_count3A_2125 : vector<16xi32>
        %get3A_2127 = arith.constant 192 : index
        %get3A_2128 = tpu.vector_load %arg5[%get3A_2127] {strides = array<i32>} : memref<640xi32, #tpu.memory_space<vmem>>, vector<16xi32>,
        %iota3A_2129 = tpu.iota {dimensions = array<i32: 0>} : vector<16xi32>
        %add3A_2130 = arith.constant 192 : i32
        %add3A_2131 = vector.broadcast %add3A_2130 : i32 to vector<16xi32>
        %add3A_2132 = arith.addi %iota3A_2129, %add3A_2131 : vector<16xi32>
        %eq3A_2133 = arith.cmpi eq, %get3A_2128, %scan3A_1039#0 : vector<16xi32>
        %le3A_2134 = arith.cmpi sle, %add3A_2132, %shift_right_arithmetic3A_1991 : vector<16xi32>
        %and3A_2135 = arith.andi %eq3A_2133, %le3A_2134 : vector<16xi1>
        %all_reduce_population_count3A_2136 = tpu.all_reduce %and3A_2135 {dim = 0 : i64, kind = #tpu.reduction_kind<sum>} : vector<16xi1> -> vector<16xi32>
        %add3A_2137 = arith.addi %add3A_2126, %all_reduce_population_count3A_2136 : vector<16xi32>
        %get3A_2138 = arith.constant 208 : index
        %get3A_2139 = tpu.vector_load %arg5[%get3A_2138] {strides = array<i32>} : memref<640xi32, #tpu.memory_space<vmem>>, vector<16xi32>,
        %iota3A_2140 = tpu.iota {dimensions = array<i32: 0>} : vector<16xi32>
        %add3A_2141 = arith.constant 208 : i32
        %add3A_2142 = vector.broadcast %add3A_2141 : i32 to vector<16xi32>
        %add3A_2143 = arith.addi %iota3A_2140, %add3A_2142 : vector<16xi32>
        %eq3A_2144 = arith.cmpi eq, %get3A_2139, %scan3A_1039#0 : vector<16xi32>
        %le3A_2145 = arith.cmpi sle, %add3A_2143, %shift_right_arithmetic3A_1991 : vector<16xi32>
        %and3A_2146 = arith.andi %eq3A_2144, %le3A_2145 : vector<16xi1>
        %all_reduce_population_count3A_2147 = tpu.all_reduce %and3A_2146 {dim = 0 : i64, kind = #tpu.reduction_kind<sum>} : vector<16xi1> -> vector<16xi32>
        %add3A_2148 = arith.addi %add3A_2137, %all_reduce_population_count3A_2147 : vector<16xi32>
        %get3A_2149 = arith.constant 224 : index
        %get3A_2150 = tpu.vector_load %arg5[%get3A_2149] {strides = array<i32>} : memref<640xi32, #tpu.memory_space<vmem>>, vector<16xi32>,
        %iota3A_2151 = tpu.iota {dimensions = array<i32: 0>} : vector<16xi32>
        %add3A_2152 = arith.constant 224 : i32
        %add3A_2153 = vector.broadcast %add3A_2152 : i32 to vector<16xi32>
        %add3A_2154 = arith.addi %iota3A_2151, %add3A_2153 : vector<16xi32>
        %eq3A_2155 = arith.cmpi eq, %get3A_2150, %scan3A_1039#0 : vector<16xi32>
        %le3A_2156 = arith.cmpi sle, %add3A_2154, %shift_right_arithmetic3A_1991 : vector<16xi32>
        %and3A_2157 = arith.andi %eq3A_2155, %le3A_2156 : vector<16xi1>
        %all_reduce_population_count3A_2158 = tpu.all_reduce %and3A_2157 {dim = 0 : i64, kind = #tpu.reduction_kind<sum>} : vector<16xi1> -> vector<16xi32>
        %add3A_2159 = arith.addi %add3A_2148, %all_reduce_population_count3A_2158 : vector<16xi32>
        %get3A_2160 = arith.constant 240 : index
        %get3A_2161 = tpu.vector_load %arg5[%get3A_2160] {strides = array<i32>} : memref<640xi32, #tpu.memory_space<vmem>>, vector<16xi32>,
        %iota3A_2162 = tpu.iota {dimensions = array<i32: 0>} : vector<16xi32>
        %add3A_2163 = arith.constant 240 : i32
        %add3A_2164 = vector.broadcast %add3A_2163 : i32 to vector<16xi32>
        %add3A_2165 = arith.addi %iota3A_2162, %add3A_2164 : vector<16xi32>
        %eq3A_2166 = arith.cmpi eq, %get3A_2161, %scan3A_1039#0 : vector<16xi32>
        %le3A_2167 = arith.cmpi sle, %add3A_2165, %shift_right_arithmetic3A_1991 : vector<16xi32>
        %and3A_2168 = arith.andi %eq3A_2166, %le3A_2167 : vector<16xi1>
        %all_reduce_population_count3A_2169 = tpu.all_reduce %and3A_2168 {dim = 0 : i64, kind = #tpu.reduction_kind<sum>} : vector<16xi1> -> vector<16xi32>
        %add3A_2170 = arith.addi %add3A_2159, %all_reduce_population_count3A_2169 : vector<16xi32>
        %get3A_2171 = arith.constant 256 : index
        %get3A_2172 = tpu.vector_load %arg5[%get3A_2171] {strides = array<i32>} : memref<640xi32, #tpu.memory_space<vmem>>, vector<16xi32>,
        %iota3A_2173 = tpu.iota {dimensions = array<i32: 0>} : vector<16xi32>
        %add3A_2174 = arith.constant 256 : i32
        %add3A_2175 = vector.broadcast %add3A_2174 : i32 to vector<16xi32>
        %add3A_2176 = arith.addi %iota3A_2173, %add3A_2175 : vector<16xi32>
        %eq3A_2177 = arith.cmpi eq, %get3A_2172, %scan3A_1039#0 : vector<16xi32>
        %le3A_2178 = arith.cmpi sle, %add3A_2176, %shift_right_arithmetic3A_1991 : vector<16xi32>
        %and3A_2179 = arith.andi %eq3A_2177, %le3A_2178 : vector<16xi1>
        %all_reduce_population_count3A_2180 = tpu.all_reduce %and3A_2179 {dim = 0 : i64, kind = #tpu.reduction_kind<sum>} : vector<16xi1> -> vector<16xi32>
        %add3A_2181 = arith.addi %add3A_2170, %all_reduce_population_count3A_2180 : vector<16xi32>
        %get3A_2182 = arith.constant 272 : index
        %get3A_2183 = tpu.vector_load %arg5[%get3A_2182] {strides = array<i32>} : memref<640xi32, #tpu.memory_space<vmem>>, vector<16xi32>,
        %iota3A_2184 = tpu.iota {dimensions = array<i32: 0>} : vector<16xi32>
        %add3A_2185 = arith.constant 272 : i32
        %add3A_2186 = vector.broadcast %add3A_2185 : i32 to vector<16xi32>
        %add3A_2187 = arith.addi %iota3A_2184, %add3A_2186 : vector<16xi32>
        %eq3A_2188 = arith.cmpi eq, %get3A_2183, %scan3A_1039#0 : vector<16xi32>
        %le3A_2189 = arith.cmpi sle, %add3A_2187, %shift_right_arithmetic3A_1991 : vector<16xi32>
        %and3A_2190 = arith.andi %eq3A_2188, %le3A_2189 : vector<16xi1>
        %all_reduce_population_count3A_2191 = tpu.all_reduce %and3A_2190 {dim = 0 : i64, kind = #tpu.reduction_kind<sum>} : vector<16xi1> -> vector<16xi32>
        %add3A_2192 = arith.addi %add3A_2181, %all_reduce_population_count3A_2191 : vector<16xi32>
        %get3A_2193 = arith.constant 288 : index
        %get3A_2194 = tpu.vector_load %arg5[%get3A_2193] {strides = array<i32>} : memref<640xi32, #tpu.memory_space<vmem>>, vector<16xi32>,
        %iota3A_2195 = tpu.iota {dimensions = array<i32: 0>} : vector<16xi32>
        %add3A_2196 = arith.constant 288 : i32
        %add3A_2197 = vector.broadcast %add3A_2196 : i32 to vector<16xi32>
        %add3A_2198 = arith.addi %iota3A_2195, %add3A_2197 : vector<16xi32>
        %eq3A_2199 = arith.cmpi eq, %get3A_2194, %scan3A_1039#0 : vector<16xi32>
        %le3A_2200 = arith.cmpi sle, %add3A_2198, %shift_right_arithmetic3A_1991 : vector<16xi32>
        %and3A_2201 = arith.andi %eq3A_2199, %le3A_2200 : vector<16xi1>
        %all_reduce_population_count3A_2202 = tpu.all_reduce %and3A_2201 {dim = 0 : i64, kind = #tpu.reduction_kind<sum>} : vector<16xi1> -> vector<16xi32>
        %add3A_2203 = arith.addi %add3A_2192, %all_reduce_population_count3A_2202 : vector<16xi32>
        %get3A_2204 = arith.constant 304 : index
        %get3A_2205 = tpu.vector_load %arg5[%get3A_2204] {strides = array<i32>} : memref<640xi32, #tpu.memory_space<vmem>>, vector<16xi32>,
        %iota3A_2206 = tpu.iota {dimensions = array<i32: 0>} : vector<16xi32>
        %add3A_2207 = arith.constant 304 : i32
        %add3A_2208 = vector.broadcast %add3A_2207 : i32 to vector<16xi32>
        %add3A_2209 = arith.addi %iota3A_2206, %add3A_2208 : vector<16xi32>
        %eq3A_2210 = arith.cmpi eq, %get3A_2205, %scan3A_1039#0 : vector<16xi32>
        %le3A_2211 = arith.cmpi sle, %add3A_2209, %shift_right_arithmetic3A_1991 : vector<16xi32>
        %and3A_2212 = arith.andi %eq3A_2210, %le3A_2211 : vector<16xi1>
        %all_reduce_population_count3A_2213 = tpu.all_reduce %and3A_2212 {dim = 0 : i64, kind = #tpu.reduction_kind<sum>} : vector<16xi1> -> vector<16xi32>
        %add3A_2214 = arith.addi %add3A_2203, %all_reduce_population_count3A_2213 : vector<16xi32>
        %get3A_2215 = arith.constant 320 : index
        %get3A_2216 = tpu.vector_load %arg5[%get3A_2215] {strides = array<i32>} : memref<640xi32, #tpu.memory_space<vmem>>, vector<16xi32>,
        %iota3A_2217 = tpu.iota {dimensions = array<i32: 0>} : vector<16xi32>
        %add3A_2218 = arith.constant 320 : i32
        %add3A_2219 = vector.broadcast %add3A_2218 : i32 to vector<16xi32>
        %add3A_2220 = arith.addi %iota3A_2217, %add3A_2219 : vector<16xi32>
        %eq3A_2221 = arith.cmpi eq, %get3A_2216, %scan3A_1039#0 : vector<16xi32>
        %le3A_2222 = arith.cmpi sle, %add3A_2220, %shift_right_arithmetic3A_1991 : vector<16xi32>
        %and3A_2223 = arith.andi %eq3A_2221, %le3A_2222 : vector<16xi1>
        %all_reduce_population_count3A_2224 = tpu.all_reduce %and3A_2223 {dim = 0 : i64, kind = #tpu.reduction_kind<sum>} : vector<16xi1> -> vector<16xi32>
        %add3A_2225 = arith.addi %add3A_2214, %all_reduce_population_count3A_2224 : vector<16xi32>
        %get3A_2226 = arith.constant 336 : index
        %get3A_2227 = tpu.vector_load %arg5[%get3A_2226] {strides = array<i32>} : memref<640xi32, #tpu.memory_space<vmem>>, vector<16xi32>,
        %iota3A_2228 = tpu.iota {dimensions = array<i32: 0>} : vector<16xi32>
        %add3A_2229 = arith.constant 336 : i32
        %add3A_2230 = vector.broadcast %add3A_2229 : i32 to vector<16xi32>
        %add3A_2231 = arith.addi %iota3A_2228, %add3A_2230 : vector<16xi32>
        %eq3A_2232 = arith.cmpi eq, %get3A_2227, %scan3A_1039#0 : vector<16xi32>
        %le3A_2233 = arith.cmpi sle, %add3A_2231, %shift_right_arithmetic3A_1991 : vector<16xi32>
        %and3A_2234 = arith.andi %eq3A_2232, %le3A_2233 : vector<16xi1>
        %all_reduce_population_count3A_2235 = tpu.all_reduce %and3A_2234 {dim = 0 : i64, kind = #tpu.reduction_kind<sum>} : vector<16xi1> -> vector<16xi32>
        %add3A_2236 = arith.addi %add3A_2225, %all_reduce_population_count3A_2235 : vector<16xi32>
        %get3A_2237 = arith.constant 352 : index
        %get3A_2238 = tpu.vector_load %arg5[%get3A_2237] {strides = array<i32>} : memref<640xi32, #tpu.memory_space<vmem>>, vector<16xi32>,
        %iota3A_2239 = tpu.iota {dimensions = array<i32: 0>} : vector<16xi32>
        %add3A_2240 = arith.constant 352 : i32
        %add3A_2241 = vector.broadcast %add3A_2240 : i32 to vector<16xi32>
        %add3A_2242 = arith.addi %iota3A_2239, %add3A_2241 : vector<16xi32>
        %eq3A_2243 = arith.cmpi eq, %get3A_2238, %scan3A_1039#0 : vector<16xi32>
        %le3A_2244 = arith.cmpi sle, %add3A_2242, %shift_right_arithmetic3A_1991 : vector<16xi32>
        %and3A_2245 = arith.andi %eq3A_2243, %le3A_2244 : vector<16xi1>
        %all_reduce_population_count3A_2246 = tpu.all_reduce %and3A_2245 {dim = 0 : i64, kind = #tpu.reduction_kind<sum>} : vector<16xi1> -> vector<16xi32>
        %add3A_2247 = arith.addi %add3A_2236, %all_reduce_population_count3A_2246 : vector<16xi32>
        %get3A_2248 = arith.constant 368 : index
        %get3A_2249 = tpu.vector_load %arg5[%get3A_2248] {strides = array<i32>} : memref<640xi32, #tpu.memory_space<vmem>>, vector<16xi32>,
        %iota3A_2250 = tpu.iota {dimensions = array<i32: 0>} : vector<16xi32>
        %add3A_2251 = arith.constant 368 : i32
        %add3A_2252 = vector.broadcast %add3A_2251 : i32 to vector<16xi32>
        %add3A_2253 = arith.addi %iota3A_2250, %add3A_2252 : vector<16xi32>
        %eq3A_2254 = arith.cmpi eq, %get3A_2249, %scan3A_1039#0 : vector<16xi32>
        %le3A_2255 = arith.cmpi sle, %add3A_2253, %shift_right_arithmetic3A_1991 : vector<16xi32>
        %and3A_2256 = arith.andi %eq3A_2254, %le3A_2255 : vector<16xi1>
        %all_reduce_population_count3A_2257 = tpu.all_reduce %and3A_2256 {dim = 0 : i64, kind = #tpu.reduction_kind<sum>} : vector<16xi1> -> vector<16xi32>
        %add3A_2258 = arith.addi %add3A_2247, %all_reduce_population_count3A_2257 : vector<16xi32>
        %get3A_2259 = arith.constant 384 : index
        %get3A_2260 = tpu.vector_load %arg5[%get3A_2259] {strides = array<i32>} : memref<640xi32, #tpu.memory_space<vmem>>, vector<16xi32>,
        %iota3A_2261 = tpu.iota {dimensions = array<i32: 0>} : vector<16xi32>
        %add3A_2262 = arith.constant 384 : i32
        %add3A_2263 = vector.broadcast %add3A_2262 : i32 to vector<16xi32>
        %add3A_2264 = arith.addi %iota3A_2261, %add3A_2263 : vector<16xi32>
        %eq3A_2265 = arith.cmpi eq, %get3A_2260, %scan3A_1039#0 : vector<16xi32>
        %le3A_2266 = arith.cmpi sle, %add3A_2264, %shift_right_arithmetic3A_1991 : vector<16xi32>
        %and3A_2267 = arith.andi %eq3A_2265, %le3A_2266 : vector<16xi1>
        %all_reduce_population_count3A_2268 = tpu.all_reduce %and3A_2267 {dim = 0 : i64, kind = #tpu.reduction_kind<sum>} : vector<16xi1> -> vector<16xi32>
        %add3A_2269 = arith.addi %add3A_2258, %all_reduce_population_count3A_2268 : vector<16xi32>
        %get3A_2270 = arith.constant 400 : index
        %get3A_2271 = tpu.vector_load %arg5[%get3A_2270] {strides = array<i32>} : memref<640xi32, #tpu.memory_space<vmem>>, vector<16xi32>,
        %iota3A_2272 = tpu.iota {dimensions = array<i32: 0>} : vector<16xi32>
        %add3A_2273 = arith.constant 400 : i32
        %add3A_2274 = vector.broadcast %add3A_2273 : i32 to vector<16xi32>
        %add3A_2275 = arith.addi %iota3A_2272, %add3A_2274 : vector<16xi32>
        %eq3A_2276 = arith.cmpi eq, %get3A_2271, %scan3A_1039#0 : vector<16xi32>
        %le3A_2277 = arith.cmpi sle, %add3A_2275, %shift_right_arithmetic3A_1991 : vector<16xi32>
        %and3A_2278 = arith.andi %eq3A_2276, %le3A_2277 : vector<16xi1>
        %all_reduce_population_count3A_2279 = tpu.all_reduce %and3A_2278 {dim = 0 : i64, kind = #tpu.reduction_kind<sum>} : vector<16xi1> -> vector<16xi32>
        %add3A_2280 = arith.addi %add3A_2269, %all_reduce_population_count3A_2279 : vector<16xi32>
        %get3A_2281 = arith.constant 416 : index
        %get3A_2282 = tpu.vector_load %arg5[%get3A_2281] {strides = array<i32>} : memref<640xi32, #tpu.memory_space<vmem>>, vector<16xi32>,
        %iota3A_2283 = tpu.iota {dimensions = array<i32: 0>} : vector<16xi32>
        %add3A_2284 = arith.constant 416 : i32
        %add3A_2285 = vector.broadcast %add3A_2284 : i32 to vector<16xi32>
        %add3A_2286 = arith.addi %iota3A_2283, %add3A_2285 : vector<16xi32>
        %eq3A_2287 = arith.cmpi eq, %get3A_2282, %scan3A_1039#0 : vector<16xi32>
        %le3A_2288 = arith.cmpi sle, %add3A_2286, %shift_right_arithmetic3A_1991 : vector<16xi32>
        %and3A_2289 = arith.andi %eq3A_2287, %le3A_2288 : vector<16xi1>
        %all_reduce_population_count3A_2290 = tpu.all_reduce %and3A_2289 {dim = 0 : i64, kind = #tpu.reduction_kind<sum>} : vector<16xi1> -> vector<16xi32>
        %add3A_2291 = arith.addi %add3A_2280, %all_reduce_population_count3A_2290 : vector<16xi32>
        %get3A_2292 = arith.constant 432 : index
        %get3A_2293 = tpu.vector_load %arg5[%get3A_2292] {strides = array<i32>} : memref<640xi32, #tpu.memory_space<vmem>>, vector<16xi32>,
        %iota3A_2294 = tpu.iota {dimensions = array<i32: 0>} : vector<16xi32>
        %add3A_2295 = arith.constant 432 : i32
        %add3A_2296 = vector.broadcast %add3A_2295 : i32 to vector<16xi32>
        %add3A_2297 = arith.addi %iota3A_2294, %add3A_2296 : vector<16xi32>
        %eq3A_2298 = arith.cmpi eq, %get3A_2293, %scan3A_1039#0 : vector<16xi32>
        %le3A_2299 = arith.cmpi sle, %add3A_2297, %shift_right_arithmetic3A_1991 : vector<16xi32>
        %and3A_2300 = arith.andi %eq3A_2298, %le3A_2299 : vector<16xi1>
        %all_reduce_population_count3A_2301 = tpu.all_reduce %and3A_2300 {dim = 0 : i64, kind = #tpu.reduction_kind<sum>} : vector<16xi1> -> vector<16xi32>
        %add3A_2302 = arith.addi %add3A_2291, %all_reduce_population_count3A_2301 : vector<16xi32>
        %get3A_2303 = arith.constant 448 : index
        %get3A_2304 = tpu.vector_load %arg5[%get3A_2303] {strides = array<i32>} : memref<640xi32, #tpu.memory_space<vmem>>, vector<16xi32>,
        %iota3A_2305 = tpu.iota {dimensions = array<i32: 0>} : vector<16xi32>
        %add3A_2306 = arith.constant 448 : i32
        %add3A_2307 = vector.broadcast %add3A_2306 : i32 to vector<16xi32>
        %add3A_2308 = arith.addi %iota3A_2305, %add3A_2307 : vector<16xi32>
        %eq3A_2309 = arith.cmpi eq, %get3A_2304, %scan3A_1039#0 : vector<16xi32>
        %le3A_2310 = arith.cmpi sle, %add3A_2308, %shift_right_arithmetic3A_1991 : vector<16xi32>
        %and3A_2311 = arith.andi %eq3A_2309, %le3A_2310 : vector<16xi1>
        %all_reduce_population_count3A_2312 = tpu.all_reduce %and3A_2311 {dim = 0 : i64, kind = #tpu.reduction_kind<sum>} : vector<16xi1> -> vector<16xi32>
        %add3A_2313 = arith.addi %add3A_2302, %all_reduce_population_count3A_2312 : vector<16xi32>
        %get3A_2314 = arith.constant 464 : index
        %get3A_2315 = tpu.vector_load %arg5[%get3A_2314] {strides = array<i32>} : memref<640xi32, #tpu.memory_space<vmem>>, vector<16xi32>,
        %iota3A_2316 = tpu.iota {dimensions = array<i32: 0>} : vector<16xi32>
        %add3A_2317 = arith.constant 464 : i32
        %add3A_2318 = vector.broadcast %add3A_2317 : i32 to vector<16xi32>
        %add3A_2319 = arith.addi %iota3A_2316, %add3A_2318 : vector<16xi32>
        %eq3A_2320 = arith.cmpi eq, %get3A_2315, %scan3A_1039#0 : vector<16xi32>
        %le3A_2321 = arith.cmpi sle, %add3A_2319, %shift_right_arithmetic3A_1991 : vector<16xi32>
        %and3A_2322 = arith.andi %eq3A_2320, %le3A_2321 : vector<16xi1>
        %all_reduce_population_count3A_2323 = tpu.all_reduce %and3A_2322 {dim = 0 : i64, kind = #tpu.reduction_kind<sum>} : vector<16xi1> -> vector<16xi32>
        %add3A_2324 = arith.addi %add3A_2313, %all_reduce_population_count3A_2323 : vector<16xi32>
        %get3A_2325 = arith.constant 480 : index
        %get3A_2326 = tpu.vector_load %arg5[%get3A_2325] {strides = array<i32>} : memref<640xi32, #tpu.memory_space<vmem>>, vector<16xi32>,
        %iota3A_2327 = tpu.iota {dimensions = array<i32: 0>} : vector<16xi32>
        %add3A_2328 = arith.constant 480 : i32
        %add3A_2329 = vector.broadcast %add3A_2328 : i32 to vector<16xi32>
        %add3A_2330 = arith.addi %iota3A_2327, %add3A_2329 : vector<16xi32>
        %eq3A_2331 = arith.cmpi eq, %get3A_2326, %scan3A_1039#0 : vector<16xi32>
        %le3A_2332 = arith.cmpi sle, %add3A_2330, %shift_right_arithmetic3A_1991 : vector<16xi32>
        %and3A_2333 = arith.andi %eq3A_2331, %le3A_2332 : vector<16xi1>
        %all_reduce_population_count3A_2334 = tpu.all_reduce %and3A_2333 {dim = 0 : i64, kind = #tpu.reduction_kind<sum>} : vector<16xi1> -> vector<16xi32>
        %add3A_2335 = arith.addi %add3A_2324, %all_reduce_population_count3A_2334 : vector<16xi32>
        %get3A_2336 = arith.constant 496 : index
        %get3A_2337 = tpu.vector_load %arg5[%get3A_2336] {strides = array<i32>} : memref<640xi32, #tpu.memory_space<vmem>>, vector<16xi32>,
        %iota3A_2338 = tpu.iota {dimensions = array<i32: 0>} : vector<16xi32>
        %add3A_2339 = arith.constant 496 : i32
        %add3A_2340 = vector.broadcast %add3A_2339 : i32 to vector<16xi32>
        %add3A_2341 = arith.addi %iota3A_2338, %add3A_2340 : vector<16xi32>
        %eq3A_2342 = arith.cmpi eq, %get3A_2337, %scan3A_1039#0 : vector<16xi32>
        %le3A_2343 = arith.cmpi sle, %add3A_2341, %shift_right_arithmetic3A_1991 : vector<16xi32>
        %and3A_2344 = arith.andi %eq3A_2342, %le3A_2343 : vector<16xi1>
        %all_reduce_population_count3A_2345 = tpu.all_reduce %and3A_2344 {dim = 0 : i64, kind = #tpu.reduction_kind<sum>} : vector<16xi1> -> vector<16xi32>
        %add3A_2346 = arith.addi %add3A_2335, %all_reduce_population_count3A_2345 : vector<16xi32>
        %get3A_2347 = arith.constant 512 : index
        %get3A_2348 = tpu.vector_load %arg5[%get3A_2347] {strides = array<i32>} : memref<640xi32, #tpu.memory_space<vmem>>, vector<16xi32>,
        %iota3A_2349 = tpu.iota {dimensions = array<i32: 0>} : vector<16xi32>
        %add3A_2350 = arith.constant 512 : i32
        %add3A_2351 = vector.broadcast %add3A_2350 : i32 to vector<16xi32>
        %add3A_2352 = arith.addi %iota3A_2349, %add3A_2351 : vector<16xi32>
        %eq3A_2353 = arith.cmpi eq, %get3A_2348, %scan3A_1039#0 : vector<16xi32>
        %le3A_2354 = arith.cmpi sle, %add3A_2352, %shift_right_arithmetic3A_1991 : vector<16xi32>
        %and3A_2355 = arith.andi %eq3A_2353, %le3A_2354 : vector<16xi1>
        %all_reduce_population_count3A_2356 = tpu.all_reduce %and3A_2355 {dim = 0 : i64, kind = #tpu.reduction_kind<sum>} : vector<16xi1> -> vector<16xi32>
        %add3A_2357 = arith.addi %add3A_2346, %all_reduce_population_count3A_2356 : vector<16xi32>
        %get3A_2358 = arith.constant 528 : index
        %get3A_2359 = tpu.vector_load %arg5[%get3A_2358] {strides = array<i32>} : memref<640xi32, #tpu.memory_space<vmem>>, vector<16xi32>,
        %iota3A_2360 = tpu.iota {dimensions = array<i32: 0>} : vector<16xi32>
        %add3A_2361 = arith.constant 528 : i32
        %add3A_2362 = vector.broadcast %add3A_2361 : i32 to vector<16xi32>
        %add3A_2363 = arith.addi %iota3A_2360, %add3A_2362 : vector<16xi32>
        %eq3A_2364 = arith.cmpi eq, %get3A_2359, %scan3A_1039#0 : vector<16xi32>
        %le3A_2365 = arith.cmpi sle, %add3A_2363, %shift_right_arithmetic3A_1991 : vector<16xi32>
        %and3A_2366 = arith.andi %eq3A_2364, %le3A_2365 : vector<16xi1>
        %all_reduce_population_count3A_2367 = tpu.all_reduce %and3A_2366 {dim = 0 : i64, kind = #tpu.reduction_kind<sum>} : vector<16xi1> -> vector<16xi32>
        %add3A_2368 = arith.addi %add3A_2357, %all_reduce_population_count3A_2367 : vector<16xi32>
        %get3A_2369 = arith.constant 544 : index
        %get3A_2370 = tpu.vector_load %arg5[%get3A_2369] {strides = array<i32>} : memref<640xi32, #tpu.memory_space<vmem>>, vector<16xi32>,
        %iota3A_2371 = tpu.iota {dimensions = array<i32: 0>} : vector<16xi32>
        %add3A_2372 = arith.constant 544 : i32
        %add3A_2373 = vector.broadcast %add3A_2372 : i32 to vector<16xi32>
        %add3A_2374 = arith.addi %iota3A_2371, %add3A_2373 : vector<16xi32>
        %eq3A_2375 = arith.cmpi eq, %get3A_2370, %scan3A_1039#0 : vector<16xi32>
        %le3A_2376 = arith.cmpi sle, %add3A_2374, %shift_right_arithmetic3A_1991 : vector<16xi32>
        %and3A_2377 = arith.andi %eq3A_2375, %le3A_2376 : vector<16xi1>
        %all_reduce_population_count3A_2378 = tpu.all_reduce %and3A_2377 {dim = 0 : i64, kind = #tpu.reduction_kind<sum>} : vector<16xi1> -> vector<16xi32>
        %add3A_2379 = arith.addi %add3A_2368, %all_reduce_population_count3A_2378 : vector<16xi32>
        %get3A_2380 = arith.constant 560 : index
        %get3A_2381 = tpu.vector_load %arg5[%get3A_2380] {strides = array<i32>} : memref<640xi32, #tpu.memory_space<vmem>>, vector<16xi32>,
        %iota3A_2382 = tpu.iota {dimensions = array<i32: 0>} : vector<16xi32>
        %add3A_2383 = arith.constant 560 : i32
        %add3A_2384 = vector.broadcast %add3A_2383 : i32 to vector<16xi32>
        %add3A_2385 = arith.addi %iota3A_2382, %add3A_2384 : vector<16xi32>
        %eq3A_2386 = arith.cmpi eq, %get3A_2381, %scan3A_1039#0 : vector<16xi32>
        %le3A_2387 = arith.cmpi sle, %add3A_2385, %shift_right_arithmetic3A_1991 : vector<16xi32>
        %and3A_2388 = arith.andi %eq3A_2386, %le3A_2387 : vector<16xi1>
        %all_reduce_population_count3A_2389 = tpu.all_reduce %and3A_2388 {dim = 0 : i64, kind = #tpu.reduction_kind<sum>} : vector<16xi1> -> vector<16xi32>
        %add3A_2390 = arith.addi %add3A_2379, %all_reduce_population_count3A_2389 : vector<16xi32>
        %get3A_2391 = arith.constant 576 : index
        %get3A_2392 = tpu.vector_load %arg5[%get3A_2391] {strides = array<i32>} : memref<640xi32, #tpu.memory_space<vmem>>, vector<16xi32>,
        %iota3A_2393 = tpu.iota {dimensions = array<i32: 0>} : vector<16xi32>
        %add3A_2394 = arith.constant 576 : i32
        %add3A_2395 = vector.broadcast %add3A_2394 : i32 to vector<16xi32>
        %add3A_2396 = arith.addi %iota3A_2393, %add3A_2395 : vector<16xi32>
        %eq3A_2397 = arith.cmpi eq, %get3A_2392, %scan3A_1039#0 : vector<16xi32>
        %le3A_2398 = arith.cmpi sle, %add3A_2396, %shift_right_arithmetic3A_1991 : vector<16xi32>
        %and3A_2399 = arith.andi %eq3A_2397, %le3A_2398 : vector<16xi1>
        %all_reduce_population_count3A_2400 = tpu.all_reduce %and3A_2399 {dim = 0 : i64, kind = #tpu.reduction_kind<sum>} : vector<16xi1> -> vector<16xi32>
        %add3A_2401 = arith.addi %add3A_2390, %all_reduce_population_count3A_2400 : vector<16xi32>
        %get3A_2402 = arith.constant 592 : index
        %get3A_2403 = tpu.vector_load %arg5[%get3A_2402] {strides = array<i32>} : memref<640xi32, #tpu.memory_space<vmem>>, vector<16xi32>,
        %iota3A_2404 = tpu.iota {dimensions = array<i32: 0>} : vector<16xi32>
        %add3A_2405 = arith.constant 592 : i32
        %add3A_2406 = vector.broadcast %add3A_2405 : i32 to vector<16xi32>
        %add3A_2407 = arith.addi %iota3A_2404, %add3A_2406 : vector<16xi32>
        %eq3A_2408 = arith.cmpi eq, %get3A_2403, %scan3A_1039#0 : vector<16xi32>
        %le3A_2409 = arith.cmpi sle, %add3A_2407, %shift_right_arithmetic3A_1991 : vector<16xi32>
        %and3A_2410 = arith.andi %eq3A_2408, %le3A_2409 : vector<16xi1>
        %all_reduce_population_count3A_2411 = tpu.all_reduce %and3A_2410 {dim = 0 : i64, kind = #tpu.reduction_kind<sum>} : vector<16xi1> -> vector<16xi32>
        %add3A_2412 = arith.addi %add3A_2401, %all_reduce_population_count3A_2411 : vector<16xi32>
        %get3A_2413 = arith.constant 608 : index
        %get3A_2414 = tpu.vector_load %arg5[%get3A_2413] {strides = array<i32>} : memref<640xi32, #tpu.memory_space<vmem>>, vector<16xi32>,
        %iota3A_2415 = tpu.iota {dimensions = array<i32: 0>} : vector<16xi32>
        %add3A_2416 = arith.constant 608 : i32
        %add3A_2417 = vector.broadcast %add3A_2416 : i32 to vector<16xi32>
        %add3A_2418 = arith.addi %iota3A_2415, %add3A_2417 : vector<16xi32>
        %eq3A_2419 = arith.cmpi eq, %get3A_2414, %scan3A_1039#0 : vector<16xi32>
        %le3A_2420 = arith.cmpi sle, %add3A_2418, %shift_right_arithmetic3A_1991 : vector<16xi32>
        %and3A_2421 = arith.andi %eq3A_2419, %le3A_2420 : vector<16xi1>
        %all_reduce_population_count3A_2422 = tpu.all_reduce %and3A_2421 {dim = 0 : i64, kind = #tpu.reduction_kind<sum>} : vector<16xi1> -> vector<16xi32>
        %add3A_2423 = arith.addi %add3A_2412, %all_reduce_population_count3A_2422 : vector<16xi32>
        %get3A_2424 = arith.constant 624 : index
        %get3A_2425 = tpu.vector_load %arg5[%get3A_2424] {strides = array<i32>} : memref<640xi32, #tpu.memory_space<vmem>>, vector<16xi32>,
        %iota3A_2426 = tpu.iota {dimensions = array<i32: 0>} : vector<16xi32>
        %add3A_2427 = arith.constant 624 : i32
        %add3A_2428 = vector.broadcast %add3A_2427 : i32 to vector<16xi32>
        %add3A_2429 = arith.addi %iota3A_2426, %add3A_2428 : vector<16xi32>
        %eq3A_2430 = arith.cmpi eq, %get3A_2425, %scan3A_1039#0 : vector<16xi32>
        %le3A_2431 = arith.cmpi sle, %add3A_2429, %shift_right_arithmetic3A_1991 : vector<16xi32>
        %and3A_2432 = arith.andi %eq3A_2430, %le3A_2431 : vector<16xi1>
        %all_reduce_population_count3A_2433 = tpu.all_reduce %and3A_2432 {dim = 0 : i64, kind = #tpu.reduction_kind<sum>} : vector<16xi1> -> vector<16xi32>
        %add3A_2434 = arith.addi %add3A_2423, %all_reduce_population_count3A_2433 : vector<16xi32>
        %ge3A_2435 = arith.cmpi sge, %add3A_2434, %sub3A_1243 : vector<16xi32>
        %add3A_2436 = arith.constant 1 : i32
        %add3A_2437 = vector.broadcast %add3A_2436 : i32 to vector<16xi32>
        %add3A_2438 = arith.addi %shift_right_arithmetic3A_1991, %add3A_2437 : vector<16xi32>
        %select_n3A_2439 = arith.select %ge3A_2435, %scan3A_1987, %add3A_2438 : vector<16xi1>, vector<16xi32>
        %select_n3A_2440 = arith.select %ge3A_2435, %shift_right_arithmetic3A_1991, %scan3A_1988 : vector<16xi1>, vector<16xi32>
        %select_n3A_2441 = arith.select %lt3A_1992, %select_n3A_2439, %scan3A_1987 : vector<16xi1>, vector<16xi32>
        %select_n3A_2442 = arith.select %lt3A_1992, %select_n3A_2440, %scan3A_1988 : vector<16xi1>, vector<16xi32>
        scf.yield %select_n3A_2441, %select_n3A_2442 : vector<16xi32>, vector<16xi32>
      }
      %scan3A_1253 = arith.constant 10 : i32
      %gt3A_1254 = arith.constant 0 : i32
      %gt3A_1255 = vector.broadcast %gt3A_1254 : i32 to vector<16xi32>
      %gt3A_1256 = arith.cmpi sgt, %sub3A_1243, %gt3A_1255 : vector<16xi32>
      %broadcast_in_dim3A_1257 = arith.constant -1 : i32
      %broadcast_in_dim3A_1258 = vector.broadcast %broadcast_in_dim3A_1257 : i32 to vector<16xi32>
      %select_n3A_1259 = arith.select %gt3A_1256, %scan3A_1252#0, %broadcast_in_dim3A_1258 : vector<16xi1>, vector<16xi32>
      %get3A_1260 = arith.constant 0 : index
      %get3A_1261 = tpu.vector_load %arg5[%get3A_1260] {strides = array<i32>} : memref<640xi32, #tpu.memory_space<vmem>>, vector<16xi32>,
      %iota3A_1262 = tpu.iota {dimensions = array<i32: 0>} : vector<16xi32>
      %add3A_1263 = arith.constant 0 : i32
      %add3A_1264 = vector.broadcast %add3A_1263 : i32 to vector<16xi32>
      %add3A_1265 = arith.addi %iota3A_1262, %add3A_1264 : vector<16xi32>
      %gt3A_1266 = arith.cmpi sgt, %get3A_1261, %scan3A_1039#0 : vector<16xi32>
      %eq3A = arith.cmpi eq, %get3A_1261, %scan3A_1039#0 : vector<16xi32>
      %le3A_1267 = arith.cmpi sle, %add3A_1265, %select_n3A_1259 : vector<16xi32>
      %and3A_1268 = arith.andi %eq3A, %le3A_1267 : vector<16xi1>
      %or3A = arith.ori %gt3A_1266, %and3A_1268 : vector<16xi1>
      %jit3A_1269 = arith.constant 1.000000e+00 : f32
      %jit3A_1270 = arith.constant 0.000000e+00 : f32
      %broadcast_in_dim3A_1271 = vector.broadcast %jit3A_1269 : f32 to vector<16xf32>
      %broadcast_in_dim3A_1272 = vector.broadcast %jit3A_1270 : f32 to vector<16xf32>
      %select_n3A_1273 = arith.select %or3A, %broadcast_in_dim3A_1271, %broadcast_in_dim3A_1272 : vector<16xi1>, vector<16xf32>
      %iota3A_1274 = tpu.iota {dimensions = array<i32: 0>} : vector<16xi32>
      %eq3A_1275 = arith.constant 0 : i32
      %eq3A_1276 = vector.broadcast %eq3A_1275 : i32 to vector<16xi32>
      %eq3A_1277 = arith.cmpi eq, %iota3A_1274, %eq3A_1276 : vector<16xi32>
      %jit3A_1278 = arith.constant 1.000000e+00 : f32
      %broadcast_in_dim3A_1279 = vector.broadcast %jit3A_1278 : f32 to vector<16xf32>
      %select_n3A_1280 = arith.select %eq3A_1277, %broadcast_in_dim3A_1279, %select_n3A_1273 : vector<16xi1>, vector<16xf32>
      %swap3A_1281 = arith.constant 0 : index
      %swap3A_1282 = tpu.vector_load %arg6[%swap3A_1281] {strides = array<i32>} : memref<640xf32, #tpu.memory_space<vmem>>, vector<16xf32>,
      tpu.vector_store %arg6[%swap3A_1281], %select_n3A_1280 {strides = array<i32>} : memref<640xf32, #tpu.memory_space<vmem>>, vector<16xf32>,
      %get3A_1283 = arith.constant 16 : index
      %get3A_1284 = tpu.vector_load %arg5[%get3A_1283] {strides = array<i32>} : memref<640xi32, #tpu.memory_space<vmem>>, vector<16xi32>,
      %iota3A_1285 = tpu.iota {dimensions = array<i32: 0>} : vector<16xi32>
      %add3A_1286 = arith.constant 16 : i32
      %add3A_1287 = vector.broadcast %add3A_1286 : i32 to vector<16xi32>
      %add3A_1288 = arith.addi %iota3A_1285, %add3A_1287 : vector<16xi32>
      %gt3A_1289 = arith.cmpi sgt, %get3A_1284, %scan3A_1039#0 : vector<16xi32>
      %eq3A_1290 = arith.cmpi eq, %get3A_1284, %scan3A_1039#0 : vector<16xi32>
      %le3A_1291 = arith.cmpi sle, %add3A_1288, %select_n3A_1259 : vector<16xi32>
      %and3A_1292 = arith.andi %eq3A_1290, %le3A_1291 : vector<16xi1>
      %or3A_1293 = arith.ori %gt3A_1289, %and3A_1292 : vector<16xi1>
      %jit3A_1294 = arith.constant 1.000000e+00 : f32
      %jit3A_1295 = arith.constant 0.000000e+00 : f32
      %broadcast_in_dim3A_1296 = vector.broadcast %jit3A_1294 : f32 to vector<16xf32>
      %broadcast_in_dim3A_1297 = vector.broadcast %jit3A_1295 : f32 to vector<16xf32>
      %select_n3A_1298 = arith.select %or3A_1293, %broadcast_in_dim3A_1296, %broadcast_in_dim3A_1297 : vector<16xi1>, vector<16xf32>
      %swap3A_1299 = arith.constant 16 : index
      %swap3A_1300 = tpu.vector_load %arg6[%swap3A_1299] {strides = array<i32>} : memref<640xf32, #tpu.memory_space<vmem>>, vector<16xf32>,
      tpu.vector_store %arg6[%swap3A_1299], %select_n3A_1298 {strides = array<i32>} : memref<640xf32, #tpu.memory_space<vmem>>, vector<16xf32>,
      %get3A_1301 = arith.constant 32 : index
      %get3A_1302 = tpu.vector_load %arg5[%get3A_1301] {strides = array<i32>} : memref<640xi32, #tpu.memory_space<vmem>>, vector<16xi32>,
      %iota3A_1303 = tpu.iota {dimensions = array<i32: 0>} : vector<16xi32>
      %add3A_1304 = arith.constant 32 : i32
      %add3A_1305 = vector.broadcast %add3A_1304 : i32 to vector<16xi32>
      %add3A_1306 = arith.addi %iota3A_1303, %add3A_1305 : vector<16xi32>
      %gt3A_1307 = arith.cmpi sgt, %get3A_1302, %scan3A_1039#0 : vector<16xi32>
      %eq3A_1308 = arith.cmpi eq, %get3A_1302, %scan3A_1039#0 : vector<16xi32>
      %le3A_1309 = arith.cmpi sle, %add3A_1306, %select_n3A_1259 : vector<16xi32>
      %and3A_1310 = arith.andi %eq3A_1308, %le3A_1309 : vector<16xi1>
      %or3A_1311 = arith.ori %gt3A_1307, %and3A_1310 : vector<16xi1>
      %jit3A_1312 = arith.constant 1.000000e+00 : f32
      %jit3A_1313 = arith.constant 0.000000e+00 : f32
      %broadcast_in_dim3A_1314 = vector.broadcast %jit3A_1312 : f32 to vector<16xf32>
      %broadcast_in_dim3A_1315 = vector.broadcast %jit3A_1313 : f32 to vector<16xf32>
      %select_n3A_1316 = arith.select %or3A_1311, %broadcast_in_dim3A_1314, %broadcast_in_dim3A_1315 : vector<16xi1>, vector<16xf32>
      %swap3A_1317 = arith.constant 32 : index
      %swap3A_1318 = tpu.vector_load %arg6[%swap3A_1317] {strides = array<i32>} : memref<640xf32, #tpu.memory_space<vmem>>, vector<16xf32>,
      tpu.vector_store %arg6[%swap3A_1317], %select_n3A_1316 {strides = array<i32>} : memref<640xf32, #tpu.memory_space<vmem>>, vector<16xf32>,
      %get3A_1319 = arith.constant 48 : index
      %get3A_1320 = tpu.vector_load %arg5[%get3A_1319] {strides = array<i32>} : memref<640xi32, #tpu.memory_space<vmem>>, vector<16xi32>,
      %iota3A_1321 = tpu.iota {dimensions = array<i32: 0>} : vector<16xi32>
      %add3A_1322 = arith.constant 48 : i32
      %add3A_1323 = vector.broadcast %add3A_1322 : i32 to vector<16xi32>
      %add3A_1324 = arith.addi %iota3A_1321, %add3A_1323 : vector<16xi32>
      %gt3A_1325 = arith.cmpi sgt, %get3A_1320, %scan3A_1039#0 : vector<16xi32>
      %eq3A_1326 = arith.cmpi eq, %get3A_1320, %scan3A_1039#0 : vector<16xi32>
      %le3A_1327 = arith.cmpi sle, %add3A_1324, %select_n3A_1259 : vector<16xi32>
      %and3A_1328 = arith.andi %eq3A_1326, %le3A_1327 : vector<16xi1>
      %or3A_1329 = arith.ori %gt3A_1325, %and3A_1328 : vector<16xi1>
      %jit3A_1330 = arith.constant 1.000000e+00 : f32
      %jit3A_1331 = arith.constant 0.000000e+00 : f32
      %broadcast_in_dim3A_1332 = vector.broadcast %jit3A_1330 : f32 to vector<16xf32>
      %broadcast_in_dim3A_1333 = vector.broadcast %jit3A_1331 : f32 to vector<16xf32>
      %select_n3A_1334 = arith.select %or3A_1329, %broadcast_in_dim3A_1332, %broadcast_in_dim3A_1333 : vector<16xi1>, vector<16xf32>
      %swap3A_1335 = arith.constant 48 : index
      %swap3A_1336 = tpu.vector_load %arg6[%swap3A_1335] {strides = array<i32>} : memref<640xf32, #tpu.memory_space<vmem>>, vector<16xf32>,
      tpu.vector_store %arg6[%swap3A_1335], %select_n3A_1334 {strides = array<i32>} : memref<640xf32, #tpu.memory_space<vmem>>, vector<16xf32>,
      %get3A_1337 = arith.constant 64 : index
      %get3A_1338 = tpu.vector_load %arg5[%get3A_1337] {strides = array<i32>} : memref<640xi32, #tpu.memory_space<vmem>>, vector<16xi32>,
      %iota3A_1339 = tpu.iota {dimensions = array<i32: 0>} : vector<16xi32>
      %add3A_1340 = arith.constant 64 : i32
      %add3A_1341 = vector.broadcast %add3A_1340 : i32 to vector<16xi32>
      %add3A_1342 = arith.addi %iota3A_1339, %add3A_1341 : vector<16xi32>
      %gt3A_1343 = arith.cmpi sgt, %get3A_1338, %scan3A_1039#0 : vector<16xi32>
      %eq3A_1344 = arith.cmpi eq, %get3A_1338, %scan3A_1039#0 : vector<16xi32>
      %le3A_1345 = arith.cmpi sle, %add3A_1342, %select_n3A_1259 : vector<16xi32>
      %and3A_1346 = arith.andi %eq3A_1344, %le3A_1345 : vector<16xi1>
      %or3A_1347 = arith.ori %gt3A_1343, %and3A_1346 : vector<16xi1>
      %jit3A_1348 = arith.constant 1.000000e+00 : f32
      %jit3A_1349 = arith.constant 0.000000e+00 : f32
      %broadcast_in_dim3A_1350 = vector.broadcast %jit3A_1348 : f32 to vector<16xf32>
      %broadcast_in_dim3A_1351 = vector.broadcast %jit3A_1349 : f32 to vector<16xf32>
      %select_n3A_1352 = arith.select %or3A_1347, %broadcast_in_dim3A_1350, %broadcast_in_dim3A_1351 : vector<16xi1>, vector<16xf32>
      %swap3A_1353 = arith.constant 64 : index
      %swap3A_1354 = tpu.vector_load %arg6[%swap3A_1353] {strides = array<i32>} : memref<640xf32, #tpu.memory_space<vmem>>, vector<16xf32>,
      tpu.vector_store %arg6[%swap3A_1353], %select_n3A_1352 {strides = array<i32>} : memref<640xf32, #tpu.memory_space<vmem>>, vector<16xf32>,
      %get3A_1355 = arith.constant 80 : index
      %get3A_1356 = tpu.vector_load %arg5[%get3A_1355] {strides = array<i32>} : memref<640xi32, #tpu.memory_space<vmem>>, vector<16xi32>,
      %iota3A_1357 = tpu.iota {dimensions = array<i32: 0>} : vector<16xi32>
      %add3A_1358 = arith.constant 80 : i32
      %add3A_1359 = vector.broadcast %add3A_1358 : i32 to vector<16xi32>
      %add3A_1360 = arith.addi %iota3A_1357, %add3A_1359 : vector<16xi32>
      %gt3A_1361 = arith.cmpi sgt, %get3A_1356, %scan3A_1039#0 : vector<16xi32>
      %eq3A_1362 = arith.cmpi eq, %get3A_1356, %scan3A_1039#0 : vector<16xi32>
      %le3A_1363 = arith.cmpi sle, %add3A_1360, %select_n3A_1259 : vector<16xi32>
      %and3A_1364 = arith.andi %eq3A_1362, %le3A_1363 : vector<16xi1>
      %or3A_1365 = arith.ori %gt3A_1361, %and3A_1364 : vector<16xi1>
      %jit3A_1366 = arith.constant 1.000000e+00 : f32
      %jit3A_1367 = arith.constant 0.000000e+00 : f32
      %broadcast_in_dim3A_1368 = vector.broadcast %jit3A_1366 : f32 to vector<16xf32>
      %broadcast_in_dim3A_1369 = vector.broadcast %jit3A_1367 : f32 to vector<16xf32>
      %select_n3A_1370 = arith.select %or3A_1365, %broadcast_in_dim3A_1368, %broadcast_in_dim3A_1369 : vector<16xi1>, vector<16xf32>
      %swap3A_1371 = arith.constant 80 : index
      %swap3A_1372 = tpu.vector_load %arg6[%swap3A_1371] {strides = array<i32>} : memref<640xf32, #tpu.memory_space<vmem>>, vector<16xf32>,
      tpu.vector_store %arg6[%swap3A_1371], %select_n3A_1370 {strides = array<i32>} : memref<640xf32, #tpu.memory_space<vmem>>, vector<16xf32>,
      %get3A_1373 = arith.constant 96 : index
      %get3A_1374 = tpu.vector_load %arg5[%get3A_1373] {strides = array<i32>} : memref<640xi32, #tpu.memory_space<vmem>>, vector<16xi32>,
      %iota3A_1375 = tpu.iota {dimensions = array<i32: 0>} : vector<16xi32>
      %add3A_1376 = arith.constant 96 : i32
      %add3A_1377 = vector.broadcast %add3A_1376 : i32 to vector<16xi32>
      %add3A_1378 = arith.addi %iota3A_1375, %add3A_1377 : vector<16xi32>
      %gt3A_1379 = arith.cmpi sgt, %get3A_1374, %scan3A_1039#0 : vector<16xi32>
      %eq3A_1380 = arith.cmpi eq, %get3A_1374, %scan3A_1039#0 : vector<16xi32>
      %le3A_1381 = arith.cmpi sle, %add3A_1378, %select_n3A_1259 : vector<16xi32>
      %and3A_1382 = arith.andi %eq3A_1380, %le3A_1381 : vector<16xi1>
      %or3A_1383 = arith.ori %gt3A_1379, %and3A_1382 : vector<16xi1>
      %jit3A_1384 = arith.constant 1.000000e+00 : f32
      %jit3A_1385 = arith.constant 0.000000e+00 : f32
      %broadcast_in_dim3A_1386 = vector.broadcast %jit3A_1384 : f32 to vector<16xf32>
      %broadcast_in_dim3A_1387 = vector.broadcast %jit3A_1385 : f32 to vector<16xf32>
      %select_n3A_1388 = arith.select %or3A_1383, %broadcast_in_dim3A_1386, %broadcast_in_dim3A_1387 : vector<16xi1>, vector<16xf32>
      %swap3A_1389 = arith.constant 96 : index
      %swap3A_1390 = tpu.vector_load %arg6[%swap3A_1389] {strides = array<i32>} : memref<640xf32, #tpu.memory_space<vmem>>, vector<16xf32>,
      tpu.vector_store %arg6[%swap3A_1389], %select_n3A_1388 {strides = array<i32>} : memref<640xf32, #tpu.memory_space<vmem>>, vector<16xf32>,
      %get3A_1391 = arith.constant 112 : index
      %get3A_1392 = tpu.vector_load %arg5[%get3A_1391] {strides = array<i32>} : memref<640xi32, #tpu.memory_space<vmem>>, vector<16xi32>,
      %iota3A_1393 = tpu.iota {dimensions = array<i32: 0>} : vector<16xi32>
      %add3A_1394 = arith.constant 112 : i32
      %add3A_1395 = vector.broadcast %add3A_1394 : i32 to vector<16xi32>
      %add3A_1396 = arith.addi %iota3A_1393, %add3A_1395 : vector<16xi32>
      %gt3A_1397 = arith.cmpi sgt, %get3A_1392, %scan3A_1039#0 : vector<16xi32>
      %eq3A_1398 = arith.cmpi eq, %get3A_1392, %scan3A_1039#0 : vector<16xi32>
      %le3A_1399 = arith.cmpi sle, %add3A_1396, %select_n3A_1259 : vector<16xi32>
      %and3A_1400 = arith.andi %eq3A_1398, %le3A_1399 : vector<16xi1>
      %or3A_1401 = arith.ori %gt3A_1397, %and3A_1400 : vector<16xi1>
      %jit3A_1402 = arith.constant 1.000000e+00 : f32
      %jit3A_1403 = arith.constant 0.000000e+00 : f32
      %broadcast_in_dim3A_1404 = vector.broadcast %jit3A_1402 : f32 to vector<16xf32>
      %broadcast_in_dim3A_1405 = vector.broadcast %jit3A_1403 : f32 to vector<16xf32>
      %select_n3A_1406 = arith.select %or3A_1401, %broadcast_in_dim3A_1404, %broadcast_in_dim3A_1405 : vector<16xi1>, vector<16xf32>
      %swap3A_1407 = arith.constant 112 : index
      %swap3A_1408 = tpu.vector_load %arg6[%swap3A_1407] {strides = array<i32>} : memref<640xf32, #tpu.memory_space<vmem>>, vector<16xf32>,
      tpu.vector_store %arg6[%swap3A_1407], %select_n3A_1406 {strides = array<i32>} : memref<640xf32, #tpu.memory_space<vmem>>, vector<16xf32>,
      %get3A_1409 = arith.constant 128 : index
      %get3A_1410 = tpu.vector_load %arg5[%get3A_1409] {strides = array<i32>} : memref<640xi32, #tpu.memory_space<vmem>>, vector<16xi32>,
      %iota3A_1411 = tpu.iota {dimensions = array<i32: 0>} : vector<16xi32>
      %add3A_1412 = arith.constant 128 : i32
      %add3A_1413 = vector.broadcast %add3A_1412 : i32 to vector<16xi32>
      %add3A_1414 = arith.addi %iota3A_1411, %add3A_1413 : vector<16xi32>
      %gt3A_1415 = arith.cmpi sgt, %get3A_1410, %scan3A_1039#0 : vector<16xi32>
      %eq3A_1416 = arith.cmpi eq, %get3A_1410, %scan3A_1039#0 : vector<16xi32>
      %le3A_1417 = arith.cmpi sle, %add3A_1414, %select_n3A_1259 : vector<16xi32>
      %and3A_1418 = arith.andi %eq3A_1416, %le3A_1417 : vector<16xi1>
      %or3A_1419 = arith.ori %gt3A_1415, %and3A_1418 : vector<16xi1>
      %jit3A_1420 = arith.constant 1.000000e+00 : f32
      %jit3A_1421 = arith.constant 0.000000e+00 : f32
      %broadcast_in_dim3A_1422 = vector.broadcast %jit3A_1420 : f32 to vector<16xf32>
      %broadcast_in_dim3A_1423 = vector.broadcast %jit3A_1421 : f32 to vector<16xf32>
      %select_n3A_1424 = arith.select %or3A_1419, %broadcast_in_dim3A_1422, %broadcast_in_dim3A_1423 : vector<16xi1>, vector<16xf32>
      %swap3A_1425 = arith.constant 128 : index
      %swap3A_1426 = tpu.vector_load %arg6[%swap3A_1425] {strides = array<i32>} : memref<640xf32, #tpu.memory_space<vmem>>, vector<16xf32>,
      tpu.vector_store %arg6[%swap3A_1425], %select_n3A_1424 {strides = array<i32>} : memref<640xf32, #tpu.memory_space<vmem>>, vector<16xf32>,
      %get3A_1427 = arith.constant 144 : index
      %get3A_1428 = tpu.vector_load %arg5[%get3A_1427] {strides = array<i32>} : memref<640xi32, #tpu.memory_space<vmem>>, vector<16xi32>,
      %iota3A_1429 = tpu.iota {dimensions = array<i32: 0>} : vector<16xi32>
      %add3A_1430 = arith.constant 144 : i32
      %add3A_1431 = vector.broadcast %add3A_1430 : i32 to vector<16xi32>
      %add3A_1432 = arith.addi %iota3A_1429, %add3A_1431 : vector<16xi32>
      %gt3A_1433 = arith.cmpi sgt, %get3A_1428, %scan3A_1039#0 : vector<16xi32>
      %eq3A_1434 = arith.cmpi eq, %get3A_1428, %scan3A_1039#0 : vector<16xi32>
      %le3A_1435 = arith.cmpi sle, %add3A_1432, %select_n3A_1259 : vector<16xi32>
      %and3A_1436 = arith.andi %eq3A_1434, %le3A_1435 : vector<16xi1>
      %or3A_1437 = arith.ori %gt3A_1433, %and3A_1436 : vector<16xi1>
      %jit3A_1438 = arith.constant 1.000000e+00 : f32
      %jit3A_1439 = arith.constant 0.000000e+00 : f32
      %broadcast_in_dim3A_1440 = vector.broadcast %jit3A_1438 : f32 to vector<16xf32>
      %broadcast_in_dim3A_1441 = vector.broadcast %jit3A_1439 : f32 to vector<16xf32>
      %select_n3A_1442 = arith.select %or3A_1437, %broadcast_in_dim3A_1440, %broadcast_in_dim3A_1441 : vector<16xi1>, vector<16xf32>
      %swap3A_1443 = arith.constant 144 : index
      %swap3A_1444 = tpu.vector_load %arg6[%swap3A_1443] {strides = array<i32>} : memref<640xf32, #tpu.memory_space<vmem>>, vector<16xf32>,
      tpu.vector_store %arg6[%swap3A_1443], %select_n3A_1442 {strides = array<i32>} : memref<640xf32, #tpu.memory_space<vmem>>, vector<16xf32>,
      %get3A_1445 = arith.constant 160 : index
      %get3A_1446 = tpu.vector_load %arg5[%get3A_1445] {strides = array<i32>} : memref<640xi32, #tpu.memory_space<vmem>>, vector<16xi32>,
      %iota3A_1447 = tpu.iota {dimensions = array<i32: 0>} : vector<16xi32>
      %add3A_1448 = arith.constant 160 : i32
      %add3A_1449 = vector.broadcast %add3A_1448 : i32 to vector<16xi32>
      %add3A_1450 = arith.addi %iota3A_1447, %add3A_1449 : vector<16xi32>
      %gt3A_1451 = arith.cmpi sgt, %get3A_1446, %scan3A_1039#0 : vector<16xi32>
      %eq3A_1452 = arith.cmpi eq, %get3A_1446, %scan3A_1039#0 : vector<16xi32>
      %le3A_1453 = arith.cmpi sle, %add3A_1450, %select_n3A_1259 : vector<16xi32>
      %and3A_1454 = arith.andi %eq3A_1452, %le3A_1453 : vector<16xi1>
      %or3A_1455 = arith.ori %gt3A_1451, %and3A_1454 : vector<16xi1>
      %jit3A_1456 = arith.constant 1.000000e+00 : f32
      %jit3A_1457 = arith.constant 0.000000e+00 : f32
      %broadcast_in_dim3A_1458 = vector.broadcast %jit3A_1456 : f32 to vector<16xf32>
      %broadcast_in_dim3A_1459 = vector.broadcast %jit3A_1457 : f32 to vector<16xf32>
      %select_n3A_1460 = arith.select %or3A_1455, %broadcast_in_dim3A_1458, %broadcast_in_dim3A_1459 : vector<16xi1>, vector<16xf32>
      %swap3A_1461 = arith.constant 160 : index
      %swap3A_1462 = tpu.vector_load %arg6[%swap3A_1461] {strides = array<i32>} : memref<640xf32, #tpu.memory_space<vmem>>, vector<16xf32>,
      tpu.vector_store %arg6[%swap3A_1461], %select_n3A_1460 {strides = array<i32>} : memref<640xf32, #tpu.memory_space<vmem>>, vector<16xf32>,
      %get3A_1463 = arith.constant 176 : index
      %get3A_1464 = tpu.vector_load %arg5[%get3A_1463] {strides = array<i32>} : memref<640xi32, #tpu.memory_space<vmem>>, vector<16xi32>,
      %iota3A_1465 = tpu.iota {dimensions = array<i32: 0>} : vector<16xi32>
      %add3A_1466 = arith.constant 176 : i32
      %add3A_1467 = vector.broadcast %add3A_1466 : i32 to vector<16xi32>
      %add3A_1468 = arith.addi %iota3A_1465, %add3A_1467 : vector<16xi32>
      %gt3A_1469 = arith.cmpi sgt, %get3A_1464, %scan3A_1039#0 : vector<16xi32>
      %eq3A_1470 = arith.cmpi eq, %get3A_1464, %scan3A_1039#0 : vector<16xi32>
      %le3A_1471 = arith.cmpi sle, %add3A_1468, %select_n3A_1259 : vector<16xi32>
      %and3A_1472 = arith.andi %eq3A_1470, %le3A_1471 : vector<16xi1>
      %or3A_1473 = arith.ori %gt3A_1469, %and3A_1472 : vector<16xi1>
      %jit3A_1474 = arith.constant 1.000000e+00 : f32
      %jit3A_1475 = arith.constant 0.000000e+00 : f32
      %broadcast_in_dim3A_1476 = vector.broadcast %jit3A_1474 : f32 to vector<16xf32>
      %broadcast_in_dim3A_1477 = vector.broadcast %jit3A_1475 : f32 to vector<16xf32>
      %select_n3A_1478 = arith.select %or3A_1473, %broadcast_in_dim3A_1476, %broadcast_in_dim3A_1477 : vector<16xi1>, vector<16xf32>
      %swap3A_1479 = arith.constant 176 : index
      %swap3A_1480 = tpu.vector_load %arg6[%swap3A_1479] {strides = array<i32>} : memref<640xf32, #tpu.memory_space<vmem>>, vector<16xf32>,
      tpu.vector_store %arg6[%swap3A_1479], %select_n3A_1478 {strides = array<i32>} : memref<640xf32, #tpu.memory_space<vmem>>, vector<16xf32>,
      %get3A_1481 = arith.constant 192 : index
      %get3A_1482 = tpu.vector_load %arg5[%get3A_1481] {strides = array<i32>} : memref<640xi32, #tpu.memory_space<vmem>>, vector<16xi32>,
      %iota3A_1483 = tpu.iota {dimensions = array<i32: 0>} : vector<16xi32>
      %add3A_1484 = arith.constant 192 : i32
      %add3A_1485 = vector.broadcast %add3A_1484 : i32 to vector<16xi32>
      %add3A_1486 = arith.addi %iota3A_1483, %add3A_1485 : vector<16xi32>
      %gt3A_1487 = arith.cmpi sgt, %get3A_1482, %scan3A_1039#0 : vector<16xi32>
      %eq3A_1488 = arith.cmpi eq, %get3A_1482, %scan3A_1039#0 : vector<16xi32>
      %le3A_1489 = arith.cmpi sle, %add3A_1486, %select_n3A_1259 : vector<16xi32>
      %and3A_1490 = arith.andi %eq3A_1488, %le3A_1489 : vector<16xi1>
      %or3A_1491 = arith.ori %gt3A_1487, %and3A_1490 : vector<16xi1>
      %jit3A_1492 = arith.constant 1.000000e+00 : f32
      %jit3A_1493 = arith.constant 0.000000e+00 : f32
      %broadcast_in_dim3A_1494 = vector.broadcast %jit3A_1492 : f32 to vector<16xf32>
      %broadcast_in_dim3A_1495 = vector.broadcast %jit3A_1493 : f32 to vector<16xf32>
      %select_n3A_1496 = arith.select %or3A_1491, %broadcast_in_dim3A_1494, %broadcast_in_dim3A_1495 : vector<16xi1>, vector<16xf32>
      %swap3A_1497 = arith.constant 192 : index
      %swap3A_1498 = tpu.vector_load %arg6[%swap3A_1497] {strides = array<i32>} : memref<640xf32, #tpu.memory_space<vmem>>, vector<16xf32>,
      tpu.vector_store %arg6[%swap3A_1497], %select_n3A_1496 {strides = array<i32>} : memref<640xf32, #tpu.memory_space<vmem>>, vector<16xf32>,
      %get3A_1499 = arith.constant 208 : index
      %get3A_1500 = tpu.vector_load %arg5[%get3A_1499] {strides = array<i32>} : memref<640xi32, #tpu.memory_space<vmem>>, vector<16xi32>,
      %iota3A_1501 = tpu.iota {dimensions = array<i32: 0>} : vector<16xi32>
      %add3A_1502 = arith.constant 208 : i32
      %add3A_1503 = vector.broadcast %add3A_1502 : i32 to vector<16xi32>
      %add3A_1504 = arith.addi %iota3A_1501, %add3A_1503 : vector<16xi32>
      %gt3A_1505 = arith.cmpi sgt, %get3A_1500, %scan3A_1039#0 : vector<16xi32>
      %eq3A_1506 = arith.cmpi eq, %get3A_1500, %scan3A_1039#0 : vector<16xi32>
      %le3A_1507 = arith.cmpi sle, %add3A_1504, %select_n3A_1259 : vector<16xi32>
      %and3A_1508 = arith.andi %eq3A_1506, %le3A_1507 : vector<16xi1>
      %or3A_1509 = arith.ori %gt3A_1505, %and3A_1508 : vector<16xi1>
      %jit3A_1510 = arith.constant 1.000000e+00 : f32
      %jit3A_1511 = arith.constant 0.000000e+00 : f32
      %broadcast_in_dim3A_1512 = vector.broadcast %jit3A_1510 : f32 to vector<16xf32>
      %broadcast_in_dim3A_1513 = vector.broadcast %jit3A_1511 : f32 to vector<16xf32>
      %select_n3A_1514 = arith.select %or3A_1509, %broadcast_in_dim3A_1512, %broadcast_in_dim3A_1513 : vector<16xi1>, vector<16xf32>
      %swap3A_1515 = arith.constant 208 : index
      %swap3A_1516 = tpu.vector_load %arg6[%swap3A_1515] {strides = array<i32>} : memref<640xf32, #tpu.memory_space<vmem>>, vector<16xf32>,
      tpu.vector_store %arg6[%swap3A_1515], %select_n3A_1514 {strides = array<i32>} : memref<640xf32, #tpu.memory_space<vmem>>, vector<16xf32>,
      %get3A_1517 = arith.constant 224 : index
      %get3A_1518 = tpu.vector_load %arg5[%get3A_1517] {strides = array<i32>} : memref<640xi32, #tpu.memory_space<vmem>>, vector<16xi32>,
      %iota3A_1519 = tpu.iota {dimensions = array<i32: 0>} : vector<16xi32>
      %add3A_1520 = arith.constant 224 : i32
      %add3A_1521 = vector.broadcast %add3A_1520 : i32 to vector<16xi32>
      %add3A_1522 = arith.addi %iota3A_1519, %add3A_1521 : vector<16xi32>
      %gt3A_1523 = arith.cmpi sgt, %get3A_1518, %scan3A_1039#0 : vector<16xi32>
      %eq3A_1524 = arith.cmpi eq, %get3A_1518, %scan3A_1039#0 : vector<16xi32>
      %le3A_1525 = arith.cmpi sle, %add3A_1522, %select_n3A_1259 : vector<16xi32>
      %and3A_1526 = arith.andi %eq3A_1524, %le3A_1525 : vector<16xi1>
      %or3A_1527 = arith.ori %gt3A_1523, %and3A_1526 : vector<16xi1>
      %jit3A_1528 = arith.constant 1.000000e+00 : f32
      %jit3A_1529 = arith.constant 0.000000e+00 : f32
      %broadcast_in_dim3A_1530 = vector.broadcast %jit3A_1528 : f32 to vector<16xf32>
      %broadcast_in_dim3A_1531 = vector.broadcast %jit3A_1529 : f32 to vector<16xf32>
      %select_n3A_1532 = arith.select %or3A_1527, %broadcast_in_dim3A_1530, %broadcast_in_dim3A_1531 : vector<16xi1>, vector<16xf32>
      %swap3A_1533 = arith.constant 224 : index
      %swap3A_1534 = tpu.vector_load %arg6[%swap3A_1533] {strides = array<i32>} : memref<640xf32, #tpu.memory_space<vmem>>, vector<16xf32>,
      tpu.vector_store %arg6[%swap3A_1533], %select_n3A_1532 {strides = array<i32>} : memref<640xf32, #tpu.memory_space<vmem>>, vector<16xf32>,
      %get3A_1535 = arith.constant 240 : index
      %get3A_1536 = tpu.vector_load %arg5[%get3A_1535] {strides = array<i32>} : memref<640xi32, #tpu.memory_space<vmem>>, vector<16xi32>,
      %iota3A_1537 = tpu.iota {dimensions = array<i32: 0>} : vector<16xi32>
      %add3A_1538 = arith.constant 240 : i32
      %add3A_1539 = vector.broadcast %add3A_1538 : i32 to vector<16xi32>
      %add3A_1540 = arith.addi %iota3A_1537, %add3A_1539 : vector<16xi32>
      %gt3A_1541 = arith.cmpi sgt, %get3A_1536, %scan3A_1039#0 : vector<16xi32>
      %eq3A_1542 = arith.cmpi eq, %get3A_1536, %scan3A_1039#0 : vector<16xi32>
      %le3A_1543 = arith.cmpi sle, %add3A_1540, %select_n3A_1259 : vector<16xi32>
      %and3A_1544 = arith.andi %eq3A_1542, %le3A_1543 : vector<16xi1>
      %or3A_1545 = arith.ori %gt3A_1541, %and3A_1544 : vector<16xi1>
      %jit3A_1546 = arith.constant 1.000000e+00 : f32
      %jit3A_1547 = arith.constant 0.000000e+00 : f32
      %broadcast_in_dim3A_1548 = vector.broadcast %jit3A_1546 : f32 to vector<16xf32>
      %broadcast_in_dim3A_1549 = vector.broadcast %jit3A_1547 : f32 to vector<16xf32>
      %select_n3A_1550 = arith.select %or3A_1545, %broadcast_in_dim3A_1548, %broadcast_in_dim3A_1549 : vector<16xi1>, vector<16xf32>
      %swap3A_1551 = arith.constant 240 : index
      %swap3A_1552 = tpu.vector_load %arg6[%swap3A_1551] {strides = array<i32>} : memref<640xf32, #tpu.memory_space<vmem>>, vector<16xf32>,
      tpu.vector_store %arg6[%swap3A_1551], %select_n3A_1550 {strides = array<i32>} : memref<640xf32, #tpu.memory_space<vmem>>, vector<16xf32>,
      %get3A_1553 = arith.constant 256 : index
      %get3A_1554 = tpu.vector_load %arg5[%get3A_1553] {strides = array<i32>} : memref<640xi32, #tpu.memory_space<vmem>>, vector<16xi32>,
      %iota3A_1555 = tpu.iota {dimensions = array<i32: 0>} : vector<16xi32>
      %add3A_1556 = arith.constant 256 : i32
      %add3A_1557 = vector.broadcast %add3A_1556 : i32 to vector<16xi32>
      %add3A_1558 = arith.addi %iota3A_1555, %add3A_1557 : vector<16xi32>
      %gt3A_1559 = arith.cmpi sgt, %get3A_1554, %scan3A_1039#0 : vector<16xi32>
      %eq3A_1560 = arith.cmpi eq, %get3A_1554, %scan3A_1039#0 : vector<16xi32>
      %le3A_1561 = arith.cmpi sle, %add3A_1558, %select_n3A_1259 : vector<16xi32>
      %and3A_1562 = arith.andi %eq3A_1560, %le3A_1561 : vector<16xi1>
      %or3A_1563 = arith.ori %gt3A_1559, %and3A_1562 : vector<16xi1>
      %jit3A_1564 = arith.constant 1.000000e+00 : f32
      %jit3A_1565 = arith.constant 0.000000e+00 : f32
      %broadcast_in_dim3A_1566 = vector.broadcast %jit3A_1564 : f32 to vector<16xf32>
      %broadcast_in_dim3A_1567 = vector.broadcast %jit3A_1565 : f32 to vector<16xf32>
      %select_n3A_1568 = arith.select %or3A_1563, %broadcast_in_dim3A_1566, %broadcast_in_dim3A_1567 : vector<16xi1>, vector<16xf32>
      %swap3A_1569 = arith.constant 256 : index
      %swap3A_1570 = tpu.vector_load %arg6[%swap3A_1569] {strides = array<i32>} : memref<640xf32, #tpu.memory_space<vmem>>, vector<16xf32>,
      tpu.vector_store %arg6[%swap3A_1569], %select_n3A_1568 {strides = array<i32>} : memref<640xf32, #tpu.memory_space<vmem>>, vector<16xf32>,
      %get3A_1571 = arith.constant 272 : index
      %get3A_1572 = tpu.vector_load %arg5[%get3A_1571] {strides = array<i32>} : memref<640xi32, #tpu.memory_space<vmem>>, vector<16xi32>,
      %iota3A_1573 = tpu.iota {dimensions = array<i32: 0>} : vector<16xi32>
      %add3A_1574 = arith.constant 272 : i32
      %add3A_1575 = vector.broadcast %add3A_1574 : i32 to vector<16xi32>
      %add3A_1576 = arith.addi %iota3A_1573, %add3A_1575 : vector<16xi32>
      %gt3A_1577 = arith.cmpi sgt, %get3A_1572, %scan3A_1039#0 : vector<16xi32>
      %eq3A_1578 = arith.cmpi eq, %get3A_1572, %scan3A_1039#0 : vector<16xi32>
      %le3A_1579 = arith.cmpi sle, %add3A_1576, %select_n3A_1259 : vector<16xi32>
      %and3A_1580 = arith.andi %eq3A_1578, %le3A_1579 : vector<16xi1>
      %or3A_1581 = arith.ori %gt3A_1577, %and3A_1580 : vector<16xi1>
      %jit3A_1582 = arith.constant 1.000000e+00 : f32
      %jit3A_1583 = arith.constant 0.000000e+00 : f32
      %broadcast_in_dim3A_1584 = vector.broadcast %jit3A_1582 : f32 to vector<16xf32>
      %broadcast_in_dim3A_1585 = vector.broadcast %jit3A_1583 : f32 to vector<16xf32>
      %select_n3A_1586 = arith.select %or3A_1581, %broadcast_in_dim3A_1584, %broadcast_in_dim3A_1585 : vector<16xi1>, vector<16xf32>
      %swap3A_1587 = arith.constant 272 : index
      %swap3A_1588 = tpu.vector_load %arg6[%swap3A_1587] {strides = array<i32>} : memref<640xf32, #tpu.memory_space<vmem>>, vector<16xf32>,
      tpu.vector_store %arg6[%swap3A_1587], %select_n3A_1586 {strides = array<i32>} : memref<640xf32, #tpu.memory_space<vmem>>, vector<16xf32>,
      %get3A_1589 = arith.constant 288 : index
      %get3A_1590 = tpu.vector_load %arg5[%get3A_1589] {strides = array<i32>} : memref<640xi32, #tpu.memory_space<vmem>>, vector<16xi32>,
      %iota3A_1591 = tpu.iota {dimensions = array<i32: 0>} : vector<16xi32>
      %add3A_1592 = arith.constant 288 : i32
      %add3A_1593 = vector.broadcast %add3A_1592 : i32 to vector<16xi32>
      %add3A_1594 = arith.addi %iota3A_1591, %add3A_1593 : vector<16xi32>
      %gt3A_1595 = arith.cmpi sgt, %get3A_1590, %scan3A_1039#0 : vector<16xi32>
      %eq3A_1596 = arith.cmpi eq, %get3A_1590, %scan3A_1039#0 : vector<16xi32>
      %le3A_1597 = arith.cmpi sle, %add3A_1594, %select_n3A_1259 : vector<16xi32>
      %and3A_1598 = arith.andi %eq3A_1596, %le3A_1597 : vector<16xi1>
      %or3A_1599 = arith.ori %gt3A_1595, %and3A_1598 : vector<16xi1>
      %jit3A_1600 = arith.constant 1.000000e+00 : f32
      %jit3A_1601 = arith.constant 0.000000e+00 : f32
      %broadcast_in_dim3A_1602 = vector.broadcast %jit3A_1600 : f32 to vector<16xf32>
      %broadcast_in_dim3A_1603 = vector.broadcast %jit3A_1601 : f32 to vector<16xf32>
      %select_n3A_1604 = arith.select %or3A_1599, %broadcast_in_dim3A_1602, %broadcast_in_dim3A_1603 : vector<16xi1>, vector<16xf32>
      %swap3A_1605 = arith.constant 288 : index
      %swap3A_1606 = tpu.vector_load %arg6[%swap3A_1605] {strides = array<i32>} : memref<640xf32, #tpu.memory_space<vmem>>, vector<16xf32>,
      tpu.vector_store %arg6[%swap3A_1605], %select_n3A_1604 {strides = array<i32>} : memref<640xf32, #tpu.memory_space<vmem>>, vector<16xf32>,
      %get3A_1607 = arith.constant 304 : index
      %get3A_1608 = tpu.vector_load %arg5[%get3A_1607] {strides = array<i32>} : memref<640xi32, #tpu.memory_space<vmem>>, vector<16xi32>,
      %iota3A_1609 = tpu.iota {dimensions = array<i32: 0>} : vector<16xi32>
      %add3A_1610 = arith.constant 304 : i32
      %add3A_1611 = vector.broadcast %add3A_1610 : i32 to vector<16xi32>
      %add3A_1612 = arith.addi %iota3A_1609, %add3A_1611 : vector<16xi32>
      %gt3A_1613 = arith.cmpi sgt, %get3A_1608, %scan3A_1039#0 : vector<16xi32>
      %eq3A_1614 = arith.cmpi eq, %get3A_1608, %scan3A_1039#0 : vector<16xi32>
      %le3A_1615 = arith.cmpi sle, %add3A_1612, %select_n3A_1259 : vector<16xi32>
      %and3A_1616 = arith.andi %eq3A_1614, %le3A_1615 : vector<16xi1>
      %or3A_1617 = arith.ori %gt3A_1613, %and3A_1616 : vector<16xi1>
      %jit3A_1618 = arith.constant 1.000000e+00 : f32
      %jit3A_1619 = arith.constant 0.000000e+00 : f32
      %broadcast_in_dim3A_1620 = vector.broadcast %jit3A_1618 : f32 to vector<16xf32>
      %broadcast_in_dim3A_1621 = vector.broadcast %jit3A_1619 : f32 to vector<16xf32>
      %select_n3A_1622 = arith.select %or3A_1617, %broadcast_in_dim3A_1620, %broadcast_in_dim3A_1621 : vector<16xi1>, vector<16xf32>
      %swap3A_1623 = arith.constant 304 : index
      %swap3A_1624 = tpu.vector_load %arg6[%swap3A_1623] {strides = array<i32>} : memref<640xf32, #tpu.memory_space<vmem>>, vector<16xf32>,
      tpu.vector_store %arg6[%swap3A_1623], %select_n3A_1622 {strides = array<i32>} : memref<640xf32, #tpu.memory_space<vmem>>, vector<16xf32>,
      %get3A_1625 = arith.constant 320 : index
      %get3A_1626 = tpu.vector_load %arg5[%get3A_1625] {strides = array<i32>} : memref<640xi32, #tpu.memory_space<vmem>>, vector<16xi32>,
      %iota3A_1627 = tpu.iota {dimensions = array<i32: 0>} : vector<16xi32>
      %add3A_1628 = arith.constant 320 : i32
      %add3A_1629 = vector.broadcast %add3A_1628 : i32 to vector<16xi32>
      %add3A_1630 = arith.addi %iota3A_1627, %add3A_1629 : vector<16xi32>
      %gt3A_1631 = arith.cmpi sgt, %get3A_1626, %scan3A_1039#0 : vector<16xi32>
      %eq3A_1632 = arith.cmpi eq, %get3A_1626, %scan3A_1039#0 : vector<16xi32>
      %le3A_1633 = arith.cmpi sle, %add3A_1630, %select_n3A_1259 : vector<16xi32>
      %and3A_1634 = arith.andi %eq3A_1632, %le3A_1633 : vector<16xi1>
      %or3A_1635 = arith.ori %gt3A_1631, %and3A_1634 : vector<16xi1>
      %jit3A_1636 = arith.constant 1.000000e+00 : f32
      %jit3A_1637 = arith.constant 0.000000e+00 : f32
      %broadcast_in_dim3A_1638 = vector.broadcast %jit3A_1636 : f32 to vector<16xf32>
      %broadcast_in_dim3A_1639 = vector.broadcast %jit3A_1637 : f32 to vector<16xf32>
      %select_n3A_1640 = arith.select %or3A_1635, %broadcast_in_dim3A_1638, %broadcast_in_dim3A_1639 : vector<16xi1>, vector<16xf32>
      %swap3A_1641 = arith.constant 320 : index
      %swap3A_1642 = tpu.vector_load %arg6[%swap3A_1641] {strides = array<i32>} : memref<640xf32, #tpu.memory_space<vmem>>, vector<16xf32>,
      tpu.vector_store %arg6[%swap3A_1641], %select_n3A_1640 {strides = array<i32>} : memref<640xf32, #tpu.memory_space<vmem>>, vector<16xf32>,
      %get3A_1643 = arith.constant 336 : index
      %get3A_1644 = tpu.vector_load %arg5[%get3A_1643] {strides = array<i32>} : memref<640xi32, #tpu.memory_space<vmem>>, vector<16xi32>,
      %iota3A_1645 = tpu.iota {dimensions = array<i32: 0>} : vector<16xi32>
      %add3A_1646 = arith.constant 336 : i32
      %add3A_1647 = vector.broadcast %add3A_1646 : i32 to vector<16xi32>
      %add3A_1648 = arith.addi %iota3A_1645, %add3A_1647 : vector<16xi32>
      %gt3A_1649 = arith.cmpi sgt, %get3A_1644, %scan3A_1039#0 : vector<16xi32>
      %eq3A_1650 = arith.cmpi eq, %get3A_1644, %scan3A_1039#0 : vector<16xi32>
      %le3A_1651 = arith.cmpi sle, %add3A_1648, %select_n3A_1259 : vector<16xi32>
      %and3A_1652 = arith.andi %eq3A_1650, %le3A_1651 : vector<16xi1>
      %or3A_1653 = arith.ori %gt3A_1649, %and3A_1652 : vector<16xi1>
      %jit3A_1654 = arith.constant 1.000000e+00 : f32
      %jit3A_1655 = arith.constant 0.000000e+00 : f32
      %broadcast_in_dim3A_1656 = vector.broadcast %jit3A_1654 : f32 to vector<16xf32>
      %broadcast_in_dim3A_1657 = vector.broadcast %jit3A_1655 : f32 to vector<16xf32>
      %select_n3A_1658 = arith.select %or3A_1653, %broadcast_in_dim3A_1656, %broadcast_in_dim3A_1657 : vector<16xi1>, vector<16xf32>
      %swap3A_1659 = arith.constant 336 : index
      %swap3A_1660 = tpu.vector_load %arg6[%swap3A_1659] {strides = array<i32>} : memref<640xf32, #tpu.memory_space<vmem>>, vector<16xf32>,
      tpu.vector_store %arg6[%swap3A_1659], %select_n3A_1658 {strides = array<i32>} : memref<640xf32, #tpu.memory_space<vmem>>, vector<16xf32>,
      %get3A_1661 = arith.constant 352 : index
      %get3A_1662 = tpu.vector_load %arg5[%get3A_1661] {strides = array<i32>} : memref<640xi32, #tpu.memory_space<vmem>>, vector<16xi32>,
      %iota3A_1663 = tpu.iota {dimensions = array<i32: 0>} : vector<16xi32>
      %add3A_1664 = arith.constant 352 : i32
      %add3A_1665 = vector.broadcast %add3A_1664 : i32 to vector<16xi32>
      %add3A_1666 = arith.addi %iota3A_1663, %add3A_1665 : vector<16xi32>
      %gt3A_1667 = arith.cmpi sgt, %get3A_1662, %scan3A_1039#0 : vector<16xi32>
      %eq3A_1668 = arith.cmpi eq, %get3A_1662, %scan3A_1039#0 : vector<16xi32>
      %le3A_1669 = arith.cmpi sle, %add3A_1666, %select_n3A_1259 : vector<16xi32>
      %and3A_1670 = arith.andi %eq3A_1668, %le3A_1669 : vector<16xi1>
      %or3A_1671 = arith.ori %gt3A_1667, %and3A_1670 : vector<16xi1>
      %jit3A_1672 = arith.constant 1.000000e+00 : f32
      %jit3A_1673 = arith.constant 0.000000e+00 : f32
      %broadcast_in_dim3A_1674 = vector.broadcast %jit3A_1672 : f32 to vector<16xf32>
      %broadcast_in_dim3A_1675 = vector.broadcast %jit3A_1673 : f32 to vector<16xf32>
      %select_n3A_1676 = arith.select %or3A_1671, %broadcast_in_dim3A_1674, %broadcast_in_dim3A_1675 : vector<16xi1>, vector<16xf32>
      %swap3A_1677 = arith.constant 352 : index
      %swap3A_1678 = tpu.vector_load %arg6[%swap3A_1677] {strides = array<i32>} : memref<640xf32, #tpu.memory_space<vmem>>, vector<16xf32>,
      tpu.vector_store %arg6[%swap3A_1677], %select_n3A_1676 {strides = array<i32>} : memref<640xf32, #tpu.memory_space<vmem>>, vector<16xf32>,
      %get3A_1679 = arith.constant 368 : index
      %get3A_1680 = tpu.vector_load %arg5[%get3A_1679] {strides = array<i32>} : memref<640xi32, #tpu.memory_space<vmem>>, vector<16xi32>,
      %iota3A_1681 = tpu.iota {dimensions = array<i32: 0>} : vector<16xi32>
      %add3A_1682 = arith.constant 368 : i32
      %add3A_1683 = vector.broadcast %add3A_1682 : i32 to vector<16xi32>
      %add3A_1684 = arith.addi %iota3A_1681, %add3A_1683 : vector<16xi32>
      %gt3A_1685 = arith.cmpi sgt, %get3A_1680, %scan3A_1039#0 : vector<16xi32>
      %eq3A_1686 = arith.cmpi eq, %get3A_1680, %scan3A_1039#0 : vector<16xi32>
      %le3A_1687 = arith.cmpi sle, %add3A_1684, %select_n3A_1259 : vector<16xi32>
      %and3A_1688 = arith.andi %eq3A_1686, %le3A_1687 : vector<16xi1>
      %or3A_1689 = arith.ori %gt3A_1685, %and3A_1688 : vector<16xi1>
      %jit3A_1690 = arith.constant 1.000000e+00 : f32
      %jit3A_1691 = arith.constant 0.000000e+00 : f32
      %broadcast_in_dim3A_1692 = vector.broadcast %jit3A_1690 : f32 to vector<16xf32>
      %broadcast_in_dim3A_1693 = vector.broadcast %jit3A_1691 : f32 to vector<16xf32>
      %select_n3A_1694 = arith.select %or3A_1689, %broadcast_in_dim3A_1692, %broadcast_in_dim3A_1693 : vector<16xi1>, vector<16xf32>
      %swap3A_1695 = arith.constant 368 : index
      %swap3A_1696 = tpu.vector_load %arg6[%swap3A_1695] {strides = array<i32>} : memref<640xf32, #tpu.memory_space<vmem>>, vector<16xf32>,
      tpu.vector_store %arg6[%swap3A_1695], %select_n3A_1694 {strides = array<i32>} : memref<640xf32, #tpu.memory_space<vmem>>, vector<16xf32>,
      %get3A_1697 = arith.constant 384 : index
      %get3A_1698 = tpu.vector_load %arg5[%get3A_1697] {strides = array<i32>} : memref<640xi32, #tpu.memory_space<vmem>>, vector<16xi32>,
      %iota3A_1699 = tpu.iota {dimensions = array<i32: 0>} : vector<16xi32>
      %add3A_1700 = arith.constant 384 : i32
      %add3A_1701 = vector.broadcast %add3A_1700 : i32 to vector<16xi32>
      %add3A_1702 = arith.addi %iota3A_1699, %add3A_1701 : vector<16xi32>
      %gt3A_1703 = arith.cmpi sgt, %get3A_1698, %scan3A_1039#0 : vector<16xi32>
      %eq3A_1704 = arith.cmpi eq, %get3A_1698, %scan3A_1039#0 : vector<16xi32>
      %le3A_1705 = arith.cmpi sle, %add3A_1702, %select_n3A_1259 : vector<16xi32>
      %and3A_1706 = arith.andi %eq3A_1704, %le3A_1705 : vector<16xi1>
      %or3A_1707 = arith.ori %gt3A_1703, %and3A_1706 : vector<16xi1>
      %jit3A_1708 = arith.constant 1.000000e+00 : f32
      %jit3A_1709 = arith.constant 0.000000e+00 : f32
      %broadcast_in_dim3A_1710 = vector.broadcast %jit3A_1708 : f32 to vector<16xf32>
      %broadcast_in_dim3A_1711 = vector.broadcast %jit3A_1709 : f32 to vector<16xf32>
      %select_n3A_1712 = arith.select %or3A_1707, %broadcast_in_dim3A_1710, %broadcast_in_dim3A_1711 : vector<16xi1>, vector<16xf32>
      %swap3A_1713 = arith.constant 384 : index
      %swap3A_1714 = tpu.vector_load %arg6[%swap3A_1713] {strides = array<i32>} : memref<640xf32, #tpu.memory_space<vmem>>, vector<16xf32>,
      tpu.vector_store %arg6[%swap3A_1713], %select_n3A_1712 {strides = array<i32>} : memref<640xf32, #tpu.memory_space<vmem>>, vector<16xf32>,
      %get3A_1715 = arith.constant 400 : index
      %get3A_1716 = tpu.vector_load %arg5[%get3A_1715] {strides = array<i32>} : memref<640xi32, #tpu.memory_space<vmem>>, vector<16xi32>,
      %iota3A_1717 = tpu.iota {dimensions = array<i32: 0>} : vector<16xi32>
      %add3A_1718 = arith.constant 400 : i32
      %add3A_1719 = vector.broadcast %add3A_1718 : i32 to vector<16xi32>
      %add3A_1720 = arith.addi %iota3A_1717, %add3A_1719 : vector<16xi32>
      %gt3A_1721 = arith.cmpi sgt, %get3A_1716, %scan3A_1039#0 : vector<16xi32>
      %eq3A_1722 = arith.cmpi eq, %get3A_1716, %scan3A_1039#0 : vector<16xi32>
      %le3A_1723 = arith.cmpi sle, %add3A_1720, %select_n3A_1259 : vector<16xi32>
      %and3A_1724 = arith.andi %eq3A_1722, %le3A_1723 : vector<16xi1>
      %or3A_1725 = arith.ori %gt3A_1721, %and3A_1724 : vector<16xi1>
      %jit3A_1726 = arith.constant 1.000000e+00 : f32
      %jit3A_1727 = arith.constant 0.000000e+00 : f32
      %broadcast_in_dim3A_1728 = vector.broadcast %jit3A_1726 : f32 to vector<16xf32>
      %broadcast_in_dim3A_1729 = vector.broadcast %jit3A_1727 : f32 to vector<16xf32>
      %select_n3A_1730 = arith.select %or3A_1725, %broadcast_in_dim3A_1728, %broadcast_in_dim3A_1729 : vector<16xi1>, vector<16xf32>
      %swap3A_1731 = arith.constant 400 : index
      %swap3A_1732 = tpu.vector_load %arg6[%swap3A_1731] {strides = array<i32>} : memref<640xf32, #tpu.memory_space<vmem>>, vector<16xf32>,
      tpu.vector_store %arg6[%swap3A_1731], %select_n3A_1730 {strides = array<i32>} : memref<640xf32, #tpu.memory_space<vmem>>, vector<16xf32>,
      %get3A_1733 = arith.constant 416 : index
      %get3A_1734 = tpu.vector_load %arg5[%get3A_1733] {strides = array<i32>} : memref<640xi32, #tpu.memory_space<vmem>>, vector<16xi32>,
      %iota3A_1735 = tpu.iota {dimensions = array<i32: 0>} : vector<16xi32>
      %add3A_1736 = arith.constant 416 : i32
      %add3A_1737 = vector.broadcast %add3A_1736 : i32 to vector<16xi32>
      %add3A_1738 = arith.addi %iota3A_1735, %add3A_1737 : vector<16xi32>
      %gt3A_1739 = arith.cmpi sgt, %get3A_1734, %scan3A_1039#0 : vector<16xi32>
      %eq3A_1740 = arith.cmpi eq, %get3A_1734, %scan3A_1039#0 : vector<16xi32>
      %le3A_1741 = arith.cmpi sle, %add3A_1738, %select_n3A_1259 : vector<16xi32>
      %and3A_1742 = arith.andi %eq3A_1740, %le3A_1741 : vector<16xi1>
      %or3A_1743 = arith.ori %gt3A_1739, %and3A_1742 : vector<16xi1>
      %jit3A_1744 = arith.constant 1.000000e+00 : f32
      %jit3A_1745 = arith.constant 0.000000e+00 : f32
      %broadcast_in_dim3A_1746 = vector.broadcast %jit3A_1744 : f32 to vector<16xf32>
      %broadcast_in_dim3A_1747 = vector.broadcast %jit3A_1745 : f32 to vector<16xf32>
      %select_n3A_1748 = arith.select %or3A_1743, %broadcast_in_dim3A_1746, %broadcast_in_dim3A_1747 : vector<16xi1>, vector<16xf32>
      %swap3A_1749 = arith.constant 416 : index
      %swap3A_1750 = tpu.vector_load %arg6[%swap3A_1749] {strides = array<i32>} : memref<640xf32, #tpu.memory_space<vmem>>, vector<16xf32>,
      tpu.vector_store %arg6[%swap3A_1749], %select_n3A_1748 {strides = array<i32>} : memref<640xf32, #tpu.memory_space<vmem>>, vector<16xf32>,
      %get3A_1751 = arith.constant 432 : index
      %get3A_1752 = tpu.vector_load %arg5[%get3A_1751] {strides = array<i32>} : memref<640xi32, #tpu.memory_space<vmem>>, vector<16xi32>,
      %iota3A_1753 = tpu.iota {dimensions = array<i32: 0>} : vector<16xi32>
      %add3A_1754 = arith.constant 432 : i32
      %add3A_1755 = vector.broadcast %add3A_1754 : i32 to vector<16xi32>
      %add3A_1756 = arith.addi %iota3A_1753, %add3A_1755 : vector<16xi32>
      %gt3A_1757 = arith.cmpi sgt, %get3A_1752, %scan3A_1039#0 : vector<16xi32>
      %eq3A_1758 = arith.cmpi eq, %get3A_1752, %scan3A_1039#0 : vector<16xi32>
      %le3A_1759 = arith.cmpi sle, %add3A_1756, %select_n3A_1259 : vector<16xi32>
      %and3A_1760 = arith.andi %eq3A_1758, %le3A_1759 : vector<16xi1>
      %or3A_1761 = arith.ori %gt3A_1757, %and3A_1760 : vector<16xi1>
      %jit3A_1762 = arith.constant 1.000000e+00 : f32
      %jit3A_1763 = arith.constant 0.000000e+00 : f32
      %broadcast_in_dim3A_1764 = vector.broadcast %jit3A_1762 : f32 to vector<16xf32>
      %broadcast_in_dim3A_1765 = vector.broadcast %jit3A_1763 : f32 to vector<16xf32>
      %select_n3A_1766 = arith.select %or3A_1761, %broadcast_in_dim3A_1764, %broadcast_in_dim3A_1765 : vector<16xi1>, vector<16xf32>
      %swap3A_1767 = arith.constant 432 : index
      %swap3A_1768 = tpu.vector_load %arg6[%swap3A_1767] {strides = array<i32>} : memref<640xf32, #tpu.memory_space<vmem>>, vector<16xf32>,
      tpu.vector_store %arg6[%swap3A_1767], %select_n3A_1766 {strides = array<i32>} : memref<640xf32, #tpu.memory_space<vmem>>, vector<16xf32>,
      %get3A_1769 = arith.constant 448 : index
      %get3A_1770 = tpu.vector_load %arg5[%get3A_1769] {strides = array<i32>} : memref<640xi32, #tpu.memory_space<vmem>>, vector<16xi32>,
      %iota3A_1771 = tpu.iota {dimensions = array<i32: 0>} : vector<16xi32>
      %add3A_1772 = arith.constant 448 : i32
      %add3A_1773 = vector.broadcast %add3A_1772 : i32 to vector<16xi32>
      %add3A_1774 = arith.addi %iota3A_1771, %add3A_1773 : vector<16xi32>
      %gt3A_1775 = arith.cmpi sgt, %get3A_1770, %scan3A_1039#0 : vector<16xi32>
      %eq3A_1776 = arith.cmpi eq, %get3A_1770, %scan3A_1039#0 : vector<16xi32>
      %le3A_1777 = arith.cmpi sle, %add3A_1774, %select_n3A_1259 : vector<16xi32>
      %and3A_1778 = arith.andi %eq3A_1776, %le3A_1777 : vector<16xi1>
      %or3A_1779 = arith.ori %gt3A_1775, %and3A_1778 : vector<16xi1>
      %jit3A_1780 = arith.constant 1.000000e+00 : f32
      %jit3A_1781 = arith.constant 0.000000e+00 : f32
      %broadcast_in_dim3A_1782 = vector.broadcast %jit3A_1780 : f32 to vector<16xf32>
      %broadcast_in_dim3A_1783 = vector.broadcast %jit3A_1781 : f32 to vector<16xf32>
      %select_n3A_1784 = arith.select %or3A_1779, %broadcast_in_dim3A_1782, %broadcast_in_dim3A_1783 : vector<16xi1>, vector<16xf32>
      %swap3A_1785 = arith.constant 448 : index
      %swap3A_1786 = tpu.vector_load %arg6[%swap3A_1785] {strides = array<i32>} : memref<640xf32, #tpu.memory_space<vmem>>, vector<16xf32>,
      tpu.vector_store %arg6[%swap3A_1785], %select_n3A_1784 {strides = array<i32>} : memref<640xf32, #tpu.memory_space<vmem>>, vector<16xf32>,
      %get3A_1787 = arith.constant 464 : index
      %get3A_1788 = tpu.vector_load %arg5[%get3A_1787] {strides = array<i32>} : memref<640xi32, #tpu.memory_space<vmem>>, vector<16xi32>,
      %iota3A_1789 = tpu.iota {dimensions = array<i32: 0>} : vector<16xi32>
      %add3A_1790 = arith.constant 464 : i32
      %add3A_1791 = vector.broadcast %add3A_1790 : i32 to vector<16xi32>
      %add3A_1792 = arith.addi %iota3A_1789, %add3A_1791 : vector<16xi32>
      %gt3A_1793 = arith.cmpi sgt, %get3A_1788, %scan3A_1039#0 : vector<16xi32>
      %eq3A_1794 = arith.cmpi eq, %get3A_1788, %scan3A_1039#0 : vector<16xi32>
      %le3A_1795 = arith.cmpi sle, %add3A_1792, %select_n3A_1259 : vector<16xi32>
      %and3A_1796 = arith.andi %eq3A_1794, %le3A_1795 : vector<16xi1>
      %or3A_1797 = arith.ori %gt3A_1793, %and3A_1796 : vector<16xi1>
      %jit3A_1798 = arith.constant 1.000000e+00 : f32
      %jit3A_1799 = arith.constant 0.000000e+00 : f32
      %broadcast_in_dim3A_1800 = vector.broadcast %jit3A_1798 : f32 to vector<16xf32>
      %broadcast_in_dim3A_1801 = vector.broadcast %jit3A_1799 : f32 to vector<16xf32>
      %select_n3A_1802 = arith.select %or3A_1797, %broadcast_in_dim3A_1800, %broadcast_in_dim3A_1801 : vector<16xi1>, vector<16xf32>
      %swap3A_1803 = arith.constant 464 : index
      %swap3A_1804 = tpu.vector_load %arg6[%swap3A_1803] {strides = array<i32>} : memref<640xf32, #tpu.memory_space<vmem>>, vector<16xf32>,
      tpu.vector_store %arg6[%swap3A_1803], %select_n3A_1802 {strides = array<i32>} : memref<640xf32, #tpu.memory_space<vmem>>, vector<16xf32>,
      %get3A_1805 = arith.constant 480 : index
      %get3A_1806 = tpu.vector_load %arg5[%get3A_1805] {strides = array<i32>} : memref<640xi32, #tpu.memory_space<vmem>>, vector<16xi32>,
      %iota3A_1807 = tpu.iota {dimensions = array<i32: 0>} : vector<16xi32>
      %add3A_1808 = arith.constant 480 : i32
      %add3A_1809 = vector.broadcast %add3A_1808 : i32 to vector<16xi32>
      %add3A_1810 = arith.addi %iota3A_1807, %add3A_1809 : vector<16xi32>
      %gt3A_1811 = arith.cmpi sgt, %get3A_1806, %scan3A_1039#0 : vector<16xi32>
      %eq3A_1812 = arith.cmpi eq, %get3A_1806, %scan3A_1039#0 : vector<16xi32>
      %le3A_1813 = arith.cmpi sle, %add3A_1810, %select_n3A_1259 : vector<16xi32>
      %and3A_1814 = arith.andi %eq3A_1812, %le3A_1813 : vector<16xi1>
      %or3A_1815 = arith.ori %gt3A_1811, %and3A_1814 : vector<16xi1>
      %jit3A_1816 = arith.constant 1.000000e+00 : f32
      %jit3A_1817 = arith.constant 0.000000e+00 : f32
      %broadcast_in_dim3A_1818 = vector.broadcast %jit3A_1816 : f32 to vector<16xf32>
      %broadcast_in_dim3A_1819 = vector.broadcast %jit3A_1817 : f32 to vector<16xf32>
      %select_n3A_1820 = arith.select %or3A_1815, %broadcast_in_dim3A_1818, %broadcast_in_dim3A_1819 : vector<16xi1>, vector<16xf32>
      %swap3A_1821 = arith.constant 480 : index
      %swap3A_1822 = tpu.vector_load %arg6[%swap3A_1821] {strides = array<i32>} : memref<640xf32, #tpu.memory_space<vmem>>, vector<16xf32>,
      tpu.vector_store %arg6[%swap3A_1821], %select_n3A_1820 {strides = array<i32>} : memref<640xf32, #tpu.memory_space<vmem>>, vector<16xf32>,
      %get3A_1823 = arith.constant 496 : index
      %get3A_1824 = tpu.vector_load %arg5[%get3A_1823] {strides = array<i32>} : memref<640xi32, #tpu.memory_space<vmem>>, vector<16xi32>,
      %iota3A_1825 = tpu.iota {dimensions = array<i32: 0>} : vector<16xi32>
      %add3A_1826 = arith.constant 496 : i32
      %add3A_1827 = vector.broadcast %add3A_1826 : i32 to vector<16xi32>
      %add3A_1828 = arith.addi %iota3A_1825, %add3A_1827 : vector<16xi32>
      %gt3A_1829 = arith.cmpi sgt, %get3A_1824, %scan3A_1039#0 : vector<16xi32>
      %eq3A_1830 = arith.cmpi eq, %get3A_1824, %scan3A_1039#0 : vector<16xi32>
      %le3A_1831 = arith.cmpi sle, %add3A_1828, %select_n3A_1259 : vector<16xi32>
      %and3A_1832 = arith.andi %eq3A_1830, %le3A_1831 : vector<16xi1>
      %or3A_1833 = arith.ori %gt3A_1829, %and3A_1832 : vector<16xi1>
      %jit3A_1834 = arith.constant 1.000000e+00 : f32
      %jit3A_1835 = arith.constant 0.000000e+00 : f32
      %broadcast_in_dim3A_1836 = vector.broadcast %jit3A_1834 : f32 to vector<16xf32>
      %broadcast_in_dim3A_1837 = vector.broadcast %jit3A_1835 : f32 to vector<16xf32>
      %select_n3A_1838 = arith.select %or3A_1833, %broadcast_in_dim3A_1836, %broadcast_in_dim3A_1837 : vector<16xi1>, vector<16xf32>
      %swap3A_1839 = arith.constant 496 : index
      %swap3A_1840 = tpu.vector_load %arg6[%swap3A_1839] {strides = array<i32>} : memref<640xf32, #tpu.memory_space<vmem>>, vector<16xf32>,
      tpu.vector_store %arg6[%swap3A_1839], %select_n3A_1838 {strides = array<i32>} : memref<640xf32, #tpu.memory_space<vmem>>, vector<16xf32>,
      %get3A_1841 = arith.constant 512 : index
      %get3A_1842 = tpu.vector_load %arg5[%get3A_1841] {strides = array<i32>} : memref<640xi32, #tpu.memory_space<vmem>>, vector<16xi32>,
      %iota3A_1843 = tpu.iota {dimensions = array<i32: 0>} : vector<16xi32>
      %add3A_1844 = arith.constant 512 : i32
      %add3A_1845 = vector.broadcast %add3A_1844 : i32 to vector<16xi32>
      %add3A_1846 = arith.addi %iota3A_1843, %add3A_1845 : vector<16xi32>
      %gt3A_1847 = arith.cmpi sgt, %get3A_1842, %scan3A_1039#0 : vector<16xi32>
      %eq3A_1848 = arith.cmpi eq, %get3A_1842, %scan3A_1039#0 : vector<16xi32>
      %le3A_1849 = arith.cmpi sle, %add3A_1846, %select_n3A_1259 : vector<16xi32>
      %and3A_1850 = arith.andi %eq3A_1848, %le3A_1849 : vector<16xi1>
      %or3A_1851 = arith.ori %gt3A_1847, %and3A_1850 : vector<16xi1>
      %jit3A_1852 = arith.constant 1.000000e+00 : f32
      %jit3A_1853 = arith.constant 0.000000e+00 : f32
      %broadcast_in_dim3A_1854 = vector.broadcast %jit3A_1852 : f32 to vector<16xf32>
      %broadcast_in_dim3A_1855 = vector.broadcast %jit3A_1853 : f32 to vector<16xf32>
      %select_n3A_1856 = arith.select %or3A_1851, %broadcast_in_dim3A_1854, %broadcast_in_dim3A_1855 : vector<16xi1>, vector<16xf32>
      %swap3A_1857 = arith.constant 512 : index
      %swap3A_1858 = tpu.vector_load %arg6[%swap3A_1857] {strides = array<i32>} : memref<640xf32, #tpu.memory_space<vmem>>, vector<16xf32>,
      tpu.vector_store %arg6[%swap3A_1857], %select_n3A_1856 {strides = array<i32>} : memref<640xf32, #tpu.memory_space<vmem>>, vector<16xf32>,
      %get3A_1859 = arith.constant 528 : index
      %get3A_1860 = tpu.vector_load %arg5[%get3A_1859] {strides = array<i32>} : memref<640xi32, #tpu.memory_space<vmem>>, vector<16xi32>,
      %iota3A_1861 = tpu.iota {dimensions = array<i32: 0>} : vector<16xi32>
      %add3A_1862 = arith.constant 528 : i32
      %add3A_1863 = vector.broadcast %add3A_1862 : i32 to vector<16xi32>
      %add3A_1864 = arith.addi %iota3A_1861, %add3A_1863 : vector<16xi32>
      %gt3A_1865 = arith.cmpi sgt, %get3A_1860, %scan3A_1039#0 : vector<16xi32>
      %eq3A_1866 = arith.cmpi eq, %get3A_1860, %scan3A_1039#0 : vector<16xi32>
      %le3A_1867 = arith.cmpi sle, %add3A_1864, %select_n3A_1259 : vector<16xi32>
      %and3A_1868 = arith.andi %eq3A_1866, %le3A_1867 : vector<16xi1>
      %or3A_1869 = arith.ori %gt3A_1865, %and3A_1868 : vector<16xi1>
      %jit3A_1870 = arith.constant 1.000000e+00 : f32
      %jit3A_1871 = arith.constant 0.000000e+00 : f32
      %broadcast_in_dim3A_1872 = vector.broadcast %jit3A_1870 : f32 to vector<16xf32>
      %broadcast_in_dim3A_1873 = vector.broadcast %jit3A_1871 : f32 to vector<16xf32>
      %select_n3A_1874 = arith.select %or3A_1869, %broadcast_in_dim3A_1872, %broadcast_in_dim3A_1873 : vector<16xi1>, vector<16xf32>
      %swap3A_1875 = arith.constant 528 : index
      %swap3A_1876 = tpu.vector_load %arg6[%swap3A_1875] {strides = array<i32>} : memref<640xf32, #tpu.memory_space<vmem>>, vector<16xf32>,
      tpu.vector_store %arg6[%swap3A_1875], %select_n3A_1874 {strides = array<i32>} : memref<640xf32, #tpu.memory_space<vmem>>, vector<16xf32>,
      %get3A_1877 = arith.constant 544 : index
      %get3A_1878 = tpu.vector_load %arg5[%get3A_1877] {strides = array<i32>} : memref<640xi32, #tpu.memory_space<vmem>>, vector<16xi32>,
      %iota3A_1879 = tpu.iota {dimensions = array<i32: 0>} : vector<16xi32>
      %add3A_1880 = arith.constant 544 : i32
      %add3A_1881 = vector.broadcast %add3A_1880 : i32 to vector<16xi32>
      %add3A_1882 = arith.addi %iota3A_1879, %add3A_1881 : vector<16xi32>
      %gt3A_1883 = arith.cmpi sgt, %get3A_1878, %scan3A_1039#0 : vector<16xi32>
      %eq3A_1884 = arith.cmpi eq, %get3A_1878, %scan3A_1039#0 : vector<16xi32>
      %le3A_1885 = arith.cmpi sle, %add3A_1882, %select_n3A_1259 : vector<16xi32>
      %and3A_1886 = arith.andi %eq3A_1884, %le3A_1885 : vector<16xi1>
      %or3A_1887 = arith.ori %gt3A_1883, %and3A_1886 : vector<16xi1>
      %jit3A_1888 = arith.constant 1.000000e+00 : f32
      %jit3A_1889 = arith.constant 0.000000e+00 : f32
      %broadcast_in_dim3A_1890 = vector.broadcast %jit3A_1888 : f32 to vector<16xf32>
      %broadcast_in_dim3A_1891 = vector.broadcast %jit3A_1889 : f32 to vector<16xf32>
      %select_n3A_1892 = arith.select %or3A_1887, %broadcast_in_dim3A_1890, %broadcast_in_dim3A_1891 : vector<16xi1>, vector<16xf32>
      %swap3A_1893 = arith.constant 544 : index
      %swap3A_1894 = tpu.vector_load %arg6[%swap3A_1893] {strides = array<i32>} : memref<640xf32, #tpu.memory_space<vmem>>, vector<16xf32>,
      tpu.vector_store %arg6[%swap3A_1893], %select_n3A_1892 {strides = array<i32>} : memref<640xf32, #tpu.memory_space<vmem>>, vector<16xf32>,
      %get3A_1895 = arith.constant 560 : index
      %get3A_1896 = tpu.vector_load %arg5[%get3A_1895] {strides = array<i32>} : memref<640xi32, #tpu.memory_space<vmem>>, vector<16xi32>,
      %iota3A_1897 = tpu.iota {dimensions = array<i32: 0>} : vector<16xi32>
      %add3A_1898 = arith.constant 560 : i32
      %add3A_1899 = vector.broadcast %add3A_1898 : i32 to vector<16xi32>
      %add3A_1900 = arith.addi %iota3A_1897, %add3A_1899 : vector<16xi32>
      %gt3A_1901 = arith.cmpi sgt, %get3A_1896, %scan3A_1039#0 : vector<16xi32>
      %eq3A_1902 = arith.cmpi eq, %get3A_1896, %scan3A_1039#0 : vector<16xi32>
      %le3A_1903 = arith.cmpi sle, %add3A_1900, %select_n3A_1259 : vector<16xi32>
      %and3A_1904 = arith.andi %eq3A_1902, %le3A_1903 : vector<16xi1>
      %or3A_1905 = arith.ori %gt3A_1901, %and3A_1904 : vector<16xi1>
      %jit3A_1906 = arith.constant 1.000000e+00 : f32
      %jit3A_1907 = arith.constant 0.000000e+00 : f32
      %broadcast_in_dim3A_1908 = vector.broadcast %jit3A_1906 : f32 to vector<16xf32>
      %broadcast_in_dim3A_1909 = vector.broadcast %jit3A_1907 : f32 to vector<16xf32>
      %select_n3A_1910 = arith.select %or3A_1905, %broadcast_in_dim3A_1908, %broadcast_in_dim3A_1909 : vector<16xi1>, vector<16xf32>
      %swap3A_1911 = arith.constant 560 : index
      %swap3A_1912 = tpu.vector_load %arg6[%swap3A_1911] {strides = array<i32>} : memref<640xf32, #tpu.memory_space<vmem>>, vector<16xf32>,
      tpu.vector_store %arg6[%swap3A_1911], %select_n3A_1910 {strides = array<i32>} : memref<640xf32, #tpu.memory_space<vmem>>, vector<16xf32>,
      %get3A_1913 = arith.constant 576 : index
      %get3A_1914 = tpu.vector_load %arg5[%get3A_1913] {strides = array<i32>} : memref<640xi32, #tpu.memory_space<vmem>>, vector<16xi32>,
      %iota3A_1915 = tpu.iota {dimensions = array<i32: 0>} : vector<16xi32>
      %add3A_1916 = arith.constant 576 : i32
      %add3A_1917 = vector.broadcast %add3A_1916 : i32 to vector<16xi32>
      %add3A_1918 = arith.addi %iota3A_1915, %add3A_1917 : vector<16xi32>
      %gt3A_1919 = arith.cmpi sgt, %get3A_1914, %scan3A_1039#0 : vector<16xi32>
      %eq3A_1920 = arith.cmpi eq, %get3A_1914, %scan3A_1039#0 : vector<16xi32>
      %le3A_1921 = arith.cmpi sle, %add3A_1918, %select_n3A_1259 : vector<16xi32>
      %and3A_1922 = arith.andi %eq3A_1920, %le3A_1921 : vector<16xi1>
      %or3A_1923 = arith.ori %gt3A_1919, %and3A_1922 : vector<16xi1>
      %jit3A_1924 = arith.constant 1.000000e+00 : f32
      %jit3A_1925 = arith.constant 0.000000e+00 : f32
      %broadcast_in_dim3A_1926 = vector.broadcast %jit3A_1924 : f32 to vector<16xf32>
      %broadcast_in_dim3A_1927 = vector.broadcast %jit3A_1925 : f32 to vector<16xf32>
      %select_n3A_1928 = arith.select %or3A_1923, %broadcast_in_dim3A_1926, %broadcast_in_dim3A_1927 : vector<16xi1>, vector<16xf32>
      %swap3A_1929 = arith.constant 576 : index
      %swap3A_1930 = tpu.vector_load %arg6[%swap3A_1929] {strides = array<i32>} : memref<640xf32, #tpu.memory_space<vmem>>, vector<16xf32>,
      tpu.vector_store %arg6[%swap3A_1929], %select_n3A_1928 {strides = array<i32>} : memref<640xf32, #tpu.memory_space<vmem>>, vector<16xf32>,
      %get3A_1931 = arith.constant 592 : index
      %get3A_1932 = tpu.vector_load %arg5[%get3A_1931] {strides = array<i32>} : memref<640xi32, #tpu.memory_space<vmem>>, vector<16xi32>,
      %iota3A_1933 = tpu.iota {dimensions = array<i32: 0>} : vector<16xi32>
      %add3A_1934 = arith.constant 592 : i32
      %add3A_1935 = vector.broadcast %add3A_1934 : i32 to vector<16xi32>
      %add3A_1936 = arith.addi %iota3A_1933, %add3A_1935 : vector<16xi32>
      %gt3A_1937 = arith.cmpi sgt, %get3A_1932, %scan3A_1039#0 : vector<16xi32>
      %eq3A_1938 = arith.cmpi eq, %get3A_1932, %scan3A_1039#0 : vector<16xi32>
      %le3A_1939 = arith.cmpi sle, %add3A_1936, %select_n3A_1259 : vector<16xi32>
      %and3A_1940 = arith.andi %eq3A_1938, %le3A_1939 : vector<16xi1>
      %or3A_1941 = arith.ori %gt3A_1937, %and3A_1940 : vector<16xi1>
      %jit3A_1942 = arith.constant 1.000000e+00 : f32
      %jit3A_1943 = arith.constant 0.000000e+00 : f32
      %broadcast_in_dim3A_1944 = vector.broadcast %jit3A_1942 : f32 to vector<16xf32>
      %broadcast_in_dim3A_1945 = vector.broadcast %jit3A_1943 : f32 to vector<16xf32>
      %select_n3A_1946 = arith.select %or3A_1941, %broadcast_in_dim3A_1944, %broadcast_in_dim3A_1945 : vector<16xi1>, vector<16xf32>
      %swap3A_1947 = arith.constant 592 : index
      %swap3A_1948 = tpu.vector_load %arg6[%swap3A_1947] {strides = array<i32>} : memref<640xf32, #tpu.memory_space<vmem>>, vector<16xf32>,
      tpu.vector_store %arg6[%swap3A_1947], %select_n3A_1946 {strides = array<i32>} : memref<640xf32, #tpu.memory_space<vmem>>, vector<16xf32>,
      %get3A_1949 = arith.constant 608 : index
      %get3A_1950 = tpu.vector_load %arg5[%get3A_1949] {strides = array<i32>} : memref<640xi32, #tpu.memory_space<vmem>>, vector<16xi32>,
      %iota3A_1951 = tpu.iota {dimensions = array<i32: 0>} : vector<16xi32>
      %add3A_1952 = arith.constant 608 : i32
      %add3A_1953 = vector.broadcast %add3A_1952 : i32 to vector<16xi32>
      %add3A_1954 = arith.addi %iota3A_1951, %add3A_1953 : vector<16xi32>
      %gt3A_1955 = arith.cmpi sgt, %get3A_1950, %scan3A_1039#0 : vector<16xi32>
      %eq3A_1956 = arith.cmpi eq, %get3A_1950, %scan3A_1039#0 : vector<16xi32>
      %le3A_1957 = arith.cmpi sle, %add3A_1954, %select_n3A_1259 : vector<16xi32>
      %and3A_1958 = arith.andi %eq3A_1956, %le3A_1957 : vector<16xi1>
      %or3A_1959 = arith.ori %gt3A_1955, %and3A_1958 : vector<16xi1>
      %jit3A_1960 = arith.constant 1.000000e+00 : f32
      %jit3A_1961 = arith.constant 0.000000e+00 : f32
      %broadcast_in_dim3A_1962 = vector.broadcast %jit3A_1960 : f32 to vector<16xf32>
      %broadcast_in_dim3A_1963 = vector.broadcast %jit3A_1961 : f32 to vector<16xf32>
      %select_n3A_1964 = arith.select %or3A_1959, %broadcast_in_dim3A_1962, %broadcast_in_dim3A_1963 : vector<16xi1>, vector<16xf32>
      %swap3A_1965 = arith.constant 608 : index
      %swap3A_1966 = tpu.vector_load %arg6[%swap3A_1965] {strides = array<i32>} : memref<640xf32, #tpu.memory_space<vmem>>, vector<16xf32>,
      tpu.vector_store %arg6[%swap3A_1965], %select_n3A_1964 {strides = array<i32>} : memref<640xf32, #tpu.memory_space<vmem>>, vector<16xf32>,
      %get3A_1967 = arith.constant 624 : index
      %get3A_1968 = tpu.vector_load %arg5[%get3A_1967] {strides = array<i32>} : memref<640xi32, #tpu.memory_space<vmem>>, vector<16xi32>,
      %iota3A_1969 = tpu.iota {dimensions = array<i32: 0>} : vector<16xi32>
      %add3A_1970 = arith.constant 624 : i32
      %add3A_1971 = vector.broadcast %add3A_1970 : i32 to vector<16xi32>
      %add3A_1972 = arith.addi %iota3A_1969, %add3A_1971 : vector<16xi32>
      %gt3A_1973 = arith.cmpi sgt, %get3A_1968, %scan3A_1039#0 : vector<16xi32>
      %eq3A_1974 = arith.cmpi eq, %get3A_1968, %scan3A_1039#0 : vector<16xi32>
      %le3A_1975 = arith.cmpi sle, %add3A_1972, %select_n3A_1259 : vector<16xi32>
      %and3A_1976 = arith.andi %eq3A_1974, %le3A_1975 : vector<16xi1>
      %or3A_1977 = arith.ori %gt3A_1973, %and3A_1976 : vector<16xi1>
      %jit3A_1978 = arith.constant 1.000000e+00 : f32
      %jit3A_1979 = arith.constant 0.000000e+00 : f32
      %broadcast_in_dim3A_1980 = vector.broadcast %jit3A_1978 : f32 to vector<16xf32>
      %broadcast_in_dim3A_1981 = vector.broadcast %jit3A_1979 : f32 to vector<16xf32>
      %select_n3A_1982 = arith.select %or3A_1977, %broadcast_in_dim3A_1980, %broadcast_in_dim3A_1981 : vector<16xi1>, vector<16xf32>
      %swap3A_1983 = arith.constant 624 : index
      %swap3A_1984 = tpu.vector_load %arg6[%swap3A_1983] {strides = array<i32>} : memref<640xf32, #tpu.memory_space<vmem>>, vector<16xf32>,
      tpu.vector_store %arg6[%swap3A_1983], %select_n3A_1982 {strides = array<i32>} : memref<640xf32, #tpu.memory_space<vmem>>, vector<16xf32>,
      %run_scoped3A_1985 = arith.constant 0 : i32
      "tpu.region"() ({
        %run_scoped3A_1986 = tpu.sem_alloc : memref<!tpu.dma_semaphore, #tpu.memory_space<semaphore_mem>>
        %dma_start3A = arith.constant 0 : i32
        %dma_start3A_1987 = tpu.memref_slice %arg3[%add3A, %run_scoped3A_1985, %dma_start3A] : memref<8x1x640xf32, #tpu.memory_space<hbm>> -> memref<1x1x640xf32, #tpu.memory_space<hbm>>
        %dma_start3A_1988 = tpu.memref_squeeze %dma_start3A_1987 : memref<1x1x640xf32, #tpu.memory_space<hbm>> -> memref<640xf32, #tpu.memory_space<hbm>>
        %dma_start3A_1989 = arith.constant 0 : i32
        %dma_start3A_1990 = tpu.memref_slice %arg3[%add3A, %run_scoped3A_1985, %dma_start3A_1989] : memref<8x1x640xf32, #tpu.memory_space<hbm>> -> memref<1x1x640xf32, #tpu.memory_space<hbm>>
        %dma_start3A_1991 = tpu.memref_squeeze %dma_start3A_1990 : memref<1x1x640xf32, #tpu.memory_space<hbm>> -> memref<640xf32, #tpu.memory_space<hbm>>
        tpu.enqueue_dma source(%arg6 : memref<640xf32, #tpu.memory_space<vmem>>) target(%dma_start3A_1991 : memref<640xf32, #tpu.memory_space<hbm>>) target_semaphore(%run_scoped3A_1986 : memref<!tpu.dma_semaphore, #tpu.memory_space<semaphore_mem>>)
        %dma_wait3A = arith.constant 0 : i32
        %dma_wait3A_1992 = tpu.memref_slice %arg3[%add3A, %run_scoped3A_1985, %dma_wait3A] : memref<8x1x640xf32, #tpu.memory_space<hbm>> -> memref<1x1x640xf32, #tpu.memory_space<hbm>>
        %dma_wait3A_1993 = tpu.memref_squeeze %dma_wait3A_1992 : memref<1x1x640xf32, #tpu.memory_space<hbm>> -> memref<640xf32, #tpu.memory_space<hbm>>
        %dma_wait3A_1994 = arith.constant 0 : i32
        %dma_wait3A_1995 = tpu.memref_slice %arg3[%add3A, %run_scoped3A_1985, %dma_wait3A_1994] : memref<8x1x640xf32, #tpu.memory_space<hbm>> -> memref<1x1x640xf32, #tpu.memory_space<hbm>>
        %dma_wait3A_1996 = tpu.memref_squeeze %dma_wait3A_1995 : memref<1x1x640xf32, #tpu.memory_space<hbm>> -> memref<640xf32, #tpu.memory_space<hbm>>
        tpu.wait_dma2 semaphore(%run_scoped3A_1986 : memref<!tpu.dma_semaphore, #tpu.memory_space<semaphore_mem>>) src(%arg6 : memref<640xf32, #tpu.memory_space<vmem>>) dst(%dma_wait3A_1996 : memref<640xf32, #tpu.memory_space<hbm>>)
        tpu.yield
      }) : () -> ()
    } else {
    }
    return
  }
}

module attributes {stable_mosaic.version = 14 : i64} {
  func.func @_attn_body(%arg0: i32, %arg1: i32, %arg2: memref<1x3x584x64xf32, #tpu.memory_space<vmem>>, %arg3: memref<1x3x640x64xf32, #tpu.memory_space<vmem>>, %arg4: memref<1x3x640x64xf32, #tpu.memory_space<vmem>>, %arg5: memref<1x1x640xf32, #tpu.memory_space<vmem>>, %arg6: memref<1x768x768xf32, #tpu.memory_space<vmem>>, %arg7: memref<1x1x768xf32, #tpu.memory_space<vmem>>, %arg8: memref<1x584x768xf32, #tpu.memory_space<vmem>>, %arg9: memref<584x768xf32, #tpu.memory_space<vmem>>) attributes {dimension_semantics = [#tpu.dimension_semantics<arbitrary>, #tpu.dimension_semantics<arbitrary>], iteration_bounds = array<i64: 8, 4>, scalar_prefetch = 0 : i64, scratch_operands = 1 : i64, tpu.core_type = #tpu.core_type<tc>, window_params = [{transform_indices = @transform_0, window_bounds = array<i64: 1, 3, 584, 64>}, {transform_indices = @transform_1, window_bounds = array<i64: 1, 3, 640, 64>}, {transform_indices = @transform_2, window_bounds = array<i64: 1, 3, 640, 64>}, {transform_indices = @transform_3, window_bounds = array<i64: 1, 1, 640>}, {pipeline_mode = #tpu.pipeline_mode<synchronous>, transform_indices = @transform_4, window_bounds = array<i64: 1, 768, 768>}, {pipeline_mode = #tpu.pipeline_mode<synchronous>, transform_indices = @transform_5, window_bounds = array<i64: 1, 1, 768>}, {transform_indices = @transform_6, window_bounds = array<i64: 1, 584, 768>}]} {
    %get3A = arith.constant 0 : index
    %get3A_0 = arith.constant 0 : index
    %get3A_1 = arith.constant 0 : index
    %get3A_2 = vector.load %arg5[%get3A, %get3A_0, %get3A_1] : memref<1x1x640xf32, #tpu.memory_space<vmem>>, vector<1x1x640xf32>
    %get3A_3 = vector.shape_cast %get3A_2 : vector<1x1x640xf32> to vector<640xf32>
    %slice3A = vector.extract_strided_slice %get3A_3 {offsets = [0], sizes = [584], strides = [1]} : vector<640xf32> to vector<584xf32>
    %broadcast_in_dim3A = vector.shape_cast %slice3A : vector<584xf32> to vector<584x1xf32>
    %broadcast_in_dim3A_4 = vector.shape_cast %get3A_3 : vector<640xf32> to vector<1x640xf32>
    %max3A = vector.broadcast %broadcast_in_dim3A : vector<584x1xf32> to vector<584x640xf32>
    %max3A_5 = vector.broadcast %broadcast_in_dim3A_4 : vector<1x640xf32> to vector<584x640xf32>
    %max3A_6 = arith.maximumf %max3A, %max3A_5 : vector<584x640xf32>
    %get3A_7 = arith.constant 0 : index
    %get3A_8 = arith.constant 0 : index
    %get3A_9 = arith.constant 0 : index
    %get3A_10 = arith.constant 0 : index
    %get3A_11 = vector.load %arg2[%get3A_7, %get3A_8, %get3A_9, %get3A_10] : memref<1x3x584x64xf32, #tpu.memory_space<vmem>>, vector<1x1x584x64xf32>
    %get3A_12 = vector.shape_cast %get3A_11 : vector<1x1x584x64xf32> to vector<584x64xf32>
    %get3A_13 = arith.constant 0 : index
    %get3A_14 = arith.constant 0 : index
    %get3A_15 = arith.constant 0 : index
    %get3A_16 = arith.constant 0 : index
    %get3A_17 = vector.load %arg3[%get3A_13, %get3A_14, %get3A_15, %get3A_16] : memref<1x3x640x64xf32, #tpu.memory_space<vmem>>, vector<1x1x640x64xf32>
    %get3A_18 = vector.shape_cast %get3A_17 : vector<1x1x640x64xf32> to vector<640x64xf32>
    %dot_general3A = arith.constant dense<0.000000e+00> : vector<584x640xf32>
    %dot_general3A_19 = tpu.matmul %get3A_12, %get3A_18, %dot_general3A {dimension_numbers = #tpu.dot_dimension_numbers<[1], [1], [0], [0], [0, 0, 1, 0], [], []>, transpose_lhs_hint = false} : vector<584x64xf32>, vector<640x64xf32>, vector<584x640xf32> -> vector<584x640xf32>
    %mul3A = arith.constant 1.250000e-01 : f32
    %mul3A_20 = vector.broadcast %mul3A : f32 to vector<584x640xf32>
    %mul3A_21 = arith.mulf %dot_general3A_19, %mul3A_20 : vector<584x640xf32>
    %iota3A = tpu.iota {dimensions = array<i32: 1>} : vector<584x640xi32>
    %lt3A = arith.constant 577 : i32
    %lt3A_22 = vector.broadcast %lt3A : i32 to vector<584x640xi32>
    %lt3A_23 = arith.cmpi slt, %iota3A, %lt3A_22 : vector<584x640xi32>
    %jit3A = arith.constant -1.000000e+30 : f32
    %broadcast_in_dim3A_24 = vector.broadcast %jit3A : f32 to vector<584x640xf32>
    %select_n3A = arith.select %lt3A_23, %mul3A_21, %broadcast_in_dim3A_24 : vector<584x640xi1>, vector<584x640xf32>
    %reduce_max3A = arith.constant dense<0xFF800000> : vector<584xf32>
    %reduce_max3A_25 = vector.multi_reduction <maximumf>, %select_n3A, %reduce_max3A [1] : vector<584x640xf32> to vector<584xf32>
    %broadcast_in_dim3A_26 = vector.shape_cast %reduce_max3A_25 : vector<584xf32> to vector<584x1xf32>
    %sub3A = vector.broadcast %broadcast_in_dim3A_26 : vector<584x1xf32> to vector<584x640xf32>
    %sub3A_27 = arith.subf %select_n3A, %sub3A : vector<584x640xf32>
    %exp3A = math.exp %sub3A_27 : vector<584x640xf32>
    %reduce_sum3A = arith.constant dense<0.000000e+00> : vector<584xf32>
    %reduce_sum3A_28 = vector.multi_reduction <add>, %exp3A, %reduce_sum3A [1] : vector<584x640xf32> to vector<584xf32>
    %broadcast_in_dim3A_29 = vector.shape_cast %reduce_sum3A_28 : vector<584xf32> to vector<584x1xf32>
    %mul3A_30 = arith.mulf %exp3A, %max3A_6 : vector<584x640xf32>
    %reduce_sum3A_31 = arith.constant dense<0.000000e+00> : vector<584xf32>
    %reduce_sum3A_32 = vector.multi_reduction <add>, %mul3A_30, %reduce_sum3A_31 [1] : vector<584x640xf32> to vector<584xf32>
    %broadcast_in_dim3A_33 = vector.shape_cast %reduce_sum3A_32 : vector<584xf32> to vector<584x1xf32>
    %mul3A_34 = arith.constant 9.99999993E-9 : f32
    %mul3A_35 = vector.broadcast %mul3A_34 : f32 to vector<584x1xf32>
    %mul3A_36 = arith.mulf %mul3A_35, %broadcast_in_dim3A_29 : vector<584x1xf32>
    %add3A = arith.addf %broadcast_in_dim3A_33, %mul3A_36 : vector<584x1xf32>
    %get3A_37 = arith.constant 0 : index
    %get3A_38 = arith.constant 0 : index
    %get3A_39 = arith.constant 0 : index
    %get3A_40 = arith.constant 0 : index
    %get3A_41 = vector.load %arg4[%get3A_37, %get3A_38, %get3A_39, %get3A_40] : memref<1x3x640x64xf32, #tpu.memory_space<vmem>>, vector<1x1x640x64xf32>
    %get3A_42 = vector.shape_cast %get3A_41 : vector<1x1x640x64xf32> to vector<640x64xf32>
    %dot_general3A_43 = arith.constant dense<0.000000e+00> : vector<584x64xf32>
    %dot_general3A_44 = tpu.matmul %mul3A_30, %get3A_42, %dot_general3A_43 {dimension_numbers = #tpu.dot_dimension_numbers<[1], [0], [0], [1], [0, 0, 1, 1], [], []>, transpose_lhs_hint = false} : vector<584x640xf32>, vector<640x64xf32>, vector<584x64xf32> -> vector<584x64xf32>
    %div3A = vector.broadcast %add3A : vector<584x1xf32> to vector<584x64xf32>
    %div3A_45 = arith.divf %dot_general3A_44, %div3A : vector<584x64xf32>
    %eq3A = arith.constant 0 : i32
    %eq3A_46 = arith.cmpi eq, %arg1, %eq3A : i32
    %convert_element_type3A = arith.extui %eq3A_46 : i1 to i32
    %cond3A = arith.constant 0 : i32
    %cond3A_47 = arith.cmpi ne, %convert_element_type3A, %cond3A : i32
    scf.if %cond3A_47 {
      %swap3A = arith.constant 0 : index
      %swap3A_210 = arith.constant 0 : index
      %swap3A_211 = vector.load %arg9[%swap3A, %swap3A_210] : memref<584x768xf32, #tpu.memory_space<vmem>>, vector<584x64xf32>
      tpu.vector_store %arg9[%swap3A, %swap3A_210], %div3A_45 {strides = array<i32>} : memref<584x768xf32, #tpu.memory_space<vmem>>, vector<584x64xf32>,
    } else {
    }
    %eq3A_48 = arith.constant 1 : i32
    %eq3A_49 = arith.cmpi eq, %arg1, %eq3A_48 : i32
    %convert_element_type3A_50 = arith.extui %eq3A_49 : i1 to i32
    %cond3A_51 = arith.constant 0 : i32
    %cond3A_52 = arith.cmpi ne, %convert_element_type3A_50, %cond3A_51 : i32
    scf.if %cond3A_52 {
      %swap3A = arith.constant 0 : index
      %swap3A_210 = arith.constant 192 : index
      %swap3A_211 = vector.load %arg9[%swap3A, %swap3A_210] : memref<584x768xf32, #tpu.memory_space<vmem>>, vector<584x64xf32>
      tpu.vector_store %arg9[%swap3A, %swap3A_210], %div3A_45 {strides = array<i32>} : memref<584x768xf32, #tpu.memory_space<vmem>>, vector<584x64xf32>,
    } else {
    }
    %eq3A_53 = arith.constant 2 : i32
    %eq3A_54 = arith.cmpi eq, %arg1, %eq3A_53 : i32
    %convert_element_type3A_55 = arith.extui %eq3A_54 : i1 to i32
    %cond3A_56 = arith.constant 0 : i32
    %cond3A_57 = arith.cmpi ne, %convert_element_type3A_55, %cond3A_56 : i32
    scf.if %cond3A_57 {
      %swap3A = arith.constant 0 : index
      %swap3A_210 = arith.constant 384 : index
      %swap3A_211 = vector.load %arg9[%swap3A, %swap3A_210] : memref<584x768xf32, #tpu.memory_space<vmem>>, vector<584x64xf32>
      tpu.vector_store %arg9[%swap3A, %swap3A_210], %div3A_45 {strides = array<i32>} : memref<584x768xf32, #tpu.memory_space<vmem>>, vector<584x64xf32>,
    } else {
    }
    %eq3A_58 = arith.constant 3 : i32
    %eq3A_59 = arith.cmpi eq, %arg1, %eq3A_58 : i32
    %convert_element_type3A_60 = arith.extui %eq3A_59 : i1 to i32
    %cond3A_61 = arith.constant 0 : i32
    %cond3A_62 = arith.cmpi ne, %convert_element_type3A_60, %cond3A_61 : i32
    scf.if %cond3A_62 {
      %swap3A = arith.constant 0 : index
      %swap3A_210 = arith.constant 576 : index
      %swap3A_211 = vector.load %arg9[%swap3A, %swap3A_210] : memref<584x768xf32, #tpu.memory_space<vmem>>, vector<584x64xf32>
      tpu.vector_store %arg9[%swap3A, %swap3A_210], %div3A_45 {strides = array<i32>} : memref<584x768xf32, #tpu.memory_space<vmem>>, vector<584x64xf32>,
    } else {
    }
    %get3A_63 = arith.constant 0 : index
    %get3A_64 = arith.constant 1 : index
    %get3A_65 = arith.constant 0 : index
    %get3A_66 = arith.constant 0 : index
    %get3A_67 = vector.load %arg2[%get3A_63, %get3A_64, %get3A_65, %get3A_66] : memref<1x3x584x64xf32, #tpu.memory_space<vmem>>, vector<1x1x584x64xf32>
    %get3A_68 = vector.shape_cast %get3A_67 : vector<1x1x584x64xf32> to vector<584x64xf32>
    %get3A_69 = arith.constant 0 : index
    %get3A_70 = arith.constant 1 : index
    %get3A_71 = arith.constant 0 : index
    %get3A_72 = arith.constant 0 : index
    %get3A_73 = vector.load %arg3[%get3A_69, %get3A_70, %get3A_71, %get3A_72] : memref<1x3x640x64xf32, #tpu.memory_space<vmem>>, vector<1x1x640x64xf32>
    %get3A_74 = vector.shape_cast %get3A_73 : vector<1x1x640x64xf32> to vector<640x64xf32>
    %dot_general3A_75 = arith.constant dense<0.000000e+00> : vector<584x640xf32>
    %dot_general3A_76 = tpu.matmul %get3A_68, %get3A_74, %dot_general3A_75 {dimension_numbers = #tpu.dot_dimension_numbers<[1], [1], [0], [0], [0, 0, 1, 0], [], []>, transpose_lhs_hint = false} : vector<584x64xf32>, vector<640x64xf32>, vector<584x640xf32> -> vector<584x640xf32>
    %mul3A_77 = arith.constant 1.250000e-01 : f32
    %mul3A_78 = vector.broadcast %mul3A_77 : f32 to vector<584x640xf32>
    %mul3A_79 = arith.mulf %dot_general3A_76, %mul3A_78 : vector<584x640xf32>
    %iota3A_80 = tpu.iota {dimensions = array<i32: 1>} : vector<584x640xi32>
    %lt3A_81 = arith.constant 577 : i32
    %lt3A_82 = vector.broadcast %lt3A_81 : i32 to vector<584x640xi32>
    %lt3A_83 = arith.cmpi slt, %iota3A_80, %lt3A_82 : vector<584x640xi32>
    %jit3A_84 = arith.constant -1.000000e+30 : f32
    %broadcast_in_dim3A_85 = vector.broadcast %jit3A_84 : f32 to vector<584x640xf32>
    %select_n3A_86 = arith.select %lt3A_83, %mul3A_79, %broadcast_in_dim3A_85 : vector<584x640xi1>, vector<584x640xf32>
    %reduce_max3A_87 = arith.constant dense<0xFF800000> : vector<584xf32>
    %reduce_max3A_88 = vector.multi_reduction <maximumf>, %select_n3A_86, %reduce_max3A_87 [1] : vector<584x640xf32> to vector<584xf32>
    %broadcast_in_dim3A_89 = vector.shape_cast %reduce_max3A_88 : vector<584xf32> to vector<584x1xf32>
    %sub3A_90 = vector.broadcast %broadcast_in_dim3A_89 : vector<584x1xf32> to vector<584x640xf32>
    %sub3A_91 = arith.subf %select_n3A_86, %sub3A_90 : vector<584x640xf32>
    %exp3A_92 = math.exp %sub3A_91 : vector<584x640xf32>
    %reduce_sum3A_93 = arith.constant dense<0.000000e+00> : vector<584xf32>
    %reduce_sum3A_94 = vector.multi_reduction <add>, %exp3A_92, %reduce_sum3A_93 [1] : vector<584x640xf32> to vector<584xf32>
    %broadcast_in_dim3A_95 = vector.shape_cast %reduce_sum3A_94 : vector<584xf32> to vector<584x1xf32>
    %mul3A_96 = arith.mulf %exp3A_92, %max3A_6 : vector<584x640xf32>
    %reduce_sum3A_97 = arith.constant dense<0.000000e+00> : vector<584xf32>
    %reduce_sum3A_98 = vector.multi_reduction <add>, %mul3A_96, %reduce_sum3A_97 [1] : vector<584x640xf32> to vector<584xf32>
    %broadcast_in_dim3A_99 = vector.shape_cast %reduce_sum3A_98 : vector<584xf32> to vector<584x1xf32>
    %mul3A_100 = arith.constant 9.99999993E-9 : f32
    %mul3A_101 = vector.broadcast %mul3A_100 : f32 to vector<584x1xf32>
    %mul3A_102 = arith.mulf %mul3A_101, %broadcast_in_dim3A_95 : vector<584x1xf32>
    %add3A_103 = arith.addf %broadcast_in_dim3A_99, %mul3A_102 : vector<584x1xf32>
    %get3A_104 = arith.constant 0 : index
    %get3A_105 = arith.constant 1 : index
    %get3A_106 = arith.constant 0 : index
    %get3A_107 = arith.constant 0 : index
    %get3A_108 = vector.load %arg4[%get3A_104, %get3A_105, %get3A_106, %get3A_107] : memref<1x3x640x64xf32, #tpu.memory_space<vmem>>, vector<1x1x640x64xf32>
    %get3A_109 = vector.shape_cast %get3A_108 : vector<1x1x640x64xf32> to vector<640x64xf32>
    %dot_general3A_110 = arith.constant dense<0.000000e+00> : vector<584x64xf32>
    %dot_general3A_111 = tpu.matmul %mul3A_96, %get3A_109, %dot_general3A_110 {dimension_numbers = #tpu.dot_dimension_numbers<[1], [0], [0], [1], [0, 0, 1, 1], [], []>, transpose_lhs_hint = false} : vector<584x640xf32>, vector<640x64xf32>, vector<584x64xf32> -> vector<584x64xf32>
    %div3A_112 = vector.broadcast %add3A_103 : vector<584x1xf32> to vector<584x64xf32>
    %div3A_113 = arith.divf %dot_general3A_111, %div3A_112 : vector<584x64xf32>
    %eq3A_114 = arith.constant 0 : i32
    %eq3A_115 = arith.cmpi eq, %arg1, %eq3A_114 : i32
    %convert_element_type3A_116 = arith.extui %eq3A_115 : i1 to i32
    %cond3A_117 = arith.constant 0 : i32
    %cond3A_118 = arith.cmpi ne, %convert_element_type3A_116, %cond3A_117 : i32
    scf.if %cond3A_118 {
      %swap3A = arith.constant 0 : index
      %swap3A_210 = arith.constant 64 : index
      %swap3A_211 = vector.load %arg9[%swap3A, %swap3A_210] : memref<584x768xf32, #tpu.memory_space<vmem>>, vector<584x64xf32>
      tpu.vector_store %arg9[%swap3A, %swap3A_210], %div3A_113 {strides = array<i32>} : memref<584x768xf32, #tpu.memory_space<vmem>>, vector<584x64xf32>,
    } else {
    }
    %eq3A_119 = arith.constant 1 : i32
    %eq3A_120 = arith.cmpi eq, %arg1, %eq3A_119 : i32
    %convert_element_type3A_121 = arith.extui %eq3A_120 : i1 to i32
    %cond3A_122 = arith.constant 0 : i32
    %cond3A_123 = arith.cmpi ne, %convert_element_type3A_121, %cond3A_122 : i32
    scf.if %cond3A_123 {
      %swap3A = arith.constant 0 : index
      %swap3A_210 = arith.constant 256 : index
      %swap3A_211 = vector.load %arg9[%swap3A, %swap3A_210] : memref<584x768xf32, #tpu.memory_space<vmem>>, vector<584x64xf32>
      tpu.vector_store %arg9[%swap3A, %swap3A_210], %div3A_113 {strides = array<i32>} : memref<584x768xf32, #tpu.memory_space<vmem>>, vector<584x64xf32>,
    } else {
    }
    %eq3A_124 = arith.constant 2 : i32
    %eq3A_125 = arith.cmpi eq, %arg1, %eq3A_124 : i32
    %convert_element_type3A_126 = arith.extui %eq3A_125 : i1 to i32
    %cond3A_127 = arith.constant 0 : i32
    %cond3A_128 = arith.cmpi ne, %convert_element_type3A_126, %cond3A_127 : i32
    scf.if %cond3A_128 {
      %swap3A = arith.constant 0 : index
      %swap3A_210 = arith.constant 448 : index
      %swap3A_211 = vector.load %arg9[%swap3A, %swap3A_210] : memref<584x768xf32, #tpu.memory_space<vmem>>, vector<584x64xf32>
      tpu.vector_store %arg9[%swap3A, %swap3A_210], %div3A_113 {strides = array<i32>} : memref<584x768xf32, #tpu.memory_space<vmem>>, vector<584x64xf32>,
    } else {
    }
    %eq3A_129 = arith.constant 3 : i32
    %eq3A_130 = arith.cmpi eq, %arg1, %eq3A_129 : i32
    %convert_element_type3A_131 = arith.extui %eq3A_130 : i1 to i32
    %cond3A_132 = arith.constant 0 : i32
    %cond3A_133 = arith.cmpi ne, %convert_element_type3A_131, %cond3A_132 : i32
    scf.if %cond3A_133 {
      %swap3A = arith.constant 0 : index
      %swap3A_210 = arith.constant 640 : index
      %swap3A_211 = vector.load %arg9[%swap3A, %swap3A_210] : memref<584x768xf32, #tpu.memory_space<vmem>>, vector<584x64xf32>
      tpu.vector_store %arg9[%swap3A, %swap3A_210], %div3A_113 {strides = array<i32>} : memref<584x768xf32, #tpu.memory_space<vmem>>, vector<584x64xf32>,
    } else {
    }
    %get3A_134 = arith.constant 0 : index
    %get3A_135 = arith.constant 2 : index
    %get3A_136 = arith.constant 0 : index
    %get3A_137 = arith.constant 0 : index
    %get3A_138 = vector.load %arg2[%get3A_134, %get3A_135, %get3A_136, %get3A_137] : memref<1x3x584x64xf32, #tpu.memory_space<vmem>>, vector<1x1x584x64xf32>
    %get3A_139 = vector.shape_cast %get3A_138 : vector<1x1x584x64xf32> to vector<584x64xf32>
    %get3A_140 = arith.constant 0 : index
    %get3A_141 = arith.constant 2 : index
    %get3A_142 = arith.constant 0 : index
    %get3A_143 = arith.constant 0 : index
    %get3A_144 = vector.load %arg3[%get3A_140, %get3A_141, %get3A_142, %get3A_143] : memref<1x3x640x64xf32, #tpu.memory_space<vmem>>, vector<1x1x640x64xf32>
    %get3A_145 = vector.shape_cast %get3A_144 : vector<1x1x640x64xf32> to vector<640x64xf32>
    %dot_general3A_146 = arith.constant dense<0.000000e+00> : vector<584x640xf32>
    %dot_general3A_147 = tpu.matmul %get3A_139, %get3A_145, %dot_general3A_146 {dimension_numbers = #tpu.dot_dimension_numbers<[1], [1], [0], [0], [0, 0, 1, 0], [], []>, transpose_lhs_hint = false} : vector<584x64xf32>, vector<640x64xf32>, vector<584x640xf32> -> vector<584x640xf32>
    %mul3A_148 = arith.constant 1.250000e-01 : f32
    %mul3A_149 = vector.broadcast %mul3A_148 : f32 to vector<584x640xf32>
    %mul3A_150 = arith.mulf %dot_general3A_147, %mul3A_149 : vector<584x640xf32>
    %iota3A_151 = tpu.iota {dimensions = array<i32: 1>} : vector<584x640xi32>
    %lt3A_152 = arith.constant 577 : i32
    %lt3A_153 = vector.broadcast %lt3A_152 : i32 to vector<584x640xi32>
    %lt3A_154 = arith.cmpi slt, %iota3A_151, %lt3A_153 : vector<584x640xi32>
    %jit3A_155 = arith.constant -1.000000e+30 : f32
    %broadcast_in_dim3A_156 = vector.broadcast %jit3A_155 : f32 to vector<584x640xf32>
    %select_n3A_157 = arith.select %lt3A_154, %mul3A_150, %broadcast_in_dim3A_156 : vector<584x640xi1>, vector<584x640xf32>
    %reduce_max3A_158 = arith.constant dense<0xFF800000> : vector<584xf32>
    %reduce_max3A_159 = vector.multi_reduction <maximumf>, %select_n3A_157, %reduce_max3A_158 [1] : vector<584x640xf32> to vector<584xf32>
    %broadcast_in_dim3A_160 = vector.shape_cast %reduce_max3A_159 : vector<584xf32> to vector<584x1xf32>
    %sub3A_161 = vector.broadcast %broadcast_in_dim3A_160 : vector<584x1xf32> to vector<584x640xf32>
    %sub3A_162 = arith.subf %select_n3A_157, %sub3A_161 : vector<584x640xf32>
    %exp3A_163 = math.exp %sub3A_162 : vector<584x640xf32>
    %reduce_sum3A_164 = arith.constant dense<0.000000e+00> : vector<584xf32>
    %reduce_sum3A_165 = vector.multi_reduction <add>, %exp3A_163, %reduce_sum3A_164 [1] : vector<584x640xf32> to vector<584xf32>
    %broadcast_in_dim3A_166 = vector.shape_cast %reduce_sum3A_165 : vector<584xf32> to vector<584x1xf32>
    %mul3A_167 = arith.mulf %exp3A_163, %max3A_6 : vector<584x640xf32>
    %reduce_sum3A_168 = arith.constant dense<0.000000e+00> : vector<584xf32>
    %reduce_sum3A_169 = vector.multi_reduction <add>, %mul3A_167, %reduce_sum3A_168 [1] : vector<584x640xf32> to vector<584xf32>
    %broadcast_in_dim3A_170 = vector.shape_cast %reduce_sum3A_169 : vector<584xf32> to vector<584x1xf32>
    %mul3A_171 = arith.constant 9.99999993E-9 : f32
    %mul3A_172 = vector.broadcast %mul3A_171 : f32 to vector<584x1xf32>
    %mul3A_173 = arith.mulf %mul3A_172, %broadcast_in_dim3A_166 : vector<584x1xf32>
    %add3A_174 = arith.addf %broadcast_in_dim3A_170, %mul3A_173 : vector<584x1xf32>
    %get3A_175 = arith.constant 0 : index
    %get3A_176 = arith.constant 2 : index
    %get3A_177 = arith.constant 0 : index
    %get3A_178 = arith.constant 0 : index
    %get3A_179 = vector.load %arg4[%get3A_175, %get3A_176, %get3A_177, %get3A_178] : memref<1x3x640x64xf32, #tpu.memory_space<vmem>>, vector<1x1x640x64xf32>
    %get3A_180 = vector.shape_cast %get3A_179 : vector<1x1x640x64xf32> to vector<640x64xf32>
    %dot_general3A_181 = arith.constant dense<0.000000e+00> : vector<584x64xf32>
    %dot_general3A_182 = tpu.matmul %mul3A_167, %get3A_180, %dot_general3A_181 {dimension_numbers = #tpu.dot_dimension_numbers<[1], [0], [0], [1], [0, 0, 1, 1], [], []>, transpose_lhs_hint = false} : vector<584x640xf32>, vector<640x64xf32>, vector<584x64xf32> -> vector<584x64xf32>
    %div3A_183 = vector.broadcast %add3A_174 : vector<584x1xf32> to vector<584x64xf32>
    %div3A_184 = arith.divf %dot_general3A_182, %div3A_183 : vector<584x64xf32>
    %eq3A_185 = arith.constant 0 : i32
    %eq3A_186 = arith.cmpi eq, %arg1, %eq3A_185 : i32
    %convert_element_type3A_187 = arith.extui %eq3A_186 : i1 to i32
    %cond3A_188 = arith.constant 0 : i32
    %cond3A_189 = arith.cmpi ne, %convert_element_type3A_187, %cond3A_188 : i32
    scf.if %cond3A_189 {
      %swap3A = arith.constant 0 : index
      %swap3A_210 = arith.constant 128 : index
      %swap3A_211 = vector.load %arg9[%swap3A, %swap3A_210] : memref<584x768xf32, #tpu.memory_space<vmem>>, vector<584x64xf32>
      tpu.vector_store %arg9[%swap3A, %swap3A_210], %div3A_184 {strides = array<i32>} : memref<584x768xf32, #tpu.memory_space<vmem>>, vector<584x64xf32>,
    } else {
    }
    %eq3A_190 = arith.constant 1 : i32
    %eq3A_191 = arith.cmpi eq, %arg1, %eq3A_190 : i32
    %convert_element_type3A_192 = arith.extui %eq3A_191 : i1 to i32
    %cond3A_193 = arith.constant 0 : i32
    %cond3A_194 = arith.cmpi ne, %convert_element_type3A_192, %cond3A_193 : i32
    scf.if %cond3A_194 {
      %swap3A = arith.constant 0 : index
      %swap3A_210 = arith.constant 320 : index
      %swap3A_211 = vector.load %arg9[%swap3A, %swap3A_210] : memref<584x768xf32, #tpu.memory_space<vmem>>, vector<584x64xf32>
      tpu.vector_store %arg9[%swap3A, %swap3A_210], %div3A_184 {strides = array<i32>} : memref<584x768xf32, #tpu.memory_space<vmem>>, vector<584x64xf32>,
    } else {
    }
    %eq3A_195 = arith.constant 2 : i32
    %eq3A_196 = arith.cmpi eq, %arg1, %eq3A_195 : i32
    %convert_element_type3A_197 = arith.extui %eq3A_196 : i1 to i32
    %cond3A_198 = arith.constant 0 : i32
    %cond3A_199 = arith.cmpi ne, %convert_element_type3A_197, %cond3A_198 : i32
    scf.if %cond3A_199 {
      %swap3A = arith.constant 0 : index
      %swap3A_210 = arith.constant 512 : index
      %swap3A_211 = vector.load %arg9[%swap3A, %swap3A_210] : memref<584x768xf32, #tpu.memory_space<vmem>>, vector<584x64xf32>
      tpu.vector_store %arg9[%swap3A, %swap3A_210], %div3A_184 {strides = array<i32>} : memref<584x768xf32, #tpu.memory_space<vmem>>, vector<584x64xf32>,
    } else {
    }
    %eq3A_200 = arith.constant 3 : i32
    %eq3A_201 = arith.cmpi eq, %arg1, %eq3A_200 : i32
    %convert_element_type3A_202 = arith.extui %eq3A_201 : i1 to i32
    %cond3A_203 = arith.constant 0 : i32
    %cond3A_204 = arith.cmpi ne, %convert_element_type3A_202, %cond3A_203 : i32
    scf.if %cond3A_204 {
      %swap3A = arith.constant 0 : index
      %swap3A_210 = arith.constant 704 : index
      %swap3A_211 = vector.load %arg9[%swap3A, %swap3A_210] : memref<584x768xf32, #tpu.memory_space<vmem>>, vector<584x64xf32>
      tpu.vector_store %arg9[%swap3A, %swap3A_210], %div3A_184 {strides = array<i32>} : memref<584x768xf32, #tpu.memory_space<vmem>>, vector<584x64xf32>,
    } else {
    }
    %eq3A_205 = arith.constant 3 : i32
    %eq3A_206 = arith.cmpi eq, %arg1, %eq3A_205 : i32
    %convert_element_type3A_207 = arith.extui %eq3A_206 : i1 to i32
    %cond3A_208 = arith.constant 0 : i32
    %cond3A_209 = arith.cmpi ne, %convert_element_type3A_207, %cond3A_208 : i32
    scf.if %cond3A_209 {
      %get3A_210 = arith.constant 0 : index
      %get3A_211 = arith.constant 0 : index
      %get3A_212 = vector.load %arg9[%get3A_210, %get3A_211] : memref<584x768xf32, #tpu.memory_space<vmem>>, vector<584x768xf32>
      %get3A_213 = arith.constant 0 : index
      %get3A_214 = arith.constant 0 : index
      %get3A_215 = arith.constant 0 : index
      %get3A_216 = vector.load %arg6[%get3A_213, %get3A_214, %get3A_215] : memref<1x768x768xf32, #tpu.memory_space<vmem>>, vector<1x768x768xf32>
      %get3A_217 = vector.shape_cast %get3A_216 : vector<1x768x768xf32> to vector<768x768xf32>
      %dot_general3A_218 = arith.constant dense<0.000000e+00> : vector<584x768xf32>
      %dot_general3A_219 = tpu.matmul %get3A_212, %get3A_217, %dot_general3A_218 {dimension_numbers = #tpu.dot_dimension_numbers<[1], [1], [0], [0], [0, 0, 1, 0], [], []>, transpose_lhs_hint = false} : vector<584x768xf32>, vector<768x768xf32>, vector<584x768xf32> -> vector<584x768xf32>
      %get3A_220 = arith.constant 0 : index
      %get3A_221 = arith.constant 0 : index
      %get3A_222 = arith.constant 0 : index
      %get3A_223 = vector.load %arg7[%get3A_220, %get3A_221, %get3A_222] : memref<1x1x768xf32, #tpu.memory_space<vmem>>, vector<1x1x768xf32>
      %get3A_224 = vector.shape_cast %get3A_223 : vector<1x1x768xf32> to vector<768xf32>
      %broadcast_in_dim3A_225 = vector.shape_cast %get3A_224 : vector<768xf32> to vector<1x768xf32>
      %add3A_226 = vector.broadcast %broadcast_in_dim3A_225 : vector<1x768xf32> to vector<584x768xf32>
      %add3A_227 = arith.addf %dot_general3A_219, %add3A_226 : vector<584x768xf32>
      %swap3A = arith.constant 0 : index
      %swap3A_228 = arith.constant 0 : index
      %swap3A_229 = arith.constant 0 : index
      %swap3A_230 = vector.load %arg8[%swap3A, %swap3A_228, %swap3A_229] : memref<1x584x768xf32, #tpu.memory_space<vmem>>, vector<1x584x768xf32>
      %swap3A_231 = vector.shape_cast %swap3A_230 : vector<1x584x768xf32> to vector<584x768xf32>
      %swap3A_232 = vector.shape_cast %add3A_227 : vector<584x768xf32> to vector<1x584x768xf32>
      tpu.vector_store %arg8[%swap3A, %swap3A_228, %swap3A_229], %swap3A_232 {strides = array<i32>} : memref<1x584x768xf32, #tpu.memory_space<vmem>>, vector<1x584x768xf32>,
    } else {
    }
    return
  }
  func.func @transform_0(%arg0: i32, %arg1: i32) -> (i32, i32, i32, i32) {
    %c0_i32 = arith.constant 0 : i32
    %c0_i32_0 = arith.constant 0 : i32
    %c0_i32_1 = arith.constant 0 : i32
    return %arg0, %arg1, %c0_i32, %c0_i32_0 : i32, i32, i32, i32
  }
  func.func @transform_1(%arg0: i32, %arg1: i32) -> (i32, i32, i32, i32) {
    %c0_i32 = arith.constant 0 : i32
    %c0_i32_0 = arith.constant 0 : i32
    %c0_i32_1 = arith.constant 0 : i32
    return %arg0, %arg1, %c0_i32, %c0_i32_0 : i32, i32, i32, i32
  }
  func.func @transform_2(%arg0: i32, %arg1: i32) -> (i32, i32, i32, i32) {
    %c0_i32 = arith.constant 0 : i32
    %c0_i32_0 = arith.constant 0 : i32
    %c0_i32_1 = arith.constant 0 : i32
    return %arg0, %arg1, %c0_i32, %c0_i32_0 : i32, i32, i32, i32
  }
  func.func @transform_3(%arg0: i32, %arg1: i32) -> (i32, i32, i32) {
    %c0_i32 = arith.constant 0 : i32
    %c0_i32_0 = arith.constant 0 : i32
    %c0_i32_1 = arith.constant 0 : i32
    return %arg0, %c0_i32, %c0_i32_0 : i32, i32, i32
  }
  func.func @transform_4(%arg0: i32, %arg1: i32) -> (i32, i32, i32) {
    %c0_i32 = arith.constant 0 : i32
    %c0_i32_0 = arith.constant 0 : i32
    %c0_i32_1 = arith.constant 0 : i32
    %c0_i32_2 = arith.constant 0 : i32
    return %c0_i32, %c0_i32_0, %c0_i32_1 : i32, i32, i32
  }
  func.func @transform_5(%arg0: i32, %arg1: i32) -> (i32, i32, i32) {
    %c0_i32 = arith.constant 0 : i32
    %c0_i32_0 = arith.constant 0 : i32
    %c0_i32_1 = arith.constant 0 : i32
    %c0_i32_2 = arith.constant 0 : i32
    return %c0_i32, %c0_i32_0, %c0_i32_1 : i32, i32, i32
  }
  func.func @transform_6(%arg0: i32, %arg1: i32) -> (i32, i32, i32) {
    %c0_i32 = arith.constant 0 : i32
    %c0_i32_0 = arith.constant 0 : i32
    %c0_i32_1 = arith.constant 0 : i32
    return %arg0, %c0_i32, %c0_i32_0 : i32, i32, i32
  }
}

module attributes {stable_mosaic.version = 14 : i64} {
  func.func @_stats_body(%arg0: i32, %arg1: i32, %arg2: memref<1x640x768xf32, #tpu.memory_space<vmem>>, %arg3: memref<3x64x768xf32, #tpu.memory_space<vmem>>, %arg4: memref<3x64x768xf32, #tpu.memory_space<vmem>>, %arg5: memref<3x64x768xf32, #tpu.memory_space<vmem>>, %arg6: memref<3x1x64xf32, #tpu.memory_space<vmem>>, %arg7: memref<3x1x64xf32, #tpu.memory_space<vmem>>, %arg8: memref<3x1x64xf32, #tpu.memory_space<vmem>>, %arg9: memref<3x1x640xf32, #tpu.memory_space<vmem>>, %arg10: memref<1x3x584x64xf32, #tpu.memory_space<vmem>>, %arg11: memref<1x3x640x64xf32, #tpu.memory_space<vmem>>, %arg12: memref<1x3x640x64xf32, #tpu.memory_space<vmem>>, %arg13: memref<1x1x640xf32, #tpu.memory_space<vmem>>, %arg14: memref<12x640xf32, #tpu.memory_space<vmem>>) attributes {dimension_semantics = [#tpu.dimension_semantics<arbitrary>, #tpu.dimension_semantics<arbitrary>], iteration_bounds = array<i64: 8, 4>, scalar_prefetch = 0 : i64, scratch_operands = 1 : i64, tpu.core_type = #tpu.core_type<tc>, window_params = [{transform_indices = @transform_0, window_bounds = array<i64: 1, 640, 768>}, {transform_indices = @transform_1, window_bounds = array<i64: 3, 64, 768>}, {transform_indices = @transform_2, window_bounds = array<i64: 3, 64, 768>}, {transform_indices = @transform_3, window_bounds = array<i64: 3, 64, 768>}, {transform_indices = @transform_4, window_bounds = array<i64: 3, 1, 64>}, {transform_indices = @transform_5, window_bounds = array<i64: 3, 1, 64>}, {transform_indices = @transform_6, window_bounds = array<i64: 3, 1, 64>}, {transform_indices = @transform_7, window_bounds = array<i64: 3, 1, 640>}, {transform_indices = @transform_8, window_bounds = array<i64: 1, 3, 584, 64>}, {transform_indices = @transform_9, window_bounds = array<i64: 1, 3, 640, 64>}, {transform_indices = @transform_10, window_bounds = array<i64: 1, 3, 640, 64>}, {transform_indices = @transform_11, window_bounds = array<i64: 1, 1, 640>}]} {
    %get3A = arith.constant 0 : index
    %get3A_0 = arith.constant 0 : index
    %get3A_1 = arith.constant 0 : index
    %get3A_2 = vector.load %arg2[%get3A, %get3A_0, %get3A_1] : memref<1x640x768xf32, #tpu.memory_space<vmem>>, vector<1x640x768xf32>
    %get3A_3 = vector.shape_cast %get3A_2 : vector<1x640x768xf32> to vector<640x768xf32>
    %get3A_4 = arith.constant 0 : index
    %get3A_5 = arith.constant 0 : index
    %get3A_6 = arith.constant 0 : index
    %get3A_7 = vector.load %arg3[%get3A_4, %get3A_5, %get3A_6] : memref<3x64x768xf32, #tpu.memory_space<vmem>>, vector<1x64x768xf32>
    %get3A_8 = vector.shape_cast %get3A_7 : vector<1x64x768xf32> to vector<64x768xf32>
    %dot_general3A = arith.constant dense<0.000000e+00> : vector<640x64xf32>
    %dot_general3A_9 = tpu.matmul %get3A_3, %get3A_8, %dot_general3A {dimension_numbers = #tpu.dot_dimension_numbers<[1], [1], [0], [0], [0, 0, 1, 0], [], []>, transpose_lhs_hint = false} : vector<640x768xf32>, vector<64x768xf32>, vector<640x64xf32> -> vector<640x64xf32>
    %get3A_10 = arith.constant 0 : index
    %get3A_11 = arith.constant 0 : index
    %get3A_12 = arith.constant 0 : index
    %get3A_13 = vector.load %arg6[%get3A_10, %get3A_11, %get3A_12] : memref<3x1x64xf32, #tpu.memory_space<vmem>>, vector<1x1x64xf32>
    %get3A_14 = vector.shape_cast %get3A_13 : vector<1x1x64xf32> to vector<64xf32>
    %broadcast_in_dim3A = vector.shape_cast %get3A_14 : vector<64xf32> to vector<1x64xf32>
    %add3A = vector.broadcast %broadcast_in_dim3A : vector<1x64xf32> to vector<640x64xf32>
    %add3A_15 = arith.addf %dot_general3A_9, %add3A : vector<640x64xf32>
    %get3A_16 = arith.constant 0 : index
    %get3A_17 = arith.constant 0 : index
    %get3A_18 = arith.constant 0 : index
    %get3A_19 = vector.load %arg4[%get3A_16, %get3A_17, %get3A_18] : memref<3x64x768xf32, #tpu.memory_space<vmem>>, vector<1x64x768xf32>
    %get3A_20 = vector.shape_cast %get3A_19 : vector<1x64x768xf32> to vector<64x768xf32>
    %dot_general3A_21 = arith.constant dense<0.000000e+00> : vector<640x64xf32>
    %dot_general3A_22 = tpu.matmul %get3A_3, %get3A_20, %dot_general3A_21 {dimension_numbers = #tpu.dot_dimension_numbers<[1], [1], [0], [0], [0, 0, 1, 0], [], []>, transpose_lhs_hint = false} : vector<640x768xf32>, vector<64x768xf32>, vector<640x64xf32> -> vector<640x64xf32>
    %get3A_23 = arith.constant 0 : index
    %get3A_24 = arith.constant 0 : index
    %get3A_25 = arith.constant 0 : index
    %get3A_26 = vector.load %arg7[%get3A_23, %get3A_24, %get3A_25] : memref<3x1x64xf32, #tpu.memory_space<vmem>>, vector<1x1x64xf32>
    %get3A_27 = vector.shape_cast %get3A_26 : vector<1x1x64xf32> to vector<64xf32>
    %broadcast_in_dim3A_28 = vector.shape_cast %get3A_27 : vector<64xf32> to vector<1x64xf32>
    %add3A_29 = vector.broadcast %broadcast_in_dim3A_28 : vector<1x64xf32> to vector<640x64xf32>
    %add3A_30 = arith.addf %dot_general3A_22, %add3A_29 : vector<640x64xf32>
    %get3A_31 = arith.constant 0 : index
    %get3A_32 = arith.constant 0 : index
    %get3A_33 = arith.constant 0 : index
    %get3A_34 = vector.load %arg5[%get3A_31, %get3A_32, %get3A_33] : memref<3x64x768xf32, #tpu.memory_space<vmem>>, vector<1x64x768xf32>
    %get3A_35 = vector.shape_cast %get3A_34 : vector<1x64x768xf32> to vector<64x768xf32>
    %dot_general3A_36 = arith.constant dense<0.000000e+00> : vector<640x64xf32>
    %dot_general3A_37 = tpu.matmul %get3A_3, %get3A_35, %dot_general3A_36 {dimension_numbers = #tpu.dot_dimension_numbers<[1], [1], [0], [0], [0, 0, 1, 0], [], []>, transpose_lhs_hint = false} : vector<640x768xf32>, vector<64x768xf32>, vector<640x64xf32> -> vector<640x64xf32>
    %get3A_38 = arith.constant 0 : index
    %get3A_39 = arith.constant 0 : index
    %get3A_40 = arith.constant 0 : index
    %get3A_41 = vector.load %arg8[%get3A_38, %get3A_39, %get3A_40] : memref<3x1x64xf32, #tpu.memory_space<vmem>>, vector<1x1x64xf32>
    %get3A_42 = vector.shape_cast %get3A_41 : vector<1x1x64xf32> to vector<64xf32>
    %broadcast_in_dim3A_43 = vector.shape_cast %get3A_42 : vector<64xf32> to vector<1x64xf32>
    %add3A_44 = vector.broadcast %broadcast_in_dim3A_43 : vector<1x64xf32> to vector<640x64xf32>
    %add3A_45 = arith.addf %dot_general3A_37, %add3A_44 : vector<640x64xf32>
    %iota3A = tpu.iota {dimensions = array<i32: 0>} : vector<640x64xi32>
    %lt3A = arith.constant 577 : i32
    %lt3A_46 = vector.broadcast %lt3A : i32 to vector<640x64xi32>
    %lt3A_47 = arith.cmpi slt, %iota3A, %lt3A_46 : vector<640x64xi32>
    %jit3A = arith.constant 0.000000e+00 : f32
    %broadcast_in_dim3A_48 = vector.broadcast %jit3A : f32 to vector<640x64xf32>
    %select_n3A = arith.select %lt3A_47, %add3A_45, %broadcast_in_dim3A_48 : vector<640x64xi1>, vector<640x64xf32>
    %slice3A = vector.extract_strided_slice %add3A_15 {offsets = [0, 0], sizes = [584, 64], strides = [1, 1]} : vector<640x64xf32> to vector<584x64xf32>
    %swap3A = arith.constant 0 : index
    %swap3A_49 = arith.constant 0 : index
    %swap3A_50 = arith.constant 0 : index
    %swap3A_51 = arith.constant 0 : index
    %swap3A_52 = vector.load %arg10[%swap3A, %swap3A_49, %swap3A_50, %swap3A_51] : memref<1x3x584x64xf32, #tpu.memory_space<vmem>>, vector<1x1x584x64xf32>
    %swap3A_53 = vector.shape_cast %swap3A_52 : vector<1x1x584x64xf32> to vector<584x64xf32>
    %swap3A_54 = vector.shape_cast %slice3A : vector<584x64xf32> to vector<1x1x584x64xf32>
    tpu.vector_store %arg10[%swap3A, %swap3A_49, %swap3A_50, %swap3A_51], %swap3A_54 {strides = array<i32>} : memref<1x3x584x64xf32, #tpu.memory_space<vmem>>, vector<1x1x584x64xf32>,
    %swap3A_55 = arith.constant 0 : index
    %swap3A_56 = arith.constant 0 : index
    %swap3A_57 = arith.constant 0 : index
    %swap3A_58 = arith.constant 0 : index
    %swap3A_59 = vector.load %arg11[%swap3A_55, %swap3A_56, %swap3A_57, %swap3A_58] : memref<1x3x640x64xf32, #tpu.memory_space<vmem>>, vector<1x1x640x64xf32>
    %swap3A_60 = vector.shape_cast %swap3A_59 : vector<1x1x640x64xf32> to vector<640x64xf32>
    %swap3A_61 = vector.shape_cast %add3A_30 : vector<640x64xf32> to vector<1x1x640x64xf32>
    tpu.vector_store %arg11[%swap3A_55, %swap3A_56, %swap3A_57, %swap3A_58], %swap3A_61 {strides = array<i32>} : memref<1x3x640x64xf32, #tpu.memory_space<vmem>>, vector<1x1x640x64xf32>,
    %swap3A_62 = arith.constant 0 : index
    %swap3A_63 = arith.constant 0 : index
    %swap3A_64 = arith.constant 0 : index
    %swap3A_65 = arith.constant 0 : index
    %swap3A_66 = vector.load %arg12[%swap3A_62, %swap3A_63, %swap3A_64, %swap3A_65] : memref<1x3x640x64xf32, #tpu.memory_space<vmem>>, vector<1x1x640x64xf32>
    %swap3A_67 = vector.shape_cast %swap3A_66 : vector<1x1x640x64xf32> to vector<640x64xf32>
    %swap3A_68 = vector.shape_cast %select_n3A : vector<640x64xf32> to vector<1x1x640x64xf32>
    tpu.vector_store %arg12[%swap3A_62, %swap3A_63, %swap3A_64, %swap3A_65], %swap3A_68 {strides = array<i32>} : memref<1x3x640x64xf32, #tpu.memory_space<vmem>>, vector<1x1x640x64xf32>,
    %slice3A_69 = vector.extract_strided_slice %add3A_15 {offsets = [0, 0], sizes = [584, 64], strides = [1, 1]} : vector<640x64xf32> to vector<584x64xf32>
    %dot_general3A_70 = arith.constant dense<0.000000e+00> : vector<584x640xf32>
    %dot_general3A_71 = tpu.matmul %slice3A_69, %add3A_30, %dot_general3A_70 {dimension_numbers = #tpu.dot_dimension_numbers<[1], [1], [0], [0], [0, 0, 1, 0], [], []>, transpose_lhs_hint = false} : vector<584x64xf32>, vector<640x64xf32>, vector<584x640xf32> -> vector<584x640xf32>
    %mul3A = arith.constant 1.250000e-01 : f32
    %mul3A_72 = vector.broadcast %mul3A : f32 to vector<584x640xf32>
    %mul3A_73 = arith.mulf %dot_general3A_71, %mul3A_72 : vector<584x640xf32>
    %iota3A_74 = tpu.iota {dimensions = array<i32: 1>} : vector<584x640xi32>
    %lt3A_75 = arith.constant 577 : i32
    %lt3A_76 = vector.broadcast %lt3A_75 : i32 to vector<584x640xi32>
    %lt3A_77 = arith.cmpi slt, %iota3A_74, %lt3A_76 : vector<584x640xi32>
    %jit3A_78 = arith.constant -1.000000e+30 : f32
    %broadcast_in_dim3A_79 = vector.broadcast %jit3A_78 : f32 to vector<584x640xf32>
    %select_n3A_80 = arith.select %lt3A_77, %mul3A_73, %broadcast_in_dim3A_79 : vector<584x640xi1>, vector<584x640xf32>
    %reduce_max3A = arith.constant dense<0xFF800000> : vector<584xf32>
    %reduce_max3A_81 = vector.multi_reduction <maximumf>, %select_n3A_80, %reduce_max3A [1] : vector<584x640xf32> to vector<584xf32>
    %broadcast_in_dim3A_82 = vector.shape_cast %reduce_max3A_81 : vector<584xf32> to vector<584x1xf32>
    %sub3A = vector.broadcast %broadcast_in_dim3A_82 : vector<584x1xf32> to vector<584x640xf32>
    %sub3A_83 = arith.subf %select_n3A_80, %sub3A : vector<584x640xf32>
    %exp3A = math.exp %sub3A_83 : vector<584x640xf32>
    %reduce_sum3A = arith.constant dense<0.000000e+00> : vector<584xf32>
    %reduce_sum3A_84 = vector.multi_reduction <add>, %exp3A, %reduce_sum3A [1] : vector<584x640xf32> to vector<584xf32>
    %broadcast_in_dim3A_85 = vector.shape_cast %reduce_sum3A_84 : vector<584xf32> to vector<584x1xf32>
    %div3A = vector.broadcast %broadcast_in_dim3A_85 : vector<584x1xf32> to vector<584x640xf32>
    %div3A_86 = arith.divf %exp3A, %div3A : vector<584x640xf32>
    %iota3A_87 = tpu.iota {dimensions = array<i32: 0>} : vector<584x640xi32>
    %lt3A_88 = arith.constant 577 : i32
    %lt3A_89 = vector.broadcast %lt3A_88 : i32 to vector<584x640xi32>
    %lt3A_90 = arith.cmpi slt, %iota3A_87, %lt3A_89 : vector<584x640xi32>
    %jit3A_91 = arith.constant 0.000000e+00 : f32
    %broadcast_in_dim3A_92 = vector.broadcast %jit3A_91 : f32 to vector<584x640xf32>
    %select_n3A_93 = arith.select %lt3A_90, %div3A_86, %broadcast_in_dim3A_92 : vector<584x640xi1>, vector<584x640xf32>
    %reduce_sum3A_94 = arith.constant dense<0.000000e+00> : vector<640xf32>
    %reduce_sum3A_95 = vector.multi_reduction <add>, %select_n3A_93, %reduce_sum3A_94 [0] : vector<584x640xf32> to vector<640xf32>
    %div3A_96 = arith.constant 5.770000e+02 : f32
    %div3A_97 = vector.broadcast %div3A_96 : f32 to vector<640xf32>
    %div3A_98 = arith.divf %reduce_sum3A_95, %div3A_97 : vector<640xf32>
    %get3A_99 = arith.constant 0 : index
    %get3A_100 = arith.constant 0 : index
    %get3A_101 = arith.constant 0 : index
    %get3A_102 = vector.load %arg9[%get3A_99, %get3A_100, %get3A_101] : memref<3x1x640xf32, #tpu.memory_space<vmem>>, vector<1x1x640xf32>
    %get3A_103 = vector.shape_cast %get3A_102 : vector<1x1x640xf32> to vector<640xf32>
    %add3A_104 = arith.addf %div3A_98, %get3A_103 : vector<640xf32>
    %eq3A = arith.constant 0 : i32
    %eq3A_105 = arith.cmpi eq, %arg1, %eq3A : i32
    %convert_element_type3A = arith.extui %eq3A_105 : i1 to i32
    %cond3A = arith.constant 0 : i32
    %cond3A_106 = arith.cmpi ne, %convert_element_type3A, %cond3A : i32
    scf.if %cond3A_106 {
      %swap3A_399 = arith.constant 0 : index
      %swap3A_400 = arith.constant 0 : index
      %swap3A_401 = vector.load %arg14[%swap3A_399, %swap3A_400] : memref<12x640xf32, #tpu.memory_space<vmem>>, vector<1x640xf32>
      %swap3A_402 = vector.shape_cast %swap3A_401 : vector<1x640xf32> to vector<640xf32>
      %swap3A_403 = vector.shape_cast %add3A_104 : vector<640xf32> to vector<1x640xf32>
      tpu.vector_store %arg14[%swap3A_399, %swap3A_400], %swap3A_403 {strides = array<i32>} : memref<12x640xf32, #tpu.memory_space<vmem>>, vector<1x640xf32>,
    } else {
    }
    %eq3A_107 = arith.constant 1 : i32
    %eq3A_108 = arith.cmpi eq, %arg1, %eq3A_107 : i32
    %convert_element_type3A_109 = arith.extui %eq3A_108 : i1 to i32
    %cond3A_110 = arith.constant 0 : i32
    %cond3A_111 = arith.cmpi ne, %convert_element_type3A_109, %cond3A_110 : i32
    scf.if %cond3A_111 {
      %swap3A_399 = arith.constant 3 : index
      %swap3A_400 = arith.constant 0 : index
      %swap3A_401 = vector.load %arg14[%swap3A_399, %swap3A_400] : memref<12x640xf32, #tpu.memory_space<vmem>>, vector<1x640xf32>
      %swap3A_402 = vector.shape_cast %swap3A_401 : vector<1x640xf32> to vector<640xf32>
      %swap3A_403 = vector.shape_cast %add3A_104 : vector<640xf32> to vector<1x640xf32>
      tpu.vector_store %arg14[%swap3A_399, %swap3A_400], %swap3A_403 {strides = array<i32>} : memref<12x640xf32, #tpu.memory_space<vmem>>, vector<1x640xf32>,
    } else {
    }
    %eq3A_112 = arith.constant 2 : i32
    %eq3A_113 = arith.cmpi eq, %arg1, %eq3A_112 : i32
    %convert_element_type3A_114 = arith.extui %eq3A_113 : i1 to i32
    %cond3A_115 = arith.constant 0 : i32
    %cond3A_116 = arith.cmpi ne, %convert_element_type3A_114, %cond3A_115 : i32
    scf.if %cond3A_116 {
      %swap3A_399 = arith.constant 6 : index
      %swap3A_400 = arith.constant 0 : index
      %swap3A_401 = vector.load %arg14[%swap3A_399, %swap3A_400] : memref<12x640xf32, #tpu.memory_space<vmem>>, vector<1x640xf32>
      %swap3A_402 = vector.shape_cast %swap3A_401 : vector<1x640xf32> to vector<640xf32>
      %swap3A_403 = vector.shape_cast %add3A_104 : vector<640xf32> to vector<1x640xf32>
      tpu.vector_store %arg14[%swap3A_399, %swap3A_400], %swap3A_403 {strides = array<i32>} : memref<12x640xf32, #tpu.memory_space<vmem>>, vector<1x640xf32>,
    } else {
    }
    %eq3A_117 = arith.constant 3 : i32
    %eq3A_118 = arith.cmpi eq, %arg1, %eq3A_117 : i32
    %convert_element_type3A_119 = arith.extui %eq3A_118 : i1 to i32
    %cond3A_120 = arith.constant 0 : i32
    %cond3A_121 = arith.cmpi ne, %convert_element_type3A_119, %cond3A_120 : i32
    scf.if %cond3A_121 {
      %swap3A_399 = arith.constant 9 : index
      %swap3A_400 = arith.constant 0 : index
      %swap3A_401 = vector.load %arg14[%swap3A_399, %swap3A_400] : memref<12x640xf32, #tpu.memory_space<vmem>>, vector<1x640xf32>
      %swap3A_402 = vector.shape_cast %swap3A_401 : vector<1x640xf32> to vector<640xf32>
      %swap3A_403 = vector.shape_cast %add3A_104 : vector<640xf32> to vector<1x640xf32>
      tpu.vector_store %arg14[%swap3A_399, %swap3A_400], %swap3A_403 {strides = array<i32>} : memref<12x640xf32, #tpu.memory_space<vmem>>, vector<1x640xf32>,
    } else {
    }
    %get3A_122 = arith.constant 1 : index
    %get3A_123 = arith.constant 0 : index
    %get3A_124 = arith.constant 0 : index
    %get3A_125 = vector.load %arg3[%get3A_122, %get3A_123, %get3A_124] : memref<3x64x768xf32, #tpu.memory_space<vmem>>, vector<1x64x768xf32>
    %get3A_126 = vector.shape_cast %get3A_125 : vector<1x64x768xf32> to vector<64x768xf32>
    %dot_general3A_127 = arith.constant dense<0.000000e+00> : vector<640x64xf32>
    %dot_general3A_128 = tpu.matmul %get3A_3, %get3A_126, %dot_general3A_127 {dimension_numbers = #tpu.dot_dimension_numbers<[1], [1], [0], [0], [0, 0, 1, 0], [], []>, transpose_lhs_hint = false} : vector<640x768xf32>, vector<64x768xf32>, vector<640x64xf32> -> vector<640x64xf32>
    %get3A_129 = arith.constant 1 : index
    %get3A_130 = arith.constant 0 : index
    %get3A_131 = arith.constant 0 : index
    %get3A_132 = vector.load %arg6[%get3A_129, %get3A_130, %get3A_131] : memref<3x1x64xf32, #tpu.memory_space<vmem>>, vector<1x1x64xf32>
    %get3A_133 = vector.shape_cast %get3A_132 : vector<1x1x64xf32> to vector<64xf32>
    %broadcast_in_dim3A_134 = vector.shape_cast %get3A_133 : vector<64xf32> to vector<1x64xf32>
    %add3A_135 = vector.broadcast %broadcast_in_dim3A_134 : vector<1x64xf32> to vector<640x64xf32>
    %add3A_136 = arith.addf %dot_general3A_128, %add3A_135 : vector<640x64xf32>
    %get3A_137 = arith.constant 1 : index
    %get3A_138 = arith.constant 0 : index
    %get3A_139 = arith.constant 0 : index
    %get3A_140 = vector.load %arg4[%get3A_137, %get3A_138, %get3A_139] : memref<3x64x768xf32, #tpu.memory_space<vmem>>, vector<1x64x768xf32>
    %get3A_141 = vector.shape_cast %get3A_140 : vector<1x64x768xf32> to vector<64x768xf32>
    %dot_general3A_142 = arith.constant dense<0.000000e+00> : vector<640x64xf32>
    %dot_general3A_143 = tpu.matmul %get3A_3, %get3A_141, %dot_general3A_142 {dimension_numbers = #tpu.dot_dimension_numbers<[1], [1], [0], [0], [0, 0, 1, 0], [], []>, transpose_lhs_hint = false} : vector<640x768xf32>, vector<64x768xf32>, vector<640x64xf32> -> vector<640x64xf32>
    %get3A_144 = arith.constant 1 : index
    %get3A_145 = arith.constant 0 : index
    %get3A_146 = arith.constant 0 : index
    %get3A_147 = vector.load %arg7[%get3A_144, %get3A_145, %get3A_146] : memref<3x1x64xf32, #tpu.memory_space<vmem>>, vector<1x1x64xf32>
    %get3A_148 = vector.shape_cast %get3A_147 : vector<1x1x64xf32> to vector<64xf32>
    %broadcast_in_dim3A_149 = vector.shape_cast %get3A_148 : vector<64xf32> to vector<1x64xf32>
    %add3A_150 = vector.broadcast %broadcast_in_dim3A_149 : vector<1x64xf32> to vector<640x64xf32>
    %add3A_151 = arith.addf %dot_general3A_143, %add3A_150 : vector<640x64xf32>
    %get3A_152 = arith.constant 1 : index
    %get3A_153 = arith.constant 0 : index
    %get3A_154 = arith.constant 0 : index
    %get3A_155 = vector.load %arg5[%get3A_152, %get3A_153, %get3A_154] : memref<3x64x768xf32, #tpu.memory_space<vmem>>, vector<1x64x768xf32>
    %get3A_156 = vector.shape_cast %get3A_155 : vector<1x64x768xf32> to vector<64x768xf32>
    %dot_general3A_157 = arith.constant dense<0.000000e+00> : vector<640x64xf32>
    %dot_general3A_158 = tpu.matmul %get3A_3, %get3A_156, %dot_general3A_157 {dimension_numbers = #tpu.dot_dimension_numbers<[1], [1], [0], [0], [0, 0, 1, 0], [], []>, transpose_lhs_hint = false} : vector<640x768xf32>, vector<64x768xf32>, vector<640x64xf32> -> vector<640x64xf32>
    %get3A_159 = arith.constant 1 : index
    %get3A_160 = arith.constant 0 : index
    %get3A_161 = arith.constant 0 : index
    %get3A_162 = vector.load %arg8[%get3A_159, %get3A_160, %get3A_161] : memref<3x1x64xf32, #tpu.memory_space<vmem>>, vector<1x1x64xf32>
    %get3A_163 = vector.shape_cast %get3A_162 : vector<1x1x64xf32> to vector<64xf32>
    %broadcast_in_dim3A_164 = vector.shape_cast %get3A_163 : vector<64xf32> to vector<1x64xf32>
    %add3A_165 = vector.broadcast %broadcast_in_dim3A_164 : vector<1x64xf32> to vector<640x64xf32>
    %add3A_166 = arith.addf %dot_general3A_158, %add3A_165 : vector<640x64xf32>
    %iota3A_167 = tpu.iota {dimensions = array<i32: 0>} : vector<640x64xi32>
    %lt3A_168 = arith.constant 577 : i32
    %lt3A_169 = vector.broadcast %lt3A_168 : i32 to vector<640x64xi32>
    %lt3A_170 = arith.cmpi slt, %iota3A_167, %lt3A_169 : vector<640x64xi32>
    %jit3A_171 = arith.constant 0.000000e+00 : f32
    %broadcast_in_dim3A_172 = vector.broadcast %jit3A_171 : f32 to vector<640x64xf32>
    %select_n3A_173 = arith.select %lt3A_170, %add3A_166, %broadcast_in_dim3A_172 : vector<640x64xi1>, vector<640x64xf32>
    %slice3A_174 = vector.extract_strided_slice %add3A_136 {offsets = [0, 0], sizes = [584, 64], strides = [1, 1]} : vector<640x64xf32> to vector<584x64xf32>
    %swap3A_175 = arith.constant 0 : index
    %swap3A_176 = arith.constant 1 : index
    %swap3A_177 = arith.constant 0 : index
    %swap3A_178 = arith.constant 0 : index
    %swap3A_179 = vector.load %arg10[%swap3A_175, %swap3A_176, %swap3A_177, %swap3A_178] : memref<1x3x584x64xf32, #tpu.memory_space<vmem>>, vector<1x1x584x64xf32>
    %swap3A_180 = vector.shape_cast %swap3A_179 : vector<1x1x584x64xf32> to vector<584x64xf32>
    %swap3A_181 = vector.shape_cast %slice3A_174 : vector<584x64xf32> to vector<1x1x584x64xf32>
    tpu.vector_store %arg10[%swap3A_175, %swap3A_176, %swap3A_177, %swap3A_178], %swap3A_181 {strides = array<i32>} : memref<1x3x584x64xf32, #tpu.memory_space<vmem>>, vector<1x1x584x64xf32>,
    %swap3A_182 = arith.constant 0 : index
    %swap3A_183 = arith.constant 1 : index
    %swap3A_184 = arith.constant 0 : index
    %swap3A_185 = arith.constant 0 : index
    %swap3A_186 = vector.load %arg11[%swap3A_182, %swap3A_183, %swap3A_184, %swap3A_185] : memref<1x3x640x64xf32, #tpu.memory_space<vmem>>, vector<1x1x640x64xf32>
    %swap3A_187 = vector.shape_cast %swap3A_186 : vector<1x1x640x64xf32> to vector<640x64xf32>
    %swap3A_188 = vector.shape_cast %add3A_151 : vector<640x64xf32> to vector<1x1x640x64xf32>
    tpu.vector_store %arg11[%swap3A_182, %swap3A_183, %swap3A_184, %swap3A_185], %swap3A_188 {strides = array<i32>} : memref<1x3x640x64xf32, #tpu.memory_space<vmem>>, vector<1x1x640x64xf32>,
    %swap3A_189 = arith.constant 0 : index
    %swap3A_190 = arith.constant 1 : index
    %swap3A_191 = arith.constant 0 : index
    %swap3A_192 = arith.constant 0 : index
    %swap3A_193 = vector.load %arg12[%swap3A_189, %swap3A_190, %swap3A_191, %swap3A_192] : memref<1x3x640x64xf32, #tpu.memory_space<vmem>>, vector<1x1x640x64xf32>
    %swap3A_194 = vector.shape_cast %swap3A_193 : vector<1x1x640x64xf32> to vector<640x64xf32>
    %swap3A_195 = vector.shape_cast %select_n3A_173 : vector<640x64xf32> to vector<1x1x640x64xf32>
    tpu.vector_store %arg12[%swap3A_189, %swap3A_190, %swap3A_191, %swap3A_192], %swap3A_195 {strides = array<i32>} : memref<1x3x640x64xf32, #tpu.memory_space<vmem>>, vector<1x1x640x64xf32>,
    %slice3A_196 = vector.extract_strided_slice %add3A_136 {offsets = [0, 0], sizes = [584, 64], strides = [1, 1]} : vector<640x64xf32> to vector<584x64xf32>
    %dot_general3A_197 = arith.constant dense<0.000000e+00> : vector<584x640xf32>
    %dot_general3A_198 = tpu.matmul %slice3A_196, %add3A_151, %dot_general3A_197 {dimension_numbers = #tpu.dot_dimension_numbers<[1], [1], [0], [0], [0, 0, 1, 0], [], []>, transpose_lhs_hint = false} : vector<584x64xf32>, vector<640x64xf32>, vector<584x640xf32> -> vector<584x640xf32>
    %mul3A_199 = arith.constant 1.250000e-01 : f32
    %mul3A_200 = vector.broadcast %mul3A_199 : f32 to vector<584x640xf32>
    %mul3A_201 = arith.mulf %dot_general3A_198, %mul3A_200 : vector<584x640xf32>
    %iota3A_202 = tpu.iota {dimensions = array<i32: 1>} : vector<584x640xi32>
    %lt3A_203 = arith.constant 577 : i32
    %lt3A_204 = vector.broadcast %lt3A_203 : i32 to vector<584x640xi32>
    %lt3A_205 = arith.cmpi slt, %iota3A_202, %lt3A_204 : vector<584x640xi32>
    %jit3A_206 = arith.constant -1.000000e+30 : f32
    %broadcast_in_dim3A_207 = vector.broadcast %jit3A_206 : f32 to vector<584x640xf32>
    %select_n3A_208 = arith.select %lt3A_205, %mul3A_201, %broadcast_in_dim3A_207 : vector<584x640xi1>, vector<584x640xf32>
    %reduce_max3A_209 = arith.constant dense<0xFF800000> : vector<584xf32>
    %reduce_max3A_210 = vector.multi_reduction <maximumf>, %select_n3A_208, %reduce_max3A_209 [1] : vector<584x640xf32> to vector<584xf32>
    %broadcast_in_dim3A_211 = vector.shape_cast %reduce_max3A_210 : vector<584xf32> to vector<584x1xf32>
    %sub3A_212 = vector.broadcast %broadcast_in_dim3A_211 : vector<584x1xf32> to vector<584x640xf32>
    %sub3A_213 = arith.subf %select_n3A_208, %sub3A_212 : vector<584x640xf32>
    %exp3A_214 = math.exp %sub3A_213 : vector<584x640xf32>
    %reduce_sum3A_215 = arith.constant dense<0.000000e+00> : vector<584xf32>
    %reduce_sum3A_216 = vector.multi_reduction <add>, %exp3A_214, %reduce_sum3A_215 [1] : vector<584x640xf32> to vector<584xf32>
    %broadcast_in_dim3A_217 = vector.shape_cast %reduce_sum3A_216 : vector<584xf32> to vector<584x1xf32>
    %div3A_218 = vector.broadcast %broadcast_in_dim3A_217 : vector<584x1xf32> to vector<584x640xf32>
    %div3A_219 = arith.divf %exp3A_214, %div3A_218 : vector<584x640xf32>
    %iota3A_220 = tpu.iota {dimensions = array<i32: 0>} : vector<584x640xi32>
    %lt3A_221 = arith.constant 577 : i32
    %lt3A_222 = vector.broadcast %lt3A_221 : i32 to vector<584x640xi32>
    %lt3A_223 = arith.cmpi slt, %iota3A_220, %lt3A_222 : vector<584x640xi32>
    %jit3A_224 = arith.constant 0.000000e+00 : f32
    %broadcast_in_dim3A_225 = vector.broadcast %jit3A_224 : f32 to vector<584x640xf32>
    %select_n3A_226 = arith.select %lt3A_223, %div3A_219, %broadcast_in_dim3A_225 : vector<584x640xi1>, vector<584x640xf32>
    %reduce_sum3A_227 = arith.constant dense<0.000000e+00> : vector<640xf32>
    %reduce_sum3A_228 = vector.multi_reduction <add>, %select_n3A_226, %reduce_sum3A_227 [0] : vector<584x640xf32> to vector<640xf32>
    %div3A_229 = arith.constant 5.770000e+02 : f32
    %div3A_230 = vector.broadcast %div3A_229 : f32 to vector<640xf32>
    %div3A_231 = arith.divf %reduce_sum3A_228, %div3A_230 : vector<640xf32>
    %get3A_232 = arith.constant 1 : index
    %get3A_233 = arith.constant 0 : index
    %get3A_234 = arith.constant 0 : index
    %get3A_235 = vector.load %arg9[%get3A_232, %get3A_233, %get3A_234] : memref<3x1x640xf32, #tpu.memory_space<vmem>>, vector<1x1x640xf32>
    %get3A_236 = vector.shape_cast %get3A_235 : vector<1x1x640xf32> to vector<640xf32>
    %add3A_237 = arith.addf %div3A_231, %get3A_236 : vector<640xf32>
    %eq3A_238 = arith.constant 0 : i32
    %eq3A_239 = arith.cmpi eq, %arg1, %eq3A_238 : i32
    %convert_element_type3A_240 = arith.extui %eq3A_239 : i1 to i32
    %cond3A_241 = arith.constant 0 : i32
    %cond3A_242 = arith.cmpi ne, %convert_element_type3A_240, %cond3A_241 : i32
    scf.if %cond3A_242 {
      %swap3A_399 = arith.constant 1 : index
      %swap3A_400 = arith.constant 0 : index
      %swap3A_401 = vector.load %arg14[%swap3A_399, %swap3A_400] : memref<12x640xf32, #tpu.memory_space<vmem>>, vector<1x640xf32>
      %swap3A_402 = vector.shape_cast %swap3A_401 : vector<1x640xf32> to vector<640xf32>
      %swap3A_403 = vector.shape_cast %add3A_237 : vector<640xf32> to vector<1x640xf32>
      tpu.vector_store %arg14[%swap3A_399, %swap3A_400], %swap3A_403 {strides = array<i32>} : memref<12x640xf32, #tpu.memory_space<vmem>>, vector<1x640xf32>,
    } else {
    }
    %eq3A_243 = arith.constant 1 : i32
    %eq3A_244 = arith.cmpi eq, %arg1, %eq3A_243 : i32
    %convert_element_type3A_245 = arith.extui %eq3A_244 : i1 to i32
    %cond3A_246 = arith.constant 0 : i32
    %cond3A_247 = arith.cmpi ne, %convert_element_type3A_245, %cond3A_246 : i32
    scf.if %cond3A_247 {
      %swap3A_399 = arith.constant 4 : index
      %swap3A_400 = arith.constant 0 : index
      %swap3A_401 = vector.load %arg14[%swap3A_399, %swap3A_400] : memref<12x640xf32, #tpu.memory_space<vmem>>, vector<1x640xf32>
      %swap3A_402 = vector.shape_cast %swap3A_401 : vector<1x640xf32> to vector<640xf32>
      %swap3A_403 = vector.shape_cast %add3A_237 : vector<640xf32> to vector<1x640xf32>
      tpu.vector_store %arg14[%swap3A_399, %swap3A_400], %swap3A_403 {strides = array<i32>} : memref<12x640xf32, #tpu.memory_space<vmem>>, vector<1x640xf32>,
    } else {
    }
    %eq3A_248 = arith.constant 2 : i32
    %eq3A_249 = arith.cmpi eq, %arg1, %eq3A_248 : i32
    %convert_element_type3A_250 = arith.extui %eq3A_249 : i1 to i32
    %cond3A_251 = arith.constant 0 : i32
    %cond3A_252 = arith.cmpi ne, %convert_element_type3A_250, %cond3A_251 : i32
    scf.if %cond3A_252 {
      %swap3A_399 = arith.constant 7 : index
      %swap3A_400 = arith.constant 0 : index
      %swap3A_401 = vector.load %arg14[%swap3A_399, %swap3A_400] : memref<12x640xf32, #tpu.memory_space<vmem>>, vector<1x640xf32>
      %swap3A_402 = vector.shape_cast %swap3A_401 : vector<1x640xf32> to vector<640xf32>
      %swap3A_403 = vector.shape_cast %add3A_237 : vector<640xf32> to vector<1x640xf32>
      tpu.vector_store %arg14[%swap3A_399, %swap3A_400], %swap3A_403 {strides = array<i32>} : memref<12x640xf32, #tpu.memory_space<vmem>>, vector<1x640xf32>,
    } else {
    }
    %eq3A_253 = arith.constant 3 : i32
    %eq3A_254 = arith.cmpi eq, %arg1, %eq3A_253 : i32
    %convert_element_type3A_255 = arith.extui %eq3A_254 : i1 to i32
    %cond3A_256 = arith.constant 0 : i32
    %cond3A_257 = arith.cmpi ne, %convert_element_type3A_255, %cond3A_256 : i32
    scf.if %cond3A_257 {
      %swap3A_399 = arith.constant 10 : index
      %swap3A_400 = arith.constant 0 : index
      %swap3A_401 = vector.load %arg14[%swap3A_399, %swap3A_400] : memref<12x640xf32, #tpu.memory_space<vmem>>, vector<1x640xf32>
      %swap3A_402 = vector.shape_cast %swap3A_401 : vector<1x640xf32> to vector<640xf32>
      %swap3A_403 = vector.shape_cast %add3A_237 : vector<640xf32> to vector<1x640xf32>
      tpu.vector_store %arg14[%swap3A_399, %swap3A_400], %swap3A_403 {strides = array<i32>} : memref<12x640xf32, #tpu.memory_space<vmem>>, vector<1x640xf32>,
    } else {
    }
    %get3A_258 = arith.constant 2 : index
    %get3A_259 = arith.constant 0 : index
    %get3A_260 = arith.constant 0 : index
    %get3A_261 = vector.load %arg3[%get3A_258, %get3A_259, %get3A_260] : memref<3x64x768xf32, #tpu.memory_space<vmem>>, vector<1x64x768xf32>
    %get3A_262 = vector.shape_cast %get3A_261 : vector<1x64x768xf32> to vector<64x768xf32>
    %dot_general3A_263 = arith.constant dense<0.000000e+00> : vector<640x64xf32>
    %dot_general3A_264 = tpu.matmul %get3A_3, %get3A_262, %dot_general3A_263 {dimension_numbers = #tpu.dot_dimension_numbers<[1], [1], [0], [0], [0, 0, 1, 0], [], []>, transpose_lhs_hint = false} : vector<640x768xf32>, vector<64x768xf32>, vector<640x64xf32> -> vector<640x64xf32>
    %get3A_265 = arith.constant 2 : index
    %get3A_266 = arith.constant 0 : index
    %get3A_267 = arith.constant 0 : index
    %get3A_268 = vector.load %arg6[%get3A_265, %get3A_266, %get3A_267] : memref<3x1x64xf32, #tpu.memory_space<vmem>>, vector<1x1x64xf32>
    %get3A_269 = vector.shape_cast %get3A_268 : vector<1x1x64xf32> to vector<64xf32>
    %broadcast_in_dim3A_270 = vector.shape_cast %get3A_269 : vector<64xf32> to vector<1x64xf32>
    %add3A_271 = vector.broadcast %broadcast_in_dim3A_270 : vector<1x64xf32> to vector<640x64xf32>
    %add3A_272 = arith.addf %dot_general3A_264, %add3A_271 : vector<640x64xf32>
    %get3A_273 = arith.constant 2 : index
    %get3A_274 = arith.constant 0 : index
    %get3A_275 = arith.constant 0 : index
    %get3A_276 = vector.load %arg4[%get3A_273, %get3A_274, %get3A_275] : memref<3x64x768xf32, #tpu.memory_space<vmem>>, vector<1x64x768xf32>
    %get3A_277 = vector.shape_cast %get3A_276 : vector<1x64x768xf32> to vector<64x768xf32>
    %dot_general3A_278 = arith.constant dense<0.000000e+00> : vector<640x64xf32>
    %dot_general3A_279 = tpu.matmul %get3A_3, %get3A_277, %dot_general3A_278 {dimension_numbers = #tpu.dot_dimension_numbers<[1], [1], [0], [0], [0, 0, 1, 0], [], []>, transpose_lhs_hint = false} : vector<640x768xf32>, vector<64x768xf32>, vector<640x64xf32> -> vector<640x64xf32>
    %get3A_280 = arith.constant 2 : index
    %get3A_281 = arith.constant 0 : index
    %get3A_282 = arith.constant 0 : index
    %get3A_283 = vector.load %arg7[%get3A_280, %get3A_281, %get3A_282] : memref<3x1x64xf32, #tpu.memory_space<vmem>>, vector<1x1x64xf32>
    %get3A_284 = vector.shape_cast %get3A_283 : vector<1x1x64xf32> to vector<64xf32>
    %broadcast_in_dim3A_285 = vector.shape_cast %get3A_284 : vector<64xf32> to vector<1x64xf32>
    %add3A_286 = vector.broadcast %broadcast_in_dim3A_285 : vector<1x64xf32> to vector<640x64xf32>
    %add3A_287 = arith.addf %dot_general3A_279, %add3A_286 : vector<640x64xf32>
    %get3A_288 = arith.constant 2 : index
    %get3A_289 = arith.constant 0 : index
    %get3A_290 = arith.constant 0 : index
    %get3A_291 = vector.load %arg5[%get3A_288, %get3A_289, %get3A_290] : memref<3x64x768xf32, #tpu.memory_space<vmem>>, vector<1x64x768xf32>
    %get3A_292 = vector.shape_cast %get3A_291 : vector<1x64x768xf32> to vector<64x768xf32>
    %dot_general3A_293 = arith.constant dense<0.000000e+00> : vector<640x64xf32>
    %dot_general3A_294 = tpu.matmul %get3A_3, %get3A_292, %dot_general3A_293 {dimension_numbers = #tpu.dot_dimension_numbers<[1], [1], [0], [0], [0, 0, 1, 0], [], []>, transpose_lhs_hint = false} : vector<640x768xf32>, vector<64x768xf32>, vector<640x64xf32> -> vector<640x64xf32>
    %get3A_295 = arith.constant 2 : index
    %get3A_296 = arith.constant 0 : index
    %get3A_297 = arith.constant 0 : index
    %get3A_298 = vector.load %arg8[%get3A_295, %get3A_296, %get3A_297] : memref<3x1x64xf32, #tpu.memory_space<vmem>>, vector<1x1x64xf32>
    %get3A_299 = vector.shape_cast %get3A_298 : vector<1x1x64xf32> to vector<64xf32>
    %broadcast_in_dim3A_300 = vector.shape_cast %get3A_299 : vector<64xf32> to vector<1x64xf32>
    %add3A_301 = vector.broadcast %broadcast_in_dim3A_300 : vector<1x64xf32> to vector<640x64xf32>
    %add3A_302 = arith.addf %dot_general3A_294, %add3A_301 : vector<640x64xf32>
    %iota3A_303 = tpu.iota {dimensions = array<i32: 0>} : vector<640x64xi32>
    %lt3A_304 = arith.constant 577 : i32
    %lt3A_305 = vector.broadcast %lt3A_304 : i32 to vector<640x64xi32>
    %lt3A_306 = arith.cmpi slt, %iota3A_303, %lt3A_305 : vector<640x64xi32>
    %jit3A_307 = arith.constant 0.000000e+00 : f32
    %broadcast_in_dim3A_308 = vector.broadcast %jit3A_307 : f32 to vector<640x64xf32>
    %select_n3A_309 = arith.select %lt3A_306, %add3A_302, %broadcast_in_dim3A_308 : vector<640x64xi1>, vector<640x64xf32>
    %slice3A_310 = vector.extract_strided_slice %add3A_272 {offsets = [0, 0], sizes = [584, 64], strides = [1, 1]} : vector<640x64xf32> to vector<584x64xf32>
    %swap3A_311 = arith.constant 0 : index
    %swap3A_312 = arith.constant 2 : index
    %swap3A_313 = arith.constant 0 : index
    %swap3A_314 = arith.constant 0 : index
    %swap3A_315 = vector.load %arg10[%swap3A_311, %swap3A_312, %swap3A_313, %swap3A_314] : memref<1x3x584x64xf32, #tpu.memory_space<vmem>>, vector<1x1x584x64xf32>
    %swap3A_316 = vector.shape_cast %swap3A_315 : vector<1x1x584x64xf32> to vector<584x64xf32>
    %swap3A_317 = vector.shape_cast %slice3A_310 : vector<584x64xf32> to vector<1x1x584x64xf32>
    tpu.vector_store %arg10[%swap3A_311, %swap3A_312, %swap3A_313, %swap3A_314], %swap3A_317 {strides = array<i32>} : memref<1x3x584x64xf32, #tpu.memory_space<vmem>>, vector<1x1x584x64xf32>,
    %swap3A_318 = arith.constant 0 : index
    %swap3A_319 = arith.constant 2 : index
    %swap3A_320 = arith.constant 0 : index
    %swap3A_321 = arith.constant 0 : index
    %swap3A_322 = vector.load %arg11[%swap3A_318, %swap3A_319, %swap3A_320, %swap3A_321] : memref<1x3x640x64xf32, #tpu.memory_space<vmem>>, vector<1x1x640x64xf32>
    %swap3A_323 = vector.shape_cast %swap3A_322 : vector<1x1x640x64xf32> to vector<640x64xf32>
    %swap3A_324 = vector.shape_cast %add3A_287 : vector<640x64xf32> to vector<1x1x640x64xf32>
    tpu.vector_store %arg11[%swap3A_318, %swap3A_319, %swap3A_320, %swap3A_321], %swap3A_324 {strides = array<i32>} : memref<1x3x640x64xf32, #tpu.memory_space<vmem>>, vector<1x1x640x64xf32>,
    %swap3A_325 = arith.constant 0 : index
    %swap3A_326 = arith.constant 2 : index
    %swap3A_327 = arith.constant 0 : index
    %swap3A_328 = arith.constant 0 : index
    %swap3A_329 = vector.load %arg12[%swap3A_325, %swap3A_326, %swap3A_327, %swap3A_328] : memref<1x3x640x64xf32, #tpu.memory_space<vmem>>, vector<1x1x640x64xf32>
    %swap3A_330 = vector.shape_cast %swap3A_329 : vector<1x1x640x64xf32> to vector<640x64xf32>
    %swap3A_331 = vector.shape_cast %select_n3A_309 : vector<640x64xf32> to vector<1x1x640x64xf32>
    tpu.vector_store %arg12[%swap3A_325, %swap3A_326, %swap3A_327, %swap3A_328], %swap3A_331 {strides = array<i32>} : memref<1x3x640x64xf32, #tpu.memory_space<vmem>>, vector<1x1x640x64xf32>,
    %slice3A_332 = vector.extract_strided_slice %add3A_272 {offsets = [0, 0], sizes = [584, 64], strides = [1, 1]} : vector<640x64xf32> to vector<584x64xf32>
    %dot_general3A_333 = arith.constant dense<0.000000e+00> : vector<584x640xf32>
    %dot_general3A_334 = tpu.matmul %slice3A_332, %add3A_287, %dot_general3A_333 {dimension_numbers = #tpu.dot_dimension_numbers<[1], [1], [0], [0], [0, 0, 1, 0], [], []>, transpose_lhs_hint = false} : vector<584x64xf32>, vector<640x64xf32>, vector<584x640xf32> -> vector<584x640xf32>
    %mul3A_335 = arith.constant 1.250000e-01 : f32
    %mul3A_336 = vector.broadcast %mul3A_335 : f32 to vector<584x640xf32>
    %mul3A_337 = arith.mulf %dot_general3A_334, %mul3A_336 : vector<584x640xf32>
    %iota3A_338 = tpu.iota {dimensions = array<i32: 1>} : vector<584x640xi32>
    %lt3A_339 = arith.constant 577 : i32
    %lt3A_340 = vector.broadcast %lt3A_339 : i32 to vector<584x640xi32>
    %lt3A_341 = arith.cmpi slt, %iota3A_338, %lt3A_340 : vector<584x640xi32>
    %jit3A_342 = arith.constant -1.000000e+30 : f32
    %broadcast_in_dim3A_343 = vector.broadcast %jit3A_342 : f32 to vector<584x640xf32>
    %select_n3A_344 = arith.select %lt3A_341, %mul3A_337, %broadcast_in_dim3A_343 : vector<584x640xi1>, vector<584x640xf32>
    %reduce_max3A_345 = arith.constant dense<0xFF800000> : vector<584xf32>
    %reduce_max3A_346 = vector.multi_reduction <maximumf>, %select_n3A_344, %reduce_max3A_345 [1] : vector<584x640xf32> to vector<584xf32>
    %broadcast_in_dim3A_347 = vector.shape_cast %reduce_max3A_346 : vector<584xf32> to vector<584x1xf32>
    %sub3A_348 = vector.broadcast %broadcast_in_dim3A_347 : vector<584x1xf32> to vector<584x640xf32>
    %sub3A_349 = arith.subf %select_n3A_344, %sub3A_348 : vector<584x640xf32>
    %exp3A_350 = math.exp %sub3A_349 : vector<584x640xf32>
    %reduce_sum3A_351 = arith.constant dense<0.000000e+00> : vector<584xf32>
    %reduce_sum3A_352 = vector.multi_reduction <add>, %exp3A_350, %reduce_sum3A_351 [1] : vector<584x640xf32> to vector<584xf32>
    %broadcast_in_dim3A_353 = vector.shape_cast %reduce_sum3A_352 : vector<584xf32> to vector<584x1xf32>
    %div3A_354 = vector.broadcast %broadcast_in_dim3A_353 : vector<584x1xf32> to vector<584x640xf32>
    %div3A_355 = arith.divf %exp3A_350, %div3A_354 : vector<584x640xf32>
    %iota3A_356 = tpu.iota {dimensions = array<i32: 0>} : vector<584x640xi32>
    %lt3A_357 = arith.constant 577 : i32
    %lt3A_358 = vector.broadcast %lt3A_357 : i32 to vector<584x640xi32>
    %lt3A_359 = arith.cmpi slt, %iota3A_356, %lt3A_358 : vector<584x640xi32>
    %jit3A_360 = arith.constant 0.000000e+00 : f32
    %broadcast_in_dim3A_361 = vector.broadcast %jit3A_360 : f32 to vector<584x640xf32>
    %select_n3A_362 = arith.select %lt3A_359, %div3A_355, %broadcast_in_dim3A_361 : vector<584x640xi1>, vector<584x640xf32>
    %reduce_sum3A_363 = arith.constant dense<0.000000e+00> : vector<640xf32>
    %reduce_sum3A_364 = vector.multi_reduction <add>, %select_n3A_362, %reduce_sum3A_363 [0] : vector<584x640xf32> to vector<640xf32>
    %div3A_365 = arith.constant 5.770000e+02 : f32
    %div3A_366 = vector.broadcast %div3A_365 : f32 to vector<640xf32>
    %div3A_367 = arith.divf %reduce_sum3A_364, %div3A_366 : vector<640xf32>
    %get3A_368 = arith.constant 2 : index
    %get3A_369 = arith.constant 0 : index
    %get3A_370 = arith.constant 0 : index
    %get3A_371 = vector.load %arg9[%get3A_368, %get3A_369, %get3A_370] : memref<3x1x640xf32, #tpu.memory_space<vmem>>, vector<1x1x640xf32>
    %get3A_372 = vector.shape_cast %get3A_371 : vector<1x1x640xf32> to vector<640xf32>
    %add3A_373 = arith.addf %div3A_367, %get3A_372 : vector<640xf32>
    %eq3A_374 = arith.constant 0 : i32
    %eq3A_375 = arith.cmpi eq, %arg1, %eq3A_374 : i32
    %convert_element_type3A_376 = arith.extui %eq3A_375 : i1 to i32
    %cond3A_377 = arith.constant 0 : i32
    %cond3A_378 = arith.cmpi ne, %convert_element_type3A_376, %cond3A_377 : i32
    scf.if %cond3A_378 {
      %swap3A_399 = arith.constant 2 : index
      %swap3A_400 = arith.constant 0 : index
      %swap3A_401 = vector.load %arg14[%swap3A_399, %swap3A_400] : memref<12x640xf32, #tpu.memory_space<vmem>>, vector<1x640xf32>
      %swap3A_402 = vector.shape_cast %swap3A_401 : vector<1x640xf32> to vector<640xf32>
      %swap3A_403 = vector.shape_cast %add3A_373 : vector<640xf32> to vector<1x640xf32>
      tpu.vector_store %arg14[%swap3A_399, %swap3A_400], %swap3A_403 {strides = array<i32>} : memref<12x640xf32, #tpu.memory_space<vmem>>, vector<1x640xf32>,
    } else {
    }
    %eq3A_379 = arith.constant 1 : i32
    %eq3A_380 = arith.cmpi eq, %arg1, %eq3A_379 : i32
    %convert_element_type3A_381 = arith.extui %eq3A_380 : i1 to i32
    %cond3A_382 = arith.constant 0 : i32
    %cond3A_383 = arith.cmpi ne, %convert_element_type3A_381, %cond3A_382 : i32
    scf.if %cond3A_383 {
      %swap3A_399 = arith.constant 5 : index
      %swap3A_400 = arith.constant 0 : index
      %swap3A_401 = vector.load %arg14[%swap3A_399, %swap3A_400] : memref<12x640xf32, #tpu.memory_space<vmem>>, vector<1x640xf32>
      %swap3A_402 = vector.shape_cast %swap3A_401 : vector<1x640xf32> to vector<640xf32>
      %swap3A_403 = vector.shape_cast %add3A_373 : vector<640xf32> to vector<1x640xf32>
      tpu.vector_store %arg14[%swap3A_399, %swap3A_400], %swap3A_403 {strides = array<i32>} : memref<12x640xf32, #tpu.memory_space<vmem>>, vector<1x640xf32>,
    } else {
    }
    %eq3A_384 = arith.constant 2 : i32
    %eq3A_385 = arith.cmpi eq, %arg1, %eq3A_384 : i32
    %convert_element_type3A_386 = arith.extui %eq3A_385 : i1 to i32
    %cond3A_387 = arith.constant 0 : i32
    %cond3A_388 = arith.cmpi ne, %convert_element_type3A_386, %cond3A_387 : i32
    scf.if %cond3A_388 {
      %swap3A_399 = arith.constant 8 : index
      %swap3A_400 = arith.constant 0 : index
      %swap3A_401 = vector.load %arg14[%swap3A_399, %swap3A_400] : memref<12x640xf32, #tpu.memory_space<vmem>>, vector<1x640xf32>
      %swap3A_402 = vector.shape_cast %swap3A_401 : vector<1x640xf32> to vector<640xf32>
      %swap3A_403 = vector.shape_cast %add3A_373 : vector<640xf32> to vector<1x640xf32>
      tpu.vector_store %arg14[%swap3A_399, %swap3A_400], %swap3A_403 {strides = array<i32>} : memref<12x640xf32, #tpu.memory_space<vmem>>, vector<1x640xf32>,
    } else {
    }
    %eq3A_389 = arith.constant 3 : i32
    %eq3A_390 = arith.cmpi eq, %arg1, %eq3A_389 : i32
    %convert_element_type3A_391 = arith.extui %eq3A_390 : i1 to i32
    %cond3A_392 = arith.constant 0 : i32
    %cond3A_393 = arith.cmpi ne, %convert_element_type3A_391, %cond3A_392 : i32
    scf.if %cond3A_393 {
      %swap3A_399 = arith.constant 11 : index
      %swap3A_400 = arith.constant 0 : index
      %swap3A_401 = vector.load %arg14[%swap3A_399, %swap3A_400] : memref<12x640xf32, #tpu.memory_space<vmem>>, vector<1x640xf32>
      %swap3A_402 = vector.shape_cast %swap3A_401 : vector<1x640xf32> to vector<640xf32>
      %swap3A_403 = vector.shape_cast %add3A_373 : vector<640xf32> to vector<1x640xf32>
      tpu.vector_store %arg14[%swap3A_399, %swap3A_400], %swap3A_403 {strides = array<i32>} : memref<12x640xf32, #tpu.memory_space<vmem>>, vector<1x640xf32>,
    } else {
    }
    %eq3A_394 = arith.constant 3 : i32
    %eq3A_395 = arith.cmpi eq, %arg1, %eq3A_394 : i32
    %convert_element_type3A_396 = arith.extui %eq3A_395 : i1 to i32
    %cond3A_397 = arith.constant 0 : i32
    %cond3A_398 = arith.cmpi ne, %convert_element_type3A_396, %cond3A_397 : i32
    scf.if %cond3A_398 {
      %get3A_399 = arith.constant 0 : index
      %get3A_400 = arith.constant 0 : index
      %get3A_401 = vector.load %arg14[%get3A_399, %get3A_400] : memref<12x640xf32, #tpu.memory_space<vmem>>, vector<12x640xf32>
      %reduce_sum3A_402 = arith.constant dense<0.000000e+00> : vector<640xf32>
      %reduce_sum3A_403 = vector.multi_reduction <add>, %get3A_401, %reduce_sum3A_402 [0] : vector<12x640xf32> to vector<640xf32>
      %div3A_404 = arith.constant 1.200000e+01 : f32
      %div3A_405 = vector.broadcast %div3A_404 : f32 to vector<640xf32>
      %div3A_406 = arith.divf %reduce_sum3A_403, %div3A_405 : vector<640xf32>
      %swap3A_407 = arith.constant 0 : index
      %swap3A_408 = arith.constant 0 : index
      %swap3A_409 = arith.constant 0 : index
      %swap3A_410 = vector.load %arg13[%swap3A_407, %swap3A_408, %swap3A_409] : memref<1x1x640xf32, #tpu.memory_space<vmem>>, vector<1x1x640xf32>
      %swap3A_411 = vector.shape_cast %swap3A_410 : vector<1x1x640xf32> to vector<640xf32>
      %swap3A_412 = vector.shape_cast %div3A_406 : vector<640xf32> to vector<1x1x640xf32>
      tpu.vector_store %arg13[%swap3A_407, %swap3A_408, %swap3A_409], %swap3A_412 {strides = array<i32>} : memref<1x1x640xf32, #tpu.memory_space<vmem>>, vector<1x1x640xf32>,
    } else {
    }
    return
  }
  func.func @transform_0(%arg0: i32, %arg1: i32) -> (i32, i32, i32) {
    %c0_i32 = arith.constant 0 : i32
    %c0_i32_0 = arith.constant 0 : i32
    %c0_i32_1 = arith.constant 0 : i32
    return %arg0, %c0_i32, %c0_i32_0 : i32, i32, i32
  }
  func.func @transform_1(%arg0: i32, %arg1: i32) -> (i32, i32, i32) {
    %c0_i32 = arith.constant 0 : i32
    %c0_i32_0 = arith.constant 0 : i32
    %c0_i32_1 = arith.constant 0 : i32
    return %arg1, %c0_i32, %c0_i32_0 : i32, i32, i32
  }
  func.func @transform_2(%arg0: i32, %arg1: i32) -> (i32, i32, i32) {
    %c0_i32 = arith.constant 0 : i32
    %c0_i32_0 = arith.constant 0 : i32
    %c0_i32_1 = arith.constant 0 : i32
    return %arg1, %c0_i32, %c0_i32_0 : i32, i32, i32
  }
  func.func @transform_3(%arg0: i32, %arg1: i32) -> (i32, i32, i32) {
    %c0_i32 = arith.constant 0 : i32
    %c0_i32_0 = arith.constant 0 : i32
    %c0_i32_1 = arith.constant 0 : i32
    return %arg1, %c0_i32, %c0_i32_0 : i32, i32, i32
  }
  func.func @transform_4(%arg0: i32, %arg1: i32) -> (i32, i32, i32) {
    %c0_i32 = arith.constant 0 : i32
    %c0_i32_0 = arith.constant 0 : i32
    %c0_i32_1 = arith.constant 0 : i32
    return %arg1, %c0_i32, %c0_i32_0 : i32, i32, i32
  }
  func.func @transform_5(%arg0: i32, %arg1: i32) -> (i32, i32, i32) {
    %c0_i32 = arith.constant 0 : i32
    %c0_i32_0 = arith.constant 0 : i32
    %c0_i32_1 = arith.constant 0 : i32
    return %arg1, %c0_i32, %c0_i32_0 : i32, i32, i32
  }
  func.func @transform_6(%arg0: i32, %arg1: i32) -> (i32, i32, i32) {
    %c0_i32 = arith.constant 0 : i32
    %c0_i32_0 = arith.constant 0 : i32
    %c0_i32_1 = arith.constant 0 : i32
    return %arg1, %c0_i32, %c0_i32_0 : i32, i32, i32
  }
  func.func @transform_7(%arg0: i32, %arg1: i32) -> (i32, i32, i32) {
    %c0_i32 = arith.constant 0 : i32
    %c0_i32_0 = arith.constant 0 : i32
    %c0_i32_1 = arith.constant 0 : i32
    return %arg1, %c0_i32, %c0_i32_0 : i32, i32, i32
  }
  func.func @transform_8(%arg0: i32, %arg1: i32) -> (i32, i32, i32, i32) {
    %c0_i32 = arith.constant 0 : i32
    %c0_i32_0 = arith.constant 0 : i32
    %c0_i32_1 = arith.constant 0 : i32
    return %arg0, %arg1, %c0_i32, %c0_i32_0 : i32, i32, i32, i32
  }
  func.func @transform_9(%arg0: i32, %arg1: i32) -> (i32, i32, i32, i32) {
    %c0_i32 = arith.constant 0 : i32
    %c0_i32_0 = arith.constant 0 : i32
    %c0_i32_1 = arith.constant 0 : i32
    return %arg0, %arg1, %c0_i32, %c0_i32_0 : i32, i32, i32, i32
  }
  func.func @transform_10(%arg0: i32, %arg1: i32) -> (i32, i32, i32, i32) {
    %c0_i32 = arith.constant 0 : i32
    %c0_i32_0 = arith.constant 0 : i32
    %c0_i32_1 = arith.constant 0 : i32
    return %arg0, %arg1, %c0_i32, %c0_i32_0 : i32, i32, i32, i32
  }
  func.func @transform_11(%arg0: i32, %arg1: i32) -> (i32, i32, i32) {
    %c0_i32 = arith.constant 0 : i32
    %c0_i32_0 = arith.constant 0 : i32
    %c0_i32_1 = arith.constant 0 : i32
    return %arg0, %c0_i32, %c0_i32_0 : i32, i32, i32
  }
}

</mosaic_0001>

<sc_bundles>
// kernel: kernel.5.cloned.1.call-start
scs
__scs_entry_jumppad:
0x0: {  	(pc) =	sbr.rel $0x88, $3  }
0x1: {  	(tag) =	ssettag $0x0;
	lr =	simm.s32 $0x1  }
0x2: {  	[smem:$0x3F9A] =	sst lr;
	_ =	strace $0xD0000000  }
0x3: {  	_ = 	snop  }
0x4: {  	_ = 	snop  }
0x5: {  	_ = 	snop  }
0x6: {  	_ = 	snop  }
0x7: {  	_ = 	snop  }
__scs_overlays_trampoline_lowered:
0x8: {  	[smem:$0x3FA9] =	sst s0  }
0x9: {  	[smem:$0x3FAA] =	sst s1  }
0xa: {  	[smem:$0x3FAB] =	sst s2  }
0xb: {  	[smem:$0x3FAC] =	sst s3  }
0xc: {  	[smem:$0x3FAD] =	sst s4  }
0xd: {  	[smem:$0x3FAE] =	sst s5  }
0xe: {  	[smem:$0x3FAF] =	sst s6  }
0xf: {  	[smem:$0x3FB0] =	sst s7  }
0x10: {  	[smem:$0x3FB1] =	sst s8  }
0x11: {  	[smem:$0x3FB2] =	sst s9;
	s0 =	simm.s32 @!p0 $0x0  }
0x12: {  	s1 =	sld [smem:$0x3F98];
	s0 =	simm.s32 @p0 $0x1  }
0x13: {  	[smem:$0x3FB3] =	sst s0;
	s0 =	simm.s32 @!p1 $0x0  }
0x14: {  	s2 =	sld [smem:$0x3F97];
	s0 =	simm.s32 @p1 $0x1  }
0x15: {  	[smem:$0x3FB4] =	sst s0;
	s0 =	simm.s32 @!p2 $0x0  }
0x16: {  	s3 =	sld [smem:$0x3FDB];
	s0 =	simm.s32 @p2 $0x1  }
0x17: {  	s4 =	simm.s32 $0x1BF5;
	[smem:$0x3FB6] =	sst s0  }
0x18: {  	s0 =	sld [smem:$0x3F99];
	_ =	swait.ge [sflag:s4], $0x0  }
0x19: {  	s7 =	sld [smem:$0x3F9A]  }
0x1a: {  	s8 =	sadd.s32 $0xFFFFE003, lr  }
0x1b: {  	s9 =	sadd.s32 $0xFFFFFEF7, lr;
	s5 =	simm.s32 $0xFFFFFFFF;
	p2 =	slt.u32 s8, $0xFFFFF086  }
0x1c: {  	p1 =	slt.u32 s9, $0xF7A;
	s5 =	simm.s32 @!p2 $0x0  }
0x1d: {  	s5 =	simm.s32 @p1 $0x1;
	p0 =	seq.s32 s7, s2  }
0x1e: {  	s7 =	smul.u32 @!p0 $0xF7A, s2;
	p2 =	seq.s32 @!p0 s5, $0x0  }
0x1f: {  	s9 =	smul.u32 $0xF7A, s1;
	s8 =	simm.s32 @!p0 $0x1BF5;
	p2 =	por !p2, p0  }
0x20: {  	[sflag:s8] =	ssyncset.s32 @!p0 $0xFFFFF086;
	s6 =	sadd.s32 @!p0 s3, s7;
	s7 =	simm.s32 @!p0 $0x108  }
0x21: {  	s3 =	sadd.s32 s3, s9;
	s6 =	sadd.s32 @!p0 $0x88, s6;
	s7 =	simm.s32 @p2 $0x1082  }
0x22: {  	[simem:s7], [sflag:s8] =	dma.local @!p0 [hbm:s6], $0xF7A  }
0x23: {  	s9 =	sor.u32 $0xD0000000, s2;
	s6 =	simm.s32 $0x108;
	_ =	swait.ge @!p0 [sflag:s8], $0x0  }
0x24: {  	s3 =	sadd.s32 $0x88, s3;
	s6 =	simm.s32 @!p1 $0x1082;
	[sflag:s4] =	ssyncset.s32 $0xFFFFF086  }
0x25: {  	[simem:s6], [sflag:s4] =	dma.local [hbm:s3], $0xF7A  }
0x26: {  	[smem:$0x3F9A] =	sst s1;
	(tag) =	ssettag s2;
	_ =	strace s9  }
0x27: {  	s1 =	sld [smem:$0x3FAA]  }
0x28: {  	s2 =	sld [smem:$0x3FAB]  }
0x29: {  	s4 =	sld [smem:$0x3FAD]  }
0x2a: {  	p0 =	seq.s32 s5, $0x0;
	s5 =	sld [smem:$0x3FAE]  }
0x2b: {  	s6 =	sld [smem:$0x3FAF]  }
0x2c: {  	s7 =	sld [smem:$0x3FB0]  }
0x2d: {  	s3 =	simm.s32 $0x108;
	s8 =	sld [smem:$0x3FB1]  }
0x2e: {  	s3 =	simm.s32 @!p0 $0x1082;
	s9 =	sld [smem:$0x3FB2]  }
0x2f: {  	lr =	sadd.s32 s0, s3;
	s0 =	sld [smem:$0x3FA9]  }
0x30: {  	s3 =	sld [smem:$0x3FAC]  }
0x31: {  	[smem:$0x3FB5] =	sst s10  }
0x32: {  	s10 =	sld [smem:$0x3FB3];
	_ =	sdelay $0x3  }
0x33: {  	p0 =	seq.s32 s10, $0x1;
	s10 =	sld [smem:$0x3FB5];
	_ =	sdelay $0x3  }
0x34: {  	[smem:$0x3FB5] =	sst s10  }
0x35: {  	s10 =	sld [smem:$0x3FB4];
	_ =	sdelay $0x3  }
0x36: {  	p1 =	seq.s32 s10, $0x1;
	s10 =	sld [smem:$0x3FB5];
	_ =	sdelay $0x3  }
0x37: {  	[smem:$0x3FB5] =	sst s10  }
0x38: {  	s10 =	sld [smem:$0x3FB6]  }
0x39: {  	_ = 	snop;
	(pc) =	sbr.ind lr, $3  }
0x3a: {  	_ = 	snop  }
0x3b: {  	_ = 	snop  }
0x3c: {  	p2 =	seq.s32 s10, $0x1;
	s10 =	sld [smem:$0x3FB5]  }
0x3d: {  	_ =	shalt  }
0x3e: {  	_ =	shalt  }
0x3f: {  	_ =	shalt  }
0x40: {  	_ =	shalt  }
0x41: {  	_ =	shalt  }
0x42: {  	_ =	shalt  }
0x43: {  	_ =	shalt  }
0x44: {  	_ =	shalt  }
0x45: {  	_ =	shalt  }
0x46: {  	_ =	shalt  }
0x47: {  	_ =	shalt  }
0x48: {  	_ =	shalt  }
0x49: {  	_ =	shalt  }
0x4a: {  	_ =	shalt  }
0x4b: {  	_ =	shalt  }
0x4c: {  	_ =	shalt  }
0x4d: {  	_ =	shalt  }
0x4e: {  	_ =	shalt  }
0x4f: {  	_ =	shalt  }
0x50: {  	_ =	shalt  }
0x51: {  	_ =	shalt  }
0x52: {  	_ =	shalt  }
0x53: {  	_ =	shalt  }
0x54: {  	_ =	shalt  }
0x55: {  	_ =	shalt  }
0x56: {  	_ =	shalt  }
0x57: {  	_ =	shalt  }
0x58: {  	_ =	shalt  }
0x59: {  	_ =	shalt  }
0x5a: {  	_ =	shalt  }
0x5b: {  	_ =	shalt  }
0x5c: {  	_ =	shalt  }
0x5d: {  	_ =	shalt  }
0x5e: {  	_ =	shalt  }
0x5f: {  	_ =	shalt  }
0x60: {  	_ =	shalt  }
0x61: {  	_ =	shalt  }
0x62: {  	_ =	shalt  }
0x63: {  	_ =	shalt  }
0x64: {  	_ =	shalt  }
0x65: {  	_ =	shalt  }
0x66: {  	_ =	shalt  }
0x67: {  	_ =	shalt  }
0x68: {  	_ =	shalt  }
0x69: {  	_ =	shalt  }
0x6a: {  	_ =	shalt  }
0x6b: {  	_ =	shalt  }
0x6c: {  	_ =	shalt  }
0x6d: {  	_ =	shalt  }
0x6e: {  	_ =	shalt  }
0x6f: {  	_ =	shalt  }
0x70: {  	_ =	shalt  }
0x71: {  	_ =	shalt  }
0x72: {  	_ =	shalt  }
0x73: {  	_ =	shalt  }
0x74: {  	_ =	shalt  }
0x75: {  	_ =	shalt  }
0x76: {  	_ =	shalt  }
0x77: {  	_ =	shalt  }
0x78: {  	_ =	shalt  }
0x79: {  	_ =	shalt  }
0x7a: {  	_ =	shalt  }
0x7b: {  	_ =	shalt  }
0x7c: {  	_ =	shalt  }
0x7d: {  	_ =	shalt  }
0x7e: {  	_ =	shalt  }
0x7f: {  	_ =	shalt  }
0x80: {  	_ =	shalt  }
0x81: {  	_ =	shalt  }
0x82: {  	_ =	shalt  }
0x83: {  	_ =	shalt  }
0x84: {  	_ =	shalt  }
0x85: {  	_ =	shalt  }
0x86: {  	_ =	shalt  }
0x87: {  	_ =	shalt  }
.Lfunc_end0:
.L_simem_size_0:
called_computation_lowered:
.L_overlay_start_0:
0x88: {  	s2 =	sld [smem:$0x3FD9]  }
0x89: {  	s3 =	sld [smem:$0x3FFE];
	_ =	sdelay $0x1  }
0x8a: {  	s1 =	srdreg.scid  }
0x8b: {  	s0 =	sand.u32 $0x1, s1  }
0x8c: {  	s17 =	sshll.u32 s0, $0xA;
	s2 =	sadd.s32 s3, s2  }
0x8d: {  	s2 =	sadd.s32 s2, s17  }
0x8e: {  	[smem:$0x3FC1] =	sst s2  }
0x8f: {  	_ = 	snop  }
0x90: {  	s2 =	sld [smem:$0x3FD0];
	(tm) =	ssettm $0x1  }
0x91: {  	s18 =	sld [smem:$0x3FFB];
	_ =	sdelay $0x3  }
0x92: {  	_ =	strace s18  }
0x93: {  	s3 =	sld [smem:$0x3FFC];
	_ =	sdelay $0x3  }
0x94: {  	_ =	strace s3  }
0x95: {  	s3 =	sld [smem:$0x3FFD];
	_ =	sdelay $0x3  }
0x96: {  	_ =	strace s3  }
0x97: {  	_ =	strace $0x8FFFFFFF  }
0x98: {  	s19 =	sld [smem:$0x3FDB];
	_ =	sdelay $0x1  }
0x99: {  	s4 =	simm.s32 $_scs_section_size  }
0x9a: {  	s5 =	simm.s32 $_size__tile_overlayer_lowered;
	s6 =	simm.s32 $_tile_overlayer_lowered  }
0x9b: {  	s22 =	simm.s32 $0x1BFF;
	s21 =	sshll.u32 s6, $0x1;
	s3 =	sadd.s32 s4, s19  }
0x9c: {  	s7 =	simm.s32 $0x0;
	s20 =	sshll.u32 s5, $0x1;
	s5 =	sadd.s32 s21, s3  }
0x9d: {  	[timem:s7], [sflag:s22] =	dma.local [hbm:s5], s20  }
0x9e: {  	_ =	swait.ge [sflag:s22], s20  }
0x9f: {  	s4 =	ssub.s32 $0x0, s20;
	[sflag:s22] =	ssyncset.done $0x0  }
0xa0: {  	[sflag:s22] =	ssyncadd.s32 s4;
	_ =	sdelay $0x1  }
0xa1: {  	s23 =	simm.s32 $0x1B8B  }
0xa2: {  	_ =	swait.ge [sflag:s23], $0x1  }
0xa3: {  	[sflag:s23] =	ssyncset.done $0x0  }
0xa4: {  	s25 =	simm.s32 $0x1B8E;
	s24 =	sld [smem:$0x3FFE];
	[sflag:s23] =	ssyncadd.s32 $0xFFFFFFFF  }
0xa5: {  	s26 =	simm.s32 $execute0_lowered;
	[smem:$0x3FD2] =	sst s25  }
0xa6: {  	s5 =	sshll.u32 s26, $0x1;
	_ =	strace $0x80000046;
	[dreg:$0x1] =	wrdreg $0xFFFFFFFF  }
0xa7: {  	s28 =	simm.s32 $_size_execute0_lowered;
	s3 =	sadd.s32 s3, s5;
	[dreg:$0x0] =	wrdreg $0x0  }
0xa8: {  	s5 =	sshll.u32 s28, $0x1;
	[dreg:$0x2] =	wrdreg s3  }
0xa9: {  	[dreg:$0x3] =	wrdreg s5  }
0xaa: {  	[dreg:$0x4] =	wrdreg $0xC0  }
0xab: {  	_ =	task [dreg:s7], $0x5FFFF  }
0xac: {  	[dreg:$0x1] =	wrdreg $0xFFFFFFFF  }
0xad: {  	[dreg:$0x0] =	wrdreg $0x60  }
0xae: {  	[dreg:$0x2] =	wrdreg s2  }
0xaf: {  	[dreg:$0x3] =	wrdreg s24  }
0xb0: {  	[dreg:$0x4] =	wrdreg $0x9  }
0xb1: {  	_ =	task.clear_ibuf [dreg:s7], $0x5FFFF;
	_ =	strace $0x90000046  }
0xb2: {  	s29 =	simm.s32 $0x9;
	_ =	strace $0x80000048  }
0xb3: {  	_ =	swait.ge [sflag:s29], $0x1  }
0xb4: {  	[sflag:s29] =	ssyncadd.s32 $0xFFFFFFFF  }
0xb5: {  	_ =	strace $0x90000048  }
0xb6: {  	_ =	sfence  }
0xb7: {  	s30 =	sld [smem:$0x0];
	_ =	sdelay $0x2  }
0xb8: {  	s31 =	sshll.u32 s1, $0xD;
	s1 =	sshrl.u32 s1, $0x2  }
0xb9: {  	s3 =	sand.u32 $0x4000, s31;
	s1 =	sadd.s32 s1, s30  }
0xba: {  	s0 =	sor.u32 s3, s0;
	s1 =	sshll.u32 s1, $0x11  }
0xbb: {  	s0 =	sor.u32 s1, s0  }
0xbc: {  	s0 =	sadd.s32 $0x8F2B, s0  }
0xbd: {  	[sflag:s0] =	ssyncadd.remote.s32 $0x1  }
0xbe: {  	_ =	sfence.sel $0xFFFF  }
0xbf: {  	[dreg:$0x0] =	wrdreg $0xFFFFFFFF;
	(pc) =	sbr.abs _section_cstart, $3  }
0xc0: {  	[dreg:$0x1] =	wrdreg $0xFFFFFFFF  }
0xc1: {  	_ =	task.clear_ibuf [dreg:s7], $0x2FFFF;
	_ =	strace $0x9FFFFFFF  }
0xc2: {  	(tm) =	ssettm $0x7FFFFFFF  }
0xc3: {  	_ =	shalt  }
tec
execute0_lowered:
.L_overlay_start_1:
0x0: {  	(tag) =	ssettag $0x1  }
0x1: {  	s1 =	stileid.u32  }
0x2: {  	p0 =	sgt.u32 s1, $0x3  }
.Ltmp0:
0x3: {  	_ = 	snop;
	(pc) =	sbr.rel @p0 .LBB2_7-.Ltmp0, $4  }
0x4: {  	s4 =	rddreg [dreg:$0x0]  }
0x5: {  	s3 =	rddreg [dreg:$0x1];
	s2 =	simm.s32 $0x0  }
0x6: {  	[smem:$0x7FF] =	sst s2  }
0x7: {  	s0 =	rddreg [dreg:$0x2];
	_ =	strace $0x80000047  }
0x8: {  	s5 =	srdreg.scid  }
0x9: {  	s6 =	sshll.u32 s1, $0x1;
	s5 =	sand.u32 $0x1, s5  }
0xa: {  	s6 =	sor.u32 s5, s6;
	s5 =	ssub.s32 $0x2, s5  }
0xb: {  	s6 =	smul.u32 $0x50, s6;
	s7 =	sshrl.u32 s5, $0x1  }
0xc: {  	vm0 =	vmmov $0x1;
	v0 =	vimm.s32 $0x0;
	s8 =	simm.s32 $0x0;
	s5 =	ssub.s32 s5, s7  }
0xd: {  	v0 =	vsel vm0, $0xFFFFFFFF, v0;
	s7 =	simm.s32 $0x500;
	s3 =	sadd.s32 s6, s3;
	s4 =	sadd.s32 s4, s6  }
0xe: {  	v25 =	vlaneseq.u32;
	vm3 =	vmxor vm3, vm3;
	[tilespmem:$0x1FFF0] =	vst v0;
	s5 =	smax.u32 s5, $0x1;
	s6 =	simm.s32 $0x1;
	s3 =	sadd.s32 $0x2BC200, s3  }
.LBB2_2:
0xf: {  	[tilespmem:s2], [sflag:$0x1] =	stream.linear.gather [hbm4b:s4+s2], $0x280, $0x38;
	[tilespmem:$0x780] =	vst v63  }
0x10: {  	_ =	swait.ge [sflag:s6], $0x280  }
0x11: {  	[sflag:s6] =	ssyncset.done $0x0  }
0x12: {  	[sflag:s6] =	ssyncadd.s32 $0xFFFFFD80  }
0x13: {  	v0 =	vld [tilespmem:$0x0]  }
0x14: {  	v2 =	vld [tilespmem:$0x20];
	_ =	sdelay $0x1  }
0x15: {  	v1 =	vld [tilespmem:$0x10]  }
0x16: {  	v5 =	vld [tilespmem:$0x40]  }
0x17: {  	v3 =	vld [tilespmem:$0x30];
	v4 =	vsub.s32 $0x80000000, v0  }
0x18: {  	v6 =	vld [tilespmem:$0x60];
	vm0 =	vlt.s32 v0, $0x0;
	v7 =	vsub.s32 $0x80000000, v2;
	vm1 =	vlt.s32 v2, $0x0  }
0x19: {  	v0 =	vsel vm0, v4, v0;
	vm0 =	veq.s32 v25, $0x0;
	v4 =	vld [tilespmem:$0x50];
	v17 =	vsel vm1, v7, v2  }
0x1a: {  	v8 =	vld [tilespmem:$0x70];
	v15 =	vsel vm0, $0x80000000, v0;
	v0 =	vsub.s32 $0x80000000, v1;
	vm0 =	vlt.s32 v1, $0x0  }
0x1b: {  	v2 =	vsub.s32 $0x80000000, v5;
	vm1 =	vlt.s32 v5, $0x0;
	[tilespmem:$0x2A0] =	vst v17;
	v16 =	vsel vm0, v0, v1;
	v1 =	vld [tilespmem:$0x80]  }
0x1c: {  	v7 =	vld [tilespmem:$0x90];
	v20 =	vsel vm1, v2, v5;
	[tilespmem:$0x280] =	vst v15;
	v0 =	vsub.s32 $0x80000000, v3;
	vm0 =	vlt.s32 v3, $0x0  }
0x1d: {  	v2 =	vld [tilespmem:$0xA0];
	vm1 =	vlt.s32 v6, $0x0;
	[tilespmem:$0x2C0] =	vst v20;
	v19 =	vsel vm0, v0, v3;
	v3 =	vsub.s32 $0x80000000, v6  }
0x1e: {  	v5 =	vld [tilespmem:$0xB0];
	[tilespmem:$0x290] =	vst v16;
	v23 =	vsel vm1, v3, v6;
	v0 =	vsub.s32 $0x80000000, v4;
	vm0 =	vlt.s32 v4, $0x0  }
0x1f: {  	[tilespmem:$0x2B0] =	vst v19;
	v3 =	vld [tilespmem:$0xC0];
	v22 =	vsel vm0, v0, v4;
	v0 =	vsub.s32 $0x80000000, v8;
	vm0 =	vlt.s32 v8, $0x0  }
0x20: {  	v6 =	vld [tilespmem:$0xD0];
	[tilespmem:$0x2E0] =	vst v23;
	v4 =	vsub.s32 $0x80000000, v1;
	vm1 =	vlt.s32 v1, $0x0;
	v25 =	vsel vm0, v0, v8  }
0x21: {  	[tilespmem:$0x2D0] =	vst v22;
	v0 =	vsub.s32 $0x80000000, v7;
	vm0 =	vlt.s32 v7, $0x0;
	v8 =	vld [tilespmem:$0xF0];
	v26 =	vsel vm1, v4, v1  }
0x22: {  	v1 =	vld [tilespmem:$0xE0];
	[tilespmem:$0x2F0] =	vst v25;
	v4 =	vsub.s32 $0x80000000, v2;
	vm1 =	vlt.s32 v2, $0x0;
	v27 =	vsel vm0, v0, v7  }
0x23: {  	v0 =	vsub.s32 $0x80000000, v5;
	vm0 =	vlt.s32 v5, $0x0;
	v7 =	vld [tilespmem:$0x110];
	[tilespmem:$0x300] =	vst v26;
	v29 =	vsel vm1, v4, v2  }
0x24: {  	v2 =	vld [tilespmem:$0x100];
	[tilespmem:$0x310] =	vst v27;
	v4 =	vsub.s32 $0x80000000, v3;
	vm1 =	vlt.s32 v3, $0x0;
	v32 =	vsel vm0, v0, v5  }
0x25: {  	v0 =	vsub.s32 $0x80000000, v6;
	vm0 =	vlt.s32 v6, $0x0;
	v5 =	vld [tilespmem:$0x130];
	[tilespmem:$0x320] =	vst v29;
	v33 =	vsel vm1, v4, v3  }
0x26: {  	v3 =	vld [tilespmem:$0x120];
	[tilespmem:$0x330] =	vst v32;
	v35 =	vsel vm0, v0, v6;
	v0 =	vsub.s32 $0x80000000, v8;
	vm0 =	vlt.s32 v8, $0x0  }
0x27: {  	v6 =	vld [tilespmem:$0x150];
	[tilespmem:$0x340] =	vst v33;
	v4 =	vsub.s32 $0x80000000, v1;
	vm1 =	vlt.s32 v1, $0x0;
	v39 =	vsel vm0, v0, v8  }
0x28: {  	[tilespmem:$0x350] =	vst v35;
	v0 =	vsub.s32 $0x80000000, v7;
	vm0 =	vlt.s32 v7, $0x0;
	v36 =	vsel vm1, v4, v1;
	v1 =	vld [tilespmem:$0x140]  }
0x29: {  	v8 =	vld [tilespmem:$0x170];
	v4 =	vsub.s32 $0x80000000, v2;
	vm1 =	vlt.s32 v2, $0x0;
	[tilespmem:$0x370] =	vst v39;
	v42 =	vsel vm0, v0, v7  }
0x2a: {  	v0 =	vsub.s32 $0x80000000, v5;
	vm0 =	vlt.s32 v5, $0x0;
	v7 =	vld [tilespmem:$0x190];
	[tilespmem:$0x360] =	vst v36;
	v40 =	vsel vm1, v4, v2  }
0x2b: {  	v2 =	vld [tilespmem:$0x160];
	v4 =	vsub.s32 $0x80000000, v3;
	vm1 =	vlt.s32 v3, $0x0;
	[tilespmem:$0x390] =	vst v42;
	v46 =	vsel vm0, v0, v5  }
0x2c: {  	v0 =	vsub.s32 $0x80000000, v6;
	vm0 =	vlt.s32 v6, $0x0;
	[tilespmem:$0x380] =	vst v40;
	v44 =	vsel vm1, v4, v3;
	v3 =	vld [tilespmem:$0x180]  }
0x2d: {  	v5 =	vld [tilespmem:$0x1B0];
	[tilespmem:$0x3B0] =	vst v46;
	v49 =	vsel vm0, v0, v6;
	v4 =	vsub.s32 $0x80000000, v1;
	vm1 =	vlt.s32 v1, $0x0  }
0x2e: {  	[tilespmem:$0x3A0] =	vst v44;
	v0 =	vsub.s32 $0x80000000, v8;
	vm0 =	vlt.s32 v8, $0x0;
	v48 =	vsel vm1, v4, v1;
	v1 =	vld [tilespmem:$0x1A0]  }
0x2f: {  	v6 =	vld [tilespmem:$0x1D0];
	[tilespmem:$0x3D0] =	vst v49;
	v30 =	vsel vm0, v0, v8;
	v0 =	vsub.s32 $0x80000000, v7;
	vm0 =	vlt.s32 v7, $0x0  }
0x30: {  	v4 =	vsub.s32 $0x80000000, v2;
	vm1 =	vlt.s32 v2, $0x0;
	[tilespmem:$0x3F0] =	vst v30;
	v18 =	vsel vm0, v0, v7  }
0x31: {  	[tilespmem:$0x3C0] =	vst v48;
	v28 =	vsel vm1, v4, v2;
	v2 =	vld [tilespmem:$0x1C0];
	v4 =	vsub.s32 $0x80000000, v3;
	vm1 =	vlt.s32 v3, $0x0  }
0x32: {  	v0 =	vsub.s32 $0x80000000, v5;
	vm0 =	vlt.s32 v5, $0x0;
	[tilespmem:$0x410] =	vst v18;
	v21 =	vsel vm1, v4, v3;
	v3 =	vld [tilespmem:$0x1E0]  }
0x33: {  	v8 =	vld [tilespmem:$0x1F0];
	v13 =	vsel vm0, v0, v5;
	[tilespmem:$0x3E0] =	vst v28;
	v4 =	vsub.s32 $0x80000000, v1;
	vm1 =	vlt.s32 v1, $0x0  }
0x34: {  	v0 =	vsub.s32 $0x80000000, v6;
	vm0 =	vlt.s32 v6, $0x0;
	[tilespmem:$0x430] =	vst v13;
	v24 =	vsel vm1, v4, v1;
	v4 =	vld [tilespmem:$0x200]  }
0x35: {  	v7 =	vld [tilespmem:$0x210];
	v0 =	vsel vm0, v0, v6;
	[tilespmem:$0x400] =	vst v21  }
0x36: {  	v5 =	vld [tilespmem:$0x220];
	[tilespmem:$0x450] =	vst v0;
	v1 =	vsub.s32 $0x80000000, v2;
	vm1 =	vlt.s32 v2, $0x0  }
0x37: {  	v9 =	vld [tilespmem:$0x230];
	[tilespmem:$0x420] =	vst v24;
	v11 =	vsel vm1, v1, v2;
	v1 =	vsub.s32 $0x80000000, v3;
	vm1 =	vlt.s32 v3, $0x0  }
0x38: {  	vm0 =	vlt.s32 v8, $0x0;
	v2 =	vsub.s32 $0x80000000, v8;
	[tilespmem:$0x440] =	vst v11;
	v1 =	vsel vm1, v1, v3  }
0x39: {  	v2 =	vsel vm0, v2, v8;
	v8 =	vld [tilespmem:$0x1FFF0];
	[tilespmem:$0x460] =	vst v1;
	v3 =	vsub.s32 $0x80000000, v4;
	vm1 =	vlt.s32 v4, $0x0  }
0x3a: {  	v10 =	vld [tilespmem:$0x240];
	vm0 =	vlt.s32 v7, $0x0;
	[tilespmem:$0x470] =	vst v2;
	v3 =	vsel vm1, v3, v4;
	v4 =	vsub.s32 $0x80000000, v7  }
0x3b: {  	v6 =	vsub.s32 $0x80000000, v5;
	vm1 =	vlt.s32 v5, $0x0;
	[tilespmem:$0x480] =	vst v3;
	v4 =	vsel vm0, v4, v7  }
0x3c: {  	v5 =	vsel vm1, v6, v5;
	v6 =	vsub.s32 $0x80000000, v9;
	vm0 =	vlt.s32 v9, $0x0;
	[tilespmem:$0x490] =	vst v4  }
0x3d: {  	v6 =	vsel vm0, v6, v9;
	[tilespmem:$0x4A0] =	vst v5  }
0x3e: {  	vm0 =	vnez.u8 v8;
	v8 =	vimm.s32 $0x80000000;
	[tilespmem:$0x4B0] =	vst v6  }
0x3f: {  	v7 =	vsub.s32 $0x80000000, v10;
	vm1 =	vlt.s32 v10, $0x0;
	[tilespmem:$0x4D0] =	vst v8  }
0x40: {  	v7 =	vsel vm1, v7, v10;
	[tilespmem:$0x4E0] =	vst v8  }
0x41: {  	v9 =	vimm.s32 $0x7FFFFFFF;
	v7 =	vnsel vm0, $0x80000000, v7;
	[tilespmem:$0x4F0] =	vst v8  }
0x42: {  	s9 =	simm.s32 $0x1F;
	v14 =	vand.u32 v8, v9;
	v31 =	vxor.u32 v8, v9;
	[tilespmem:$0x4C0] =	vst v7  }
.LBB2_3:
0x43: {  	p0 =	sne.s32 s9, $0x1;
	v10 =	vshra.s32 v31, $0x1  }
0x44: {  	v14 =	vadd.s32 v10, v14  }
0x45: {  	vm0 =	vgt.s32 v15, v14;
	vm1 =	vgt.s32 v16, v14;
	v31 =	vadd.s32 $0x1, v14  }
0x46: {  	v10 =	vmpcnt.ones.xlane vm0;
	v12 =	vmpcnt.ones.xlane vm1;
	vm0 =	vgt.s32 v17, v14  }
0x47: {  	v34 =	vmpcnt.ones.xlane vm0;
	vm0 =	vgt.s32 v19, v14  }
0x48: {  	v10 =	vadd.s32 v10, v12;
	v12 =	vmpcnt.ones.xlane vm0;
	vm0 =	vgt.s32 v20, v14  }
0x49: {  	v10 =	vadd.s32 v34, v10;
	v34 =	vmpcnt.ones.xlane vm0;
	vm0 =	vgt.s32 v22, v14  }
0x4a: {  	v10 =	vadd.s32 v12, v10;
	v12 =	vmpcnt.ones.xlane vm0;
	vm0 =	vgt.s32 v23, v14  }
0x4b: {  	v10 =	vadd.s32 v34, v10;
	v34 =	vmpcnt.ones.xlane vm0;
	vm0 =	vgt.s32 v25, v14  }
0x4c: {  	v10 =	vadd.s32 v12, v10;
	v12 =	vmpcnt.ones.xlane vm0;
	vm0 =	vgt.s32 v26, v14  }
0x4d: {  	v10 =	vadd.s32 v34, v10;
	v34 =	vmpcnt.ones.xlane vm0;
	vm0 =	vgt.s32 v27, v14  }
0x4e: {  	v10 =	vadd.s32 v12, v10;
	v12 =	vmpcnt.ones.xlane vm0;
	vm0 =	vgt.s32 v29, v14  }
0x4f: {  	v10 =	vadd.s32 v34, v10;
	v34 =	vmpcnt.ones.xlane vm0;
	vm0 =	vgt.s32 v32, v14  }
0x50: {  	v10 =	vadd.s32 v12, v10;
	v12 =	vmpcnt.ones.xlane vm0;
	vm0 =	vgt.s32 v33, v14  }
0x51: {  	v10 =	vadd.s32 v34, v10;
	v34 =	vmpcnt.ones.xlane vm0;
	vm0 =	vgt.s32 v35, v14  }
0x52: {  	v10 =	vadd.s32 v12, v10;
	v12 =	vmpcnt.ones.xlane vm0;
	vm0 =	vgt.s32 v36, v14  }
0x53: {  	v10 =	vadd.s32 v34, v10;
	v34 =	vmpcnt.ones.xlane vm0;
	vm0 =	vgt.s32 v39, v14  }
0x54: {  	v10 =	vadd.s32 v12, v10;
	v12 =	vmpcnt.ones.xlane vm0;
	vm0 =	vgt.s32 v40, v14  }
0x55: {  	v10 =	vadd.s32 v34, v10;
	v34 =	vmpcnt.ones.xlane vm0;
	vm0 =	vgt.s32 v42, v14  }
0x56: {  	v10 =	vadd.s32 v12, v10;
	v12 =	vmpcnt.ones.xlane vm0;
	vm0 =	vgt.s32 v44, v14  }
0x57: {  	v10 =	vadd.s32 v34, v10;
	v34 =	vmpcnt.ones.xlane vm0;
	vm0 =	vgt.s32 v46, v14  }
0x58: {  	v10 =	vadd.s32 v12, v10;
	v12 =	vmpcnt.ones.xlane vm0;
	vm0 =	vgt.s32 v48, v14  }
0x59: {  	v10 =	vadd.s32 v34, v10;
	v34 =	vmpcnt.ones.xlane vm0;
	vm0 =	vgt.s32 v49, v14  }
0x5a: {  	v10 =	vadd.s32 v12, v10;
	v12 =	vmpcnt.ones.xlane vm0;
	vm0 =	vgt.s32 v28, v14  }
0x5b: {  	v10 =	vadd.s32 v34, v10;
	v34 =	vmpcnt.ones.xlane vm0;
	vm0 =	vgt.s32 v30, v14  }
0x5c: {  	v10 =	vadd.s32 v12, v10;
	v12 =	vmpcnt.ones.xlane vm0;
	vm0 =	vgt.s32 v21, v14  }
0x5d: {  	v10 =	vadd.s32 v34, v10;
	v34 =	vmpcnt.ones.xlane vm0;
	vm0 =	vgt.s32 v18, v14  }
0x5e: {  	v10 =	vadd.s32 v12, v10;
	v12 =	vmpcnt.ones.xlane vm0;
	vm0 =	vgt.s32 v24, v14  }
0x5f: {  	v10 =	vadd.s32 v34, v10;
	v34 =	vmpcnt.ones.xlane vm0;
	vm0 =	vgt.s32 v13, v14  }
0x60: {  	v10 =	vadd.s32 v12, v10;
	v12 =	vmpcnt.ones.xlane vm0;
	vm0 =	vgt.s32 v11, v14  }
0x61: {  	v10 =	vadd.s32 v34, v10;
	v34 =	vmpcnt.ones.xlane vm0;
	vm0 =	vgt.s32 v0, v14  }
0x62: {  	v10 =	vadd.s32 v12, v10;
	v12 =	vmpcnt.ones.xlane vm0;
	vm0 =	vgt.s32 v1, v14  }
0x63: {  	v10 =	vadd.s32 v34, v10;
	v34 =	vmpcnt.ones.xlane vm0;
	vm0 =	vgt.s32 v2, v14  }
0x64: {  	v10 =	vadd.s32 v12, v10;
	v12 =	vmpcnt.ones.xlane vm0;
	vm0 =	vgt.s32 v3, v14  }
0x65: {  	v10 =	vadd.s32 v34, v10;
	v34 =	vmpcnt.ones.xlane vm0;
	vm0 =	vgt.s32 v4, v14  }
0x66: {  	v10 =	vadd.s32 v12, v10;
	v12 =	vmpcnt.ones.xlane vm0;
	vm0 =	vgt.s32 v5, v14  }
0x67: {  	v10 =	vadd.s32 v34, v10;
	v34 =	vmpcnt.ones.xlane vm0;
	vm0 =	vgt.s32 v6, v14  }
0x68: {  	v10 =	vadd.s32 v12, v10;
	v12 =	vmpcnt.ones.xlane vm0;
	vm0 =	vgt.s32 v7, v14  }
0x69: {  	v10 =	vadd.s32 v34, v10;
	v34 =	vmpcnt.ones.xlane vm0  }
0x6a: {  	v12 =	vadd.s32 v12, v10;
	v10 =	vmpcnt.ones.xlane vm3  }
0x6b: {  	v34 =	vadd.s32 v34, v12  }
0x6c: {  	v12 =	vshll.u32 v10, $0x1;
	v34 =	vadd.s32 v10, v34  }
.Ltmp1:
0x6d: {  	v34 =	vadd.s32 v12, v34;
	(pc) =	sbr.rel @p0 .LBB2_3-.Ltmp1, $4  }
0x6e: {  	vm0 =	vlt.s32 v8, v9;
	vm1 =	vle.s32 v34, $0x11F;
	vm2 =	vgt.s32 v34, $0x11F  }
0x6f: {  	vm2 =	vmand vm0, vm2;
	vm0 =	vmand vm0, vm1  }
0x70: {  	v8 =	vsel vm2, v31, v8;
	v9 =	vsel vm0, v14, v9  }
0x71: {  	s9 =	sadd.s32 $0xFFFFFFFF, s9;
	v14 =	vand.u32 v8, v9;
	v31 =	vxor.u32 v8, v9  }
0x72: {  	v31 =	vshra.s32 v31, $0x1  }
0x73: {  	v14 =	vadd.s32 v31, v14  }
0x74: {  	vm0 =	vgt.s32 v15, v14;
	vm1 =	vgt.s32 v16, v14  }
0x75: {  	v31 =	vmpcnt.ones.xlane vm0;
	v34 =	vmpcnt.ones.xlane vm1;
	vm0 =	vgt.s32 v17, v14  }
0x76: {  	v37 =	vmpcnt.ones.xlane vm0;
	vm0 =	vgt.s32 v19, v14  }
0x77: {  	v31 =	vadd.s32 v31, v34;
	v51 =	vmpcnt.ones.xlane vm0;
	vm0 =	vgt.s32 v20, v14  }
0x78: {  	v31 =	vadd.s32 v37, v31;
	v52 =	vmpcnt.ones.xlane vm0;
	vm0 =	vgt.s32 v22, v14  }
0x79: {  	v31 =	vadd.s32 v51, v31;
	v53 =	vmpcnt.ones.xlane vm0;
	vm0 =	vgt.s32 v23, v14  }
0x7a: {  	v31 =	vadd.s32 v52, v31;
	v54 =	vmpcnt.ones.xlane vm0;
	vm0 =	vgt.s32 v25, v14  }
0x7b: {  	v31 =	vadd.s32 v53, v31;
	v55 =	vmpcnt.ones.xlane vm0;
	vm0 =	vgt.s32 v26, v14  }
0x7c: {  	v31 =	vadd.s32 v54, v31;
	v56 =	vmpcnt.ones.xlane vm0;
	vm0 =	vgt.s32 v27, v14  }
0x7d: {  	v31 =	vadd.s32 v55, v31;
	v57 =	vmpcnt.ones.xlane vm0;
	vm0 =	vgt.s32 v29, v14  }
0x7e: {  	v31 =	vadd.s32 v56, v31;
	v58 =	vmpcnt.ones.xlane vm0;
	vm0 =	vgt.s32 v32, v14  }
0x7f: {  	v31 =	vadd.s32 v57, v31;
	v59 =	vmpcnt.ones.xlane vm0;
	vm0 =	vgt.s32 v33, v14  }
0x80: {  	v31 =	vadd.s32 v58, v31;
	v60 =	vmpcnt.ones.xlane vm0;
	vm0 =	vgt.s32 v35, v14  }
0x81: {  	v31 =	vadd.s32 v59, v31;
	v61 =	vmpcnt.ones.xlane vm0;
	vm0 =	vgt.s32 v36, v14  }
0x82: {  	v31 =	vadd.s32 v60, v31;
	v62 =	vmpcnt.ones.xlane vm0;
	vm0 =	vgt.s32 v39, v14  }
0x83: {  	v31 =	vadd.s32 v61, v31;
	v63 =	vmpcnt.ones.xlane vm0;
	vm0 =	vgt.s32 v40, v14  }
0x84: {  	v31 =	vadd.s32 v62, v31;
	v41 =	vmpcnt.ones.xlane vm0;
	vm0 =	vgt.s32 v42, v14  }
0x85: {  	v31 =	vadd.s32 v63, v31;
	v43 =	vmpcnt.ones.xlane vm0;
	vm0 =	vgt.s32 v44, v14  }
0x86: {  	v31 =	vadd.s32 v41, v31;
	v45 =	vmpcnt.ones.xlane vm0;
	vm0 =	vgt.s32 v46, v14  }
0x87: {  	v31 =	vadd.s32 v43, v31;
	v47 =	vmpcnt.ones.xlane vm0;
	vm0 =	vgt.s32 v48, v14  }
0x88: {  	v31 =	vadd.s32 v45, v31;
	v50 =	vmpcnt.ones.xlane vm0;
	vm0 =	vgt.s32 v49, v14  }
0x89: {  	v31 =	vadd.s32 v47, v31;
	v51 =	vmpcnt.ones.xlane vm0;
	vm0 =	vgt.s32 v28, v14  }
0x8a: {  	v31 =	vadd.s32 v50, v31;
	v52 =	vmpcnt.ones.xlane vm0;
	vm0 =	vgt.s32 v30, v14  }
0x8b: {  	v31 =	vadd.s32 v51, v31;
	v53 =	vmpcnt.ones.xlane vm0;
	vm0 =	vgt.s32 v21, v14  }
0x8c: {  	v31 =	vadd.s32 v52, v31;
	v54 =	vmpcnt.ones.xlane vm0;
	vm0 =	vgt.s32 v18, v14  }
0x8d: {  	v31 =	vadd.s32 v53, v31;
	v55 =	vmpcnt.ones.xlane vm0;
	vm0 =	vgt.s32 v24, v14  }
0x8e: {  	v31 =	vadd.s32 v54, v31;
	v56 =	vmpcnt.ones.xlane vm0;
	vm0 =	vgt.s32 v13, v14  }
0x8f: {  	v31 =	vadd.s32 v55, v31;
	v57 =	vmpcnt.ones.xlane vm0;
	vm0 =	vgt.s32 v11, v14  }
0x90: {  	v31 =	vadd.s32 v56, v31;
	v58 =	vmpcnt.ones.xlane vm0;
	vm0 =	vgt.s32 v0, v14  }
0x91: {  	v31 =	vadd.s32 v57, v31;
	v59 =	vmpcnt.ones.xlane vm0;
	vm0 =	vgt.s32 v1, v14  }
0x92: {  	v31 =	vadd.s32 v58, v31;
	v60 =	vmpcnt.ones.xlane vm0;
	vm0 =	vgt.s32 v2, v14  }
0x93: {  	v31 =	vadd.s32 v59, v31;
	v61 =	vmpcnt.ones.xlane vm0;
	vm0 =	vgt.s32 v3, v14  }
0x94: {  	v31 =	vadd.s32 v60, v31;
	v62 =	vmpcnt.ones.xlane vm0;
	vm0 =	vgt.s32 v4, v14  }
0x95: {  	v31 =	vadd.s32 v61, v31;
	v63 =	vmpcnt.ones.xlane vm0;
	vm0 =	vgt.s32 v5, v14  }
0x96: {  	v31 =	vadd.s32 v62, v31;
	v41 =	vmpcnt.ones.xlane vm0;
	vm0 =	vgt.s32 v6, v14  }
0x97: {  	v31 =	vadd.s32 v63, v31;
	v43 =	vmpcnt.ones.xlane vm0;
	vm0 =	vgt.s32 v7, v14  }
0x98: {  	v31 =	vadd.s32 v41, v31;
	v45 =	vmpcnt.ones.xlane vm0  }
0x99: {  	v31 =	vadd.s32 v43, v31  }
0x9a: {  	v31 =	vadd.s32 v45, v31  }
0x9b: {  	v31 =	vadd.s32 v10, v31  }
0x9c: {  	v31 =	vadd.s32 v12, v31  }
0x9d: {  	vm0 =	vlt.s32 v8, v9;
	vm1 =	vgt.s32 v31, $0x11F  }
0x9e: {  	v9 =	vadd.s32 $0x1, v14;
	vm0 =	vmand vm0, vm1  }
0x9f: {  	v47 =	vsel vm0, v9, v8  }
0xa0: {  	v8 =	vimm.s32 $0x0;
	vm1 =	vgt.s32 v15, v47  }
0xa1: {  	vm0 =	vgt.s32 v16, v47;
	v8 =	vsel vm1, $0xFFFFFFFF, v8  }
0xa2: {  	v9 =	vmpcnt.ones.xlane vm0;
	vm0 =	vgt.s32 v17, v47;
	[tilespmem:$0x1FBF0] =	vst v8;
	v8 =	vmpcnt.ones.xlane vm1  }
0xa3: {  	v14 =	vmpcnt.ones.xlane vm0;
	vm0 =	vgt.s32 v19, v47  }
0xa4: {  	v31 =	vmpcnt.ones.xlane vm0;
	vm0 =	vgt.s32 v20, v47;
	v8 =	vadd.s32 v9, v8  }
0xa5: {  	v9 =	vmpcnt.ones.xlane vm0;
	vm0 =	vgt.s32 v22, v47;
	v8 =	vadd.s32 v14, v8  }
0xa6: {  	v14 =	vmpcnt.ones.xlane vm0;
	vm0 =	vgt.s32 v23, v47;
	v8 =	vadd.s32 v31, v8  }
0xa7: {  	v31 =	vmpcnt.ones.xlane vm0;
	vm0 =	vgt.s32 v25, v47;
	v8 =	vadd.s32 v9, v8  }
0xa8: {  	v9 =	vmpcnt.ones.xlane vm0;
	vm0 =	vgt.s32 v26, v47;
	v8 =	vadd.s32 v14, v8  }
0xa9: {  	v14 =	vmpcnt.ones.xlane vm0;
	vm0 =	vgt.s32 v27, v47;
	v8 =	vadd.s32 v31, v8  }
0xaa: {  	v31 =	vmpcnt.ones.xlane vm0;
	vm0 =	vgt.s32 v29, v47;
	v8 =	vadd.s32 v9, v8  }
0xab: {  	v9 =	vmpcnt.ones.xlane vm0;
	vm0 =	vgt.s32 v32, v47;
	v8 =	vadd.s32 v14, v8  }
0xac: {  	v14 =	vmpcnt.ones.xlane vm0;
	vm0 =	vgt.s32 v33, v47;
	v8 =	vadd.s32 v31, v8  }
0xad: {  	v31 =	vmpcnt.ones.xlane vm0;
	vm0 =	vgt.s32 v35, v47;
	v8 =	vadd.s32 v9, v8  }
0xae: {  	v9 =	vmpcnt.ones.xlane vm0;
	vm0 =	vgt.s32 v36, v47;
	v8 =	vadd.s32 v14, v8  }
0xaf: {  	v14 =	vmpcnt.ones.xlane vm0;
	vm0 =	vgt.s32 v39, v47;
	v8 =	vadd.s32 v31, v8  }
0xb0: {  	v31 =	vmpcnt.ones.xlane vm0;
	vm0 =	vgt.s32 v40, v47;
	v8 =	vadd.s32 v9, v8  }
0xb1: {  	v9 =	vmpcnt.ones.xlane vm0;
	vm0 =	vgt.s32 v42, v47;
	v8 =	vadd.s32 v14, v8  }
0xb2: {  	v14 =	vmpcnt.ones.xlane vm0;
	vm0 =	vgt.s32 v44, v47;
	v8 =	vadd.s32 v31, v8  }
0xb3: {  	v31 =	vmpcnt.ones.xlane vm0;
	vm0 =	vgt.s32 v46, v47;
	v8 =	vadd.s32 v9, v8  }
0xb4: {  	v9 =	vmpcnt.ones.xlane vm0;
	vm0 =	vgt.s32 v48, v47;
	v8 =	vadd.s32 v14, v8  }
0xb5: {  	v14 =	vmpcnt.ones.xlane vm0;
	vm0 =	vgt.s32 v49, v47;
	v8 =	vadd.s32 v31, v8  }
0xb6: {  	v31 =	vmpcnt.ones.xlane vm0;
	vm0 =	vgt.s32 v28, v47;
	v8 =	vadd.s32 v9, v8  }
0xb7: {  	v9 =	vmpcnt.ones.xlane vm0;
	vm0 =	vgt.s32 v30, v47;
	v8 =	vadd.s32 v14, v8  }
0xb8: {  	v14 =	vmpcnt.ones.xlane vm0;
	vm0 =	vgt.s32 v21, v47;
	v8 =	vadd.s32 v31, v8  }
0xb9: {  	v31 =	vmpcnt.ones.xlane vm0;
	vm0 =	vgt.s32 v18, v47;
	v8 =	vadd.s32 v9, v8  }
0xba: {  	v9 =	vmpcnt.ones.xlane vm0;
	vm0 =	vgt.s32 v24, v47;
	v8 =	vadd.s32 v14, v8  }
0xbb: {  	v14 =	vmpcnt.ones.xlane vm0;
	vm0 =	vgt.s32 v13, v47;
	v8 =	vadd.s32 v31, v8  }
0xbc: {  	v31 =	vmpcnt.ones.xlane vm0;
	vm0 =	vgt.s32 v11, v47;
	v8 =	vadd.s32 v9, v8  }
0xbd: {  	v9 =	vmpcnt.ones.xlane vm0;
	vm0 =	vgt.s32 v0, v47;
	v8 =	vadd.s32 v14, v8  }
0xbe: {  	v14 =	vmpcnt.ones.xlane vm0;
	vm0 =	vgt.s32 v1, v47;
	v8 =	vadd.s32 v31, v8  }
0xbf: {  	v31 =	vmpcnt.ones.xlane vm0;
	vm0 =	vgt.s32 v2, v47;
	v8 =	vadd.s32 v9, v8  }
0xc0: {  	v9 =	vmpcnt.ones.xlane vm0;
	vm0 =	vgt.s32 v3, v47;
	v8 =	vadd.s32 v14, v8  }
0xc1: {  	v14 =	vmpcnt.ones.xlane vm0;
	vm0 =	vgt.s32 v4, v47;
	v8 =	vadd.s32 v31, v8  }
0xc2: {  	v31 =	vmpcnt.ones.xlane vm0;
	vm0 =	vgt.s32 v5, v47;
	v8 =	vadd.s32 v9, v8  }
0xc3: {  	v9 =	vmpcnt.ones.xlane vm0;
	vm0 =	vgt.s32 v6, v47;
	v8 =	vadd.s32 v14, v8  }
0xc4: {  	v14 =	vmpcnt.ones.xlane vm0;
	vm0 =	vgt.s32 v7, v47;
	v8 =	vadd.s32 v31, v8  }
0xc5: {  	v31 =	vmpcnt.ones.xlane vm0;
	vm0 =	veq.s32 v7, v47;
	v7 =	vimm.s32 $0x0  }
0xc6: {  	v7 =	vsel vm0, $0xFFFFFFFF, v7;
	vm0 =	veq.s32 v6, v47;
	v6 =	vimm.s32 $0x0  }
0xc7: {  	v6 =	vsel vm0, $0xFFFFFFFF, v6;
	vm0 =	veq.s32 v5, v47;
	v5 =	vimm.s32 $0x0  }
0xc8: {  	v5 =	vsel vm0, $0xFFFFFFFF, v5;
	vm0 =	veq.s32 v4, v47;
	v4 =	vimm.s32 $0x0  }
0xc9: {  	v4 =	vsel vm0, $0xFFFFFFFF, v4;
	vm0 =	veq.s32 v3, v47;
	v3 =	vimm.s32 $0x0  }
0xca: {  	v3 =	vsel vm0, $0xFFFFFFFF, v3;
	vm0 =	veq.s32 v2, v47;
	v2 =	vimm.s32 $0x0  }
0xcb: {  	v2 =	vsel vm0, $0xFFFFFFFF, v2;
	vm0 =	veq.s32 v1, v47;
	v1 =	vimm.s32 $0x0  }
0xcc: {  	v1 =	vsel vm0, $0xFFFFFFFF, v1;
	vm0 =	veq.s32 v0, v47;
	v0 =	vimm.s32 $0x0  }
0xcd: {  	[tilespmem:$0x1FC50] =	vst v2;
	v2 =	vlaneseq.u32;
	v0 =	vsel vm0, $0xFFFFFFFF, v0  }
0xce: {  	[tilespmem:$0x1FC70] =	vst v0;
	v0 =	vadd.s32 $0x26F, v2  }
0xcf: {  	[tilespmem:$0x1FDF0] =	vst v0;
	v0 =	vadd.s32 $0x24F, v2  }
0xd0: {  	[tilespmem:$0x1FDB0] =	vst v0;
	v0 =	vadd.s32 $0x25F, v2  }
0xd1: {  	[tilespmem:$0x1FDD0] =	vst v0;
	v0 =	vadd.s32 $0x23F, v2  }
0xd2: {  	vm0 =	veq.s32 v11, v47;
	[tilespmem:$0x1FCF0] =	vst v0;
	v0 =	vimm.s32 $0x0  }
0xd3: {  	v0 =	vsel vm0, $0xFFFFFFFF, v0  }
0xd4: {  	vm0 =	veq.s32 v13, v47;
	[tilespmem:$0x1FC80] =	vst v0;
	v0 =	vimm.s32 $0x0  }
0xd5: {  	v0 =	vsel vm0, $0xFFFFFFFF, v0  }
0xd6: {  	vm0 =	veq.s32 v24, v47;
	[tilespmem:$0x1FC90] =	vst v0;
	v0 =	vimm.s32 $0x0  }
0xd7: {  	[tilespmem:$0x1FD10] =	vst v47;
	v0 =	vsel vm0, $0xFFFFFFFF, v0  }
0xd8: {  	vm0 =	veq.s32 v18, v47;
	[tilespmem:$0x1FCA0] =	vst v0;
	v0 =	vimm.s32 $0x0  }
0xd9: {  	[tilespmem:$0x1FC10] =	vst v6;
	v0 =	vsel vm0, $0xFFFFFFFF, v0  }
0xda: {  	v6 =	vld [tilespmem:$0x1FD10];
	vm0 =	veq.s32 v21, v47;
	[tilespmem:$0x1FCB0] =	vst v0;
	v0 =	vimm.s32 $0x0  }
0xdb: {  	v0 =	vsel vm0, $0xFFFFFFFF, v0  }
0xdc: {  	vm0 =	veq.s32 v30, v47;
	[tilespmem:$0x1FCC0] =	vst v0;
	v0 =	vimm.s32 $0x0  }
0xdd: {  	v0 =	vsel vm0, $0xFFFFFFFF, v0  }
0xde: {  	vm0 =	veq.s32 v28, v47;
	[tilespmem:$0x1FCD0] =	vst v0;
	v0 =	vimm.s32 $0x0  }
0xdf: {  	v0 =	vsel vm0, $0xFFFFFFFF, v0;
	vm0 =	veq.s32 v49, v6;
	v49 =	vimm.s32 $0x0  }
0xe0: {  	v49 =	vsel vm0, $0xFFFFFFFF, v49  }
0xe1: {  	[tilespmem:$0x1FD00] =	vst v49;
	v49 =	vld [tilespmem:$0x1FD10];
	_ =	sdelay $0x4  }
0xe2: {  	vm0 =	veq.s32 v48, v49;
	v48 =	vimm.s32 $0x0  }
0xe3: {  	v48 =	vsel vm0, $0xFFFFFFFF, v48  }
0xe4: {  	vm0 =	veq.s32 v46, v49;
	[tilespmem:$0x1FD20] =	vst v48;
	v48 =	vimm.s32 $0x0  }
0xe5: {  	v46 =	vsel vm0, $0xFFFFFFFF, v48;
	vm0 =	veq.s32 v44, v49;
	v48 =	vimm.s32 $0x0  }
0xe6: {  	v44 =	vsel vm0, $0xFFFFFFFF, v48;
	vm0 =	veq.s32 v42, v49;
	v48 =	vimm.s32 $0x0  }
0xe7: {  	[tilespmem:$0x1FD30] =	vst v46;
	v46 =	vimm.s32 $0x0;
	v42 =	vsel vm0, $0xFFFFFFFF, v48;
	vm0 =	veq.s32 v40, v49  }
0xe8: {  	v48 =	vimm.s32 $0x0;
	v40 =	vsel vm0, $0xFFFFFFFF, v46;
	vm0 =	veq.s32 v39, v49  }
0xe9: {  	[tilespmem:$0x1FD50] =	vst v42;
	v42 =	vimm.s32 $0x0;
	v39 =	vsel vm0, $0xFFFFFFFF, v48;
	vm0 =	veq.s32 v36, v49  }
0xea: {  	[tilespmem:$0x1FD40] =	vst v44;
	v44 =	vimm.s32 $0x0;
	v36 =	vsel vm0, $0xFFFFFFFF, v42;
	vm0 =	veq.s32 v35, v49  }
0xeb: {  	v46 =	vimm.s32 $0x0;
	v35 =	vsel vm0, $0xFFFFFFFF, v44;
	vm0 =	veq.s32 v33, v49  }
0xec: {  	v48 =	vimm.s32 $0x0;
	v33 =	vsel vm0, $0xFFFFFFFF, v46;
	vm0 =	veq.s32 v32, v49  }
0xed: {  	v32 =	vsel vm0, $0xFFFFFFFF, v48;
	vm0 =	veq.s32 v29, v49;
	v29 =	vimm.s32 $0x0  }
0xee: {  	v29 =	vsel vm0, $0xFFFFFFFF, v29;
	vm0 =	veq.s32 v27, v49;
	v27 =	vimm.s32 $0x0  }
0xef: {  	v27 =	vsel vm0, $0xFFFFFFFF, v27;
	vm0 =	veq.s32 v26, v49;
	v26 =	vimm.s32 $0x0  }
0xf0: {  	v26 =	vsel vm0, $0xFFFFFFFF, v26;
	vm0 =	veq.s32 v25, v49;
	v25 =	vimm.s32 $0x0  }
0xf1: {  	v25 =	vsel vm0, $0xFFFFFFFF, v25;
	vm0 =	veq.s32 v23, v49;
	v23 =	vimm.s32 $0x0  }
0xf2: {  	v23 =	vsel vm0, $0xFFFFFFFF, v23;
	vm0 =	veq.s32 v22, v49;
	v22 =	vimm.s32 $0x0  }
0xf3: {  	v22 =	vsel vm0, $0xFFFFFFFF, v22;
	vm0 =	veq.s32 v20, v49;
	v20 =	vimm.s32 $0x0  }
0xf4: {  	v20 =	vsel vm0, $0xFFFFFFFF, v20;
	vm0 =	veq.s32 v19, v49;
	v19 =	vimm.s32 $0x0  }
0xf5: {  	v19 =	vsel vm0, $0xFFFFFFFF, v19;
	vm0 =	veq.s32 v17, v49;
	v17 =	vimm.s32 $0x0  }
0xf6: {  	v17 =	vsel vm0, $0xFFFFFFFF, v17;
	vm0 =	veq.s32 v16, v49;
	v16 =	vimm.s32 $0x0  }
0xf7: {  	[tilespmem:$0x1FC00] =	vst v7;
	v16 =	vsel vm0, $0xFFFFFFFF, v16;
	vm0 =	veq.s32 v15, v49;
	v15 =	vimm.s32 $0x0  }
0xf8: {  	v59 =	vimm.s32 $0x0;
	v60 =	vimm.s32 $0x27F;
	v6 =	vld [tilespmem:$0x1FCF0];
	[tilespmem:$0x1FCE0] =	vst v0;
	v15 =	vsel vm0, $0xFFFFFFFF, v15  }
0xf9: {  	v0 =	vadd.s32 v59, v60;
	vm0 =	veq.s32 v49, $0x80000000;
	[tilespmem:$0x1FE90] =	vst v15;
	v15 =	vimm.s32 $0x0  }
0xfa: {  	[tilespmem:$0x1FC20] =	vst v5;
	v7 =	vadd.s32 $0x22F, v2;
	v5 =	vshra.s32 v0, $0x1;
	v15 =	vsel vm0, $0xFFFFFFFF, v15  }
0xfb: {  	v8 =	vadd.s32 v9, v8;
	vm0 =	vgt.s32 v5, v7;
	[tilespmem:$0x1FEA0] =	vst v15;
	v15 =	vimm.s32 $0x0  }
0xfc: {  	v8 =	vadd.s32 v14, v8;
	v15 =	vsel vm0, $0xFFFFFFFF, v15  }
0xfd: {  	v8 =	vadd.s32 v31, v8;
	vm0 =	vgt.s32 v5, v6;
	[tilespmem:$0x1FEB0] =	vst v15;
	v15 =	vimm.s32 $0x0  }
0xfe: {  	v8 =	vadd.s32 v10, v8;
	[tilespmem:$0x1FC30] =	vst v4;
	v10 =	vadd.s32 $0x1FF, v2;
	v15 =	vsel vm0, $0xFFFFFFFF, v15  }
0xff: {  	v9 =	vsub.s32 $0x0, v12;
	vm0 =	vgt.s32 v5, v10;
	[tilespmem:$0x1FEC0] =	vst v15;
	v15 =	vimm.s32 $0x0  }
0x100: {  	v8 =	vsub.s32 v9, v8;
	[tilespmem:$0x1FC40] =	vst v3;
	v9 =	vadd.s32 $0x20F, v2;
	v15 =	vsel vm0, $0xFFFFFFFF, v15  }
0x101: {  	vm0 =	vgt.s32 v5, v9;
	[tilespmem:$0x1FED0] =	vst v15;
	v15 =	vimm.s32 $0x0  }
0x102: {  	v58 =	vadd.s32 $0x120, v8;
	[tilespmem:$0x1FC60] =	vst v1;
	v8 =	vadd.s32 $0x21F, v2;
	v15 =	vsel vm0, $0xFFFFFFFF, v15  }
0x103: {  	vm0 =	vgt.s32 v5, v8;
	[tilespmem:$0x1FEE0] =	vst v15;
	v15 =	vimm.s32 $0x0  }
0x104: {  	v13 =	vadd.s32 $0x1CF, v2;
	[tilespmem:$0x1FD60] =	vst v40;
	v15 =	vsel vm0, $0xFFFFFFFF, v15  }
0x105: {  	vm0 =	vgt.s32 v5, v13;
	[tilespmem:$0x1FEF0] =	vst v15;
	v15 =	vimm.s32 $0x0  }
0x106: {  	v12 =	vadd.s32 $0x1DF, v2;
	[tilespmem:$0x1FD70] =	vst v39;
	v15 =	vsel vm0, $0xFFFFFFFF, v15  }
0x107: {  	vm0 =	vgt.s32 v5, v12;
	[tilespmem:$0x1FF00] =	vst v15;
	v15 =	vimm.s32 $0x0  }
0x108: {  	v11 =	vadd.s32 $0x1EF, v2;
	[tilespmem:$0x1FD80] =	vst v36;
	v15 =	vsel vm0, $0xFFFFFFFF, v15  }
0x109: {  	v14 =	vadd.s32 $0x1BF, v2;
	vm0 =	vgt.s32 v5, v11;
	[tilespmem:$0x1FF10] =	vst v15;
	v15 =	vimm.s32 $0x0  }
0x10a: {  	v31 =	vadd.s32 $0x15F, v2;
	v21 =	vadd.s32 $0x19F, v2;
	[tilespmem:$0x1FD90] =	vst v35;
	v15 =	vsel vm0, $0xFFFFFFFF, v15  }
0x10b: {  	v34 =	vadd.s32 $0x14F, v2;
	vm0 =	vgt.s32 v5, v21;
	[tilespmem:$0x1FF20] =	vst v15;
	v15 =	vimm.s32 $0x0  }
0x10c: {  	v38 =	vadd.s32 $0x12F, v2;
	v18 =	vadd.s32 $0x1AF, v2;
	[tilespmem:$0x1FDA0] =	vst v33;
	v15 =	vsel vm0, $0xFFFFFFFF, v15  }
0x10d: {  	v37 =	vadd.s32 $0x13F, v2;
	vm0 =	vgt.s32 v5, v18;
	[tilespmem:$0x1FF30] =	vst v15;
	v15 =	vimm.s32 $0x0  }
0x10e: {  	v41 =	vadd.s32 $0x11F, v2;
	v45 =	vadd.s32 $0xFF, v2;
	[tilespmem:$0x1FDC0] =	vst v32;
	v15 =	vsel vm0, $0xFFFFFFFF, v15  }
0x10f: {  	v43 =	vadd.s32 $0x10F, v2;
	vm0 =	vgt.s32 v5, v14;
	[tilespmem:$0x1FF40] =	vst v15;
	v15 =	vimm.s32 $0x0  }
0x110: {  	v51 =	vadd.s32 $0xCF, v2;
	v30 =	vadd.s32 $0x16F, v2;
	[tilespmem:$0x1FDE0] =	vst v29;
	v15 =	vsel vm0, $0xFFFFFFFF, v15  }
0x111: {  	v50 =	vadd.s32 $0xDF, v2;
	vm0 =	vgt.s32 v5, v30;
	[tilespmem:$0x1FF50] =	vst v15;
	v15 =	vimm.s32 $0x0  }
0x112: {  	v52 =	vadd.s32 $0xBF, v2;
	v28 =	vadd.s32 $0x17F, v2;
	[tilespmem:$0x1FE00] =	vst v27;
	v15 =	vsel vm0, $0xFFFFFFFF, v15  }
0x113: {  	v54 =	vadd.s32 $0x9F, v2;
	vm0 =	vgt.s32 v5, v28;
	[tilespmem:$0x1FF60] =	vst v15;
	v15 =	vimm.s32 $0x0  }
0x114: {  	v53 =	vadd.s32 $0xAF, v2;
	v24 =	vadd.s32 $0x18F, v2;
	[tilespmem:$0x1FE10] =	vst v26;
	v15 =	vsel vm0, $0xFFFFFFFF, v15  }
0x115: {  	v55 =	vadd.s32 $0x8F, v2;
	vm0 =	vgt.s32 v5, v24;
	[tilespmem:$0x1FF70] =	vst v15;
	v15 =	vimm.s32 $0x0  }
0x116: {  	v57 =	vadd.s32 $0x6F, v2;
	v56 =	vadd.s32 $0x7F, v2;
	[tilespmem:$0x1FE20] =	vst v25;
	v15 =	vsel vm0, $0xFFFFFFFF, v15  }
0x117: {  	v61 =	vadd.s32 $0x5F, v2;
	vm0 =	vgt.s32 v5, v37;
	[tilespmem:$0x1FF80] =	vst v15;
	v15 =	vimm.s32 $0x0  }
0x118: {  	v63 =	vadd.s32 $0x3F, v2;
	v62 =	vadd.s32 $0x4F, v2;
	[tilespmem:$0x1FE30] =	vst v23;
	v15 =	vsel vm0, $0xFFFFFFFF, v15  }
0x119: {  	v1 =	vadd.s32 $0x2F, v2;
	vm0 =	vgt.s32 v5, v34;
	[tilespmem:$0x1FF90] =	vst v15;
	v15 =	vimm.s32 $0x0  }
0x11a: {  	v3 =	vadd.s32 $0xFFFFFFFF, v2;
	v47 =	vadd.s32 $0xEF, v2;
	[tilespmem:$0x1FE40] =	vst v22;
	v15 =	vsel vm0, $0xFFFFFFFF, v15  }
0x11b: {  	v0 =	vadd.s32 $0x1F, v2;
	vm0 =	vgt.s32 v5, v31;
	[tilespmem:$0x1FFA0] =	vst v15;
	v15 =	vimm.s32 $0x0  }
0x11c: {  	v2 =	vadd.s32 $0xF, v2;
	v4 =	vadd.s32 $0x1, v5;
	v33 =	vld [tilespmem:$0x1FDB0];
	[tilespmem:$0x1FE50] =	vst v20;
	v15 =	vsel vm0, $0xFFFFFFFF, v15  }
0x11d: {  	vm11 =	vgt.s32 v5, v50;
	v32 =	vld [tilespmem:$0x1FDD0];
	vm0 =	vgt.s32 v5, v43;
	[tilespmem:$0x1FFB0] =	vst v15;
	v15 =	vimm.s32 $0x0  }
0x11e: {  	vm9 =	vgt.s32 v5, v47;
	vm4 =	vgt.s32 v5, v45;
	v29 =	vld [tilespmem:$0x1FDF0];
	[tilespmem:$0x1FE60] =	vst v19;
	v15 =	vsel vm0, $0xFFFFFFFF, v15  }
0x11f: {  	vm2 =	vgt.s32 v5, v53;
	vm0 =	vgt.s32 v5, v41;
	[tilespmem:$0x1FFC0] =	vst v15;
	v15 =	vimm.s32 $0x0  }
0x120: {  	vm13 =	vgt.s32 v5, v51;
	vm1 =	vgt.s32 v5, v56;
	[tilespmem:$0x1FE70] =	vst v17;
	v15 =	vsel vm0, $0xFFFFFFFF, v15  }
0x121: {  	vm7 =	vgt.s32 v5, v55;
	vm0 =	vgt.s32 v5, v38;
	[tilespmem:$0x1FFD0] =	vst v15;
	v15 =	vimm.s32 $0x0  }
0x122: {  	vm6 =	vgt.s32 v5, v54;
	v27 =	vmovc v49;
	vm15 =	vgt.s32 v5, v33;
	[tilespmem:$0x1FE80] =	vst v16;
	v15 =	vsel vm0, $0xFFFFFFFF, v15  }
0x123: {  	s9 =	simm.s32 $0x9;
	vm14 =	vgt.s32 v5, v32;
	vm12 =	vgt.s32 v5, v29;
	vm0 =	vgt.s32 v5, v52;
	[tilespmem:$0x1FFE0] =	vst v15  }
.LBB2_5:
0x124: {  	v15 =	vimm.s32 $0x0  }
0x125: {  	v15 =	vsel vm14, $0xFFFFFFFF, v15  }
0x126: {  	[tilespmem:$0x1FBD0] =	vst v15;
	v15 =	vimm.s32 $0x0  }
0x127: {  	v15 =	vsel vm15, $0xFFFFFFFF, v15  }
0x128: {  	[tilespmem:$0x1FBC0] =	vst v15;
	v15 =	vimm.s32 $0x0  }
0x129: {  	v15 =	vsel vm12, $0xFFFFFFFF, v15  }
0x12a: {  	[tilespmem:$0x1FBE0] =	vst v15;
	v15 =	vld [tilespmem:$0x1FE90];
	_ =	sdelay $0x4  }
0x12b: {  	vm14 =	vnez.u8 v15;
	v15 =	vld [tilespmem:$0x1FE80]  }
0x12c: {  	v17 =	vld [tilespmem:$0x1FE70];
	_ =	sdelay $0x1  }
0x12d: {  	vm3 =	vgt.s32 v5, v3;
	v19 =	vld [tilespmem:$0x1FE60]  }
0x12e: {  	vm3 =	vmand vm14, vm3  }
0x12f: {  	vm5 =	vgt.s32 v5, v2;
	vm14 =	vnez.u8 v15;
	v15 =	vmpcnt.ones.xlane vm3  }
0x130: {  	vm3 =	vnez.u8 v17;
	vm5 =	vmand vm14, vm5;
	vm14 =	vgt.s32 v5, v0  }
0x131: {  	vm3 =	vmand vm3, vm14  }
0x132: {  	v17 =	vmpcnt.ones.xlane vm3;
	vm3 =	vnez.u8 v19;
	v19 =	vld [tilespmem:$0x1FE50];
	_ =	sdelay $0x2  }
0x133: {  	vm12 =	vgt.s32 v5, v1;
	v16 =	vmpcnt.ones.xlane vm5  }
0x134: {  	vm3 =	vmand vm3, vm12  }
0x135: {  	v15 =	vadd.s32 v15, v16;
	v16 =	vmpcnt.ones.xlane vm3;
	vm3 =	vnez.u8 v19;
	v19 =	vld [tilespmem:$0x1FE40];
	_ =	sdelay $0x2  }
0x136: {  	vm5 =	vgt.s32 v5, v63  }
0x137: {  	vm3 =	vmand vm3, vm5  }
0x138: {  	v15 =	vadd.s32 v17, v15;
	v17 =	vmpcnt.ones.xlane vm3;
	vm3 =	vnez.u8 v19;
	v19 =	vld [tilespmem:$0x1FE30];
	_ =	sdelay $0x2  }
0x139: {  	vm8 =	vgt.s32 v5, v62  }
0x13a: {  	vm3 =	vmand vm3, vm8  }
0x13b: {  	v15 =	vadd.s32 v16, v15;
	v16 =	vmpcnt.ones.xlane vm3;
	vm3 =	vnez.u8 v19;
	v19 =	vld [tilespmem:$0x1FE20];
	_ =	sdelay $0x2  }
0x13c: {  	vm10 =	vgt.s32 v5, v61  }
0x13d: {  	vm3 =	vmand vm3, vm10  }
0x13e: {  	v15 =	vadd.s32 v17, v15;
	v17 =	vmpcnt.ones.xlane vm3;
	vm3 =	vnez.u8 v19;
	v19 =	vld [tilespmem:$0x1FE10];
	_ =	sdelay $0x2  }
0x13f: {  	vm15 =	vgt.s32 v5, v57  }
0x140: {  	vm3 =	vmand vm3, vm15  }
0x141: {  	v15 =	vadd.s32 v16, v15;
	v16 =	vmpcnt.ones.xlane vm3;
	vm3 =	vnez.u8 v19;
	v19 =	vld [tilespmem:$0x1FE00];
	_ =	sdelay $0x3  }
0x142: {  	vm1 =	vmand vm3, vm1  }
0x143: {  	v15 =	vadd.s32 v17, v15;
	v17 =	vmpcnt.ones.xlane vm1;
	vm1 =	vnez.u8 v19;
	v19 =	vld [tilespmem:$0x1FDE0];
	_ =	sdelay $0x3  }
0x144: {  	vm1 =	vmand vm1, vm7  }
0x145: {  	v15 =	vadd.s32 v16, v15;
	v16 =	vmpcnt.ones.xlane vm1;
	vm1 =	vnez.u8 v19;
	v19 =	vld [tilespmem:$0x1FDC0];
	_ =	sdelay $0x3  }
0x146: {  	vm1 =	vmand vm1, vm6  }
0x147: {  	v15 =	vadd.s32 v17, v15;
	v17 =	vmpcnt.ones.xlane vm1;
	vm1 =	vnez.u8 v19;
	v19 =	vld [tilespmem:$0x1FDA0];
	_ =	sdelay $0x3  }
0x148: {  	vm1 =	vmand vm1, vm2  }
0x149: {  	v15 =	vadd.s32 v16, v15;
	v16 =	vmpcnt.ones.xlane vm1;
	vm1 =	vnez.u8 v19;
	v19 =	vld [tilespmem:$0x1FD90];
	_ =	sdelay $0x3  }
0x14a: {  	vm0 =	vmand vm1, vm0  }
0x14b: {  	v15 =	vadd.s32 v17, v15;
	v17 =	vmpcnt.ones.xlane vm0;
	vm0 =	vnez.u8 v19;
	v19 =	vld [tilespmem:$0x1FD80];
	_ =	sdelay $0x3  }
0x14c: {  	vm0 =	vmand vm0, vm13  }
0x14d: {  	v15 =	vadd.s32 v16, v15;
	v16 =	vmpcnt.ones.xlane vm0;
	vm0 =	vnez.u8 v19;
	v19 =	vld [tilespmem:$0x1FD70];
	_ =	sdelay $0x3  }
0x14e: {  	vm0 =	vmand vm0, vm11  }
0x14f: {  	v15 =	vadd.s32 v17, v15;
	v17 =	vmpcnt.ones.xlane vm0;
	vm0 =	vnez.u8 v19;
	v19 =	vld [tilespmem:$0x1FD60];
	_ =	sdelay $0x3  }
0x150: {  	vm0 =	vmand vm0, vm9  }
0x151: {  	v15 =	vadd.s32 v16, v15;
	v16 =	vmpcnt.ones.xlane vm0;
	vm0 =	vnez.u8 v19;
	v19 =	vld [tilespmem:$0x1FD50];
	_ =	sdelay $0x3  }
0x152: {  	vm0 =	vmand vm0, vm4  }
0x153: {  	v15 =	vadd.s32 v17, v15;
	v17 =	vmpcnt.ones.xlane vm0;
	vm0 =	vnez.u8 v19;
	v19 =	vld [tilespmem:$0x1FFC0];
	_ =	sdelay $0x4  }
0x154: {  	vm1 =	vnez.u8 v19;
	v19 =	vld [tilespmem:$0x1FD40];
	_ =	sdelay $0x3  }
0x155: {  	vm0 =	vmand vm0, vm1  }
0x156: {  	v15 =	vadd.s32 v16, v15;
	v16 =	vmpcnt.ones.xlane vm0;
	vm0 =	vnez.u8 v19;
	v19 =	vld [tilespmem:$0x1FFD0];
	_ =	sdelay $0x4  }
0x157: {  	vm1 =	vnez.u8 v19;
	v19 =	vld [tilespmem:$0x1FD30];
	_ =	sdelay $0x3  }
0x158: {  	vm0 =	vmand vm0, vm1  }
0x159: {  	v15 =	vadd.s32 v17, v15;
	v17 =	vmpcnt.ones.xlane vm0;
	vm0 =	vnez.u8 v19;
	v19 =	vld [tilespmem:$0x1FFE0];
	_ =	sdelay $0x4  }
0x15a: {  	vm1 =	vnez.u8 v19;
	v19 =	vld [tilespmem:$0x1FD20];
	_ =	sdelay $0x3  }
0x15b: {  	vm0 =	vmand vm0, vm1  }
0x15c: {  	v15 =	vadd.s32 v16, v15;
	v16 =	vmpcnt.ones.xlane vm0;
	vm0 =	vnez.u8 v19;
	v19 =	vld [tilespmem:$0x1FF90];
	_ =	sdelay $0x4  }
0x15d: {  	vm1 =	vnez.u8 v19;
	v19 =	vld [tilespmem:$0x1FD00];
	_ =	sdelay $0x3  }
0x15e: {  	vm0 =	vmand vm0, vm1  }
0x15f: {  	v15 =	vadd.s32 v17, v15;
	v17 =	vmpcnt.ones.xlane vm0;
	vm0 =	vnez.u8 v19;
	v19 =	vld [tilespmem:$0x1FFA0];
	_ =	sdelay $0x4  }
0x160: {  	vm1 =	vnez.u8 v19;
	v19 =	vld [tilespmem:$0x1FCE0];
	_ =	sdelay $0x3  }
0x161: {  	vm0 =	vmand vm0, vm1  }
0x162: {  	v15 =	vadd.s32 v16, v15;
	v16 =	vmpcnt.ones.xlane vm0;
	vm0 =	vnez.u8 v19;
	v19 =	vld [tilespmem:$0x1FFB0];
	_ =	sdelay $0x4  }
0x163: {  	vm1 =	vnez.u8 v19;
	v19 =	vld [tilespmem:$0x1FCD0];
	_ =	sdelay $0x3  }
0x164: {  	vm0 =	vmand vm0, vm1  }
0x165: {  	v15 =	vadd.s32 v17, v15;
	v17 =	vmpcnt.ones.xlane vm0;
	vm0 =	vnez.u8 v19;
	v19 =	vld [tilespmem:$0x1FF60];
	_ =	sdelay $0x4  }
0x166: {  	vm1 =	vnez.u8 v19;
	v19 =	vld [tilespmem:$0x1FCC0];
	_ =	sdelay $0x3  }
0x167: {  	vm0 =	vmand vm0, vm1  }
0x168: {  	v15 =	vadd.s32 v16, v15;
	v16 =	vmpcnt.ones.xlane vm0;
	vm0 =	vnez.u8 v19;
	v19 =	vld [tilespmem:$0x1FF70];
	_ =	sdelay $0x4  }
0x169: {  	vm1 =	vnez.u8 v19;
	v19 =	vld [tilespmem:$0x1FCB0];
	_ =	sdelay $0x3  }
0x16a: {  	vm0 =	vmand vm0, vm1  }
0x16b: {  	v15 =	vadd.s32 v17, v15;
	v17 =	vmpcnt.ones.xlane vm0;
	vm0 =	vnez.u8 v19;
	v19 =	vld [tilespmem:$0x1FF80];
	_ =	sdelay $0x4  }
0x16c: {  	vm1 =	vnez.u8 v19;
	v19 =	vld [tilespmem:$0x1FCA0];
	_ =	sdelay $0x3  }
0x16d: {  	vm0 =	vmand vm0, vm1  }
0x16e: {  	v15 =	vadd.s32 v16, v15;
	v16 =	vmpcnt.ones.xlane vm0;
	vm0 =	vnez.u8 v19;
	v19 =	vld [tilespmem:$0x1FF30];
	_ =	sdelay $0x4  }
0x16f: {  	vm1 =	vnez.u8 v19;
	v19 =	vld [tilespmem:$0x1FC90];
	_ =	sdelay $0x3  }
0x170: {  	vm0 =	vmand vm0, vm1  }
0x171: {  	v15 =	vadd.s32 v17, v15;
	v17 =	vmpcnt.ones.xlane vm0;
	vm0 =	vnez.u8 v19;
	v19 =	vld [tilespmem:$0x1FF40];
	_ =	sdelay $0x4  }
0x172: {  	vm1 =	vnez.u8 v19;
	v19 =	vld [tilespmem:$0x1FC80];
	_ =	sdelay $0x3  }
0x173: {  	vm0 =	vmand vm0, vm1  }
0x174: {  	v15 =	vadd.s32 v16, v15;
	v16 =	vmpcnt.ones.xlane vm0;
	vm0 =	vnez.u8 v19;
	v19 =	vld [tilespmem:$0x1FF50];
	_ =	sdelay $0x4  }
0x175: {  	vm1 =	vnez.u8 v19;
	v19 =	vld [tilespmem:$0x1FC70];
	_ =	sdelay $0x3  }
0x176: {  	vm0 =	vmand vm0, vm1  }
0x177: {  	v15 =	vadd.s32 v17, v15;
	v17 =	vmpcnt.ones.xlane vm0;
	vm0 =	vnez.u8 v19;
	v19 =	vld [tilespmem:$0x1FF00];
	_ =	sdelay $0x4  }
0x178: {  	vm1 =	vnez.u8 v19;
	v19 =	vld [tilespmem:$0x1FC60];
	_ =	sdelay $0x3  }
0x179: {  	vm0 =	vmand vm0, vm1  }
0x17a: {  	v15 =	vadd.s32 v16, v15;
	v16 =	vmpcnt.ones.xlane vm0;
	vm0 =	vnez.u8 v19;
	v19 =	vld [tilespmem:$0x1FF10];
	_ =	sdelay $0x4  }
0x17b: {  	vm1 =	vnez.u8 v19;
	v19 =	vld [tilespmem:$0x1FC50];
	_ =	sdelay $0x3  }
0x17c: {  	vm0 =	vmand vm0, vm1  }
0x17d: {  	v15 =	vadd.s32 v17, v15;
	v17 =	vmpcnt.ones.xlane vm0;
	vm0 =	vnez.u8 v19;
	v19 =	vld [tilespmem:$0x1FF20];
	_ =	sdelay $0x4  }
0x17e: {  	vm1 =	vnez.u8 v19;
	v19 =	vld [tilespmem:$0x1FC40];
	_ =	sdelay $0x3  }
0x17f: {  	vm0 =	vmand vm0, vm1  }
0x180: {  	v15 =	vadd.s32 v16, v15;
	v16 =	vmpcnt.ones.xlane vm0;
	vm0 =	vnez.u8 v19;
	v19 =	vld [tilespmem:$0x1FED0];
	_ =	sdelay $0x4  }
0x181: {  	vm1 =	vnez.u8 v19;
	v19 =	vld [tilespmem:$0x1FC30];
	_ =	sdelay $0x3  }
0x182: {  	vm0 =	vmand vm0, vm1  }
0x183: {  	v15 =	vadd.s32 v17, v15;
	v17 =	vmpcnt.ones.xlane vm0;
	vm0 =	vnez.u8 v19;
	v19 =	vld [tilespmem:$0x1FEE0];
	_ =	sdelay $0x4  }
0x184: {  	vm1 =	vnez.u8 v19;
	v19 =	vld [tilespmem:$0x1FC20];
	_ =	sdelay $0x3  }
0x185: {  	vm0 =	vmand vm0, vm1  }
0x186: {  	v15 =	vadd.s32 v16, v15;
	v16 =	vmpcnt.ones.xlane vm0;
	vm0 =	vnez.u8 v19;
	v19 =	vld [tilespmem:$0x1FEF0];
	_ =	sdelay $0x4  }
0x187: {  	vm1 =	vnez.u8 v19;
	v19 =	vld [tilespmem:$0x1FC10];
	_ =	sdelay $0x3  }
0x188: {  	vm0 =	vmand vm0, vm1  }
0x189: {  	v15 =	vadd.s32 v17, v15;
	v17 =	vmpcnt.ones.xlane vm0;
	vm0 =	vnez.u8 v19;
	v19 =	vld [tilespmem:$0x1FEB0];
	_ =	sdelay $0x4  }
0x18a: {  	vm1 =	vnez.u8 v19;
	v19 =	vld [tilespmem:$0x1FC00];
	_ =	sdelay $0x3  }
0x18b: {  	vm0 =	vmand vm0, vm1  }
0x18c: {  	v15 =	vadd.s32 v16, v15;
	v16 =	vmpcnt.ones.xlane vm0;
	vm0 =	vnez.u8 v19;
	v19 =	vld [tilespmem:$0x1FEC0];
	_ =	sdelay $0x4  }
0x18d: {  	vm1 =	vnez.u8 v19;
	v19 =	vld [tilespmem:$0x1FEA0];
	_ =	sdelay $0x4  }
0x18e: {  	vm0 =	vmand vm0, vm1;
	vm1 =	vnez.u8 v19;
	v19 =	vld [tilespmem:$0x1FBC0];
	_ =	sdelay $0x4  }
0x18f: {  	v15 =	vadd.s32 v17, v15;
	v17 =	vmpcnt.ones.xlane vm0;
	vm0 =	vnez.u8 v19;
	v19 =	vld [tilespmem:$0x1FBD0];
	_ =	sdelay $0x3  }
0x190: {  	vm0 =	vmand vm1, vm0  }
0x191: {  	v15 =	vadd.s32 v16, v15;
	v16 =	vmpcnt.ones.xlane vm0;
	vm0 =	vnez.u8 v19;
	v19 =	vld [tilespmem:$0x1FBE0];
	_ =	sdelay $0x3  }
0x192: {  	vm0 =	vmand vm1, vm0  }
0x193: {  	v15 =	vadd.s32 v17, v15;
	v17 =	vmpcnt.ones.xlane vm0;
	vm0 =	vnez.u8 v19  }
0x194: {  	vm0 =	vmand vm1, vm0  }
0x195: {  	v15 =	vadd.s32 v16, v15;
	v16 =	vmpcnt.ones.xlane vm0  }
0x196: {  	v15 =	vadd.s32 v17, v15  }
0x197: {  	v15 =	vadd.s32 v16, v15  }
0x198: {  	vm0 =	vlt.s32 v59, v60;
	vm1 =	vge.s32 v15, v58;
	vm2 =	vlt.s32 v15, v58  }
0x199: {  	vm2 =	vmand vm0, vm2;
	vm0 =	vmand vm0, vm1  }
0x19a: {  	v59 =	vsel vm2, v4, v59;
	v60 =	vsel vm0, v5, v60  }
0x19b: {  	v4 =	vadd.s32 v59, v60  }
0x19c: {  	v5 =	vshra.s32 v4, $0x1  }
0x19d: {  	v15 =	vimm.s32 $0x0;
	vm0 =	vgt.s32 v5, v7  }
0x19e: {  	v15 =	vsel vm0, $0xFFFFFFFF, v15  }
0x19f: {  	vm0 =	vgt.s32 v5, v6;
	[tilespmem:$0x1FEB0] =	vst v15;
	v15 =	vimm.s32 $0x0  }
0x1a0: {  	v15 =	vsel vm0, $0xFFFFFFFF, v15  }
0x1a1: {  	vm0 =	vgt.s32 v5, v10;
	[tilespmem:$0x1FEC0] =	vst v15;
	v15 =	vimm.s32 $0x0  }
0x1a2: {  	v15 =	vsel vm0, $0xFFFFFFFF, v15  }
0x1a3: {  	vm0 =	vgt.s32 v5, v9;
	[tilespmem:$0x1FED0] =	vst v15;
	v15 =	vimm.s32 $0x0  }
0x1a4: {  	v15 =	vsel vm0, $0xFFFFFFFF, v15  }
0x1a5: {  	vm0 =	vgt.s32 v5, v8;
	[tilespmem:$0x1FEE0] =	vst v15;
	v15 =	vimm.s32 $0x0  }
0x1a6: {  	v15 =	vsel vm0, $0xFFFFFFFF, v15  }
0x1a7: {  	vm0 =	vgt.s32 v5, v13;
	[tilespmem:$0x1FEF0] =	vst v15;
	v15 =	vimm.s32 $0x0  }
0x1a8: {  	v15 =	vsel vm0, $0xFFFFFFFF, v15  }
0x1a9: {  	vm0 =	vgt.s32 v5, v12;
	[tilespmem:$0x1FF00] =	vst v15;
	v15 =	vimm.s32 $0x0  }
0x1aa: {  	v15 =	vsel vm0, $0xFFFFFFFF, v15  }
0x1ab: {  	vm0 =	vgt.s32 v5, v11;
	[tilespmem:$0x1FF10] =	vst v15;
	v15 =	vimm.s32 $0x0  }
0x1ac: {  	v15 =	vsel vm0, $0xFFFFFFFF, v15  }
0x1ad: {  	vm0 =	vgt.s32 v5, v21;
	[tilespmem:$0x1FF20] =	vst v15;
	v15 =	vimm.s32 $0x0  }
0x1ae: {  	v15 =	vsel vm0, $0xFFFFFFFF, v15  }
0x1af: {  	vm0 =	vgt.s32 v5, v18;
	[tilespmem:$0x1FF30] =	vst v15;
	v15 =	vimm.s32 $0x0  }
0x1b0: {  	v15 =	vsel vm0, $0xFFFFFFFF, v15  }
0x1b1: {  	vm0 =	vgt.s32 v5, v14;
	[tilespmem:$0x1FF40] =	vst v15;
	v15 =	vimm.s32 $0x0  }
0x1b2: {  	v15 =	vsel vm0, $0xFFFFFFFF, v15  }
0x1b3: {  	vm0 =	vgt.s32 v5, v30;
	[tilespmem:$0x1FF50] =	vst v15;
	v15 =	vimm.s32 $0x0  }
0x1b4: {  	v15 =	vsel vm0, $0xFFFFFFFF, v15  }
0x1b5: {  	vm0 =	vgt.s32 v5, v28;
	[tilespmem:$0x1FF60] =	vst v15;
	v15 =	vimm.s32 $0x0  }
0x1b6: {  	v15 =	vsel vm0, $0xFFFFFFFF, v15  }
0x1b7: {  	vm0 =	vgt.s32 v5, v24;
	[tilespmem:$0x1FF70] =	vst v15;
	v15 =	vimm.s32 $0x0  }
0x1b8: {  	v15 =	vsel vm0, $0xFFFFFFFF, v15  }
0x1b9: {  	vm0 =	vgt.s32 v5, v37;
	[tilespmem:$0x1FF80] =	vst v15;
	v15 =	vimm.s32 $0x0  }
0x1ba: {  	v15 =	vsel vm0, $0xFFFFFFFF, v15  }
0x1bb: {  	vm0 =	vgt.s32 v5, v34;
	[tilespmem:$0x1FF90] =	vst v15;
	v15 =	vimm.s32 $0x0  }
0x1bc: {  	v15 =	vsel vm0, $0xFFFFFFFF, v15  }
0x1bd: {  	vm0 =	vgt.s32 v5, v31;
	[tilespmem:$0x1FFA0] =	vst v15;
	v15 =	vimm.s32 $0x0  }
0x1be: {  	vm14 =	vgt.s32 v5, v32;
	v15 =	vsel vm0, $0xFFFFFFFF, v15  }
0x1bf: {  	vm12 =	vgt.s32 v5, v29;
	vm0 =	vgt.s32 v5, v43;
	[tilespmem:$0x1FFB0] =	vst v15;
	v15 =	vimm.s32 $0x0  }
0x1c0: {  	p0 =	sne.s32 s9, $0x1;
	v4 =	vadd.s32 $0x1, v5;
	vm15 =	vgt.s32 v5, v33;
	v15 =	vsel vm0, $0xFFFFFFFF, v15  }
.Ltmp2:
0x1c1: {  	vm11 =	vgt.s32 v5, v50;
	vm0 =	vgt.s32 v5, v41;
	[tilespmem:$0x1FFC0] =	vst v15;
	v15 =	vimm.s32 $0x0;
	(pc) =	sbr.rel @p0 .LBB2_5-.Ltmp2, $4  }
0x1c2: {  	vm9 =	vgt.s32 v5, v47;
	vm4 =	vgt.s32 v5, v45;
	v15 =	vsel vm0, $0xFFFFFFFF, v15  }
0x1c3: {  	vm2 =	vgt.s32 v5, v53;
	vm0 =	vgt.s32 v5, v38;
	[tilespmem:$0x1FFD0] =	vst v15;
	v15 =	vimm.s32 $0x0  }
0x1c4: {  	vm13 =	vgt.s32 v5, v51;
	vm1 =	vgt.s32 v5, v56;
	v15 =	vsel vm0, $0xFFFFFFFF, v15  }
0x1c5: {  	s9 =	sadd.s32 $0xFFFFFFFF, s9;
	vm7 =	vgt.s32 v5, v55;
	vm6 =	vgt.s32 v5, v54;
	vm0 =	vgt.s32 v5, v52;
	[tilespmem:$0x1FFE0] =	vst v15  }
0x1c6: {  	v42 =	vld [tilespmem:$0x1FE90]  }
0x1c7: {  	v15 =	vld [tilespmem:$0x1FE80];
	_ =	sdelay $0x1  }
0x1c8: {  	v17 =	vld [tilespmem:$0x1FE70];
	_ =	sdelay $0x1  }
0x1c9: {  	vm3 =	vgt.s32 v5, v3;
	v19 =	vld [tilespmem:$0x1FE60];
	vm10 =	vnez.u8 v42  }
0x1ca: {  	vm5 =	vgt.s32 v5, v2;
	v48 =	vld [tilespmem:$0x1FE50];
	vm8 =	vnez.u8 v15;
	vm3 =	vmand vm10, vm3  }
0x1cb: {  	vm5 =	vmand vm8, vm5;
	v44 =	vmpcnt.ones.xlane vm3  }
0x1cc: {  	v35 =	vld [tilespmem:$0x1FE40];
	v16 =	vmpcnt.ones.xlane vm5;
	vm3 =	vgt.s32 v5, v0;
	vm5 =	vnez.u8 v17  }
0x1cd: {  	v36 =	vld [tilespmem:$0x1FE30];
	vm8 =	vgt.s32 v5, v63;
	vm3 =	vmand vm5, vm3  }
0x1ce: {  	vm5 =	vgt.s32 v5, v1;
	v46 =	vmpcnt.ones.xlane vm3;
	vm3 =	vnez.u8 v19  }
0x1cf: {  	v42 =	vld [tilespmem:$0x1FE20];
	v15 =	vadd.s32 v44, v16;
	vm3 =	vmand vm3, vm5;
	vm5 =	vnez.u8 v48  }
0x1d0: {  	vm5 =	vmand vm5, vm8;
	v49 =	vmpcnt.ones.xlane vm3;
	vm3 =	vgt.s32 v5, v62  }
0x1d1: {  	vm8 =	vnez.u8 v35;
	v15 =	vadd.s32 v46, v15;
	v46 =	vld [tilespmem:$0x1FE10];
	v20 =	vmpcnt.ones.xlane vm5  }
0x1d2: {  	vm5 =	vgt.s32 v5, v61;
	vm3 =	vmand vm8, vm3;
	vm8 =	vnez.u8 v36  }
0x1d3: {  	vm5 =	vmand vm8, vm5;
	v39 =	vmpcnt.ones.xlane vm3;
	v15 =	vadd.s32 v49, v15;
	v49 =	vld [tilespmem:$0x1FE00]  }
0x1d4: {  	vm3 =	vgt.s32 v5, v57;
	v40 =	vmpcnt.ones.xlane vm5;
	vm5 =	vnez.u8 v42  }
0x1d5: {  	v23 =	vld [tilespmem:$0x1FDE0];
	vm3 =	vmand vm5, vm3  }
0x1d6: {  	v44 =	vmpcnt.ones.xlane vm3;
	vm3 =	vnez.u8 v46  }
0x1d7: {  	v36 =	vld [tilespmem:$0x1FDC0];
	v15 =	vadd.s32 v20, v15;
	vm1 =	vmand vm3, vm1  }
0x1d8: {  	v15 =	vadd.s32 v39, v15;
	v48 =	vmpcnt.ones.xlane vm1;
	vm1 =	vnez.u8 v49  }
0x1d9: {  	v5 =	vadd.s32 v40, v15;
	v40 =	vld [tilespmem:$0x1FDA0];
	vm1 =	vmand vm1, vm7  }
0x1da: {  	v22 =	vmpcnt.ones.xlane vm1;
	vm1 =	vnez.u8 v23  }
0x1db: {  	v5 =	vadd.s32 v44, v5;
	v44 =	vld [tilespmem:$0x1FD90];
	vm1 =	vmand vm1, vm6  }
0x1dc: {  	v35 =	vmpcnt.ones.xlane vm1;
	vm1 =	vnez.u8 v36  }
0x1dd: {  	v5 =	vadd.s32 v48, v5;
	v48 =	vld [tilespmem:$0x1FD80];
	vm1 =	vmand vm1, vm2  }
0x1de: {  	v39 =	vmpcnt.ones.xlane vm1;
	vm1 =	vnez.u8 v40  }
0x1df: {  	v5 =	vadd.s32 v22, v5;
	v22 =	vld [tilespmem:$0x1FD70];
	vm0 =	vmand vm1, vm0  }
0x1e0: {  	v42 =	vmpcnt.ones.xlane vm0;
	vm0 =	vnez.u8 v44  }
0x1e1: {  	v5 =	vadd.s32 v35, v5;
	v35 =	vld [tilespmem:$0x1FD60];
	vm0 =	vmand vm0, vm13  }
0x1e2: {  	v40 =	vld [tilespmem:$0x1FFC0];
	v5 =	vadd.s32 v39, v5;
	v46 =	vmpcnt.ones.xlane vm0;
	vm0 =	vnez.u8 v48  }
0x1e3: {  	v39 =	vld [tilespmem:$0x1FD50];
	v5 =	vadd.s32 v42, v5;
	vm0 =	vmand vm0, vm11  }
0x1e4: {  	v49 =	vmpcnt.ones.xlane vm0;
	vm0 =	vnez.u8 v22;
	v5 =	vadd.s32 v46, v5;
	v46 =	vld [tilespmem:$0x1FFD0]  }
0x1e5: {  	v44 =	vld [tilespmem:$0x1FD40];
	vm0 =	vmand vm0, vm9  }
0x1e6: {  	v22 =	vld [tilespmem:$0x1FFE0];
	v23 =	vmpcnt.ones.xlane vm0;
	vm0 =	vnez.u8 v35  }
0x1e7: {  	v5 =	vadd.s32 v49, v5;
	v49 =	vld [tilespmem:$0x1FD30];
	vm0 =	vmand vm0, vm4  }
0x1e8: {  	vm1 =	vnez.u8 v40;
	v36 =	vmpcnt.ones.xlane vm0;
	vm0 =	vnez.u8 v39  }
0x1e9: {  	v35 =	vld [tilespmem:$0x1FD20];
	v5 =	vadd.s32 v23, v5;
	vm0 =	vmand vm0, vm1;
	vm1 =	vnez.u8 v46  }
0x1ea: {  	v42 =	vmpcnt.ones.xlane vm0;
	vm0 =	vnez.u8 v44;
	v5 =	vadd.s32 v36, v5;
	v36 =	vld [tilespmem:$0x1FF90]  }
0x1eb: {  	v40 =	vld [tilespmem:$0x1FD00];
	vm0 =	vmand vm0, vm1;
	vm1 =	vnez.u8 v22  }
0x1ec: {  	v48 =	vmpcnt.ones.xlane vm0;
	vm0 =	vnez.u8 v49;
	v5 =	vadd.s32 v42, v5;
	v42 =	vld [tilespmem:$0x1FFA0]  }
0x1ed: {  	v46 =	vld [tilespmem:$0x1FCE0];
	vm0 =	vmand vm0, vm1  }
0x1ee: {  	v23 =	vmpcnt.ones.xlane vm0;
	v5 =	vadd.s32 v48, v5;
	v48 =	vld [tilespmem:$0x1FFB0]  }
0x1ef: {  	vm0 =	vnez.u8 v35;
	vm1 =	vnez.u8 v36  }
0x1f0: {  	v22 =	vld [tilespmem:$0x1FCD0];
	vm0 =	vmand vm0, vm1;
	v5 =	vadd.s32 v23, v5  }
0x1f1: {  	v23 =	vld [tilespmem:$0x1FF60];
	v39 =	vmpcnt.ones.xlane vm0;
	vm0 =	vnez.u8 v40;
	vm1 =	vnez.u8 v42  }
0x1f2: {  	vm0 =	vmand vm0, vm1  }
0x1f3: {  	v36 =	vld [tilespmem:$0x1FCC0];
	v44 =	vmpcnt.ones.xlane vm0;
	vm0 =	vnez.u8 v46;
	vm1 =	vnez.u8 v48  }
0x1f4: {  	v5 =	vadd.s32 v39, v5;
	v39 =	vld [tilespmem:$0x1FF70];
	vm0 =	vmand vm0, vm1  }
0x1f5: {  	v42 =	vld [tilespmem:$0x1FCB0];
	v49 =	vmpcnt.ones.xlane vm0  }
0x1f6: {  	vm0 =	vnez.u8 v22;
	vm1 =	vnez.u8 v23;
	v5 =	vadd.s32 v44, v5;
	v44 =	vld [tilespmem:$0x1FF80]  }
0x1f7: {  	v48 =	vld [tilespmem:$0x1FCA0];
	vm0 =	vmand vm0, vm1  }
0x1f8: {  	v23 =	vld [tilespmem:$0x1FC90];
	v35 =	vmpcnt.ones.xlane vm0  }
0x1f9: {  	vm0 =	vnez.u8 v36;
	v5 =	vadd.s32 v49, v5;
	v49 =	vld [tilespmem:$0x1FF30];
	vm1 =	vnez.u8 v39  }
0x1fa: {  	v39 =	vld [tilespmem:$0x1FC80];
	vm0 =	vmand vm0, vm1;
	v5 =	vadd.s32 v35, v5  }
0x1fb: {  	v35 =	vld [tilespmem:$0x1FF40];
	v40 =	vmpcnt.ones.xlane vm0;
	vm0 =	vnez.u8 v42;
	vm1 =	vnez.u8 v44  }
0x1fc: {  	v42 =	vld [tilespmem:$0x1FC70];
	vm0 =	vmand vm0, vm1  }
0x1fd: {  	v44 =	vld [tilespmem:$0x1FF00];
	v46 =	vmpcnt.ones.xlane vm0  }
0x1fe: {  	vm0 =	vnez.u8 v48;
	vm1 =	vnez.u8 v49;
	v5 =	vadd.s32 v40, v5;
	v40 =	vld [tilespmem:$0x1FF50]  }
0x1ff: {  	v48 =	vld [tilespmem:$0x1FC60];
	vm0 =	vmand vm0, vm1  }
0x200: {  	v49 =	vld [tilespmem:$0x1FF10];
	v22 =	vmpcnt.ones.xlane vm0;
	vm0 =	vnez.u8 v23;
	vm1 =	vnez.u8 v35  }
0x201: {  	v23 =	vld [tilespmem:$0x1FF20];
	vm0 =	vmand vm0, vm1  }
0x202: {  	v5 =	vadd.s32 v46, v5;
	vm2 =	vnez.u8 v44;
	v44 =	vld [tilespmem:$0x1FEE0];
	v36 =	vmpcnt.ones.xlane vm0  }
0x203: {  	vm0 =	vnez.u8 v39;
	v5 =	vadd.s32 v22, v5;
	v22 =	vld [tilespmem:$0x1FC50];
	vm1 =	vnez.u8 v40  }
0x204: {  	v39 =	vld [tilespmem:$0x1FED0];
	vm0 =	vmand vm0, vm1;
	vm1 =	vnez.u8 v42  }
0x205: {  	v5 =	vadd.s32 v36, v5;
	v36 =	vld [tilespmem:$0x1FC40];
	vm1 =	vmand vm1, vm2  }
0x206: {  	v42 =	vld [tilespmem:$0x1FC30];
	v46 =	vmpcnt.ones.xlane vm0;
	vm0 =	vnez.u8 v48;
	vm2 =	vnez.u8 v49  }
0x207: {  	v48 =	vld [tilespmem:$0x1FC20];
	vm0 =	vmand vm0, vm2;
	v20 =	vmpcnt.ones.xlane vm1  }
0x208: {  	v49 =	vld [tilespmem:$0x1FEF0];
	vm2 =	vnez.u8 v23;
	vm1 =	vnez.u8 v22;
	v35 =	vmpcnt.ones.xlane vm0  }
0x209: {  	v23 =	vld [tilespmem:$0x1FEB0];
	v5 =	vadd.s32 v46, v5;
	vm1 =	vmand vm1, vm2;
	vm2 =	vnez.u8 v39  }
0x20a: {  	v22 =	vld [tilespmem:$0x1FC10];
	v5 =	vadd.s32 v20, v5;
	vm0 =	vnez.u8 v36;
	v40 =	vmpcnt.ones.xlane vm1  }
0x20b: {  	v39 =	vld [tilespmem:$0x1FEC0];
	vm1 =	vnez.u8 v42;
	vm0 =	vmand vm0, vm2;
	vm2 =	vnez.u8 v44  }
0x20c: {  	v5 =	vadd.s32 v35, v5;
	v36 =	vld [tilespmem:$0x1FC00];
	vm1 =	vmand vm1, vm2  }
0x20d: {  	v44 =	vld [tilespmem:$0x1FEA0];
	v46 =	vmpcnt.ones.xlane vm0;
	vm0 =	vnez.u8 v48;
	vm2 =	vnez.u8 v49  }
0x20e: {  	v5 =	vadd.s32 v40, v5;
	vm0 =	vmand vm0, vm2  }
0x20f: {  	v20 =	vmpcnt.ones.xlane vm1;
	vm1 =	vnez.u8 v22;
	vm2 =	vnez.u8 v23  }
0x210: {  	v5 =	vadd.s32 v46, v5;
	vm1 =	vmand vm1, vm2;
	v35 =	vmpcnt.ones.xlane vm0  }
0x211: {  	vm2 =	vnez.u8 v39;
	v5 =	vadd.s32 v20, v5;
	vm0 =	vnez.u8 v36  }
0x212: {  	v40 =	vmpcnt.ones.xlane vm1;
	vm0 =	vmand vm0, vm2;
	vm1 =	vnez.u8 v44  }
0x213: {  	v5 =	vadd.s32 v35, v5;
	v42 =	vmpcnt.ones.xlane vm0;
	vm0 =	vmand vm1, vm15  }
0x214: {  	v19 =	vld [tilespmem:$0x1FBF0];
	v5 =	vadd.s32 v40, v5;
	v46 =	vmpcnt.ones.xlane vm0;
	vm0 =	vmand vm1, vm14  }
0x215: {  	v23 =	vld [tilespmem:$0x2D0];
	vm1 =	vmand vm1, vm12;
	v5 =	vadd.s32 v42, v5;
	v48 =	vmpcnt.ones.xlane vm0  }
0x216: {  	v35 =	vld [tilespmem:$0x2E0];
	v49 =	vmpcnt.ones.xlane vm1;
	v5 =	vadd.s32 v46, v5  }
0x217: {  	vm0 =	vlt.s32 v59, v60;
	v60 =	vld [tilespmem:$0x2B0];
	v5 =	vadd.s32 v48, v5  }
0x218: {  	v26 =	vimm.f32 $0.0e+00;
	v25 =	vlaneseq.u32;
	v5 =	vadd.s32 v49, v5  }
0x219: {  	v36 =	vimm.s32 $0x0;
	v44 =	vimm.s32 $0x0;
	vm1 =	vlt.s32 v5, v58  }
0x21a: {  	vm14 =	vgt.s32 v23, v27;
	v46 =	vimm.s32 $0x0;
	vm0 =	vmand vm0, vm1  }
0x21b: {  	vm15 =	vgt.s32 v35, v27;
	v4 =	vsel vm0, v4, v59;
	vm0 =	vgt.s32 v58, $0x0;
	v59 =	vld [tilespmem:$0x2A0]  }
0x21c: {  	vm1 =	vnez.u8 v19;
	vm4 =	veq.s32 v60, v27;
	v58 =	vld [tilespmem:$0x290];
	v4 =	vnsel vm0, $0xFFFFFFFF, v4  }
0x21d: {  	vm0 =	vgt.s32 v4, v3;
	vm3 =	vgt.s32 v4, v0;
	vm5 =	vgt.s32 v4, v1  }
0x21e: {  	vm13 =	vgt.s32 v4, v61;
	vm12 =	vgt.s32 v4, v56;
	vm0 =	vmand vm10, vm0  }
0x21f: {  	vm11 =	vgt.s32 v4, v50;
	vm0 =	vmor vm1, vm0;
	vm1 =	vgt.s32 v4, v2  }
0x220: {  	v22 =	vld [tilespmem:$0x2C0];
	v20 =	vsel vm0, $0x3F800000, v26;
	vm0 =	veq.s32 v25, $0x0;
	vm2 =	veq.s32 v59, v27  }
0x221: {  	v3 =	vsel vm0, $0x3F800000, v20;
	vm0 =	veq.s32 v58, v27;
	v20 =	vimm.s32 $0x0  }
0x222: {  	vm0 =	vmand vm1, vm0;
	vm1 =	vmand vm3, vm2;
	vm2 =	vmand vm5, vm4  }
0x223: {  	v42 =	vld [tilespmem:$0x310];
	vm3 =	vgt.s32 v58, v27;
	vm4 =	vgt.s32 v59, v27;
	vm5 =	vgt.s32 v60, v27  }
0x224: {  	v39 =	vld [tilespmem:$0x2F0];
	v58 =	vimm.s32 $0x0;
	vm0 =	vmor vm3, vm0;
	vm1 =	vmor vm4, vm1  }
0x225: {  	vm2 =	vmor vm5, vm2;
	vm3 =	veq.s32 v22, v27;
	vm4 =	vgt.s32 v4, v63  }
0x226: {  	v48 =	vld [tilespmem:$0x320];
	vm5 =	vgt.s32 v4, v62;
	v5 =	vsel vm2, $0xFFFFFFFF, v36;
	vm2 =	vgt.s32 v22, v27  }
0x227: {  	vm3 =	vmand vm4, vm3;
	vm4 =	veq.s32 v23, v27;
	v61 =	vsel vm0, $0x3F800000, v26  }
0x228: {  	v62 =	vsel vm1, $0x3F800000, v26;
	vm1 =	vgt.s32 v42, v27;
	vm4 =	vmand vm5, vm4  }
0x229: {  	v40 =	vld [tilespmem:$0x300];
	vm5 =	veq.s32 v35, v27;
	vm2 =	vmor vm2, vm3;
	vm3 =	veq.s32 v39, v27  }
0x22a: {  	v49 =	vld [tilespmem:$0x330];
	vm5 =	vmand vm13, vm5;
	v1 =	vsel vm2, $0xFFFFFFFF, v44;
	vm4 =	vmor vm14, vm4  }
0x22b: {  	v63 =	vld [tilespmem:$0x360];
	vm13 =	vgt.s32 v4, v55;
	vm14 =	veq.s32 v48, v27;
	v44 =	vimm.s32 $0x0  }
0x22c: {  	vm2 =	vmor vm15, vm5;
	vm5 =	vgt.s32 v4, v57;
	v57 =	vimm.s32 $0x0  }
0x22d: {  	[tilespmem:$0x1FB50] =	vst v1;
	vm15 =	vgt.s32 v4, v54;
	v50 =	vsel vm4, $0x3F800000, v26;
	v1 =	vsel vm2, $0xFFFFFFFF, v46  }
0x22e: {  	v35 =	vld [tilespmem:$0x390];
	vm2 =	vgt.s32 v39, v27;
	vm3 =	vmand vm5, vm3;
	vm5 =	veq.s32 v40, v27  }
0x22f: {  	vm6 =	vmand vm15, vm14;
	vm14 =	vgt.s32 v48, v27;
	vm15 =	vgt.s32 v49, v27  }
0x230: {  	v59 =	vld [tilespmem:$0x340];
	vm10 =	veq.s32 v63, v27;
	vm2 =	vmor vm2, vm3;
	vm3 =	vgt.s32 v40, v27  }
0x231: {  	v60 =	vld [tilespmem:$0x350];
	vm5 =	vmand vm12, vm5;
	vm12 =	veq.s32 v49, v27;
	vm10 =	vmand vm11, vm10  }
0x232: {  	v15 =	vsel vm2, $0xFFFFFFFF, v57;
	vm2 =	vmor vm3, vm5;
	vm5 =	veq.s32 v42, v27  }
0x233: {  	vm11 =	vgt.s32 v35, v27;
	vm5 =	vmand vm13, vm5;
	vm13 =	vgt.s32 v4, v53  }
0x234: {  	v22 =	vld [tilespmem:$0x370];
	[tilespmem:$0x1FB40] =	vst v5;
	v5 =	vsel vm2, $0xFFFFFFFF, v58;
	vm0 =	vmand vm13, vm12;
	vm7 =	vmor vm1, vm5  }
0x235: {  	v55 =	vld [tilespmem:$0x430];
	vm1 =	vmor vm14, vm6;
	vm12 =	veq.s32 v59, v27;
	vm13 =	vgt.s32 v4, v52  }
0x236: {  	v23 =	vld [tilespmem:$0x380];
	vm14 =	veq.s32 v60, v27;
	v0 =	vsel vm1, $0xFFFFFFFF, v20;
	vm6 =	vmor vm15, vm0  }
0x237: {  	v42 =	vld [tilespmem:$0x3D0];
	vm0 =	vgt.s32 v59, v27;
	vm8 =	vmand vm13, vm12;
	vm15 =	vgt.s32 v4, v51  }
0x238: {  	[tilespmem:$0x510] =	vst v61;
	v61 =	vld [tilespmem:$0x450];
	vm12 =	vgt.s32 v60, v27;
	v54 =	vsel vm7, $0x3F800000, v26;
	vm7 =	vgt.s32 v4, v24  }
0x239: {  	vm9 =	vmand vm15, vm14;
	vm15 =	vgt.s32 v63, v27;
	vm13 =	vmor vm0, vm8  }
0x23a: {  	v58 =	vld [tilespmem:$0x440];
	vm0 =	vgt.s32 v22, v27;
	v57 =	vsel vm6, $0x3F800000, v26;
	vm6 =	vgt.s32 v55, v27  }
0x23b: {  	vm14 =	vmor vm12, vm9;
	vm10 =	vmor vm15, vm10;
	vm12 =	veq.s32 v22, v27  }
0x23c: {  	vm15 =	vgt.s32 v4, v47;
	vm9 =	veq.s32 v23, v27;
	vm1 =	veq.s32 v42, v27  }
0x23d: {  	v36 =	vld [tilespmem:$0x3A0];
	v59 =	vsel vm13, $0x3F800000, v26;
	vm13 =	veq.s32 v61, v27;
	vm8 =	vmand vm15, vm12  }
0x23e: {  	vm12 =	vgt.s32 v4, v45;
	vm15 =	vgt.s32 v23, v27;
	v60 =	vsel vm14, $0x3F800000, v26  }
0x23f: {  	[tilespmem:$0x520] =	vst v62;
	v39 =	vld [tilespmem:$0x3B0];
	v62 =	vsel vm10, $0x3F800000, v26;
	vm14 =	veq.s32 v58, v27;
	vm5 =	vmor vm0, vm8  }
0x240: {  	vm9 =	vmand vm12, vm9;
	vm8 =	veq.s32 v35, v27;
	vm12 =	vgt.s32 v4, v43  }
0x241: {  	v40 =	vld [tilespmem:$0x3C0];
	v43 =	vimm.s32 $0x0;
	vm15 =	vmor vm15, vm9;
	vm8 =	vmand vm12, vm8  }
0x242: {  	vm9 =	veq.s32 v36, v27;
	vm12 =	vgt.s32 v4, v41;
	v63 =	vsel vm5, $0x3F800000, v26  }
0x243: {  	v48 =	vld [tilespmem:$0x1FB40];
	vm5 =	vgt.s32 v4, v18;
	vm9 =	vmand vm12, vm9;
	vm12 =	vgt.s32 v36, v27  }
0x244: {  	v49 =	vld [tilespmem:$0x1FB50];
	vm0 =	vmor vm11, vm8;
	vm11 =	veq.s32 v39, v27;
	vm8 =	vgt.s32 v4, v37  }
0x245: {  	v47 =	vld [tilespmem:$0x400];
	v2 =	vsel vm0, $0xFFFFFFFF, v43;
	vm0 =	vmor vm12, vm9;
	vm12 =	vgt.s32 v4, v38  }
0x246: {  	[tilespmem:$0x1FBA0] =	vst v2;
	v2 =	vsel vm0, $0xFFFFFFFF, v44;
	vm0 =	veq.s32 v40, v27;
	vm11 =	vmand vm12, vm11  }
0x247: {  	v45 =	vld [tilespmem:$0x3E0];
	vm12 =	vgt.s32 v40, v27;
	vm2 =	vmand vm8, vm0;
	vm8 =	vgt.s32 v39, v27  }
0x248: {  	vm0 =	vgt.s32 v4, v34;
	vm11 =	vmor vm8, vm11;
	vm12 =	vmor vm12, vm2  }
0x249: {  	[tilespmem:$0x1FB60] =	vst v1;
	v35 =	vld [tilespmem:$0x480];
	vm0 =	vmand vm0, vm1;
	vm1 =	vnez.u8 v48;
	vm2 =	vgt.s32 v4, v28  }
0x24a: {  	v46 =	vld [tilespmem:$0x3F0];
	[tilespmem:$0x1FB80] =	vst v5;
	vm8 =	vgt.s32 v47, v27;
	v5 =	vsel vm1, $0x3F800000, v26;
	vm1 =	vnez.u8 v49  }
0x24b: {  	v52 =	vld [tilespmem:$0x1FB60];
	v36 =	vsel vm11, $0x3F800000, v26;
	v19 =	vsel vm1, $0x3F800000, v26;
	vm1 =	vgt.s32 v42, v27  }
0x24c: {  	[tilespmem:$0x1FB70] =	vst v15;
	v28 =	vld [tilespmem:$0x460];
	vm9 =	vmor vm1, vm0;
	vm0 =	veq.s32 v45, v27;
	vm1 =	vgt.s32 v4, v31  }
0x24d: {  	[tilespmem:$0x500] =	vst v3;
	v22 =	vld [tilespmem:$0x1FB70];
	v37 =	vsel vm12, $0x3F800000, v26;
	vm12 =	vgt.s32 v4, v10;
	vm0 =	vmand vm1, vm0  }
0x24e: {  	[tilespmem:$0x1FB90] =	vst v0;
	v23 =	vld [tilespmem:$0x1FB80];
	vm1 =	vgt.s32 v45, v27;
	v39 =	vsel vm9, $0x3F800000, v26;
	vm9 =	vgt.s32 v35, v27  }
0x24f: {  	[tilespmem:$0x550] =	vst v50;
	v56 =	vld [tilespmem:$0x1FB90];
	vm4 =	vmor vm1, vm0;
	vm0 =	veq.s32 v46, v27;
	vm1 =	vgt.s32 v4, v30  }
0x250: {  	v51 =	vld [tilespmem:$0x410];
	[tilespmem:$0x590] =	vst v54;
	vm3 =	vmand vm1, vm0;
	vm1 =	veq.s32 v47, v27;
	vm0 =	vnez.u8 v52  }
0x251: {  	[tilespmem:$0x5B0] =	vst v57;
	v40 =	vsel vm4, $0x3F800000, v26;
	vm4 =	vgt.s32 v28, v27;
	vm1 =	vmand vm2, vm1  }
0x252: {  	[tilespmem:$0x1FBB0] =	vst v2;
	v30 =	vld [tilespmem:$0x470];
	v2 =	vsel vm0, $0x3F800000, v26;
	vm0 =	vnez.u8 v22;
	vm2 =	vgt.s32 v46, v27  }
0x253: {  	v53 =	vld [tilespmem:$0x420];
	[tilespmem:$0x5C0] =	vst v59;
	v22 =	vsel vm0, $0x3F800000, v26;
	vm0 =	vnez.u8 v23;
	vm3 =	vmor vm2, vm3  }
0x254: {  	[tilespmem:$0x5D0] =	vst v60;
	vm8 =	vmor vm8, vm1;
	vm1 =	vnez.u8 v56;
	v23 =	vsel vm0, $0x3F800000, v26  }
0x255: {  	[tilespmem:$0x5E0] =	vst v62;
	vm0 =	veq.s32 v51, v27;
	v1 =	vsel vm1, $0x3F800000, v26;
	vm1 =	vgt.s32 v51, v27  }
0x256: {  	[tilespmem:$0x5F0] =	vst v63;
	v38 =	vld [tilespmem:$0x490];
	v41 =	vsel vm3, $0x3F800000, v26;
	v45 =	vsel vm8, $0x3F800000, v26;
	vm0 =	vmand vm7, vm0  }
0x257: {  	v44 =	vld [tilespmem:$0x4C0];
	[tilespmem:$0x580] =	vst v23;
	v23 =	vsel vm15, $0x3F800000, v26;
	vm15 =	vgt.s32 v4, v14;
	vm3 =	vgt.s32 v30, v27  }
0x258: {  	[tilespmem:$0x530] =	vst v5;
	vm2 =	vmor vm1, vm0;
	vm0 =	veq.s32 v53, v27;
	vm1 =	vgt.s32 v4, v21  }
0x259: {  	[tilespmem:$0x630] =	vst v36;
	vm7 =	vmand vm15, vm14;
	vm14 =	vgt.s32 v4, v13;
	vm15 =	veq.s32 v35, v27  }
0x25a: {  	[tilespmem:$0x640] =	vst v37;
	v31 =	vld [tilespmem:$0x1FBA0];
	vm0 =	vmand vm1, vm0;
	vm1 =	vgt.s32 v53, v27;
	vm11 =	vmand vm12, vm15  }
0x25b: {  	v34 =	vld [tilespmem:$0x1FBB0];
	[tilespmem:$0x540] =	vst v19;
	vm12 =	veq.s32 v38, v27;
	v46 =	vsel vm2, $0x3F800000, v26;
	vm2 =	vgt.s32 v4, v8  }
0x25c: {  	[tilespmem:$0x650] =	vst v39;
	vm15 =	veq.s32 v44, v27;
	vm0 =	vmor vm1, vm0;
	vm1 =	veq.s32 v55, v27  }
0x25d: {  	[tilespmem:$0x660] =	vst v40;
	vm1 =	vmand vm5, vm1;
	vm5 =	vgt.s32 v58, v27;
	v47 =	vsel vm0, $0x3F800000, v26  }
0x25e: {  	[tilespmem:$0x560] =	vst v2;
	vm0 =	vgt.s32 v38, v27;
	vm6 =	vmor vm6, vm1;
	vm10 =	vmor vm5, vm7  }
0x25f: {  	[tilespmem:$0x570] =	vst v22;
	vm1 =	vmand vm14, vm13;
	vm5 =	vnez.u8 v31;
	vm13 =	vgt.s32 v4, v12  }
0x260: {  	[tilespmem:$0x5A0] =	vst v1;
	vm14 =	vgt.s32 v4, v11;
	v2 =	vsel vm5, $0x3F800000, v26;
	vm5 =	vnez.u8 v34  }
0x261: {  	[tilespmem:$0x670] =	vst v41;
	v48 =	vsel vm6, $0x3F800000, v26;
	v5 =	vsel vm5, $0x3F800000, v26;
	vm5 =	vgt.s32 v61, v27  }
0x262: {  	v42 =	vld [tilespmem:$0x4A0];
	[tilespmem:$0x680] =	vst v45;
	v49 =	vsel vm10, $0x3F800000, v26;
	vm5 =	vmor vm5, vm1;
	vm1 =	veq.s32 v28, v27  }
0x263: {  	[tilespmem:$0x600] =	vst v23;
	vm1 =	vmand vm13, vm1;
	vm13 =	vgt.s32 v4, v9;
	v52 =	vsel vm5, $0x3F800000, v26  }
0x264: {  	v43 =	vld [tilespmem:$0x4B0];
	[tilespmem:$0x690] =	vst v46;
	vm5 =	vgt.s32 v4, v33;
	vm4 =	vmor vm4, vm1;
	vm1 =	veq.s32 v30, v27  }
0x265: {  	v50 =	vld [tilespmem:$0x4D0];
	[tilespmem:$0x6A0] =	vst v47;
	vm1 =	vmand vm14, vm1;
	vm14 =	vgt.s32 v4, v7;
	v53 =	vsel vm4, $0x3F800000, v26  }
0x266: {  	[tilespmem:$0x610] =	vst v2;
	vm4 =	vgt.s32 v44, v27;
	vm7 =	vmor vm3, vm1;
	vm3 =	vmor vm9, vm11  }
0x267: {  	v51 =	vld [tilespmem:$0x4E0];
	[tilespmem:$0x6B0] =	vst v48;
	vm1 =	vmand vm13, vm12;
	vm13 =	vgt.s32 v42, v27;
	vm12 =	vgt.s32 v4, v6  }
0x268: {  	[tilespmem:$0x6C0] =	vst v49;
	vm0 =	vmor vm0, vm1;
	vm1 =	veq.s32 v42, v27;
	v54 =	vsel vm7, $0x3F800000, v26  }
0x269: {  	[tilespmem:$0x620] =	vst v5;
	v55 =	vsel vm3, $0x3F800000, v26;
	vm3 =	vgt.s32 v43, v27;
	vm1 =	vmand vm2, vm1  }
0x26a: {  	[tilespmem:$0x6D0] =	vst v52;
	vm2 =	veq.s32 v43, v27;
	v57 =	vsel vm0, $0x3F800000, v26;
	vm0 =	vgt.s32 v50, v27  }
0x26b: {  	v56 =	vld [tilespmem:$0x4F0];
	[tilespmem:$0x6E0] =	vst v53;
	vm1 =	vmor vm13, vm1;
	vm2 =	vmand vm14, vm2;
	vm13 =	vmand vm12, vm15  }
0x26c: {  	[tilespmem:$0x6F0] =	vst v54;
	vm14 =	veq.s32 v51, v27;
	vm15 =	vgt.s32 v4, v32;
	vm2 =	vmor vm3, vm2  }
0x26d: {  	[tilespmem:$0x700] =	vst v55;
	vm3 =	vmor vm4, vm13;
	vm4 =	veq.s32 v50, v27;
	v58 =	vsel vm1, $0x3F800000, v26  }
0x26e: {  	[tilespmem:$0x710] =	vst v57;
	vm1 =	vgt.s32 v51, v27;
	vm4 =	vmand vm5, vm4;
	vm5 =	vmand vm15, vm14  }
0x26f: {  	[tilespmem:$0x720] =	vst v58;
	v59 =	vsel vm2, $0x3F800000, v26;
	v60 =	vsel vm3, $0x3F800000, v26;
	vm2 =	vgt.s32 v4, v29  }
0x270: {  	vm3 =	veq.s32 v56, v27;
	vm0 =	vmor vm0, vm4;
	vm1 =	vmor vm1, vm5;
	[tilespmem:$0x730] =	vst v59  }
0x271: {  	vm2 =	vmand vm2, vm3;
	[tilespmem:$0x740] =	vst v60;
	v61 =	vsel vm0, $0x3F800000, v26;
	vm0 =	vgt.s32 v56, v27  }
0x272: {  	s8 =	sadd.s32 $0x1, s8;
	v62 =	vsel vm1, $0x3F800000, v26;
	vm0 =	vmor vm0, vm2;
	[tilespmem:$0x750] =	vst v61  }
0x273: {  	p0 =	sne.s32 s8, s5;
	[tilespmem:$0x760] =	vst v62;
	v63 =	vsel vm0, $0x3F800000, v26  }
.Ltmp3:
0x274: {  	[tilespmem:$0x770] =	vst v63;
	(pc) =	sbr.rel @p0 .LBB2_2-.Ltmp3, $4  }
0x275: {  	[hbm4b:s3+s2] =	stream.linear.scatter [tilespmem:s7], [sflag:$0x1], $0x280, $0x38;
	[tilespmem:$0x780] =	vst v63  }
0x276: {  	_ =	swait.ge [sflag:s6], $0x280  }
0x277: {  	[sflag:s6] =	ssyncset.done $0x0  }
0x278: {  	vm3 =	vmxor vm3, vm3;
	[sflag:s6] =	ssyncadd.s32 $0xFFFFFD80  }
.LBB2_7:
0x279: {  	_ =	sfence.sel $0x180000  }
0x27a: {  	[bflag:$0x0] =	sbarrier.arrive $0xFFFF  }
0x27b: {  	p0 =	sne.s32 s1, $0x0;
	_ =	strace $0x90000047  }
0x27c: {  	s0 =	sadd.s32 @!p0 $0x100000, s0;
	[bflag:$0x2] =	sbarrier.arrive $0xFFFF  }
0x27d: {  	[sflag:s0] =	ssyncadd.tile.s32 @!p0 $0x1;
	_ =	shalt  }
.Lfunc_end2:
_tile_overlayer_lowered:
.L_overlay_start_2:
0x27e: {  	(tag) =	ssettag $0x2  }
0x27f: {  	s0 =	rddreg [dreg:$0x0];
	s2 =	stileid.u32  }
0x280: {  	s1 =	rddreg [dreg:$0x1];
	p0 =	sne.s32 s2, $0x0  }
0x281: {  	s3 =	rddreg [dreg:$0x2];
	[bflag:$0x3] =	sbarrier.arrive $0xFFFF;
	s2 =	simm.s32 @!p0 $0x1C01  }
0x282: {  	[timem:s3], [sflag:s2] =	dma.local @!p0 [hbm:s0], s1  }
0x283: {  	s0 =	simm.s32 @!p0 $0x1  }
0x284: {  	_ =	swait.ge @!p0 [sflag:s0], s1  }
0x285: {  	s1 =	ssub.s32 @!p0 $0x0, s1;
	[sflag:s0] =	ssyncset.done @!p0 $0x0  }
0x286: {  	[sflag:s0] =	ssyncadd.s32 @!p0 s1  }
0x287: {  	[bflag:$0x3] =	sbarrier.arrive $0xFFFF  }
0x288: {  	_ =	shalt  }

</sc_bundles>
